<compile_context>
chip_gen: v7x
topology: tpu7x:2x2x1
jax: 0.10.2.dev20260603
libtpu: 0.0.44.dev20260713+nightly
codegen_flags: <defaults>
</compile_context>

<pallas_src>
import jax
import jax.numpy as jnp
from jax import lax
from jax.experimental import pallas as pl
from jax.experimental.pallas import tpu as pltpu
from jax.experimental.pallas import tpu_sc as plsc

N = 10000
E = 160000
D = 256
B = 4096
F = 100

NC, NS, L = 2, 16, 16
DH = D // NC
DQ = DH // 2
NP = 10240
NPT = NP // NS
EPT = E // NS
EK = 128
NCH = 79
EPT2 = NCH * EK
BPT = B // NS
FP = 112
RC = NPT // 128
PR = 8
ER = 4


def _sc_body(pairs_h, row_h, col_h, w_h, gb_h, fc_h, lb_h,
             part_h, wp_h, emb_h, t_h,
             acc_s, deg_s, dinv_v, ones_v, biasv, lbv, qbuf, fcb, rbuf,
             semg, semc, seme):
    h = lax.axis_index("c")
    t = lax.axis_index("s")
    n0 = t * NPT
    lane0 = lax.iota(jnp.int32, L) == 0

    def _edge_scope(rowi, coli, wbuf, fbuf):
        def _ones(i, c):
            ones_v[pl.ds(i * L, L)] = jnp.full((L,), 1.0, jnp.float32)
            return c
        lax.fori_loop(0, EK // L, _ones, 0)
        for k in range(NPT // EK):
            pltpu.sync_copy(ones_v, deg_s.at[pl.ds(n0 + k * EK, EK)])
        def _qz(i, c):
            qbuf[pl.ds(i * L, L)] = jnp.zeros((L,), jnp.float32)
            return c
        lax.fori_loop(0, NPT // L, _qz, 0)
        pltpu.sync_copy(row_h.at[t], rowi)
        pltpu.sync_copy(col_h.at[t], coli)
        pltpu.sync_copy(gb_h.at[pl.ds(h * DH, DH)], biasv)
        pltpu.sync_copy(lb_h, lbv)
        off0 = jnp.full((L,), 2 * h * NP, jnp.int32)
        def _off(k, c):
            j = k // (EK // L)
            i = k % (EK // L)
            rowi[j, pl.ds(i * L, L)] = rowi[j, pl.ds(i * L, L)] + off0
            return c
        lax.fori_loop(0, NCH * (EK // L), _off, 0)
        plsc.subcore_barrier()

        def _deg(j, c):
            pltpu.sync_copy(ones_v, deg_s.at[coli.at[j]], add=True)
            return c
        lax.fori_loop(0, NCH, _deg, 0)
        plsc.subcore_barrier()

        pltpu.sync_copy(deg_s.at[pl.ds(n0, NPT)], fcb)
        def _newton(i, c):
            x = fcb[pl.ds(i * L, L)]
            s = 0.5 * (x + 1.0)
            def _it(_, sc):
                return 0.5 * (sc + x / sc)
            s = lax.fori_loop(0, 22, _it, s)
            dinv_v[pl.ds(i * L, L)] = 1.0 / s
            return c
        lax.fori_loop(0, NPT // L, _newton, 0)

        def _wchunk(cc, c):
            r0 = n0 + cc * 128
            for p in range(2):
                pltpu.sync_copy(
                    w_h.at[pl.ds(r0, 128), pl.ds(h * DH + p * DQ, DQ)], fbuf)
                def _row(r, c2):
                    sv = plsc.load_gather(
                        dinv_v, [jnp.full((L,), cc * 128 + r, jnp.int32)])
                    for d in range(DQ // L):
                        fbuf[r, pl.ds(d * L, L)] = fbuf[r, pl.ds(d * L, L)] * sv
                    return c2
                lax.fori_loop(0, 128, _row, 0)
                pltpu.sync_copy(fbuf, wp_h.at[pl.ds((2 * h + p) * NP + r0, 128)])
            return c
        lax.fori_loop(0, RC, _wchunk, 0)

        for p in range(2):
            qq0 = (2 * h + p) * NP
            pltpu.sync_copy(wp_h.at[pl.ds(qq0 + n0, NPT)],
                            acc_s.at[pl.ds(n0, NPT)])
            plsc.subcore_barrier()
            pltpu.async_copy(wp_h.at[rowi.at[0]], wbuf.at[0], semg)
            pltpu.async_copy(wp_h.at[rowi.at[1]], wbuf.at[1], semg)
            def _edge(j, c):
                pltpu.make_async_copy(wp_h.at[rowi.at[j]], wbuf.at[j % 3],
                                      semg).wait()
                pltpu.async_copy(wbuf.at[j % 3], acc_s.at[coli.at[j]], semc,
                                 add=True)
                @pl.when(j >= 1)
                def _wait_prev():
                    pltpu.make_async_copy(wbuf.at[(j - 1) % 3],
                                          acc_s.at[coli.at[j - 1]], semc).wait()
                @pl.when(j + 2 < NCH)
                def _issue_next():
                    pltpu.async_copy(wp_h.at[rowi.at[j + 2]],
                                     wbuf.at[(j + 2) % 3], semg)
                return c
            lax.fori_loop(0, NCH, _edge, 0)
            pltpu.make_async_copy(wbuf.at[(NCH - 1) % 3],
                                  acc_s.at[coli.at[NCH - 1]], semc).wait()
            plsc.subcore_barrier()
            def _fchunk(cc, c):
                r0 = n0 + cc * 128
                pltpu.sync_copy(acc_s.at[pl.ds(r0, 128)], fbuf)
                def _row(r, c2):
                    sv = plsc.load_gather(
                        dinv_v, [jnp.full((L,), cc * 128 + r, jnp.int32)])
                    qacc = jnp.zeros((L,), jnp.float32)
                    for d in range(DQ // L):
                        e = (fbuf[r, pl.ds(d * L, L)] * sv
                             + biasv[pl.ds(p * DQ + d * L, L)])
                        fbuf[r, pl.ds(d * L, L)] = e
                        qacc = qacc + e * e
                    plsc.addupdate_scatter(
                        qbuf, [jnp.full((L,), cc * 128 + r, jnp.int32)],
                        jnp.full((L,), jnp.sum(qacc), jnp.float32), mask=lane0)
                    return c2
                lax.fori_loop(0, 128, _row, 0)
                pltpu.sync_copy(fbuf, emb_h.at[pl.ds(h * NP + r0, 128),
                                               pl.ds(p * DQ, DQ)])
                return c
            lax.fori_loop(0, RC, _fchunk, 0)
            if p == 0:
                offq = jnp.full((L,), NP, jnp.int32)
                def _off2(k, c):
                    j = k // (EK // L)
                    i = k % (EK // L)
                    rowi[j, pl.ds(i * L, L)] = rowi[j, pl.ds(i * L, L)] + offq
                    return c
                lax.fori_loop(0, NCH * (EK // L), _off2, 0)

        pltpu.sync_copy(fc_h.at[pl.ds(n0, NPT)], fcb)
        facv = jnp.full((L,), jnp.where(h == 0, -2.0, 0.0), jnp.float32)
        def _t(i, c):
            qbuf[pl.ds(i * L, L)] = (qbuf[pl.ds(i * L, L)]
                                     + facv * fcb[pl.ds(i * L, L)])
            return c
        lax.fori_loop(0, NPT // L, _t, 0)
        pltpu.sync_copy(qbuf, t_h.at[pl.ds(h * NP + n0, NPT)])
        @pl.when(t == NS - 1)
        def _zero_dummy():
            zv = jnp.zeros((L,), jnp.float32)
            def _z(r, c):
                for d in range(DQ // L):
                    fbuf[r, pl.ds(d * L, L)] = zv
                return c
            lax.fori_loop(0, 16, _z, 0)
            for p in range(2):
                pltpu.sync_copy(fbuf.at[pl.ds(0, 16)],
                                emb_h.at[pl.ds(2 * NP, 16), pl.ds(p * DQ, DQ)])
            qbuf[pl.ds(0, L)] = zv
            pltpu.sync_copy(qbuf.at[pl.ds(0, L)], t_h.at[pl.ds(2 * NP, L)])

    pl.run_scoped(
        _edge_scope,
        pltpu.VMEM((NCH, EK), jnp.int32),
        pltpu.VMEM((NCH, EK), jnp.int32),
        pltpu.VMEM((3, EK, DQ), jnp.float32),
        pltpu.VMEM((128, DQ), jnp.float32),
    )
    plsc.subcore_barrier()

    b0 = t * BPT
    hNv = jnp.full((L,), h * NP, jnp.int32)
    padv = jnp.full((L,), 2 * NP, jnp.int32) + lax.iota(jnp.int32, L)
    lbselv = jnp.where(h == 0, lbv[pl.ds(0, L)], jnp.zeros((L,), jnp.float32))
    zacc = tuple(jnp.zeros((L,), jnp.float32) for _ in range(DH // L))

    def _fm_scope(pst, pidx, ebuf, tloc):
        pltpu.sync_copy(t_h, tloc)
        def _prep(j):
            g = j // 16
            rr = j % 16
            @pl.when(rr == 0)
            def _load_group():
                pltpu.sync_copy(pairs_h.at[pl.ds(b0 + g * 16, 16)], pst)
            slot = j % PR
            rv = jnp.full((L,), rr, jnp.int32)
            bv = jnp.full((L,), slot, jnp.int32)
            plsc.store_scatter(pidx, [bv, lax.iota(jnp.int32, L) + 96], padv)
            for off in (0, 16, 32, 48, 64, 80, 84):
                ci = lax.iota(jnp.int32, L) + off
                v = plsc.load_gather(pst, [rv, ci]) + hNv
                plsc.store_scatter(pidx, [bv, ci], v)

        def _issue(j):
            pltpu.async_copy(emb_h.at[pidx.at[j % PR]], ebuf.at[j % ER], seme)

        for j0 in range(ER - 1):
            _prep(j0)
            _issue(j0)
        def _fm(j, c):
            @pl.when(j + ER - 1 < BPT)
            def _ahead():
                _prep(j + ER - 1)
                _issue(j + ER - 1)
            pltpu.make_async_copy(emb_h.at[pidx.at[j % PR]], ebuf.at[j % ER],
                                  seme).wait()
            def _acc(rI, carry):
                return tuple(cv + ebuf[j % ER, rI, pl.ds(d * L, L)]
                             for d, cv in enumerate(carry))
            s = lax.fori_loop(0, FP, _acc, zacc, unroll=4)
            qv = s[0] * s[0]
            for d in range(1, DH // L):
                qv = qv + s[d] * s[d]
            tacc = jnp.zeros((L,), jnp.float32)
            for jj in range(FP // L):
                idxv = pidx[j % PR, pl.ds(jj * L, L)]
                tacc = tacc + plsc.load_gather(tloc, [idxv])
            res = jnp.full((L,), 0.5 * (jnp.sum(qv) - jnp.sum(tacc)),
                           jnp.float32)
            plsc.store_scatter(rbuf, [jnp.full((L,), j, jnp.int32)],
                               res + lbselv, mask=lane0)
            return c
        lax.fori_loop(0, BPT, _fm, 0)
        pltpu.sync_copy(rbuf, part_h.at[pl.ds(h * B + b0, BPT)])

    pl.run_scoped(
        _fm_scope,
        pltpu.VMEM((16, F), jnp.int32),
        pltpu.VMEM((PR, FP), jnp.int32),
        pltpu.VMEM((ER, FP, DH), jnp.float32),
        pltpu.VMEM((2 * NP + 16,), jnp.float32),
    )


_sc_call = pl.kernel(
    _sc_body,
    out_type=[
        jax.ShapeDtypeStruct((NC * B,), jnp.float32),
        jax.ShapeDtypeStruct((4 * NP, DQ), jnp.float32),
        jax.ShapeDtypeStruct((2 * NP + 16, DH), jnp.float32),
        jax.ShapeDtypeStruct((2 * NP + 16,), jnp.float32),
    ],
    mesh=plsc.VectorSubcoreMesh(core_axis_name="c", subcore_axis_name="s",
                                num_cores=NC, num_subcores=NS),
    compiler_params=pltpu.CompilerParams(use_tc_tiling_on_sc=False,
                                         needs_layout_passes=False),
    scratch_types=[
        pltpu.VMEM_SHARED((NP, DQ), jnp.float32),
        pltpu.VMEM_SHARED((NP,), jnp.float32),
        pltpu.VMEM((NPT,), jnp.float32),
        pltpu.VMEM((EK,), jnp.float32),
        pltpu.VMEM((DH,), jnp.float32),
        pltpu.VMEM((L,), jnp.float32),
        pltpu.VMEM((NPT,), jnp.float32),
        pltpu.VMEM((NPT,), jnp.float32),
        pltpu.VMEM((BPT,), jnp.float32),
        pltpu.SemaphoreType.DMA,
        pltpu.SemaphoreType.DMA,
        pltpu.SemaphoreType.DMA,
    ],
)


def _combine_body(p_ref, o_ref):
    o_ref[...] = p_ref[0] + p_ref[1]


def kernel(interaction_pairs, edge_index, gcn_weight, gcn_bias, fc_table, linear_bias):
    pairs = interaction_pairs.astype(jnp.int32)
    ei = edge_index.astype(jnp.int32)
    pad2 = jnp.broadcast_to(N + jnp.arange(EPT2 - EPT, dtype=jnp.int32)
                            % (NP - N), (NS, EPT2 - EPT))
    row3d = jnp.concatenate([ei[0].reshape(NS, EPT), pad2], 1).reshape(NS, NCH, EK)
    col3d = jnp.concatenate([ei[1].reshape(NS, EPT), pad2], 1).reshape(NS, NCH, EK)
    w_pad = jnp.pad(gcn_weight.astype(jnp.float32), ((0, NP - N), (0, 0)))
    fc_pad = jnp.pad(fc_table.astype(jnp.float32).reshape(N), (0, NP - N))
    lb_pad = jnp.pad(linear_bias.astype(jnp.float32).reshape(1), (0, L - 1))
    partial, _wp, _emb, _t = _sc_call(pairs, row3d, col3d, w_pad,
                                      gcn_bias.astype(jnp.float32), fc_pad, lb_pad)
    out = pl.pallas_call(
        _combine_body,
        out_shape=jax.ShapeDtypeStruct((32, 128), jnp.float32),
    )(partial.reshape(NC, 32, 128))
    return out.reshape(B)

# --- scband reference (transcript-rebuilt; emitter-appended) ---
"""Pipeline reference for scband-factorization-machine-model-with-gcn-40441412059564 (READ-ONLY COPY).

The authoritative reference and input builder live on the scoring server;
editing this copy changes nothing except your own understanding.
"""

import jax, jax.numpy as jnp
import numpy as np

N = 10000   # field_dim == n_nodes (features are an NxN identity fed to GCNConv)
E = 160000  # n_edges = n_nodes * avg_degree(16)
D = 256     # embed_dim
B = 4096    # batch
F = 100     # num_fields per interaction row


def setup_inputs(seed: int = 0) -> dict:
    key = jax.random.key(seed)
    k1, k2, k3, k4 = jax.random.split(key, 4)
    interaction_pairs = jax.random.randint(k1, (B, F), 0, N, dtype=jnp.int64)
    edge_index = jax.random.randint(k2, (2, E), 0, N, dtype=jnp.int64)
    # GCNConv weight: since input features are the NxN identity, x @ W == W,
    # so the effective learned node matrix has shape [N, D].
    gcn_weight = jax.random.normal(k3, (N, D), dtype=jnp.float32) * 0.02
    gcn_bias = jnp.zeros((D,), dtype=jnp.float32)
    # LinearFeatures: Embedding(field_dim, 1) + bias
    fc_table = jax.random.normal(k4, (N, 1), dtype=jnp.float32) * 0.02
    linear_bias = jnp.zeros((1,), dtype=jnp.float32)
    return {
        "interaction_pairs": interaction_pairs,
        "edge_index": edge_index,
        "gcn_weight": gcn_weight,
        "gcn_bias": gcn_bias,
        "fc_table": fc_table,
        "linear_bias": linear_bias,
    }


def reference(interaction_pairs, edge_index, gcn_weight, gcn_bias, fc_table, linear_bias):
    # --- GCNConv(identity_features, edge_index) with added self-loops and sym norm ---
    loops = jnp.arange(N, dtype=edge_index.dtype)
    row = jnp.concatenate([edge_index[0], loops])  # source
    col = jnp.concatenate([edge_index[1], loops])  # target (aggregation index)
    ones = jnp.ones(row.shape[0], dtype=jnp.float32)
    deg = jax.ops.segment_sum(ones, col, num_segments=N)
    dinv = jnp.where(deg > 0, deg ** -0.5, 0.0)
    norm = dinv[row] * dinv[col]
    # identity features => x @ W = W; message = norm * W[src]
    msgs = norm[:, None] * jnp.take(gcn_weight, row, axis=0)
    node_emb = jax.ops.segment_sum(msgs, col, num_segments=N) + gcn_bias  # [N, D]
    # --- embedding(interaction_pairs): gather GCN node embeddings ---
    emb = jnp.take(node_emb, interaction_pairs, axis=0)  # [B, F, D]
    # --- FactorizationMachineOperation (reduce_sum=True) ---
    square_of_sum = jnp.sum(emb, axis=1) ** 2
    sum_of_square = jnp.sum(emb ** 2, axis=1)
    fm = 0.5 * jnp.sum(square_of_sum - sum_of_square, axis=1, keepdims=True)  # [B, 1]
    # --- LinearFeatures ---
    lin = jnp.sum(jnp.take(fc_table, interaction_pairs, axis=0), axis=1) + linear_bias  # [B, 1]
    out = (lin + fm).squeeze(1)  # [B]
    return out

if __name__ == "__main__":
    import jax
    _d = setup_inputs()
    print(jax.jit(kernel)(*tuple(_d.values())))

</pallas_src>

<mosaic_0001>
#map = affine_map<(d0, d1) -> (0, 0)>
#map1 = affine_map<(d0, d1) -> (0, 0, 0)>
#map2 = affine_map<(d0, d1) -> (0)>
module attributes {stable_mosaic.version = 14 : i64} {
  func.func @_sc_body(%arg0: i32, %arg1: i32, %arg2: memref<4096x100xi32, #tpu.memory_space<hbm>>, %arg3: memref<16x79x128xi32, #tpu.memory_space<hbm>>, %arg4: memref<16x79x128xi32, #tpu.memory_space<hbm>>, %arg5: memref<10240x256xf32, #tpu.memory_space<hbm>>, %arg6: memref<256xf32, #tpu.memory_space<hbm>>, %arg7: memref<10240xf32, #tpu.memory_space<hbm>>, %arg8: memref<16xf32, #tpu.memory_space<hbm>>, %arg9: memref<8192xf32, #tpu.memory_space<hbm>>, %arg10: memref<40960x64xf32, #tpu.memory_space<hbm>>, %arg11: memref<20496x128xf32, #tpu.memory_space<hbm>>, %arg12: memref<20496xf32, #tpu.memory_space<hbm>>, %arg13: memref<10240x64xf32, #tpu.memory_space<vmem_shared>>, %arg14: memref<10240xf32, #tpu.memory_space<vmem_shared>>, %arg15: memref<640xf32, #tpu.memory_space<vmem>>, %arg16: memref<128xf32, #tpu.memory_space<vmem>>, %arg17: memref<128xf32, #tpu.memory_space<vmem>>, %arg18: memref<16xf32, #tpu.memory_space<vmem>>, %arg19: memref<640xf32, #tpu.memory_space<vmem>>, %arg20: memref<640xf32, #tpu.memory_space<vmem>>, %arg21: memref<256xf32, #tpu.memory_space<vmem>>, %arg22: memref<!tpu.dma_semaphore, #tpu.memory_space<semaphore_mem>>, %arg23: memref<!tpu.dma_semaphore, #tpu.memory_space<semaphore_mem>>, %arg24: memref<!tpu.dma_semaphore, #tpu.memory_space<semaphore_mem>>) attributes {dimension_semantics = [#tpu.dimension_semantics<core_parallel>, #tpu.dimension_semantics<subcore_parallel>], iteration_bounds = array<i64: 2, 16>, scalar_prefetch = 0 : i64, scratch_operands = 12 : i64, tpu.core_type = #tpu.core_type<sc_vector_subcore>, window_params = [{transform_indices = #map}, {transform_indices = #map1}, {transform_indices = #map1}, {transform_indices = #map}, {transform_indices = #map2}, {transform_indices = #map2}, {transform_indices = #map2}, {transform_indices = #map2}, {transform_indices = #map}, {transform_indices = #map}, {transform_indices = #map2}]} {
    %mul3A = arith.constant 640 : i32
    %mul3A_0 = arith.muli %arg1, %mul3A : i32
    %iota3A = tpu.iota {dimensions = array<i32: 0>} : vector<16xi32>
    %eq3A = arith.constant 0 : i32
    %eq3A_1 = vector.broadcast %eq3A : i32 to vector<16xi32>
    %eq3A_2 = arith.cmpi eq, %iota3A, %eq3A_1 : vector<16xi32>
    "tpu.region"() ({
      %run_scoped3A = memref.alloca() : memref<79x128xi32, #tpu.memory_space<vmem>>
      %run_scoped3A_31 = memref.alloca() : memref<79x128xi32, #tpu.memory_space<vmem>>
      %run_scoped3A_32 = memref.alloca() : memref<3x128x64xf32, #tpu.memory_space<vmem>>
      %run_scoped3A_33 = memref.alloca() : memref<128x64xf32, #tpu.memory_space<vmem>>
      %scan3A = arith.constant 0 : i32
      %scan3A_34 = arith.constant 0 : i32
      %scan3A_35 = arith.constant 8 : i32
      %scan3A_36 = arith.addi %scan3A_34, %scan3A_35 : i32
      %scan3A_37 = arith.constant 1 : i32
      scf.for %scan3A_225 = %scan3A_34 to %scan3A_36 step %scan3A_37  : i32 {
        %broadcast_in_dim3A_226 = arith.constant 1.000000e+00 : f32
        %broadcast_in_dim3A_227 = vector.broadcast %broadcast_in_dim3A_226 : f32 to vector<16xf32>
        %mul3A_228 = arith.constant 16 : i32
        %mul3A_229 = arith.muli %scan3A_225, %mul3A_228 : i32
        %swap3A = arith.index_cast %mul3A_229 : i32 to index
        %swap3A_230 = tpu.vector_load %arg16[%swap3A] {strides = array<i32>} : memref<128xf32, #tpu.memory_space<vmem>>, vector<16xf32>,
        tpu.vector_store %arg16[%swap3A], %broadcast_in_dim3A_227 {strides = array<i32>} : memref<128xf32, #tpu.memory_space<vmem>>, vector<16xf32>,
      }
      %scan3A_38 = arith.constant 8 : i32
      %add3A_39 = arith.constant 0 : i32
      %add3A_40 = arith.addi %mul3A_0, %add3A_39 : i32
      "tpu.region"() ({
        %run_scoped3A_225 = tpu.sem_alloc : memref<!tpu.dma_semaphore, #tpu.memory_space<semaphore_mem>>
        %dma_start3A_226 = tpu.memref_slice %arg14[%add3A_40] : memref<10240xf32, #tpu.memory_space<vmem_shared>> -> memref<128xf32, #tpu.memory_space<vmem_shared>>
        %dma_start3A_227 = tpu.memref_slice %arg14[%add3A_40] : memref<10240xf32, #tpu.memory_space<vmem_shared>> -> memref<128xf32, #tpu.memory_space<vmem_shared>>
        tpu.enqueue_dma source(%arg16 : memref<128xf32, #tpu.memory_space<vmem>>) target(%dma_start3A_227 : memref<128xf32, #tpu.memory_space<vmem_shared>>) target_semaphore(%run_scoped3A_225 : memref<!tpu.dma_semaphore, #tpu.memory_space<semaphore_mem>>)
        %dma_wait3A_228 = tpu.memref_slice %arg14[%add3A_40] : memref<10240xf32, #tpu.memory_space<vmem_shared>> -> memref<128xf32, #tpu.memory_space<vmem_shared>>
        %dma_wait3A_229 = tpu.memref_slice %arg14[%add3A_40] : memref<10240xf32, #tpu.memory_space<vmem_shared>> -> memref<128xf32, #tpu.memory_space<vmem_shared>>
        tpu.wait_dma2 semaphore(%run_scoped3A_225 : memref<!tpu.dma_semaphore, #tpu.memory_space<semaphore_mem>>) src(%arg16 : memref<128xf32, #tpu.memory_space<vmem>>) dst(%dma_wait3A_229 : memref<128xf32, #tpu.memory_space<vmem_shared>>)
        tpu.yield
      }) : () -> ()
      %add3A_41 = arith.constant 128 : i32
      %add3A_42 = arith.addi %mul3A_0, %add3A_41 : i32
      "tpu.region"() ({
        %run_scoped3A_225 = tpu.sem_alloc : memref<!tpu.dma_semaphore, #tpu.memory_space<semaphore_mem>>
        %dma_start3A_226 = tpu.memref_slice %arg14[%add3A_42] : memref<10240xf32, #tpu.memory_space<vmem_shared>> -> memref<128xf32, #tpu.memory_space<vmem_shared>>
        %dma_start3A_227 = tpu.memref_slice %arg14[%add3A_42] : memref<10240xf32, #tpu.memory_space<vmem_shared>> -> memref<128xf32, #tpu.memory_space<vmem_shared>>
        tpu.enqueue_dma source(%arg16 : memref<128xf32, #tpu.memory_space<vmem>>) target(%dma_start3A_227 : memref<128xf32, #tpu.memory_space<vmem_shared>>) target_semaphore(%run_scoped3A_225 : memref<!tpu.dma_semaphore, #tpu.memory_space<semaphore_mem>>)
        %dma_wait3A_228 = tpu.memref_slice %arg14[%add3A_42] : memref<10240xf32, #tpu.memory_space<vmem_shared>> -> memref<128xf32, #tpu.memory_space<vmem_shared>>
        %dma_wait3A_229 = tpu.memref_slice %arg14[%add3A_42] : memref<10240xf32, #tpu.memory_space<vmem_shared>> -> memref<128xf32, #tpu.memory_space<vmem_shared>>
        tpu.wait_dma2 semaphore(%run_scoped3A_225 : memref<!tpu.dma_semaphore, #tpu.memory_space<semaphore_mem>>) src(%arg16 : memref<128xf32, #tpu.memory_space<vmem>>) dst(%dma_wait3A_229 : memref<128xf32, #tpu.memory_space<vmem_shared>>)
        tpu.yield
      }) : () -> ()
      %add3A_43 = arith.constant 256 : i32
      %add3A_44 = arith.addi %mul3A_0, %add3A_43 : i32
      "tpu.region"() ({
        %run_scoped3A_225 = tpu.sem_alloc : memref<!tpu.dma_semaphore, #tpu.memory_space<semaphore_mem>>
        %dma_start3A_226 = tpu.memref_slice %arg14[%add3A_44] : memref<10240xf32, #tpu.memory_space<vmem_shared>> -> memref<128xf32, #tpu.memory_space<vmem_shared>>
        %dma_start3A_227 = tpu.memref_slice %arg14[%add3A_44] : memref<10240xf32, #tpu.memory_space<vmem_shared>> -> memref<128xf32, #tpu.memory_space<vmem_shared>>
        tpu.enqueue_dma source(%arg16 : memref<128xf32, #tpu.memory_space<vmem>>) target(%dma_start3A_227 : memref<128xf32, #tpu.memory_space<vmem_shared>>) target_semaphore(%run_scoped3A_225 : memref<!tpu.dma_semaphore, #tpu.memory_space<semaphore_mem>>)
        %dma_wait3A_228 = tpu.memref_slice %arg14[%add3A_44] : memref<10240xf32, #tpu.memory_space<vmem_shared>> -> memref<128xf32, #tpu.memory_space<vmem_shared>>
        %dma_wait3A_229 = tpu.memref_slice %arg14[%add3A_44] : memref<10240xf32, #tpu.memory_space<vmem_shared>> -> memref<128xf32, #tpu.memory_space<vmem_shared>>
        tpu.wait_dma2 semaphore(%run_scoped3A_225 : memref<!tpu.dma_semaphore, #tpu.memory_space<semaphore_mem>>) src(%arg16 : memref<128xf32, #tpu.memory_space<vmem>>) dst(%dma_wait3A_229 : memref<128xf32, #tpu.memory_space<vmem_shared>>)
        tpu.yield
      }) : () -> ()
      %add3A_45 = arith.constant 384 : i32
      %add3A_46 = arith.addi %mul3A_0, %add3A_45 : i32
      "tpu.region"() ({
        %run_scoped3A_225 = tpu.sem_alloc : memref<!tpu.dma_semaphore, #tpu.memory_space<semaphore_mem>>
        %dma_start3A_226 = tpu.memref_slice %arg14[%add3A_46] : memref<10240xf32, #tpu.memory_space<vmem_shared>> -> memref<128xf32, #tpu.memory_space<vmem_shared>>
        %dma_start3A_227 = tpu.memref_slice %arg14[%add3A_46] : memref<10240xf32, #tpu.memory_space<vmem_shared>> -> memref<128xf32, #tpu.memory_space<vmem_shared>>
        tpu.enqueue_dma source(%arg16 : memref<128xf32, #tpu.memory_space<vmem>>) target(%dma_start3A_227 : memref<128xf32, #tpu.memory_space<vmem_shared>>) target_semaphore(%run_scoped3A_225 : memref<!tpu.dma_semaphore, #tpu.memory_space<semaphore_mem>>)
        %dma_wait3A_228 = tpu.memref_slice %arg14[%add3A_46] : memref<10240xf32, #tpu.memory_space<vmem_shared>> -> memref<128xf32, #tpu.memory_space<vmem_shared>>
        %dma_wait3A_229 = tpu.memref_slice %arg14[%add3A_46] : memref<10240xf32, #tpu.memory_space<vmem_shared>> -> memref<128xf32, #tpu.memory_space<vmem_shared>>
        tpu.wait_dma2 semaphore(%run_scoped3A_225 : memref<!tpu.dma_semaphore, #tpu.memory_space<semaphore_mem>>) src(%arg16 : memref<128xf32, #tpu.memory_space<vmem>>) dst(%dma_wait3A_229 : memref<128xf32, #tpu.memory_space<vmem_shared>>)
        tpu.yield
      }) : () -> ()
      %add3A_47 = arith.constant 512 : i32
      %add3A_48 = arith.addi %mul3A_0, %add3A_47 : i32
      "tpu.region"() ({
        %run_scoped3A_225 = tpu.sem_alloc : memref<!tpu.dma_semaphore, #tpu.memory_space<semaphore_mem>>
        %dma_start3A_226 = tpu.memref_slice %arg14[%add3A_48] : memref<10240xf32, #tpu.memory_space<vmem_shared>> -> memref<128xf32, #tpu.memory_space<vmem_shared>>
        %dma_start3A_227 = tpu.memref_slice %arg14[%add3A_48] : memref<10240xf32, #tpu.memory_space<vmem_shared>> -> memref<128xf32, #tpu.memory_space<vmem_shared>>
        tpu.enqueue_dma source(%arg16 : memref<128xf32, #tpu.memory_space<vmem>>) target(%dma_start3A_227 : memref<128xf32, #tpu.memory_space<vmem_shared>>) target_semaphore(%run_scoped3A_225 : memref<!tpu.dma_semaphore, #tpu.memory_space<semaphore_mem>>)
        %dma_wait3A_228 = tpu.memref_slice %arg14[%add3A_48] : memref<10240xf32, #tpu.memory_space<vmem_shared>> -> memref<128xf32, #tpu.memory_space<vmem_shared>>
        %dma_wait3A_229 = tpu.memref_slice %arg14[%add3A_48] : memref<10240xf32, #tpu.memory_space<vmem_shared>> -> memref<128xf32, #tpu.memory_space<vmem_shared>>
        tpu.wait_dma2 semaphore(%run_scoped3A_225 : memref<!tpu.dma_semaphore, #tpu.memory_space<semaphore_mem>>) src(%arg16 : memref<128xf32, #tpu.memory_space<vmem>>) dst(%dma_wait3A_229 : memref<128xf32, #tpu.memory_space<vmem_shared>>)
        tpu.yield
      }) : () -> ()
      %scan3A_49 = arith.constant 0 : i32
      %scan3A_50 = arith.constant 0 : i32
      %scan3A_51 = arith.constant 40 : i32
      %scan3A_52 = arith.addi %scan3A_50, %scan3A_51 : i32
      %scan3A_53 = arith.constant 1 : i32
      scf.for %scan3A_225 = %scan3A_50 to %scan3A_52 step %scan3A_53  : i32 {
        %broadcast_in_dim3A_226 = arith.constant 0.000000e+00 : f32
        %broadcast_in_dim3A_227 = vector.broadcast %broadcast_in_dim3A_226 : f32 to vector<16xf32>
        %mul3A_228 = arith.constant 16 : i32
        %mul3A_229 = arith.muli %scan3A_225, %mul3A_228 : i32
        %swap3A = arith.index_cast %mul3A_229 : i32 to index
        %swap3A_230 = tpu.vector_load %arg19[%swap3A] {strides = array<i32>} : memref<640xf32, #tpu.memory_space<vmem>>, vector<16xf32>,
        tpu.vector_store %arg19[%swap3A], %broadcast_in_dim3A_227 {strides = array<i32>} : memref<640xf32, #tpu.memory_space<vmem>>, vector<16xf32>,
      }
      %scan3A_54 = arith.constant 40 : i32
      "tpu.region"() ({
        %run_scoped3A_225 = tpu.sem_alloc : memref<!tpu.dma_semaphore, #tpu.memory_space<semaphore_mem>>
        %dma_start3A_226 = arith.constant 0 : i32
        %dma_start3A_227 = arith.constant 0 : i32
        %dma_start3A_228 = tpu.memref_slice %arg3[%arg1, %dma_start3A_226, %dma_start3A_227] : memref<16x79x128xi32, #tpu.memory_space<hbm>> -> memref<1x79x128xi32, #tpu.memory_space<hbm>>
        %dma_start3A_229 = tpu.memref_squeeze %dma_start3A_228 : memref<1x79x128xi32, #tpu.memory_space<hbm>> -> memref<79x128xi32, #tpu.memory_space<hbm>>
        %dma_start3A_230 = arith.constant 0 : i32
        %dma_start3A_231 = arith.constant 0 : i32
        %dma_start3A_232 = tpu.memref_slice %arg3[%arg1, %dma_start3A_230, %dma_start3A_231] : memref<16x79x128xi32, #tpu.memory_space<hbm>> -> memref<1x79x128xi32, #tpu.memory_space<hbm>>
        %dma_start3A_233 = tpu.memref_squeeze %dma_start3A_232 : memref<1x79x128xi32, #tpu.memory_space<hbm>> -> memref<79x128xi32, #tpu.memory_space<hbm>>
        tpu.enqueue_dma source(%dma_start3A_233 : memref<79x128xi32, #tpu.memory_space<hbm>>) target(%run_scoped3A : memref<79x128xi32, #tpu.memory_space<vmem>>) target_semaphore(%run_scoped3A_225 : memref<!tpu.dma_semaphore, #tpu.memory_space<semaphore_mem>>)
        %dma_wait3A_234 = arith.constant 0 : i32
        %dma_wait3A_235 = arith.constant 0 : i32
        %dma_wait3A_236 = tpu.memref_slice %arg3[%arg1, %dma_wait3A_234, %dma_wait3A_235] : memref<16x79x128xi32, #tpu.memory_space<hbm>> -> memref<1x79x128xi32, #tpu.memory_space<hbm>>
        %dma_wait3A_237 = tpu.memref_squeeze %dma_wait3A_236 : memref<1x79x128xi32, #tpu.memory_space<hbm>> -> memref<79x128xi32, #tpu.memory_space<hbm>>
        %dma_wait3A_238 = arith.constant 0 : i32
        %dma_wait3A_239 = arith.constant 0 : i32
        %dma_wait3A_240 = tpu.memref_slice %arg3[%arg1, %dma_wait3A_238, %dma_wait3A_239] : memref<16x79x128xi32, #tpu.memory_space<hbm>> -> memref<1x79x128xi32, #tpu.memory_space<hbm>>
        %dma_wait3A_241 = tpu.memref_squeeze %dma_wait3A_240 : memref<1x79x128xi32, #tpu.memory_space<hbm>> -> memref<79x128xi32, #tpu.memory_space<hbm>>
        tpu.wait_dma2 semaphore(%run_scoped3A_225 : memref<!tpu.dma_semaphore, #tpu.memory_space<semaphore_mem>>) src(%dma_wait3A_241 : memref<79x128xi32, #tpu.memory_space<hbm>>) dst(%run_scoped3A : memref<79x128xi32, #tpu.memory_space<vmem>>)
        tpu.yield
      }) : () -> ()
      "tpu.region"() ({
        %run_scoped3A_225 = tpu.sem_alloc : memref<!tpu.dma_semaphore, #tpu.memory_space<semaphore_mem>>
        %dma_start3A_226 = arith.constant 0 : i32
        %dma_start3A_227 = arith.constant 0 : i32
        %dma_start3A_228 = tpu.memref_slice %arg4[%arg1, %dma_start3A_226, %dma_start3A_227] : memref<16x79x128xi32, #tpu.memory_space<hbm>> -> memref<1x79x128xi32, #tpu.memory_space<hbm>>
        %dma_start3A_229 = tpu.memref_squeeze %dma_start3A_228 : memref<1x79x128xi32, #tpu.memory_space<hbm>> -> memref<79x128xi32, #tpu.memory_space<hbm>>
        %dma_start3A_230 = arith.constant 0 : i32
        %dma_start3A_231 = arith.constant 0 : i32
        %dma_start3A_232 = tpu.memref_slice %arg4[%arg1, %dma_start3A_230, %dma_start3A_231] : memref<16x79x128xi32, #tpu.memory_space<hbm>> -> memref<1x79x128xi32, #tpu.memory_space<hbm>>
        %dma_start3A_233 = tpu.memref_squeeze %dma_start3A_232 : memref<1x79x128xi32, #tpu.memory_space<hbm>> -> memref<79x128xi32, #tpu.memory_space<hbm>>
        tpu.enqueue_dma source(%dma_start3A_233 : memref<79x128xi32, #tpu.memory_space<hbm>>) target(%run_scoped3A_31 : memref<79x128xi32, #tpu.memory_space<vmem>>) target_semaphore(%run_scoped3A_225 : memref<!tpu.dma_semaphore, #tpu.memory_space<semaphore_mem>>)
        %dma_wait3A_234 = arith.constant 0 : i32
        %dma_wait3A_235 = arith.constant 0 : i32
        %dma_wait3A_236 = tpu.memref_slice %arg4[%arg1, %dma_wait3A_234, %dma_wait3A_235] : memref<16x79x128xi32, #tpu.memory_space<hbm>> -> memref<1x79x128xi32, #tpu.memory_space<hbm>>
        %dma_wait3A_237 = tpu.memref_squeeze %dma_wait3A_236 : memref<1x79x128xi32, #tpu.memory_space<hbm>> -> memref<79x128xi32, #tpu.memory_space<hbm>>
        %dma_wait3A_238 = arith.constant 0 : i32
        %dma_wait3A_239 = arith.constant 0 : i32
        %dma_wait3A_240 = tpu.memref_slice %arg4[%arg1, %dma_wait3A_238, %dma_wait3A_239] : memref<16x79x128xi32, #tpu.memory_space<hbm>> -> memref<1x79x128xi32, #tpu.memory_space<hbm>>
        %dma_wait3A_241 = tpu.memref_squeeze %dma_wait3A_240 : memref<1x79x128xi32, #tpu.memory_space<hbm>> -> memref<79x128xi32, #tpu.memory_space<hbm>>
        tpu.wait_dma2 semaphore(%run_scoped3A_225 : memref<!tpu.dma_semaphore, #tpu.memory_space<semaphore_mem>>) src(%dma_wait3A_241 : memref<79x128xi32, #tpu.memory_space<hbm>>) dst(%run_scoped3A_31 : memref<79x128xi32, #tpu.memory_space<vmem>>)
        tpu.yield
      }) : () -> ()
      %mul3A_55 = arith.constant 128 : i32
      %mul3A_56 = arith.muli %arg0, %mul3A_55 : i32
      "tpu.region"() ({
        %run_scoped3A_225 = tpu.sem_alloc : memref<!tpu.dma_semaphore, #tpu.memory_space<semaphore_mem>>
        %dma_start3A_226 = tpu.memref_slice %arg6[%mul3A_56] : memref<256xf32, #tpu.memory_space<hbm>> -> memref<128xf32, #tpu.memory_space<hbm>>
        %dma_start3A_227 = tpu.memref_slice %arg6[%mul3A_56] : memref<256xf32, #tpu.memory_space<hbm>> -> memref<128xf32, #tpu.memory_space<hbm>>
        tpu.enqueue_dma source(%dma_start3A_227 : memref<128xf32, #tpu.memory_space<hbm>>) target(%arg17 : memref<128xf32, #tpu.memory_space<vmem>>) target_semaphore(%run_scoped3A_225 : memref<!tpu.dma_semaphore, #tpu.memory_space<semaphore_mem>>)
        %dma_wait3A_228 = tpu.memref_slice %arg6[%mul3A_56] : memref<256xf32, #tpu.memory_space<hbm>> -> memref<128xf32, #tpu.memory_space<hbm>>
        %dma_wait3A_229 = tpu.memref_slice %arg6[%mul3A_56] : memref<256xf32, #tpu.memory_space<hbm>> -> memref<128xf32, #tpu.memory_space<hbm>>
        tpu.wait_dma2 semaphore(%run_scoped3A_225 : memref<!tpu.dma_semaphore, #tpu.memory_space<semaphore_mem>>) src(%dma_wait3A_229 : memref<128xf32, #tpu.memory_space<hbm>>) dst(%arg17 : memref<128xf32, #tpu.memory_space<vmem>>)
        tpu.yield
      }) : () -> ()
      "tpu.region"() ({
        %run_scoped3A_225 = tpu.sem_alloc : memref<!tpu.dma_semaphore, #tpu.memory_space<semaphore_mem>>
        tpu.enqueue_dma source(%arg8 : memref<16xf32, #tpu.memory_space<hbm>>) target(%arg18 : memref<16xf32, #tpu.memory_space<vmem>>) target_semaphore(%run_scoped3A_225 : memref<!tpu.dma_semaphore, #tpu.memory_space<semaphore_mem>>)
        tpu.wait_dma2 semaphore(%run_scoped3A_225 : memref<!tpu.dma_semaphore, #tpu.memory_space<semaphore_mem>>) src(%arg8 : memref<16xf32, #tpu.memory_space<hbm>>) dst(%arg18 : memref<16xf32, #tpu.memory_space<vmem>>)
        tpu.yield
      }) : () -> ()
      %mul3A_57 = arith.constant 2 : i32
      %mul3A_58 = arith.muli %mul3A_57, %arg0 : i32
      %mul3A_59 = arith.constant 10240 : i32
      %mul3A_60 = arith.muli %mul3A_58, %mul3A_59 : i32
      %broadcast_in_dim3A_61 = vector.broadcast %mul3A_60 : i32 to vector<16xi32>
      %scan3A_62 = arith.constant 0 : i32
      %scan3A_63 = arith.constant 0 : i32
      %scan3A_64 = arith.constant 632 : i32
      %scan3A_65 = arith.addi %scan3A_63, %scan3A_64 : i32
      %scan3A_66 = arith.constant 1 : i32
      scf.for %scan3A_225 = %scan3A_63 to %scan3A_65 step %scan3A_66  : i32 {
        %jit3A_226 = arith.constant 8 : i32
        %div3A = arith.divsi %scan3A_225, %jit3A_226 : i32
        %sign3A = arith.constant 0 : i32
        %sign3A_227 = arith.cmpi sgt, %scan3A_225, %sign3A : i32
        %sign3A_228 = arith.extui %sign3A_227 : i1 to i32
        %sign3A_229 = arith.constant 0 : i32
        %sign3A_230 = arith.cmpi slt, %scan3A_225, %sign3A_229 : i32
        %sign3A_231 = arith.extui %sign3A_230 : i1 to i32
        %sign3A_232 = arith.subi %sign3A_228, %sign3A_231 : i32
        %sign3A_233 = arith.constant 0 : i32
        %sign3A_234 = arith.cmpi sgt, %jit3A_226, %sign3A_233 : i32
        %sign3A_235 = arith.extui %sign3A_234 : i1 to i32
        %sign3A_236 = arith.constant 0 : i32
        %sign3A_237 = arith.cmpi slt, %jit3A_226, %sign3A_236 : i32
        %sign3A_238 = arith.extui %sign3A_237 : i1 to i32
        %sign3A_239 = arith.subi %sign3A_235, %sign3A_238 : i32
        %ne3A = arith.cmpi ne, %sign3A_232, %sign3A_239 : i32
        %rem3A = arith.remsi %scan3A_225, %jit3A_226 : i32
        %ne3A_240 = arith.constant 0 : i32
        %ne3A_241 = arith.cmpi ne, %rem3A, %ne3A_240 : i32
        %and3A = arith.andi %ne3A, %ne3A_241 : i1
        %sub3A = arith.constant 1 : i32
        %sub3A_242 = arith.subi %div3A, %sub3A : i32
        %select_n3A_243 = arith.select %and3A, %sub3A_242, %div3A : i32
        %jit3A_244 = arith.constant 8 : i32
        %eq3A_245 = arith.constant 0 : i32
        %eq3A_246 = arith.cmpi eq, %jit3A_244, %eq3A_245 : i32
        %jit3A_247 = arith.constant 1 : i32
        %select_n3A_248 = arith.select %eq3A_246, %jit3A_247, %jit3A_244 : i32
        %rem3A_249 = arith.remsi %scan3A_225, %select_n3A_248 : i32
        %ne3A_250 = arith.constant 0 : i32
        %ne3A_251 = arith.cmpi ne, %rem3A_249, %ne3A_250 : i32
        %lt3A = arith.constant 0 : i32
        %lt3A_252 = arith.cmpi slt, %rem3A_249, %lt3A : i32
        %lt3A_253 = arith.constant 0 : i32
        %lt3A_254 = arith.cmpi slt, %select_n3A_248, %lt3A_253 : i32
        %ne3A_255 = arith.xori %lt3A_252, %lt3A_254 : i1
        %and3A_256 = arith.andi %ne3A_255, %ne3A_251 : i1
        %add3A_257 = arith.addi %rem3A_249, %select_n3A_248 : i32
        %select_n3A_258 = arith.select %and3A_256, %add3A_257, %rem3A_249 : i32
        %mul3A_259 = arith.constant 16 : i32
        %mul3A_260 = arith.muli %select_n3A_258, %mul3A_259 : i32
        %get3A_261 = arith.index_cast %select_n3A_243 : i32 to index
        %get3A_262 = arith.index_cast %mul3A_260 : i32 to index
        %get3A_263 = tpu.vector_load %run_scoped3A[%get3A_261, %get3A_262] {strides = array<i32>} : memref<79x128xi32, #tpu.memory_space<vmem>>, vector<16xi32>,
        %add3A_264 = arith.addi %get3A_263, %broadcast_in_dim3A_61 : vector<16xi32>
        %mul3A_265 = arith.constant 16 : i32
        %mul3A_266 = arith.muli %select_n3A_258, %mul3A_265 : i32
        %swap3A = arith.index_cast %select_n3A_243 : i32 to index
        %swap3A_267 = arith.index_cast %mul3A_266 : i32 to index
        %swap3A_268 = tpu.vector_load %run_scoped3A[%swap3A, %swap3A_267] {strides = array<i32>} : memref<79x128xi32, #tpu.memory_space<vmem>>, vector<16xi32>,
        tpu.vector_store %run_scoped3A[%swap3A, %swap3A_267], %add3A_264 {strides = array<i32>} : memref<79x128xi32, #tpu.memory_space<vmem>>, vector<16xi32>,
      }
      %scan3A_67 = arith.constant 632 : i32
      %barrier3A_68 = arith.constant 0 : index
      tpu.barrier barrier_id(%barrier3A_68)
      %scan3A_69 = arith.constant 0 : i32
      %scan3A_70 = arith.constant 0 : i32
      %scan3A_71 = arith.constant 79 : i32
      %scan3A_72 = arith.addi %scan3A_70, %scan3A_71 : i32
      %scan3A_73 = arith.constant 1 : i32
      scf.for %scan3A_225 = %scan3A_70 to %scan3A_72 step %scan3A_73  : i32 {
        "tpu.region"() ({
          %run_scoped3A_226 = tpu.sem_alloc : memref<!tpu.dma_semaphore, #tpu.memory_space<semaphore_mem>>
          %dma_start3A_227 = arith.constant 0 : i32
          %dma_start3A_228 = tpu.memref_slice %run_scoped3A_31[%scan3A_225, %dma_start3A_227] : memref<79x128xi32, #tpu.memory_space<vmem>> -> memref<1x128xi32, #tpu.memory_space<vmem>>
          %dma_start3A_229 = tpu.memref_squeeze %dma_start3A_228 : memref<1x128xi32, #tpu.memory_space<vmem>> -> memref<128xi32, #tpu.memory_space<vmem>>
          %dma_start3A_230 = arith.constant 0 : i32
          %dma_start3A_231 = tpu.memref_slice %arg14[%dma_start3A_230] : memref<10240xf32, #tpu.memory_space<vmem_shared>> -> memref<10240xf32, #tpu.memory_space<vmem_shared>>
          tpu.enqueue_indirect_dma source(%arg16 : memref<128xf32, #tpu.memory_space<vmem>>) target(%dma_start3A_231 : memref<10240xf32, #tpu.memory_space<vmem_shared>>) offsets(%dma_start3A_229 : memref<128xi32, #tpu.memory_space<vmem>>) semaphore(%run_scoped3A_226 : memref<!tpu.dma_semaphore, #tpu.memory_space<semaphore_mem>>) {add = true}
          %dma_wait3A_232 = arith.constant 0 : i32
          %dma_wait3A_233 = tpu.memref_slice %run_scoped3A_31[%scan3A_225, %dma_wait3A_232] : memref<79x128xi32, #tpu.memory_space<vmem>> -> memref<1x128xi32, #tpu.memory_space<vmem>>
          %dma_wait3A_234 = tpu.memref_squeeze %dma_wait3A_233 : memref<1x128xi32, #tpu.memory_space<vmem>> -> memref<128xi32, #tpu.memory_space<vmem>>
          %dma_wait3A_235 = arith.constant 0 : i32
          %dma_wait3A_236 = tpu.memref_slice %arg14[%dma_wait3A_235] : memref<10240xf32, #tpu.memory_space<vmem_shared>> -> memref<10240xf32, #tpu.memory_space<vmem_shared>>
          tpu.wait_indirect_dma semaphore(%run_scoped3A_226 : memref<!tpu.dma_semaphore, #tpu.memory_space<semaphore_mem>>) src(%arg16 : memref<128xf32, #tpu.memory_space<vmem>>) dst(%dma_wait3A_236 : memref<10240xf32, #tpu.memory_space<vmem_shared>>)
          tpu.yield
        }) : () -> ()
      }
      %scan3A_74 = arith.constant 79 : i32
      %barrier3A_75 = arith.constant 0 : index
      tpu.barrier barrier_id(%barrier3A_75)
      "tpu.region"() ({
        %run_scoped3A_225 = tpu.sem_alloc : memref<!tpu.dma_semaphore, #tpu.memory_space<semaphore_mem>>
        %dma_start3A_226 = tpu.memref_slice %arg14[%mul3A_0] : memref<10240xf32, #tpu.memory_space<vmem_shared>> -> memref<640xf32, #tpu.memory_space<vmem_shared>>
        %dma_start3A_227 = tpu.memref_slice %arg14[%mul3A_0] : memref<10240xf32, #tpu.memory_space<vmem_shared>> -> memref<640xf32, #tpu.memory_space<vmem_shared>>
        tpu.enqueue_dma source(%dma_start3A_227 : memref<640xf32, #tpu.memory_space<vmem_shared>>) target(%arg20 : memref<640xf32, #tpu.memory_space<vmem>>) target_semaphore(%run_scoped3A_225 : memref<!tpu.dma_semaphore, #tpu.memory_space<semaphore_mem>>)
        %dma_wait3A_228 = tpu.memref_slice %arg14[%mul3A_0] : memref<10240xf32, #tpu.memory_space<vmem_shared>> -> memref<640xf32, #tpu.memory_space<vmem_shared>>
        %dma_wait3A_229 = tpu.memref_slice %arg14[%mul3A_0] : memref<10240xf32, #tpu.memory_space<vmem_shared>> -> memref<640xf32, #tpu.memory_space<vmem_shared>>
        tpu.wait_dma2 semaphore(%run_scoped3A_225 : memref<!tpu.dma_semaphore, #tpu.memory_space<semaphore_mem>>) src(%dma_wait3A_229 : memref<640xf32, #tpu.memory_space<vmem_shared>>) dst(%arg20 : memref<640xf32, #tpu.memory_space<vmem>>)
        tpu.yield
      }) : () -> ()
      %scan3A_76 = arith.constant 0 : i32
      %scan3A_77 = arith.constant 0 : i32
      %scan3A_78 = arith.constant 40 : i32
      %scan3A_79 = arith.addi %scan3A_77, %scan3A_78 : i32
      %scan3A_80 = arith.constant 1 : i32
      scf.for %scan3A_225 = %scan3A_77 to %scan3A_79 step %scan3A_80  : i32 {
        %mul3A_226 = arith.constant 16 : i32
        %mul3A_227 = arith.muli %scan3A_225, %mul3A_226 : i32
        %get3A_228 = arith.index_cast %mul3A_227 : i32 to index
        %get3A_229 = tpu.vector_load %arg20[%get3A_228] {strides = array<i32>} : memref<640xf32, #tpu.memory_space<vmem>>, vector<16xf32>,
        %add3A_230 = arith.constant 1.000000e+00 : f32
        %add3A_231 = vector.broadcast %add3A_230 : f32 to vector<16xf32>
        %add3A_232 = arith.addf %get3A_229, %add3A_231 : vector<16xf32>
        %mul3A_233 = arith.constant 5.000000e-01 : f32
        %mul3A_234 = vector.broadcast %mul3A_233 : f32 to vector<16xf32>
        %mul3A_235 = arith.mulf %mul3A_234, %add3A_232 : vector<16xf32>
        %scan3A_236 = arith.constant 0 : i32
        %scan3A_237 = arith.constant 22 : i32
        %scan3A_238 = arith.addi %scan3A_236, %scan3A_237 : i32
        %scan3A_239 = arith.constant 1 : i32
        %scan3A_240 = scf.for %scan3A_247 = %scan3A_236 to %scan3A_238 step %scan3A_239 iter_args(%scan3A_248 = %mul3A_235) -> (vector<16xf32>)  : i32 {
          %div3A_249 = arith.divf %get3A_229, %scan3A_248 : vector<16xf32>
          %add3A_250 = arith.addf %scan3A_248, %div3A_249 : vector<16xf32>
          %mul3A_251 = arith.constant 5.000000e-01 : f32
          %mul3A_252 = vector.broadcast %mul3A_251 : f32 to vector<16xf32>
          %mul3A_253 = arith.mulf %mul3A_252, %add3A_250 : vector<16xf32>
          scf.yield %mul3A_253 : vector<16xf32>
        }
        %scan3A_241 = arith.constant 22 : i32
        %div3A = arith.constant 1.000000e+00 : f32
        %div3A_242 = vector.broadcast %div3A : f32 to vector<16xf32>
        %div3A_243 = arith.divf %div3A_242, %scan3A_240 : vector<16xf32>
        %mul3A_244 = arith.constant 16 : i32
        %mul3A_245 = arith.muli %scan3A_225, %mul3A_244 : i32
        %swap3A = arith.index_cast %mul3A_245 : i32 to index
        %swap3A_246 = tpu.vector_load %arg15[%swap3A] {strides = array<i32>} : memref<640xf32, #tpu.memory_space<vmem>>, vector<16xf32>,
        tpu.vector_store %arg15[%swap3A], %div3A_243 {strides = array<i32>} : memref<640xf32, #tpu.memory_space<vmem>>, vector<16xf32>,
      }
      %scan3A_81 = arith.constant 40 : i32
      %scan3A_82 = arith.constant 0 : i32
      %scan3A_83 = arith.constant 0 : i32
      %scan3A_84 = arith.constant 5 : i32
      %scan3A_85 = arith.addi %scan3A_83, %scan3A_84 : i32
      %scan3A_86 = arith.constant 1 : i32
      scf.for %scan3A_225 = %scan3A_83 to %scan3A_85 step %scan3A_86  : i32 {
        %mul3A_226 = arith.constant 128 : i32
        %mul3A_227 = arith.muli %scan3A_225, %mul3A_226 : i32
        %add3A_228 = arith.addi %mul3A_0, %mul3A_227 : i32
        %mul3A_229 = arith.constant 128 : i32
        %mul3A_230 = arith.muli %arg0, %mul3A_229 : i32
        %add3A_231 = arith.constant 0 : i32
        %add3A_232 = arith.addi %mul3A_230, %add3A_231 : i32
        "tpu.region"() ({
          %run_scoped3A_263 = tpu.sem_alloc : memref<!tpu.dma_semaphore, #tpu.memory_space<semaphore_mem>>
          %dma_start3A_264 = tpu.memref_slice %arg5[%add3A_228, %add3A_232] : memref<10240x256xf32, #tpu.memory_space<hbm>> -> memref<128x64xf32, #tpu.memory_space<hbm>>
          %dma_start3A_265 = tpu.memref_slice %arg5[%add3A_228, %add3A_232] : memref<10240x256xf32, #tpu.memory_space<hbm>> -> memref<128x64xf32, #tpu.memory_space<hbm>>
          tpu.enqueue_dma source(%dma_start3A_265 : memref<128x64xf32, #tpu.memory_space<hbm>>) target(%run_scoped3A_33 : memref<128x64xf32, #tpu.memory_space<vmem>>) target_semaphore(%run_scoped3A_263 : memref<!tpu.dma_semaphore, #tpu.memory_space<semaphore_mem>>)
          %dma_wait3A_266 = tpu.memref_slice %arg5[%add3A_228, %add3A_232] : memref<10240x256xf32, #tpu.memory_space<hbm>> -> memref<128x64xf32, #tpu.memory_space<hbm>>
          %dma_wait3A_267 = tpu.memref_slice %arg5[%add3A_228, %add3A_232] : memref<10240x256xf32, #tpu.memory_space<hbm>> -> memref<128x64xf32, #tpu.memory_space<hbm>>
          tpu.wait_dma2 semaphore(%run_scoped3A_263 : memref<!tpu.dma_semaphore, #tpu.memory_space<semaphore_mem>>) src(%dma_wait3A_267 : memref<128x64xf32, #tpu.memory_space<hbm>>) dst(%run_scoped3A_33 : memref<128x64xf32, #tpu.memory_space<vmem>>)
          tpu.yield
        }) : () -> ()
        %scan3A_233 = arith.constant 0 : i32
        %scan3A_234 = arith.constant 0 : i32
        %scan3A_235 = arith.constant 128 : i32
        %scan3A_236 = arith.addi %scan3A_234, %scan3A_235 : i32
        %scan3A_237 = arith.constant 1 : i32
        scf.for %scan3A_263 = %scan3A_234 to %scan3A_236 step %scan3A_237  : i32 {
          %mul3A_264 = arith.constant 128 : i32
          %mul3A_265 = arith.muli %scan3A_225, %mul3A_264 : i32
          %add3A_266 = arith.addi %mul3A_265, %scan3A_263 : i32
          %broadcast_in_dim3A_267 = vector.broadcast %add3A_266 : i32 to vector<16xi32>
          %gather3A = tpu.vector_load_idx %arg15[%broadcast_in_dim3A_267] : memref<640xf32, #tpu.memory_space<vmem>>[vector<16xi32>], vector<16xf32>,
          %get3A_268 = arith.index_cast %scan3A_263 : i32 to index
          %get3A_269 = arith.constant 0 : index
          %get3A_270 = tpu.vector_load %run_scoped3A_33[%get3A_268, %get3A_269] {strides = array<i32>} : memref<128x64xf32, #tpu.memory_space<vmem>>, vector<16xf32>,
          %mul3A_271 = arith.mulf %get3A_270, %gather3A : vector<16xf32>
          %swap3A = arith.index_cast %scan3A_263 : i32 to index
          %swap3A_272 = arith.constant 0 : index
          %swap3A_273 = tpu.vector_load %run_scoped3A_33[%swap3A, %swap3A_272] {strides = array<i32>} : memref<128x64xf32, #tpu.memory_space<vmem>>, vector<16xf32>,
          tpu.vector_store %run_scoped3A_33[%swap3A, %swap3A_272], %mul3A_271 {strides = array<i32>} : memref<128x64xf32, #tpu.memory_space<vmem>>, vector<16xf32>,
          %get3A_274 = arith.index_cast %scan3A_263 : i32 to index
          %get3A_275 = arith.constant 16 : index
          %get3A_276 = tpu.vector_load %run_scoped3A_33[%get3A_274, %get3A_275] {strides = array<i32>} : memref<128x64xf32, #tpu.memory_space<vmem>>, vector<16xf32>,
          %mul3A_277 = arith.mulf %get3A_276, %gather3A : vector<16xf32>
          %swap3A_278 = arith.index_cast %scan3A_263 : i32 to index
          %swap3A_279 = arith.constant 16 : index
          %swap3A_280 = tpu.vector_load %run_scoped3A_33[%swap3A_278, %swap3A_279] {strides = array<i32>} : memref<128x64xf32, #tpu.memory_space<vmem>>, vector<16xf32>,
          tpu.vector_store %run_scoped3A_33[%swap3A_278, %swap3A_279], %mul3A_277 {strides = array<i32>} : memref<128x64xf32, #tpu.memory_space<vmem>>, vector<16xf32>,
          %get3A_281 = arith.index_cast %scan3A_263 : i32 to index
          %get3A_282 = arith.constant 32 : index
          %get3A_283 = tpu.vector_load %run_scoped3A_33[%get3A_281, %get3A_282] {strides = array<i32>} : memref<128x64xf32, #tpu.memory_space<vmem>>, vector<16xf32>,
          %mul3A_284 = arith.mulf %get3A_283, %gather3A : vector<16xf32>
          %swap3A_285 = arith.index_cast %scan3A_263 : i32 to index
          %swap3A_286 = arith.constant 32 : index
          %swap3A_287 = tpu.vector_load %run_scoped3A_33[%swap3A_285, %swap3A_286] {strides = array<i32>} : memref<128x64xf32, #tpu.memory_space<vmem>>, vector<16xf32>,
          tpu.vector_store %run_scoped3A_33[%swap3A_285, %swap3A_286], %mul3A_284 {strides = array<i32>} : memref<128x64xf32, #tpu.memory_space<vmem>>, vector<16xf32>,
          %get3A_288 = arith.index_cast %scan3A_263 : i32 to index
          %get3A_289 = arith.constant 48 : index
          %get3A_290 = tpu.vector_load %run_scoped3A_33[%get3A_288, %get3A_289] {strides = array<i32>} : memref<128x64xf32, #tpu.memory_space<vmem>>, vector<16xf32>,
          %mul3A_291 = arith.mulf %get3A_290, %gather3A : vector<16xf32>
          %swap3A_292 = arith.index_cast %scan3A_263 : i32 to index
          %swap3A_293 = arith.constant 48 : index
          %swap3A_294 = tpu.vector_load %run_scoped3A_33[%swap3A_292, %swap3A_293] {strides = array<i32>} : memref<128x64xf32, #tpu.memory_space<vmem>>, vector<16xf32>,
          tpu.vector_store %run_scoped3A_33[%swap3A_292, %swap3A_293], %mul3A_291 {strides = array<i32>} : memref<128x64xf32, #tpu.memory_space<vmem>>, vector<16xf32>,
        }
        %scan3A_238 = arith.constant 128 : i32
        %mul3A_239 = arith.constant 2 : i32
        %mul3A_240 = arith.muli %mul3A_239, %arg0 : i32
        %add3A_241 = arith.constant 0 : i32
        %add3A_242 = arith.addi %mul3A_240, %add3A_241 : i32
        %mul3A_243 = arith.constant 10240 : i32
        %mul3A_244 = arith.muli %add3A_242, %mul3A_243 : i32
        %add3A_245 = arith.addi %mul3A_244, %add3A_228 : i32
        "tpu.region"() ({
          %run_scoped3A_263 = tpu.sem_alloc : memref<!tpu.dma_semaphore, #tpu.memory_space<semaphore_mem>>
          %dma_start3A_264 = arith.constant 0 : i32
          %dma_start3A_265 = tpu.memref_slice %arg10[%add3A_245, %dma_start3A_264] : memref<40960x64xf32, #tpu.memory_space<hbm>> -> memref<128x64xf32, #tpu.memory_space<hbm>>
          %dma_start3A_266 = arith.constant 0 : i32
          %dma_start3A_267 = tpu.memref_slice %arg10[%add3A_245, %dma_start3A_266] : memref<40960x64xf32, #tpu.memory_space<hbm>> -> memref<128x64xf32, #tpu.memory_space<hbm>>
          tpu.enqueue_dma source(%run_scoped3A_33 : memref<128x64xf32, #tpu.memory_space<vmem>>) target(%dma_start3A_267 : memref<128x64xf32, #tpu.memory_space<hbm>>) target_semaphore(%run_scoped3A_263 : memref<!tpu.dma_semaphore, #tpu.memory_space<semaphore_mem>>)
          %dma_wait3A_268 = arith.constant 0 : i32
          %dma_wait3A_269 = tpu.memref_slice %arg10[%add3A_245, %dma_wait3A_268] : memref<40960x64xf32, #tpu.memory_space<hbm>> -> memref<128x64xf32, #tpu.memory_space<hbm>>
          %dma_wait3A_270 = arith.constant 0 : i32
          %dma_wait3A_271 = tpu.memref_slice %arg10[%add3A_245, %dma_wait3A_270] : memref<40960x64xf32, #tpu.memory_space<hbm>> -> memref<128x64xf32, #tpu.memory_space<hbm>>
          tpu.wait_dma2 semaphore(%run_scoped3A_263 : memref<!tpu.dma_semaphore, #tpu.memory_space<semaphore_mem>>) src(%run_scoped3A_33 : memref<128x64xf32, #tpu.memory_space<vmem>>) dst(%dma_wait3A_271 : memref<128x64xf32, #tpu.memory_space<hbm>>)
          tpu.yield
        }) : () -> ()
        %mul3A_246 = arith.constant 128 : i32
        %mul3A_247 = arith.muli %arg0, %mul3A_246 : i32
        %add3A_248 = arith.constant 64 : i32
        %add3A_249 = arith.addi %mul3A_247, %add3A_248 : i32
        "tpu.region"() ({
          %run_scoped3A_263 = tpu.sem_alloc : memref<!tpu.dma_semaphore, #tpu.memory_space<semaphore_mem>>
          %dma_start3A_264 = tpu.memref_slice %arg5[%add3A_228, %add3A_249] : memref<10240x256xf32, #tpu.memory_space<hbm>> -> memref<128x64xf32, #tpu.memory_space<hbm>>
          %dma_start3A_265 = tpu.memref_slice %arg5[%add3A_228, %add3A_249] : memref<10240x256xf32, #tpu.memory_space<hbm>> -> memref<128x64xf32, #tpu.memory_space<hbm>>
          tpu.enqueue_dma source(%dma_start3A_265 : memref<128x64xf32, #tpu.memory_space<hbm>>) target(%run_scoped3A_33 : memref<128x64xf32, #tpu.memory_space<vmem>>) target_semaphore(%run_scoped3A_263 : memref<!tpu.dma_semaphore, #tpu.memory_space<semaphore_mem>>)
          %dma_wait3A_266 = tpu.memref_slice %arg5[%add3A_228, %add3A_249] : memref<10240x256xf32, #tpu.memory_space<hbm>> -> memref<128x64xf32, #tpu.memory_space<hbm>>
          %dma_wait3A_267 = tpu.memref_slice %arg5[%add3A_228, %add3A_249] : memref<10240x256xf32, #tpu.memory_space<hbm>> -> memref<128x64xf32, #tpu.memory_space<hbm>>
          tpu.wait_dma2 semaphore(%run_scoped3A_263 : memref<!tpu.dma_semaphore, #tpu.memory_space<semaphore_mem>>) src(%dma_wait3A_267 : memref<128x64xf32, #tpu.memory_space<hbm>>) dst(%run_scoped3A_33 : memref<128x64xf32, #tpu.memory_space<vmem>>)
          tpu.yield
        }) : () -> ()
        %scan3A_250 = arith.constant 0 : i32
        %scan3A_251 = arith.constant 0 : i32
        %scan3A_252 = arith.constant 128 : i32
        %scan3A_253 = arith.addi %scan3A_251, %scan3A_252 : i32
        %scan3A_254 = arith.constant 1 : i32
        scf.for %scan3A_263 = %scan3A_251 to %scan3A_253 step %scan3A_254  : i32 {
          %mul3A_264 = arith.constant 128 : i32
          %mul3A_265 = arith.muli %scan3A_225, %mul3A_264 : i32
          %add3A_266 = arith.addi %mul3A_265, %scan3A_263 : i32
          %broadcast_in_dim3A_267 = vector.broadcast %add3A_266 : i32 to vector<16xi32>
          %gather3A = tpu.vector_load_idx %arg15[%broadcast_in_dim3A_267] : memref<640xf32, #tpu.memory_space<vmem>>[vector<16xi32>], vector<16xf32>,
          %get3A_268 = arith.index_cast %scan3A_263 : i32 to index
          %get3A_269 = arith.constant 0 : index
          %get3A_270 = tpu.vector_load %run_scoped3A_33[%get3A_268, %get3A_269] {strides = array<i32>} : memref<128x64xf32, #tpu.memory_space<vmem>>, vector<16xf32>,
          %mul3A_271 = arith.mulf %get3A_270, %gather3A : vector<16xf32>
          %swap3A = arith.index_cast %scan3A_263 : i32 to index
          %swap3A_272 = arith.constant 0 : index
          %swap3A_273 = tpu.vector_load %run_scoped3A_33[%swap3A, %swap3A_272] {strides = array<i32>} : memref<128x64xf32, #tpu.memory_space<vmem>>, vector<16xf32>,
          tpu.vector_store %run_scoped3A_33[%swap3A, %swap3A_272], %mul3A_271 {strides = array<i32>} : memref<128x64xf32, #tpu.memory_space<vmem>>, vector<16xf32>,
          %get3A_274 = arith.index_cast %scan3A_263 : i32 to index
          %get3A_275 = arith.constant 16 : index
          %get3A_276 = tpu.vector_load %run_scoped3A_33[%get3A_274, %get3A_275] {strides = array<i32>} : memref<128x64xf32, #tpu.memory_space<vmem>>, vector<16xf32>,
          %mul3A_277 = arith.mulf %get3A_276, %gather3A : vector<16xf32>
          %swap3A_278 = arith.index_cast %scan3A_263 : i32 to index
          %swap3A_279 = arith.constant 16 : index
          %swap3A_280 = tpu.vector_load %run_scoped3A_33[%swap3A_278, %swap3A_279] {strides = array<i32>} : memref<128x64xf32, #tpu.memory_space<vmem>>, vector<16xf32>,
          tpu.vector_store %run_scoped3A_33[%swap3A_278, %swap3A_279], %mul3A_277 {strides = array<i32>} : memref<128x64xf32, #tpu.memory_space<vmem>>, vector<16xf32>,
          %get3A_281 = arith.index_cast %scan3A_263 : i32 to index
          %get3A_282 = arith.constant 32 : index
          %get3A_283 = tpu.vector_load %run_scoped3A_33[%get3A_281, %get3A_282] {strides = array<i32>} : memref<128x64xf32, #tpu.memory_space<vmem>>, vector<16xf32>,
          %mul3A_284 = arith.mulf %get3A_283, %gather3A : vector<16xf32>
          %swap3A_285 = arith.index_cast %scan3A_263 : i32 to index
          %swap3A_286 = arith.constant 32 : index
          %swap3A_287 = tpu.vector_load %run_scoped3A_33[%swap3A_285, %swap3A_286] {strides = array<i32>} : memref<128x64xf32, #tpu.memory_space<vmem>>, vector<16xf32>,
          tpu.vector_store %run_scoped3A_33[%swap3A_285, %swap3A_286], %mul3A_284 {strides = array<i32>} : memref<128x64xf32, #tpu.memory_space<vmem>>, vector<16xf32>,
          %get3A_288 = arith.index_cast %scan3A_263 : i32 to index
          %get3A_289 = arith.constant 48 : index
          %get3A_290 = tpu.vector_load %run_scoped3A_33[%get3A_288, %get3A_289] {strides = array<i32>} : memref<128x64xf32, #tpu.memory_space<vmem>>, vector<16xf32>,
          %mul3A_291 = arith.mulf %get3A_290, %gather3A : vector<16xf32>
          %swap3A_292 = arith.index_cast %scan3A_263 : i32 to index
          %swap3A_293 = arith.constant 48 : index
          %swap3A_294 = tpu.vector_load %run_scoped3A_33[%swap3A_292, %swap3A_293] {strides = array<i32>} : memref<128x64xf32, #tpu.memory_space<vmem>>, vector<16xf32>,
          tpu.vector_store %run_scoped3A_33[%swap3A_292, %swap3A_293], %mul3A_291 {strides = array<i32>} : memref<128x64xf32, #tpu.memory_space<vmem>>, vector<16xf32>,
        }
        %scan3A_255 = arith.constant 128 : i32
        %mul3A_256 = arith.constant 2 : i32
        %mul3A_257 = arith.muli %mul3A_256, %arg0 : i32
        %add3A_258 = arith.constant 1 : i32
        %add3A_259 = arith.addi %mul3A_257, %add3A_258 : i32
        %mul3A_260 = arith.constant 10240 : i32
        %mul3A_261 = arith.muli %add3A_259, %mul3A_260 : i32
        %add3A_262 = arith.addi %mul3A_261, %add3A_228 : i32
        "tpu.region"() ({
          %run_scoped3A_263 = tpu.sem_alloc : memref<!tpu.dma_semaphore, #tpu.memory_space<semaphore_mem>>
          %dma_start3A_264 = arith.constant 0 : i32
          %dma_start3A_265 = tpu.memref_slice %arg10[%add3A_262, %dma_start3A_264] : memref<40960x64xf32, #tpu.memory_space<hbm>> -> memref<128x64xf32, #tpu.memory_space<hbm>>
          %dma_start3A_266 = arith.constant 0 : i32
          %dma_start3A_267 = tpu.memref_slice %arg10[%add3A_262, %dma_start3A_266] : memref<40960x64xf32, #tpu.memory_space<hbm>> -> memref<128x64xf32, #tpu.memory_space<hbm>>
          tpu.enqueue_dma source(%run_scoped3A_33 : memref<128x64xf32, #tpu.memory_space<vmem>>) target(%dma_start3A_267 : memref<128x64xf32, #tpu.memory_space<hbm>>) target_semaphore(%run_scoped3A_263 : memref<!tpu.dma_semaphore, #tpu.memory_space<semaphore_mem>>)
          %dma_wait3A_268 = arith.constant 0 : i32
          %dma_wait3A_269 = tpu.memref_slice %arg10[%add3A_262, %dma_wait3A_268] : memref<40960x64xf32, #tpu.memory_space<hbm>> -> memref<128x64xf32, #tpu.memory_space<hbm>>
          %dma_wait3A_270 = arith.constant 0 : i32
          %dma_wait3A_271 = tpu.memref_slice %arg10[%add3A_262, %dma_wait3A_270] : memref<40960x64xf32, #tpu.memory_space<hbm>> -> memref<128x64xf32, #tpu.memory_space<hbm>>
          tpu.wait_dma2 semaphore(%run_scoped3A_263 : memref<!tpu.dma_semaphore, #tpu.memory_space<semaphore_mem>>) src(%run_scoped3A_33 : memref<128x64xf32, #tpu.memory_space<vmem>>) dst(%dma_wait3A_271 : memref<128x64xf32, #tpu.memory_space<hbm>>)
          tpu.yield
        }) : () -> ()
      }
      %scan3A_87 = arith.constant 5 : i32
      %mul3A_88 = arith.constant 2 : i32
      %mul3A_89 = arith.muli %mul3A_88, %arg0 : i32
      %add3A_90 = arith.constant 0 : i32
      %add3A_91 = arith.addi %mul3A_89, %add3A_90 : i32
      %mul3A_92 = arith.constant 10240 : i32
      %mul3A_93 = arith.muli %add3A_91, %mul3A_92 : i32
      %add3A_94 = arith.addi %mul3A_93, %mul3A_0 : i32
      "tpu.region"() ({
        %run_scoped3A_225 = tpu.sem_alloc : memref<!tpu.dma_semaphore, #tpu.memory_space<semaphore_mem>>
        %dma_start3A_226 = arith.constant 0 : i32
        %dma_start3A_227 = tpu.memref_slice %arg13[%mul3A_0, %dma_start3A_226] : memref<10240x64xf32, #tpu.memory_space<vmem_shared>> -> memref<640x64xf32, #tpu.memory_space<vmem_shared>>
        %dma_start3A_228 = arith.constant 0 : i32
        %dma_start3A_229 = tpu.memref_slice %arg10[%add3A_94, %dma_start3A_228] : memref<40960x64xf32, #tpu.memory_space<hbm>> -> memref<640x64xf32, #tpu.memory_space<hbm>>
        tpu.enqueue_dma source(%dma_start3A_229 : memref<640x64xf32, #tpu.memory_space<hbm>>) target(%dma_start3A_227 : memref<640x64xf32, #tpu.memory_space<vmem_shared>>) target_semaphore(%run_scoped3A_225 : memref<!tpu.dma_semaphore, #tpu.memory_space<semaphore_mem>>)
        %dma_wait3A_230 = arith.constant 0 : i32
        %dma_wait3A_231 = tpu.memref_slice %arg13[%mul3A_0, %dma_wait3A_230] : memref<10240x64xf32, #tpu.memory_space<vmem_shared>> -> memref<640x64xf32, #tpu.memory_space<vmem_shared>>
        %dma_wait3A_232 = arith.constant 0 : i32
        %dma_wait3A_233 = tpu.memref_slice %arg10[%add3A_94, %dma_wait3A_232] : memref<40960x64xf32, #tpu.memory_space<hbm>> -> memref<640x64xf32, #tpu.memory_space<hbm>>
        tpu.wait_dma2 semaphore(%run_scoped3A_225 : memref<!tpu.dma_semaphore, #tpu.memory_space<semaphore_mem>>) src(%dma_wait3A_233 : memref<640x64xf32, #tpu.memory_space<hbm>>) dst(%dma_wait3A_231 : memref<640x64xf32, #tpu.memory_space<vmem_shared>>)
        tpu.yield
      }) : () -> ()
      %barrier3A_95 = arith.constant 0 : index
      tpu.barrier barrier_id(%barrier3A_95)
      %dma_start3A = arith.constant 0 : i32
      %dma_start3A_96 = arith.constant 0 : i32
      %dma_start3A_97 = arith.constant 0 : i32
      %dma_start3A_98 = arith.constant 0 : i32
      %dma_start3A_99 = tpu.memref_slice %run_scoped3A_32[%dma_start3A_96, %dma_start3A_97, %dma_start3A_98] : memref<3x128x64xf32, #tpu.memory_space<vmem>> -> memref<1x128x64xf32, #tpu.memory_space<vmem>>
      %dma_start3A_100 = tpu.memref_squeeze %dma_start3A_99 : memref<1x128x64xf32, #tpu.memory_space<vmem>> -> memref<128x64xf32, #tpu.memory_space<vmem>>
      %dma_start3A_101 = arith.constant 0 : i32
      %dma_start3A_102 = tpu.memref_slice %run_scoped3A[%dma_start3A, %dma_start3A_101] : memref<79x128xi32, #tpu.memory_space<vmem>> -> memref<1x128xi32, #tpu.memory_space<vmem>>
      %dma_start3A_103 = tpu.memref_squeeze %dma_start3A_102 : memref<1x128xi32, #tpu.memory_space<vmem>> -> memref<128xi32, #tpu.memory_space<vmem>>
      %dma_start3A_104 = arith.constant 0 : i32
      %dma_start3A_105 = arith.constant 0 : i32
      %dma_start3A_106 = tpu.memref_slice %arg10[%dma_start3A_104, %dma_start3A_105] : memref<40960x64xf32, #tpu.memory_space<hbm>> -> memref<40960x64xf32, #tpu.memory_space<hbm>>
      tpu.enqueue_indirect_dma source(%dma_start3A_106 : memref<40960x64xf32, #tpu.memory_space<hbm>>) target(%dma_start3A_100 : memref<128x64xf32, #tpu.memory_space<vmem>>) offsets(%dma_start3A_103 : memref<128xi32, #tpu.memory_space<vmem>>) semaphore(%arg22 : memref<!tpu.dma_semaphore, #tpu.memory_space<semaphore_mem>>)
      %dma_start3A_107 = arith.constant 1 : i32
      %dma_start3A_108 = arith.constant 1 : i32
      %dma_start3A_109 = arith.constant 0 : i32
      %dma_start3A_110 = arith.constant 0 : i32
      %dma_start3A_111 = tpu.memref_slice %run_scoped3A_32[%dma_start3A_108, %dma_start3A_109, %dma_start3A_110] : memref<3x128x64xf32, #tpu.memory_space<vmem>> -> memref<1x128x64xf32, #tpu.memory_space<vmem>>
      %dma_start3A_112 = tpu.memref_squeeze %dma_start3A_111 : memref<1x128x64xf32, #tpu.memory_space<vmem>> -> memref<128x64xf32, #tpu.memory_space<vmem>>
      %dma_start3A_113 = arith.constant 0 : i32
      %dma_start3A_114 = tpu.memref_slice %run_scoped3A[%dma_start3A_107, %dma_start3A_113] : memref<79x128xi32, #tpu.memory_space<vmem>> -> memref<1x128xi32, #tpu.memory_space<vmem>>
      %dma_start3A_115 = tpu.memref_squeeze %dma_start3A_114 : memref<1x128xi32, #tpu.memory_space<vmem>> -> memref<128xi32, #tpu.memory_space<vmem>>
      %dma_start3A_116 = arith.constant 0 : i32
      %dma_start3A_117 = arith.constant 0 : i32
      %dma_start3A_118 = tpu.memref_slice %arg10[%dma_start3A_116, %dma_start3A_117] : memref<40960x64xf32, #tpu.memory_space<hbm>> -> memref<40960x64xf32, #tpu.memory_space<hbm>>
      tpu.enqueue_indirect_dma source(%dma_start3A_118 : memref<40960x64xf32, #tpu.memory_space<hbm>>) target(%dma_start3A_112 : memref<128x64xf32, #tpu.memory_space<vmem>>) offsets(%dma_start3A_115 : memref<128xi32, #tpu.memory_space<vmem>>) semaphore(%arg22 : memref<!tpu.dma_semaphore, #tpu.memory_space<semaphore_mem>>)
      %scan3A_119 = arith.constant 0 : i32
      %scan3A_120 = arith.constant 0 : i32
      %scan3A_121 = arith.constant 79 : i32
      %scan3A_122 = arith.addi %scan3A_120, %scan3A_121 : i32
      %scan3A_123 = arith.constant 1 : i32
      scf.for %scan3A_225 = %scan3A_120 to %scan3A_122 step %scan3A_123  : i32 {
        %jit3A_226 = arith.constant 3 : i32
        %eq3A_227 = arith.constant 0 : i32
        %eq3A_228 = arith.cmpi eq, %jit3A_226, %eq3A_227 : i32
        %jit3A_229 = arith.constant 1 : i32
        %select_n3A_230 = arith.select %eq3A_228, %jit3A_229, %jit3A_226 : i32
        %rem3A = arith.remsi %scan3A_225, %select_n3A_230 : i32
        %ne3A = arith.constant 0 : i32
        %ne3A_231 = arith.cmpi ne, %rem3A, %ne3A : i32
        %lt3A = arith.constant 0 : i32
        %lt3A_232 = arith.cmpi slt, %rem3A, %lt3A : i32
        %lt3A_233 = arith.constant 0 : i32
        %lt3A_234 = arith.cmpi slt, %select_n3A_230, %lt3A_233 : i32
        %ne3A_235 = arith.xori %lt3A_232, %lt3A_234 : i1
        %and3A = arith.andi %ne3A_235, %ne3A_231 : i1
        %add3A_236 = arith.addi %rem3A, %select_n3A_230 : i32
        %select_n3A_237 = arith.select %and3A, %add3A_236, %rem3A : i32
        %dma_wait3A_238 = arith.constant 0 : i32
        %dma_wait3A_239 = arith.constant 0 : i32
        %dma_wait3A_240 = tpu.memref_slice %run_scoped3A_32[%select_n3A_237, %dma_wait3A_238, %dma_wait3A_239] : memref<3x128x64xf32, #tpu.memory_space<vmem>> -> memref<1x128x64xf32, #tpu.memory_space<vmem>>
        %dma_wait3A_241 = tpu.memref_squeeze %dma_wait3A_240 : memref<1x128x64xf32, #tpu.memory_space<vmem>> -> memref<128x64xf32, #tpu.memory_space<vmem>>
        %dma_wait3A_242 = arith.constant 0 : i32
        %dma_wait3A_243 = tpu.memref_slice %run_scoped3A[%scan3A_225, %dma_wait3A_242] : memref<79x128xi32, #tpu.memory_space<vmem>> -> memref<1x128xi32, #tpu.memory_space<vmem>>
        %dma_wait3A_244 = tpu.memref_squeeze %dma_wait3A_243 : memref<1x128xi32, #tpu.memory_space<vmem>> -> memref<128xi32, #tpu.memory_space<vmem>>
        %dma_wait3A_245 = arith.constant 0 : i32
        %dma_wait3A_246 = arith.constant 0 : i32
        %dma_wait3A_247 = tpu.memref_slice %arg10[%dma_wait3A_245, %dma_wait3A_246] : memref<40960x64xf32, #tpu.memory_space<hbm>> -> memref<40960x64xf32, #tpu.memory_space<hbm>>
        tpu.wait_indirect_dma semaphore(%arg22 : memref<!tpu.dma_semaphore, #tpu.memory_space<semaphore_mem>>) src(%dma_wait3A_247 : memref<40960x64xf32, #tpu.memory_space<hbm>>) dst(%dma_wait3A_241 : memref<128x64xf32, #tpu.memory_space<vmem>>)
        %jit3A_248 = arith.constant 3 : i32
        %eq3A_249 = arith.constant 0 : i32
        %eq3A_250 = arith.cmpi eq, %jit3A_248, %eq3A_249 : i32
        %jit3A_251 = arith.constant 1 : i32
        %select_n3A_252 = arith.select %eq3A_250, %jit3A_251, %jit3A_248 : i32
        %rem3A_253 = arith.remsi %scan3A_225, %select_n3A_252 : i32
        %ne3A_254 = arith.constant 0 : i32
        %ne3A_255 = arith.cmpi ne, %rem3A_253, %ne3A_254 : i32
        %lt3A_256 = arith.constant 0 : i32
        %lt3A_257 = arith.cmpi slt, %rem3A_253, %lt3A_256 : i32
        %lt3A_258 = arith.constant 0 : i32
        %lt3A_259 = arith.cmpi slt, %select_n3A_252, %lt3A_258 : i32
        %ne3A_260 = arith.xori %lt3A_257, %lt3A_259 : i1
        %and3A_261 = arith.andi %ne3A_260, %ne3A_255 : i1
        %add3A_262 = arith.addi %rem3A_253, %select_n3A_252 : i32
        %select_n3A_263 = arith.select %and3A_261, %add3A_262, %rem3A_253 : i32
        %dma_start3A_264 = arith.constant 0 : i32
        %dma_start3A_265 = arith.constant 0 : i32
        %dma_start3A_266 = tpu.memref_slice %run_scoped3A_32[%select_n3A_263, %dma_start3A_264, %dma_start3A_265] : memref<3x128x64xf32, #tpu.memory_space<vmem>> -> memref<1x128x64xf32, #tpu.memory_space<vmem>>
        %dma_start3A_267 = tpu.memref_squeeze %dma_start3A_266 : memref<1x128x64xf32, #tpu.memory_space<vmem>> -> memref<128x64xf32, #tpu.memory_space<vmem>>
        %dma_start3A_268 = arith.constant 0 : i32
        %dma_start3A_269 = tpu.memref_slice %run_scoped3A_31[%scan3A_225, %dma_start3A_268] : memref<79x128xi32, #tpu.memory_space<vmem>> -> memref<1x128xi32, #tpu.memory_space<vmem>>
        %dma_start3A_270 = tpu.memref_squeeze %dma_start3A_269 : memref<1x128xi32, #tpu.memory_space<vmem>> -> memref<128xi32, #tpu.memory_space<vmem>>
        %dma_start3A_271 = arith.constant 0 : i32
        %dma_start3A_272 = arith.constant 0 : i32
        %dma_start3A_273 = tpu.memref_slice %arg13[%dma_start3A_271, %dma_start3A_272] : memref<10240x64xf32, #tpu.memory_space<vmem_shared>> -> memref<10240x64xf32, #tpu.memory_space<vmem_shared>>
        tpu.enqueue_indirect_dma source(%dma_start3A_267 : memref<128x64xf32, #tpu.memory_space<vmem>>) target(%dma_start3A_273 : memref<10240x64xf32, #tpu.memory_space<vmem_shared>>) offsets(%dma_start3A_270 : memref<128xi32, #tpu.memory_space<vmem>>) semaphore(%arg23 : memref<!tpu.dma_semaphore, #tpu.memory_space<semaphore_mem>>) {add = true}
        %ge3A = arith.constant 1 : i32
        %ge3A_274 = arith.cmpi sge, %scan3A_225, %ge3A : i32
        %convert_element_type3A_275 = arith.extui %ge3A_274 : i1 to i32
        %cond3A_276 = arith.constant 0 : i32
        %cond3A_277 = arith.cmpi ne, %convert_element_type3A_275, %cond3A_276 : i32
        scf.if %cond3A_277 {
          %sub3A = arith.constant 1 : i32
          %sub3A_285 = arith.subi %scan3A_225, %sub3A : i32
          %jit3A_286 = arith.constant 3 : i32
          %eq3A_287 = arith.constant 0 : i32
          %eq3A_288 = arith.cmpi eq, %jit3A_286, %eq3A_287 : i32
          %jit3A_289 = arith.constant 1 : i32
          %select_n3A_290 = arith.select %eq3A_288, %jit3A_289, %jit3A_286 : i32
          %rem3A_291 = arith.remsi %sub3A_285, %select_n3A_290 : i32
          %ne3A_292 = arith.constant 0 : i32
          %ne3A_293 = arith.cmpi ne, %rem3A_291, %ne3A_292 : i32
          %lt3A_294 = arith.constant 0 : i32
          %lt3A_295 = arith.cmpi slt, %rem3A_291, %lt3A_294 : i32
          %lt3A_296 = arith.constant 0 : i32
          %lt3A_297 = arith.cmpi slt, %select_n3A_290, %lt3A_296 : i32
          %ne3A_298 = arith.xori %lt3A_295, %lt3A_297 : i1
          %and3A_299 = arith.andi %ne3A_298, %ne3A_293 : i1
          %add3A_300 = arith.addi %rem3A_291, %select_n3A_290 : i32
          %select_n3A_301 = arith.select %and3A_299, %add3A_300, %rem3A_291 : i32
          %sub3A_302 = arith.constant 1 : i32
          %sub3A_303 = arith.subi %scan3A_225, %sub3A_302 : i32
          %dma_wait3A_304 = arith.constant 0 : i32
          %dma_wait3A_305 = arith.constant 0 : i32
          %dma_wait3A_306 = tpu.memref_slice %run_scoped3A_32[%select_n3A_301, %dma_wait3A_304, %dma_wait3A_305] : memref<3x128x64xf32, #tpu.memory_space<vmem>> -> memref<1x128x64xf32, #tpu.memory_space<vmem>>
          %dma_wait3A_307 = tpu.memref_squeeze %dma_wait3A_306 : memref<1x128x64xf32, #tpu.memory_space<vmem>> -> memref<128x64xf32, #tpu.memory_space<vmem>>
          %dma_wait3A_308 = arith.constant 0 : i32
          %dma_wait3A_309 = tpu.memref_slice %run_scoped3A_31[%sub3A_303, %dma_wait3A_308] : memref<79x128xi32, #tpu.memory_space<vmem>> -> memref<1x128xi32, #tpu.memory_space<vmem>>
          %dma_wait3A_310 = tpu.memref_squeeze %dma_wait3A_309 : memref<1x128xi32, #tpu.memory_space<vmem>> -> memref<128xi32, #tpu.memory_space<vmem>>
          %dma_wait3A_311 = arith.constant 0 : i32
          %dma_wait3A_312 = arith.constant 0 : i32
          %dma_wait3A_313 = tpu.memref_slice %arg13[%dma_wait3A_311, %dma_wait3A_312] : memref<10240x64xf32, #tpu.memory_space<vmem_shared>> -> memref<10240x64xf32, #tpu.memory_space<vmem_shared>>
          tpu.wait_indirect_dma semaphore(%arg23 : memref<!tpu.dma_semaphore, #tpu.memory_space<semaphore_mem>>) src(%dma_wait3A_307 : memref<128x64xf32, #tpu.memory_space<vmem>>) dst(%dma_wait3A_313 : memref<10240x64xf32, #tpu.memory_space<vmem_shared>>)
        } else {
        }
        %add3A_278 = arith.constant 2 : i32
        %add3A_279 = arith.addi %scan3A_225, %add3A_278 : i32
        %lt3A_280 = arith.constant 79 : i32
        %lt3A_281 = arith.cmpi slt, %add3A_279, %lt3A_280 : i32
        %convert_element_type3A_282 = arith.extui %lt3A_281 : i1 to i32
        %cond3A_283 = arith.constant 0 : i32
        %cond3A_284 = arith.cmpi ne, %convert_element_type3A_282, %cond3A_283 : i32
        scf.if %cond3A_284 {
          %add3A_285 = arith.constant 2 : i32
          %add3A_286 = arith.addi %scan3A_225, %add3A_285 : i32
          %add3A_287 = arith.constant 2 : i32
          %add3A_288 = arith.addi %scan3A_225, %add3A_287 : i32
          %jit3A_289 = arith.constant 3 : i32
          %eq3A_290 = arith.constant 0 : i32
          %eq3A_291 = arith.cmpi eq, %jit3A_289, %eq3A_290 : i32
          %jit3A_292 = arith.constant 1 : i32
          %select_n3A_293 = arith.select %eq3A_291, %jit3A_292, %jit3A_289 : i32
          %rem3A_294 = arith.remsi %add3A_288, %select_n3A_293 : i32
          %ne3A_295 = arith.constant 0 : i32
          %ne3A_296 = arith.cmpi ne, %rem3A_294, %ne3A_295 : i32
          %lt3A_297 = arith.constant 0 : i32
          %lt3A_298 = arith.cmpi slt, %rem3A_294, %lt3A_297 : i32
          %lt3A_299 = arith.constant 0 : i32
          %lt3A_300 = arith.cmpi slt, %select_n3A_293, %lt3A_299 : i32
          %ne3A_301 = arith.xori %lt3A_298, %lt3A_300 : i1
          %and3A_302 = arith.andi %ne3A_301, %ne3A_296 : i1
          %add3A_303 = arith.addi %rem3A_294, %select_n3A_293 : i32
          %select_n3A_304 = arith.select %and3A_302, %add3A_303, %rem3A_294 : i32
          %dma_start3A_305 = arith.constant 0 : i32
          %dma_start3A_306 = arith.constant 0 : i32
          %dma_start3A_307 = tpu.memref_slice %run_scoped3A_32[%select_n3A_304, %dma_start3A_305, %dma_start3A_306] : memref<3x128x64xf32, #tpu.memory_space<vmem>> -> memref<1x128x64xf32, #tpu.memory_space<vmem>>
          %dma_start3A_308 = tpu.memref_squeeze %dma_start3A_307 : memref<1x128x64xf32, #tpu.memory_space<vmem>> -> memref<128x64xf32, #tpu.memory_space<vmem>>
          %dma_start3A_309 = arith.constant 0 : i32
          %dma_start3A_310 = tpu.memref_slice %run_scoped3A[%add3A_286, %dma_start3A_309] : memref<79x128xi32, #tpu.memory_space<vmem>> -> memref<1x128xi32, #tpu.memory_space<vmem>>
          %dma_start3A_311 = tpu.memref_squeeze %dma_start3A_310 : memref<1x128xi32, #tpu.memory_space<vmem>> -> memref<128xi32, #tpu.memory_space<vmem>>
          %dma_start3A_312 = arith.constant 0 : i32
          %dma_start3A_313 = arith.constant 0 : i32
          %dma_start3A_314 = tpu.memref_slice %arg10[%dma_start3A_312, %dma_start3A_313] : memref<40960x64xf32, #tpu.memory_space<hbm>> -> memref<40960x64xf32, #tpu.memory_space<hbm>>
          tpu.enqueue_indirect_dma source(%dma_start3A_314 : memref<40960x64xf32, #tpu.memory_space<hbm>>) target(%dma_start3A_308 : memref<128x64xf32, #tpu.memory_space<vmem>>) offsets(%dma_start3A_311 : memref<128xi32, #tpu.memory_space<vmem>>) semaphore(%arg22 : memref<!tpu.dma_semaphore, #tpu.memory_space<semaphore_mem>>)
        } else {
        }
      }
      %scan3A_124 = arith.constant 79 : i32
      %dma_wait3A = arith.constant 0 : i32
      %dma_wait3A_125 = arith.constant 78 : i32
      %dma_wait3A_126 = arith.constant 0 : i32
      %dma_wait3A_127 = arith.constant 0 : i32
      %dma_wait3A_128 = tpu.memref_slice %run_scoped3A_32[%dma_wait3A, %dma_wait3A_126, %dma_wait3A_127] : memref<3x128x64xf32, #tpu.memory_space<vmem>> -> memref<1x128x64xf32, #tpu.memory_space<vmem>>
      %dma_wait3A_129 = tpu.memref_squeeze %dma_wait3A_128 : memref<1x128x64xf32, #tpu.memory_space<vmem>> -> memref<128x64xf32, #tpu.memory_space<vmem>>
      %dma_wait3A_130 = arith.constant 0 : i32
      %dma_wait3A_131 = tpu.memref_slice %run_scoped3A_31[%dma_wait3A_125, %dma_wait3A_130] : memref<79x128xi32, #tpu.memory_space<vmem>> -> memref<1x128xi32, #tpu.memory_space<vmem>>
      %dma_wait3A_132 = tpu.memref_squeeze %dma_wait3A_131 : memref<1x128xi32, #tpu.memory_space<vmem>> -> memref<128xi32, #tpu.memory_space<vmem>>
      %dma_wait3A_133 = arith.constant 0 : i32
      %dma_wait3A_134 = arith.constant 0 : i32
      %dma_wait3A_135 = tpu.memref_slice %arg13[%dma_wait3A_133, %dma_wait3A_134] : memref<10240x64xf32, #tpu.memory_space<vmem_shared>> -> memref<10240x64xf32, #tpu.memory_space<vmem_shared>>
      tpu.wait_indirect_dma semaphore(%arg23 : memref<!tpu.dma_semaphore, #tpu.memory_space<semaphore_mem>>) src(%dma_wait3A_129 : memref<128x64xf32, #tpu.memory_space<vmem>>) dst(%dma_wait3A_135 : memref<10240x64xf32, #tpu.memory_space<vmem_shared>>)
      %barrier3A_136 = arith.constant 0 : index
      tpu.barrier barrier_id(%barrier3A_136)
      %scan3A_137 = arith.constant 0 : i32
      %scan3A_138 = arith.constant 0 : i32
      %scan3A_139 = arith.constant 5 : i32
      %scan3A_140 = arith.addi %scan3A_138, %scan3A_139 : i32
      %scan3A_141 = arith.constant 1 : i32
      scf.for %scan3A_225 = %scan3A_138 to %scan3A_140 step %scan3A_141  : i32 {
        %mul3A_226 = arith.constant 128 : i32
        %mul3A_227 = arith.muli %scan3A_225, %mul3A_226 : i32
        %add3A_228 = arith.addi %mul3A_0, %mul3A_227 : i32
        "tpu.region"() ({
          %run_scoped3A_238 = tpu.sem_alloc : memref<!tpu.dma_semaphore, #tpu.memory_space<semaphore_mem>>
          %dma_start3A_239 = arith.constant 0 : i32
          %dma_start3A_240 = tpu.memref_slice %arg13[%add3A_228, %dma_start3A_239] : memref<10240x64xf32, #tpu.memory_space<vmem_shared>> -> memref<128x64xf32, #tpu.memory_space<vmem_shared>>
          %dma_start3A_241 = arith.constant 0 : i32
          %dma_start3A_242 = tpu.memref_slice %arg13[%add3A_228, %dma_start3A_241] : memref<10240x64xf32, #tpu.memory_space<vmem_shared>> -> memref<128x64xf32, #tpu.memory_space<vmem_shared>>
          tpu.enqueue_dma source(%dma_start3A_242 : memref<128x64xf32, #tpu.memory_space<vmem_shared>>) target(%run_scoped3A_33 : memref<128x64xf32, #tpu.memory_space<vmem>>) target_semaphore(%run_scoped3A_238 : memref<!tpu.dma_semaphore, #tpu.memory_space<semaphore_mem>>)
          %dma_wait3A_243 = arith.constant 0 : i32
          %dma_wait3A_244 = tpu.memref_slice %arg13[%add3A_228, %dma_wait3A_243] : memref<10240x64xf32, #tpu.memory_space<vmem_shared>> -> memref<128x64xf32, #tpu.memory_space<vmem_shared>>
          %dma_wait3A_245 = arith.constant 0 : i32
          %dma_wait3A_246 = tpu.memref_slice %arg13[%add3A_228, %dma_wait3A_245] : memref<10240x64xf32, #tpu.memory_space<vmem_shared>> -> memref<128x64xf32, #tpu.memory_space<vmem_shared>>
          tpu.wait_dma2 semaphore(%run_scoped3A_238 : memref<!tpu.dma_semaphore, #tpu.memory_space<semaphore_mem>>) src(%dma_wait3A_246 : memref<128x64xf32, #tpu.memory_space<vmem_shared>>) dst(%run_scoped3A_33 : memref<128x64xf32, #tpu.memory_space<vmem>>)
          tpu.yield
        }) : () -> ()
        %scan3A_229 = arith.constant 0 : i32
        %scan3A_230 = arith.constant 0 : i32
        %scan3A_231 = arith.constant 128 : i32
        %scan3A_232 = arith.addi %scan3A_230, %scan3A_231 : i32
        %scan3A_233 = arith.constant 1 : i32
        scf.for %scan3A_238 = %scan3A_230 to %scan3A_232 step %scan3A_233  : i32 {
          %mul3A_239 = arith.constant 128 : i32
          %mul3A_240 = arith.muli %scan3A_225, %mul3A_239 : i32
          %add3A_241 = arith.addi %mul3A_240, %scan3A_238 : i32
          %broadcast_in_dim3A_242 = vector.broadcast %add3A_241 : i32 to vector<16xi32>
          %gather3A = tpu.vector_load_idx %arg15[%broadcast_in_dim3A_242] : memref<640xf32, #tpu.memory_space<vmem>>[vector<16xi32>], vector<16xf32>,
          %broadcast_in_dim3A_243 = arith.constant 0.000000e+00 : f32
          %broadcast_in_dim3A_244 = vector.broadcast %broadcast_in_dim3A_243 : f32 to vector<16xf32>
          %get3A_245 = arith.index_cast %scan3A_238 : i32 to index
          %get3A_246 = arith.constant 0 : index
          %get3A_247 = tpu.vector_load %run_scoped3A_33[%get3A_245, %get3A_246] {strides = array<i32>} : memref<128x64xf32, #tpu.memory_space<vmem>>, vector<16xf32>,
          %mul3A_248 = arith.mulf %get3A_247, %gather3A : vector<16xf32>
          %get3A_249 = arith.constant 0 : index
          %get3A_250 = tpu.vector_load %arg17[%get3A_249] {strides = array<i32>} : memref<128xf32, #tpu.memory_space<vmem>>, vector<16xf32>,
          %add3A_251 = arith.addf %mul3A_248, %get3A_250 : vector<16xf32>
          %swap3A = arith.index_cast %scan3A_238 : i32 to index
          %swap3A_252 = arith.constant 0 : index
          %swap3A_253 = tpu.vector_load %run_scoped3A_33[%swap3A, %swap3A_252] {strides = array<i32>} : memref<128x64xf32, #tpu.memory_space<vmem>>, vector<16xf32>,
          tpu.vector_store %run_scoped3A_33[%swap3A, %swap3A_252], %add3A_251 {strides = array<i32>} : memref<128x64xf32, #tpu.memory_space<vmem>>, vector<16xf32>,
          %mul3A_254 = arith.mulf %add3A_251, %add3A_251 : vector<16xf32>
          %add3A_255 = arith.addf %broadcast_in_dim3A_244, %mul3A_254 : vector<16xf32>
          %get3A_256 = arith.index_cast %scan3A_238 : i32 to index
          %get3A_257 = arith.constant 16 : index
          %get3A_258 = tpu.vector_load %run_scoped3A_33[%get3A_256, %get3A_257] {strides = array<i32>} : memref<128x64xf32, #tpu.memory_space<vmem>>, vector<16xf32>,
          %mul3A_259 = arith.mulf %get3A_258, %gather3A : vector<16xf32>
          %get3A_260 = arith.constant 16 : index
          %get3A_261 = tpu.vector_load %arg17[%get3A_260] {strides = array<i32>} : memref<128xf32, #tpu.memory_space<vmem>>, vector<16xf32>,
          %add3A_262 = arith.addf %mul3A_259, %get3A_261 : vector<16xf32>
          %swap3A_263 = arith.index_cast %scan3A_238 : i32 to index
          %swap3A_264 = arith.constant 16 : index
          %swap3A_265 = tpu.vector_load %run_scoped3A_33[%swap3A_263, %swap3A_264] {strides = array<i32>} : memref<128x64xf32, #tpu.memory_space<vmem>>, vector<16xf32>,
          tpu.vector_store %run_scoped3A_33[%swap3A_263, %swap3A_264], %add3A_262 {strides = array<i32>} : memref<128x64xf32, #tpu.memory_space<vmem>>, vector<16xf32>,
          %mul3A_266 = arith.mulf %add3A_262, %add3A_262 : vector<16xf32>
          %add3A_267 = arith.addf %add3A_255, %mul3A_266 : vector<16xf32>
          %get3A_268 = arith.index_cast %scan3A_238 : i32 to index
          %get3A_269 = arith.constant 32 : index
          %get3A_270 = tpu.vector_load %run_scoped3A_33[%get3A_268, %get3A_269] {strides = array<i32>} : memref<128x64xf32, #tpu.memory_space<vmem>>, vector<16xf32>,
          %mul3A_271 = arith.mulf %get3A_270, %gather3A : vector<16xf32>
          %get3A_272 = arith.constant 32 : index
          %get3A_273 = tpu.vector_load %arg17[%get3A_272] {strides = array<i32>} : memref<128xf32, #tpu.memory_space<vmem>>, vector<16xf32>,
          %add3A_274 = arith.addf %mul3A_271, %get3A_273 : vector<16xf32>
          %swap3A_275 = arith.index_cast %scan3A_238 : i32 to index
          %swap3A_276 = arith.constant 32 : index
          %swap3A_277 = tpu.vector_load %run_scoped3A_33[%swap3A_275, %swap3A_276] {strides = array<i32>} : memref<128x64xf32, #tpu.memory_space<vmem>>, vector<16xf32>,
          tpu.vector_store %run_scoped3A_33[%swap3A_275, %swap3A_276], %add3A_274 {strides = array<i32>} : memref<128x64xf32, #tpu.memory_space<vmem>>, vector<16xf32>,
          %mul3A_278 = arith.mulf %add3A_274, %add3A_274 : vector<16xf32>
          %add3A_279 = arith.addf %add3A_267, %mul3A_278 : vector<16xf32>
          %get3A_280 = arith.index_cast %scan3A_238 : i32 to index
          %get3A_281 = arith.constant 48 : index
          %get3A_282 = tpu.vector_load %run_scoped3A_33[%get3A_280, %get3A_281] {strides = array<i32>} : memref<128x64xf32, #tpu.memory_space<vmem>>, vector<16xf32>,
          %mul3A_283 = arith.mulf %get3A_282, %gather3A : vector<16xf32>
          %get3A_284 = arith.constant 48 : index
          %get3A_285 = tpu.vector_load %arg17[%get3A_284] {strides = array<i32>} : memref<128xf32, #tpu.memory_space<vmem>>, vector<16xf32>,
          %add3A_286 = arith.addf %mul3A_283, %get3A_285 : vector<16xf32>
          %swap3A_287 = arith.index_cast %scan3A_238 : i32 to index
          %swap3A_288 = arith.constant 48 : index
          %swap3A_289 = tpu.vector_load %run_scoped3A_33[%swap3A_287, %swap3A_288] {strides = array<i32>} : memref<128x64xf32, #tpu.memory_space<vmem>>, vector<16xf32>,
          tpu.vector_store %run_scoped3A_33[%swap3A_287, %swap3A_288], %add3A_286 {strides = array<i32>} : memref<128x64xf32, #tpu.memory_space<vmem>>, vector<16xf32>,
          %mul3A_290 = arith.mulf %add3A_286, %add3A_286 : vector<16xf32>
          %add3A_291 = arith.addf %add3A_279, %mul3A_290 : vector<16xf32>
          %mul3A_292 = arith.constant 128 : i32
          %mul3A_293 = arith.muli %scan3A_225, %mul3A_292 : i32
          %add3A_294 = arith.addi %mul3A_293, %scan3A_238 : i32
          %broadcast_in_dim3A_295 = vector.broadcast %add3A_294 : i32 to vector<16xi32>
          %reduce_sum3A = arith.constant true
          %reduce_sum3A_296 = vector.broadcast %reduce_sum3A : i1 to vector<16xi1>
          %reduce_sum3A_297 = tpu.scan <sum>, %add3A_291 masked %reduce_sum3A_296 : vector<16xf32>, vector<16xi1> -> vector<16xf32>
          %reduce_sum3A_298 = vector.extract %reduce_sum3A_297[15] : f32 from vector<16xf32>
          %broadcast_in_dim3A_299 = vector.broadcast %reduce_sum3A_298 : f32 to vector<16xf32>
          tpu.vector_store_idx %arg19[%broadcast_in_dim3A_295], %broadcast_in_dim3A_299 masked %eq3A_2 {add = true} : memref<640xf32, #tpu.memory_space<vmem>>[vector<16xi32>], vector<16xf32>, vector<16xi1>
        }
        %scan3A_234 = arith.constant 128 : i32
        %mul3A_235 = arith.constant 10240 : i32
        %mul3A_236 = arith.muli %arg0, %mul3A_235 : i32
        %add3A_237 = arith.addi %mul3A_236, %add3A_228 : i32
        "tpu.region"() ({
          %run_scoped3A_238 = tpu.sem_alloc : memref<!tpu.dma_semaphore, #tpu.memory_space<semaphore_mem>>
          %dma_start3A_239 = arith.constant 0 : i32
          %dma_start3A_240 = tpu.memref_slice %arg11[%add3A_237, %dma_start3A_239] : memref<20496x128xf32, #tpu.memory_space<hbm>> -> memref<128x64xf32, #tpu.memory_space<hbm>>
          %dma_start3A_241 = arith.constant 0 : i32
          %dma_start3A_242 = tpu.memref_slice %arg11[%add3A_237, %dma_start3A_241] : memref<20496x128xf32, #tpu.memory_space<hbm>> -> memref<128x64xf32, #tpu.memory_space<hbm>>
          tpu.enqueue_dma source(%run_scoped3A_33 : memref<128x64xf32, #tpu.memory_space<vmem>>) target(%dma_start3A_242 : memref<128x64xf32, #tpu.memory_space<hbm>>) target_semaphore(%run_scoped3A_238 : memref<!tpu.dma_semaphore, #tpu.memory_space<semaphore_mem>>)
          %dma_wait3A_243 = arith.constant 0 : i32
          %dma_wait3A_244 = tpu.memref_slice %arg11[%add3A_237, %dma_wait3A_243] : memref<20496x128xf32, #tpu.memory_space<hbm>> -> memref<128x64xf32, #tpu.memory_space<hbm>>
          %dma_wait3A_245 = arith.constant 0 : i32
          %dma_wait3A_246 = tpu.memref_slice %arg11[%add3A_237, %dma_wait3A_245] : memref<20496x128xf32, #tpu.memory_space<hbm>> -> memref<128x64xf32, #tpu.memory_space<hbm>>
          tpu.wait_dma2 semaphore(%run_scoped3A_238 : memref<!tpu.dma_semaphore, #tpu.memory_space<semaphore_mem>>) src(%run_scoped3A_33 : memref<128x64xf32, #tpu.memory_space<vmem>>) dst(%dma_wait3A_246 : memref<128x64xf32, #tpu.memory_space<hbm>>)
          tpu.yield
        }) : () -> ()
      }
      %scan3A_142 = arith.constant 5 : i32
      %broadcast_in_dim3A_143 = arith.constant 10240 : i32
      %broadcast_in_dim3A_144 = vector.broadcast %broadcast_in_dim3A_143 : i32 to vector<16xi32>
      %scan3A_145 = arith.constant 0 : i32
      %scan3A_146 = arith.constant 0 : i32
      %scan3A_147 = arith.constant 632 : i32
      %scan3A_148 = arith.addi %scan3A_146, %scan3A_147 : i32
      %scan3A_149 = arith.constant 1 : i32
      scf.for %scan3A_225 = %scan3A_146 to %scan3A_148 step %scan3A_149  : i32 {
        %jit3A_226 = arith.constant 8 : i32
        %div3A = arith.divsi %scan3A_225, %jit3A_226 : i32
        %sign3A = arith.constant 0 : i32
        %sign3A_227 = arith.cmpi sgt, %scan3A_225, %sign3A : i32
        %sign3A_228 = arith.extui %sign3A_227 : i1 to i32
        %sign3A_229 = arith.constant 0 : i32
        %sign3A_230 = arith.cmpi slt, %scan3A_225, %sign3A_229 : i32
        %sign3A_231 = arith.extui %sign3A_230 : i1 to i32
        %sign3A_232 = arith.subi %sign3A_228, %sign3A_231 : i32
        %sign3A_233 = arith.constant 0 : i32
        %sign3A_234 = arith.cmpi sgt, %jit3A_226, %sign3A_233 : i32
        %sign3A_235 = arith.extui %sign3A_234 : i1 to i32
        %sign3A_236 = arith.constant 0 : i32
        %sign3A_237 = arith.cmpi slt, %jit3A_226, %sign3A_236 : i32
        %sign3A_238 = arith.extui %sign3A_237 : i1 to i32
        %sign3A_239 = arith.subi %sign3A_235, %sign3A_238 : i32
        %ne3A = arith.cmpi ne, %sign3A_232, %sign3A_239 : i32
        %rem3A = arith.remsi %scan3A_225, %jit3A_226 : i32
        %ne3A_240 = arith.constant 0 : i32
        %ne3A_241 = arith.cmpi ne, %rem3A, %ne3A_240 : i32
        %and3A = arith.andi %ne3A, %ne3A_241 : i1
        %sub3A = arith.constant 1 : i32
        %sub3A_242 = arith.subi %div3A, %sub3A : i32
        %select_n3A_243 = arith.select %and3A, %sub3A_242, %div3A : i32
        %jit3A_244 = arith.constant 8 : i32
        %eq3A_245 = arith.constant 0 : i32
        %eq3A_246 = arith.cmpi eq, %jit3A_244, %eq3A_245 : i32
        %jit3A_247 = arith.constant 1 : i32
        %select_n3A_248 = arith.select %eq3A_246, %jit3A_247, %jit3A_244 : i32
        %rem3A_249 = arith.remsi %scan3A_225, %select_n3A_248 : i32
        %ne3A_250 = arith.constant 0 : i32
        %ne3A_251 = arith.cmpi ne, %rem3A_249, %ne3A_250 : i32
        %lt3A = arith.constant 0 : i32
        %lt3A_252 = arith.cmpi slt, %rem3A_249, %lt3A : i32
        %lt3A_253 = arith.constant 0 : i32
        %lt3A_254 = arith.cmpi slt, %select_n3A_248, %lt3A_253 : i32
        %ne3A_255 = arith.xori %lt3A_252, %lt3A_254 : i1
        %and3A_256 = arith.andi %ne3A_255, %ne3A_251 : i1
        %add3A_257 = arith.addi %rem3A_249, %select_n3A_248 : i32
        %select_n3A_258 = arith.select %and3A_256, %add3A_257, %rem3A_249 : i32
        %mul3A_259 = arith.constant 16 : i32
        %mul3A_260 = arith.muli %select_n3A_258, %mul3A_259 : i32
        %get3A_261 = arith.index_cast %select_n3A_243 : i32 to index
        %get3A_262 = arith.index_cast %mul3A_260 : i32 to index
        %get3A_263 = tpu.vector_load %run_scoped3A[%get3A_261, %get3A_262] {strides = array<i32>} : memref<79x128xi32, #tpu.memory_space<vmem>>, vector<16xi32>,
        %add3A_264 = arith.addi %get3A_263, %broadcast_in_dim3A_144 : vector<16xi32>
        %mul3A_265 = arith.constant 16 : i32
        %mul3A_266 = arith.muli %select_n3A_258, %mul3A_265 : i32
        %swap3A = arith.index_cast %select_n3A_243 : i32 to index
        %swap3A_267 = arith.index_cast %mul3A_266 : i32 to index
        %swap3A_268 = tpu.vector_load %run_scoped3A[%swap3A, %swap3A_267] {strides = array<i32>} : memref<79x128xi32, #tpu.memory_space<vmem>>, vector<16xi32>,
        tpu.vector_store %run_scoped3A[%swap3A, %swap3A_267], %add3A_264 {strides = array<i32>} : memref<79x128xi32, #tpu.memory_space<vmem>>, vector<16xi32>,
      }
      %scan3A_150 = arith.constant 632 : i32
      %mul3A_151 = arith.constant 2 : i32
      %mul3A_152 = arith.muli %mul3A_151, %arg0 : i32
      %add3A_153 = arith.constant 1 : i32
      %add3A_154 = arith.addi %mul3A_152, %add3A_153 : i32
      %mul3A_155 = arith.constant 10240 : i32
      %mul3A_156 = arith.muli %add3A_154, %mul3A_155 : i32
      %add3A_157 = arith.addi %mul3A_156, %mul3A_0 : i32
      "tpu.region"() ({
        %run_scoped3A_225 = tpu.sem_alloc : memref<!tpu.dma_semaphore, #tpu.memory_space<semaphore_mem>>
        %dma_start3A_226 = arith.constant 0 : i32
        %dma_start3A_227 = tpu.memref_slice %arg13[%mul3A_0, %dma_start3A_226] : memref<10240x64xf32, #tpu.memory_space<vmem_shared>> -> memref<640x64xf32, #tpu.memory_space<vmem_shared>>
        %dma_start3A_228 = arith.constant 0 : i32
        %dma_start3A_229 = tpu.memref_slice %arg10[%add3A_157, %dma_start3A_228] : memref<40960x64xf32, #tpu.memory_space<hbm>> -> memref<640x64xf32, #tpu.memory_space<hbm>>
        tpu.enqueue_dma source(%dma_start3A_229 : memref<640x64xf32, #tpu.memory_space<hbm>>) target(%dma_start3A_227 : memref<640x64xf32, #tpu.memory_space<vmem_shared>>) target_semaphore(%run_scoped3A_225 : memref<!tpu.dma_semaphore, #tpu.memory_space<semaphore_mem>>)
        %dma_wait3A_230 = arith.constant 0 : i32
        %dma_wait3A_231 = tpu.memref_slice %arg13[%mul3A_0, %dma_wait3A_230] : memref<10240x64xf32, #tpu.memory_space<vmem_shared>> -> memref<640x64xf32, #tpu.memory_space<vmem_shared>>
        %dma_wait3A_232 = arith.constant 0 : i32
        %dma_wait3A_233 = tpu.memref_slice %arg10[%add3A_157, %dma_wait3A_232] : memref<40960x64xf32, #tpu.memory_space<hbm>> -> memref<640x64xf32, #tpu.memory_space<hbm>>
        tpu.wait_dma2 semaphore(%run_scoped3A_225 : memref<!tpu.dma_semaphore, #tpu.memory_space<semaphore_mem>>) src(%dma_wait3A_233 : memref<640x64xf32, #tpu.memory_space<hbm>>) dst(%dma_wait3A_231 : memref<640x64xf32, #tpu.memory_space<vmem_shared>>)
        tpu.yield
      }) : () -> ()
      %barrier3A_158 = arith.constant 0 : index
      tpu.barrier barrier_id(%barrier3A_158)
      %dma_start3A_159 = arith.constant 0 : i32
      %dma_start3A_160 = arith.constant 0 : i32
      %dma_start3A_161 = arith.constant 0 : i32
      %dma_start3A_162 = arith.constant 0 : i32
      %dma_start3A_163 = tpu.memref_slice %run_scoped3A_32[%dma_start3A_160, %dma_start3A_161, %dma_start3A_162] : memref<3x128x64xf32, #tpu.memory_space<vmem>> -> memref<1x128x64xf32, #tpu.memory_space<vmem>>
      %dma_start3A_164 = tpu.memref_squeeze %dma_start3A_163 : memref<1x128x64xf32, #tpu.memory_space<vmem>> -> memref<128x64xf32, #tpu.memory_space<vmem>>
      %dma_start3A_165 = arith.constant 0 : i32
      %dma_start3A_166 = tpu.memref_slice %run_scoped3A[%dma_start3A_159, %dma_start3A_165] : memref<79x128xi32, #tpu.memory_space<vmem>> -> memref<1x128xi32, #tpu.memory_space<vmem>>
      %dma_start3A_167 = tpu.memref_squeeze %dma_start3A_166 : memref<1x128xi32, #tpu.memory_space<vmem>> -> memref<128xi32, #tpu.memory_space<vmem>>
      %dma_start3A_168 = arith.constant 0 : i32
      %dma_start3A_169 = arith.constant 0 : i32
      %dma_start3A_170 = tpu.memref_slice %arg10[%dma_start3A_168, %dma_start3A_169] : memref<40960x64xf32, #tpu.memory_space<hbm>> -> memref<40960x64xf32, #tpu.memory_space<hbm>>
      tpu.enqueue_indirect_dma source(%dma_start3A_170 : memref<40960x64xf32, #tpu.memory_space<hbm>>) target(%dma_start3A_164 : memref<128x64xf32, #tpu.memory_space<vmem>>) offsets(%dma_start3A_167 : memref<128xi32, #tpu.memory_space<vmem>>) semaphore(%arg22 : memref<!tpu.dma_semaphore, #tpu.memory_space<semaphore_mem>>)
      %dma_start3A_171 = arith.constant 1 : i32
      %dma_start3A_172 = arith.constant 1 : i32
      %dma_start3A_173 = arith.constant 0 : i32
      %dma_start3A_174 = arith.constant 0 : i32
      %dma_start3A_175 = tpu.memref_slice %run_scoped3A_32[%dma_start3A_172, %dma_start3A_173, %dma_start3A_174] : memref<3x128x64xf32, #tpu.memory_space<vmem>> -> memref<1x128x64xf32, #tpu.memory_space<vmem>>
      %dma_start3A_176 = tpu.memref_squeeze %dma_start3A_175 : memref<1x128x64xf32, #tpu.memory_space<vmem>> -> memref<128x64xf32, #tpu.memory_space<vmem>>
      %dma_start3A_177 = arith.constant 0 : i32
      %dma_start3A_178 = tpu.memref_slice %run_scoped3A[%dma_start3A_171, %dma_start3A_177] : memref<79x128xi32, #tpu.memory_space<vmem>> -> memref<1x128xi32, #tpu.memory_space<vmem>>
      %dma_start3A_179 = tpu.memref_squeeze %dma_start3A_178 : memref<1x128xi32, #tpu.memory_space<vmem>> -> memref<128xi32, #tpu.memory_space<vmem>>
      %dma_start3A_180 = arith.constant 0 : i32
      %dma_start3A_181 = arith.constant 0 : i32
      %dma_start3A_182 = tpu.memref_slice %arg10[%dma_start3A_180, %dma_start3A_181] : memref<40960x64xf32, #tpu.memory_space<hbm>> -> memref<40960x64xf32, #tpu.memory_space<hbm>>
      tpu.enqueue_indirect_dma source(%dma_start3A_182 : memref<40960x64xf32, #tpu.memory_space<hbm>>) target(%dma_start3A_176 : memref<128x64xf32, #tpu.memory_space<vmem>>) offsets(%dma_start3A_179 : memref<128xi32, #tpu.memory_space<vmem>>) semaphore(%arg22 : memref<!tpu.dma_semaphore, #tpu.memory_space<semaphore_mem>>)
      %scan3A_183 = arith.constant 0 : i32
      %scan3A_184 = arith.constant 0 : i32
      %scan3A_185 = arith.constant 79 : i32
      %scan3A_186 = arith.addi %scan3A_184, %scan3A_185 : i32
      %scan3A_187 = arith.constant 1 : i32
      scf.for %scan3A_225 = %scan3A_184 to %scan3A_186 step %scan3A_187  : i32 {
        %jit3A_226 = arith.constant 3 : i32
        %eq3A_227 = arith.constant 0 : i32
        %eq3A_228 = arith.cmpi eq, %jit3A_226, %eq3A_227 : i32
        %jit3A_229 = arith.constant 1 : i32
        %select_n3A_230 = arith.select %eq3A_228, %jit3A_229, %jit3A_226 : i32
        %rem3A = arith.remsi %scan3A_225, %select_n3A_230 : i32
        %ne3A = arith.constant 0 : i32
        %ne3A_231 = arith.cmpi ne, %rem3A, %ne3A : i32
        %lt3A = arith.constant 0 : i32
        %lt3A_232 = arith.cmpi slt, %rem3A, %lt3A : i32
        %lt3A_233 = arith.constant 0 : i32
        %lt3A_234 = arith.cmpi slt, %select_n3A_230, %lt3A_233 : i32
        %ne3A_235 = arith.xori %lt3A_232, %lt3A_234 : i1
        %and3A = arith.andi %ne3A_235, %ne3A_231 : i1
        %add3A_236 = arith.addi %rem3A, %select_n3A_230 : i32
        %select_n3A_237 = arith.select %and3A, %add3A_236, %rem3A : i32
        %dma_wait3A_238 = arith.constant 0 : i32
        %dma_wait3A_239 = arith.constant 0 : i32
        %dma_wait3A_240 = tpu.memref_slice %run_scoped3A_32[%select_n3A_237, %dma_wait3A_238, %dma_wait3A_239] : memref<3x128x64xf32, #tpu.memory_space<vmem>> -> memref<1x128x64xf32, #tpu.memory_space<vmem>>
        %dma_wait3A_241 = tpu.memref_squeeze %dma_wait3A_240 : memref<1x128x64xf32, #tpu.memory_space<vmem>> -> memref<128x64xf32, #tpu.memory_space<vmem>>
        %dma_wait3A_242 = arith.constant 0 : i32
        %dma_wait3A_243 = tpu.memref_slice %run_scoped3A[%scan3A_225, %dma_wait3A_242] : memref<79x128xi32, #tpu.memory_space<vmem>> -> memref<1x128xi32, #tpu.memory_space<vmem>>
        %dma_wait3A_244 = tpu.memref_squeeze %dma_wait3A_243 : memref<1x128xi32, #tpu.memory_space<vmem>> -> memref<128xi32, #tpu.memory_space<vmem>>
        %dma_wait3A_245 = arith.constant 0 : i32
        %dma_wait3A_246 = arith.constant 0 : i32
        %dma_wait3A_247 = tpu.memref_slice %arg10[%dma_wait3A_245, %dma_wait3A_246] : memref<40960x64xf32, #tpu.memory_space<hbm>> -> memref<40960x64xf32, #tpu.memory_space<hbm>>
        tpu.wait_indirect_dma semaphore(%arg22 : memref<!tpu.dma_semaphore, #tpu.memory_space<semaphore_mem>>) src(%dma_wait3A_247 : memref<40960x64xf32, #tpu.memory_space<hbm>>) dst(%dma_wait3A_241 : memref<128x64xf32, #tpu.memory_space<vmem>>)
        %jit3A_248 = arith.constant 3 : i32
        %eq3A_249 = arith.constant 0 : i32
        %eq3A_250 = arith.cmpi eq, %jit3A_248, %eq3A_249 : i32
        %jit3A_251 = arith.constant 1 : i32
        %select_n3A_252 = arith.select %eq3A_250, %jit3A_251, %jit3A_248 : i32
        %rem3A_253 = arith.remsi %scan3A_225, %select_n3A_252 : i32
        %ne3A_254 = arith.constant 0 : i32
        %ne3A_255 = arith.cmpi ne, %rem3A_253, %ne3A_254 : i32
        %lt3A_256 = arith.constant 0 : i32
        %lt3A_257 = arith.cmpi slt, %rem3A_253, %lt3A_256 : i32
        %lt3A_258 = arith.constant 0 : i32
        %lt3A_259 = arith.cmpi slt, %select_n3A_252, %lt3A_258 : i32
        %ne3A_260 = arith.xori %lt3A_257, %lt3A_259 : i1
        %and3A_261 = arith.andi %ne3A_260, %ne3A_255 : i1
        %add3A_262 = arith.addi %rem3A_253, %select_n3A_252 : i32
        %select_n3A_263 = arith.select %and3A_261, %add3A_262, %rem3A_253 : i32
        %dma_start3A_264 = arith.constant 0 : i32
        %dma_start3A_265 = arith.constant 0 : i32
        %dma_start3A_266 = tpu.memref_slice %run_scoped3A_32[%select_n3A_263, %dma_start3A_264, %dma_start3A_265] : memref<3x128x64xf32, #tpu.memory_space<vmem>> -> memref<1x128x64xf32, #tpu.memory_space<vmem>>
        %dma_start3A_267 = tpu.memref_squeeze %dma_start3A_266 : memref<1x128x64xf32, #tpu.memory_space<vmem>> -> memref<128x64xf32, #tpu.memory_space<vmem>>
        %dma_start3A_268 = arith.constant 0 : i32
        %dma_start3A_269 = tpu.memref_slice %run_scoped3A_31[%scan3A_225, %dma_start3A_268] : memref<79x128xi32, #tpu.memory_space<vmem>> -> memref<1x128xi32, #tpu.memory_space<vmem>>
        %dma_start3A_270 = tpu.memref_squeeze %dma_start3A_269 : memref<1x128xi32, #tpu.memory_space<vmem>> -> memref<128xi32, #tpu.memory_space<vmem>>
        %dma_start3A_271 = arith.constant 0 : i32
        %dma_start3A_272 = arith.constant 0 : i32
        %dma_start3A_273 = tpu.memref_slice %arg13[%dma_start3A_271, %dma_start3A_272] : memref<10240x64xf32, #tpu.memory_space<vmem_shared>> -> memref<10240x64xf32, #tpu.memory_space<vmem_shared>>
        tpu.enqueue_indirect_dma source(%dma_start3A_267 : memref<128x64xf32, #tpu.memory_space<vmem>>) target(%dma_start3A_273 : memref<10240x64xf32, #tpu.memory_space<vmem_shared>>) offsets(%dma_start3A_270 : memref<128xi32, #tpu.memory_space<vmem>>) semaphore(%arg23 : memref<!tpu.dma_semaphore, #tpu.memory_space<semaphore_mem>>) {add = true}
        %ge3A = arith.constant 1 : i32
        %ge3A_274 = arith.cmpi sge, %scan3A_225, %ge3A : i32
        %convert_element_type3A_275 = arith.extui %ge3A_274 : i1 to i32
        %cond3A_276 = arith.constant 0 : i32
        %cond3A_277 = arith.cmpi ne, %convert_element_type3A_275, %cond3A_276 : i32
        scf.if %cond3A_277 {
          %sub3A = arith.constant 1 : i32
          %sub3A_285 = arith.subi %scan3A_225, %sub3A : i32
          %jit3A_286 = arith.constant 3 : i32
          %eq3A_287 = arith.constant 0 : i32
          %eq3A_288 = arith.cmpi eq, %jit3A_286, %eq3A_287 : i32
          %jit3A_289 = arith.constant 1 : i32
          %select_n3A_290 = arith.select %eq3A_288, %jit3A_289, %jit3A_286 : i32
          %rem3A_291 = arith.remsi %sub3A_285, %select_n3A_290 : i32
          %ne3A_292 = arith.constant 0 : i32
          %ne3A_293 = arith.cmpi ne, %rem3A_291, %ne3A_292 : i32
          %lt3A_294 = arith.constant 0 : i32
          %lt3A_295 = arith.cmpi slt, %rem3A_291, %lt3A_294 : i32
          %lt3A_296 = arith.constant 0 : i32
          %lt3A_297 = arith.cmpi slt, %select_n3A_290, %lt3A_296 : i32
          %ne3A_298 = arith.xori %lt3A_295, %lt3A_297 : i1
          %and3A_299 = arith.andi %ne3A_298, %ne3A_293 : i1
          %add3A_300 = arith.addi %rem3A_291, %select_n3A_290 : i32
          %select_n3A_301 = arith.select %and3A_299, %add3A_300, %rem3A_291 : i32
          %sub3A_302 = arith.constant 1 : i32
          %sub3A_303 = arith.subi %scan3A_225, %sub3A_302 : i32
          %dma_wait3A_304 = arith.constant 0 : i32
          %dma_wait3A_305 = arith.constant 0 : i32
          %dma_wait3A_306 = tpu.memref_slice %run_scoped3A_32[%select_n3A_301, %dma_wait3A_304, %dma_wait3A_305] : memref<3x128x64xf32, #tpu.memory_space<vmem>> -> memref<1x128x64xf32, #tpu.memory_space<vmem>>
          %dma_wait3A_307 = tpu.memref_squeeze %dma_wait3A_306 : memref<1x128x64xf32, #tpu.memory_space<vmem>> -> memref<128x64xf32, #tpu.memory_space<vmem>>
          %dma_wait3A_308 = arith.constant 0 : i32
          %dma_wait3A_309 = tpu.memref_slice %run_scoped3A_31[%sub3A_303, %dma_wait3A_308] : memref<79x128xi32, #tpu.memory_space<vmem>> -> memref<1x128xi32, #tpu.memory_space<vmem>>
          %dma_wait3A_310 = tpu.memref_squeeze %dma_wait3A_309 : memref<1x128xi32, #tpu.memory_space<vmem>> -> memref<128xi32, #tpu.memory_space<vmem>>
          %dma_wait3A_311 = arith.constant 0 : i32
          %dma_wait3A_312 = arith.constant 0 : i32
          %dma_wait3A_313 = tpu.memref_slice %arg13[%dma_wait3A_311, %dma_wait3A_312] : memref<10240x64xf32, #tpu.memory_space<vmem_shared>> -> memref<10240x64xf32, #tpu.memory_space<vmem_shared>>
          tpu.wait_indirect_dma semaphore(%arg23 : memref<!tpu.dma_semaphore, #tpu.memory_space<semaphore_mem>>) src(%dma_wait3A_307 : memref<128x64xf32, #tpu.memory_space<vmem>>) dst(%dma_wait3A_313 : memref<10240x64xf32, #tpu.memory_space<vmem_shared>>)
        } else {
        }
        %add3A_278 = arith.constant 2 : i32
        %add3A_279 = arith.addi %scan3A_225, %add3A_278 : i32
        %lt3A_280 = arith.constant 79 : i32
        %lt3A_281 = arith.cmpi slt, %add3A_279, %lt3A_280 : i32
        %convert_element_type3A_282 = arith.extui %lt3A_281 : i1 to i32
        %cond3A_283 = arith.constant 0 : i32
        %cond3A_284 = arith.cmpi ne, %convert_element_type3A_282, %cond3A_283 : i32
        scf.if %cond3A_284 {
          %add3A_285 = arith.constant 2 : i32
          %add3A_286 = arith.addi %scan3A_225, %add3A_285 : i32
          %add3A_287 = arith.constant 2 : i32
          %add3A_288 = arith.addi %scan3A_225, %add3A_287 : i32
          %jit3A_289 = arith.constant 3 : i32
          %eq3A_290 = arith.constant 0 : i32
          %eq3A_291 = arith.cmpi eq, %jit3A_289, %eq3A_290 : i32
          %jit3A_292 = arith.constant 1 : i32
          %select_n3A_293 = arith.select %eq3A_291, %jit3A_292, %jit3A_289 : i32
          %rem3A_294 = arith.remsi %add3A_288, %select_n3A_293 : i32
          %ne3A_295 = arith.constant 0 : i32
          %ne3A_296 = arith.cmpi ne, %rem3A_294, %ne3A_295 : i32
          %lt3A_297 = arith.constant 0 : i32
          %lt3A_298 = arith.cmpi slt, %rem3A_294, %lt3A_297 : i32
          %lt3A_299 = arith.constant 0 : i32
          %lt3A_300 = arith.cmpi slt, %select_n3A_293, %lt3A_299 : i32
          %ne3A_301 = arith.xori %lt3A_298, %lt3A_300 : i1
          %and3A_302 = arith.andi %ne3A_301, %ne3A_296 : i1
          %add3A_303 = arith.addi %rem3A_294, %select_n3A_293 : i32
          %select_n3A_304 = arith.select %and3A_302, %add3A_303, %rem3A_294 : i32
          %dma_start3A_305 = arith.constant 0 : i32
          %dma_start3A_306 = arith.constant 0 : i32
          %dma_start3A_307 = tpu.memref_slice %run_scoped3A_32[%select_n3A_304, %dma_start3A_305, %dma_start3A_306] : memref<3x128x64xf32, #tpu.memory_space<vmem>> -> memref<1x128x64xf32, #tpu.memory_space<vmem>>
          %dma_start3A_308 = tpu.memref_squeeze %dma_start3A_307 : memref<1x128x64xf32, #tpu.memory_space<vmem>> -> memref<128x64xf32, #tpu.memory_space<vmem>>
          %dma_start3A_309 = arith.constant 0 : i32
          %dma_start3A_310 = tpu.memref_slice %run_scoped3A[%add3A_286, %dma_start3A_309] : memref<79x128xi32, #tpu.memory_space<vmem>> -> memref<1x128xi32, #tpu.memory_space<vmem>>
          %dma_start3A_311 = tpu.memref_squeeze %dma_start3A_310 : memref<1x128xi32, #tpu.memory_space<vmem>> -> memref<128xi32, #tpu.memory_space<vmem>>
          %dma_start3A_312 = arith.constant 0 : i32
          %dma_start3A_313 = arith.constant 0 : i32
          %dma_start3A_314 = tpu.memref_slice %arg10[%dma_start3A_312, %dma_start3A_313] : memref<40960x64xf32, #tpu.memory_space<hbm>> -> memref<40960x64xf32, #tpu.memory_space<hbm>>
          tpu.enqueue_indirect_dma source(%dma_start3A_314 : memref<40960x64xf32, #tpu.memory_space<hbm>>) target(%dma_start3A_308 : memref<128x64xf32, #tpu.memory_space<vmem>>) offsets(%dma_start3A_311 : memref<128xi32, #tpu.memory_space<vmem>>) semaphore(%arg22 : memref<!tpu.dma_semaphore, #tpu.memory_space<semaphore_mem>>)
        } else {
        }
      }
      %scan3A_188 = arith.constant 79 : i32
      %dma_wait3A_189 = arith.constant 0 : i32
      %dma_wait3A_190 = arith.constant 78 : i32
      %dma_wait3A_191 = arith.constant 0 : i32
      %dma_wait3A_192 = arith.constant 0 : i32
      %dma_wait3A_193 = tpu.memref_slice %run_scoped3A_32[%dma_wait3A_189, %dma_wait3A_191, %dma_wait3A_192] : memref<3x128x64xf32, #tpu.memory_space<vmem>> -> memref<1x128x64xf32, #tpu.memory_space<vmem>>
      %dma_wait3A_194 = tpu.memref_squeeze %dma_wait3A_193 : memref<1x128x64xf32, #tpu.memory_space<vmem>> -> memref<128x64xf32, #tpu.memory_space<vmem>>
      %dma_wait3A_195 = arith.constant 0 : i32
      %dma_wait3A_196 = tpu.memref_slice %run_scoped3A_31[%dma_wait3A_190, %dma_wait3A_195] : memref<79x128xi32, #tpu.memory_space<vmem>> -> memref<1x128xi32, #tpu.memory_space<vmem>>
      %dma_wait3A_197 = tpu.memref_squeeze %dma_wait3A_196 : memref<1x128xi32, #tpu.memory_space<vmem>> -> memref<128xi32, #tpu.memory_space<vmem>>
      %dma_wait3A_198 = arith.constant 0 : i32
      %dma_wait3A_199 = arith.constant 0 : i32
      %dma_wait3A_200 = tpu.memref_slice %arg13[%dma_wait3A_198, %dma_wait3A_199] : memref<10240x64xf32, #tpu.memory_space<vmem_shared>> -> memref<10240x64xf32, #tpu.memory_space<vmem_shared>>
      tpu.wait_indirect_dma semaphore(%arg23 : memref<!tpu.dma_semaphore, #tpu.memory_space<semaphore_mem>>) src(%dma_wait3A_194 : memref<128x64xf32, #tpu.memory_space<vmem>>) dst(%dma_wait3A_200 : memref<10240x64xf32, #tpu.memory_space<vmem_shared>>)
      %barrier3A_201 = arith.constant 0 : index
      tpu.barrier barrier_id(%barrier3A_201)
      %scan3A_202 = arith.constant 0 : i32
      %scan3A_203 = arith.constant 0 : i32
      %scan3A_204 = arith.constant 5 : i32
      %scan3A_205 = arith.addi %scan3A_203, %scan3A_204 : i32
      %scan3A_206 = arith.constant 1 : i32
      scf.for %scan3A_225 = %scan3A_203 to %scan3A_205 step %scan3A_206  : i32 {
        %mul3A_226 = arith.constant 128 : i32
        %mul3A_227 = arith.muli %scan3A_225, %mul3A_226 : i32
        %add3A_228 = arith.addi %mul3A_0, %mul3A_227 : i32
        "tpu.region"() ({
          %run_scoped3A_238 = tpu.sem_alloc : memref<!tpu.dma_semaphore, #tpu.memory_space<semaphore_mem>>
          %dma_start3A_239 = arith.constant 0 : i32
          %dma_start3A_240 = tpu.memref_slice %arg13[%add3A_228, %dma_start3A_239] : memref<10240x64xf32, #tpu.memory_space<vmem_shared>> -> memref<128x64xf32, #tpu.memory_space<vmem_shared>>
          %dma_start3A_241 = arith.constant 0 : i32
          %dma_start3A_242 = tpu.memref_slice %arg13[%add3A_228, %dma_start3A_241] : memref<10240x64xf32, #tpu.memory_space<vmem_shared>> -> memref<128x64xf32, #tpu.memory_space<vmem_shared>>
          tpu.enqueue_dma source(%dma_start3A_242 : memref<128x64xf32, #tpu.memory_space<vmem_shared>>) target(%run_scoped3A_33 : memref<128x64xf32, #tpu.memory_space<vmem>>) target_semaphore(%run_scoped3A_238 : memref<!tpu.dma_semaphore, #tpu.memory_space<semaphore_mem>>)
          %dma_wait3A_243 = arith.constant 0 : i32
          %dma_wait3A_244 = tpu.memref_slice %arg13[%add3A_228, %dma_wait3A_243] : memref<10240x64xf32, #tpu.memory_space<vmem_shared>> -> memref<128x64xf32, #tpu.memory_space<vmem_shared>>
          %dma_wait3A_245 = arith.constant 0 : i32
          %dma_wait3A_246 = tpu.memref_slice %arg13[%add3A_228, %dma_wait3A_245] : memref<10240x64xf32, #tpu.memory_space<vmem_shared>> -> memref<128x64xf32, #tpu.memory_space<vmem_shared>>
          tpu.wait_dma2 semaphore(%run_scoped3A_238 : memref<!tpu.dma_semaphore, #tpu.memory_space<semaphore_mem>>) src(%dma_wait3A_246 : memref<128x64xf32, #tpu.memory_space<vmem_shared>>) dst(%run_scoped3A_33 : memref<128x64xf32, #tpu.memory_space<vmem>>)
          tpu.yield
        }) : () -> ()
        %scan3A_229 = arith.constant 0 : i32
        %scan3A_230 = arith.constant 0 : i32
        %scan3A_231 = arith.constant 128 : i32
        %scan3A_232 = arith.addi %scan3A_230, %scan3A_231 : i32
        %scan3A_233 = arith.constant 1 : i32
        scf.for %scan3A_238 = %scan3A_230 to %scan3A_232 step %scan3A_233  : i32 {
          %mul3A_239 = arith.constant 128 : i32
          %mul3A_240 = arith.muli %scan3A_225, %mul3A_239 : i32
          %add3A_241 = arith.addi %mul3A_240, %scan3A_238 : i32
          %broadcast_in_dim3A_242 = vector.broadcast %add3A_241 : i32 to vector<16xi32>
          %gather3A = tpu.vector_load_idx %arg15[%broadcast_in_dim3A_242] : memref<640xf32, #tpu.memory_space<vmem>>[vector<16xi32>], vector<16xf32>,
          %broadcast_in_dim3A_243 = arith.constant 0.000000e+00 : f32
          %broadcast_in_dim3A_244 = vector.broadcast %broadcast_in_dim3A_243 : f32 to vector<16xf32>
          %get3A_245 = arith.index_cast %scan3A_238 : i32 to index
          %get3A_246 = arith.constant 0 : index
          %get3A_247 = tpu.vector_load %run_scoped3A_33[%get3A_245, %get3A_246] {strides = array<i32>} : memref<128x64xf32, #tpu.memory_space<vmem>>, vector<16xf32>,
          %mul3A_248 = arith.mulf %get3A_247, %gather3A : vector<16xf32>
          %get3A_249 = arith.constant 64 : index
          %get3A_250 = tpu.vector_load %arg17[%get3A_249] {strides = array<i32>} : memref<128xf32, #tpu.memory_space<vmem>>, vector<16xf32>,
          %add3A_251 = arith.addf %mul3A_248, %get3A_250 : vector<16xf32>
          %swap3A = arith.index_cast %scan3A_238 : i32 to index
          %swap3A_252 = arith.constant 0 : index
          %swap3A_253 = tpu.vector_load %run_scoped3A_33[%swap3A, %swap3A_252] {strides = array<i32>} : memref<128x64xf32, #tpu.memory_space<vmem>>, vector<16xf32>,
          tpu.vector_store %run_scoped3A_33[%swap3A, %swap3A_252], %add3A_251 {strides = array<i32>} : memref<128x64xf32, #tpu.memory_space<vmem>>, vector<16xf32>,
          %mul3A_254 = arith.mulf %add3A_251, %add3A_251 : vector<16xf32>
          %add3A_255 = arith.addf %broadcast_in_dim3A_244, %mul3A_254 : vector<16xf32>
          %get3A_256 = arith.index_cast %scan3A_238 : i32 to index
          %get3A_257 = arith.constant 16 : index
          %get3A_258 = tpu.vector_load %run_scoped3A_33[%get3A_256, %get3A_257] {strides = array<i32>} : memref<128x64xf32, #tpu.memory_space<vmem>>, vector<16xf32>,
          %mul3A_259 = arith.mulf %get3A_258, %gather3A : vector<16xf32>
          %get3A_260 = arith.constant 80 : index
          %get3A_261 = tpu.vector_load %arg17[%get3A_260] {strides = array<i32>} : memref<128xf32, #tpu.memory_space<vmem>>, vector<16xf32>,
          %add3A_262 = arith.addf %mul3A_259, %get3A_261 : vector<16xf32>
          %swap3A_263 = arith.index_cast %scan3A_238 : i32 to index
          %swap3A_264 = arith.constant 16 : index
          %swap3A_265 = tpu.vector_load %run_scoped3A_33[%swap3A_263, %swap3A_264] {strides = array<i32>} : memref<128x64xf32, #tpu.memory_space<vmem>>, vector<16xf32>,
          tpu.vector_store %run_scoped3A_33[%swap3A_263, %swap3A_264], %add3A_262 {strides = array<i32>} : memref<128x64xf32, #tpu.memory_space<vmem>>, vector<16xf32>,
          %mul3A_266 = arith.mulf %add3A_262, %add3A_262 : vector<16xf32>
          %add3A_267 = arith.addf %add3A_255, %mul3A_266 : vector<16xf32>
          %get3A_268 = arith.index_cast %scan3A_238 : i32 to index
          %get3A_269 = arith.constant 32 : index
          %get3A_270 = tpu.vector_load %run_scoped3A_33[%get3A_268, %get3A_269] {strides = array<i32>} : memref<128x64xf32, #tpu.memory_space<vmem>>, vector<16xf32>,
          %mul3A_271 = arith.mulf %get3A_270, %gather3A : vector<16xf32>
          %get3A_272 = arith.constant 96 : index
          %get3A_273 = tpu.vector_load %arg17[%get3A_272] {strides = array<i32>} : memref<128xf32, #tpu.memory_space<vmem>>, vector<16xf32>,
          %add3A_274 = arith.addf %mul3A_271, %get3A_273 : vector<16xf32>
          %swap3A_275 = arith.index_cast %scan3A_238 : i32 to index
          %swap3A_276 = arith.constant 32 : index
          %swap3A_277 = tpu.vector_load %run_scoped3A_33[%swap3A_275, %swap3A_276] {strides = array<i32>} : memref<128x64xf32, #tpu.memory_space<vmem>>, vector<16xf32>,
          tpu.vector_store %run_scoped3A_33[%swap3A_275, %swap3A_276], %add3A_274 {strides = array<i32>} : memref<128x64xf32, #tpu.memory_space<vmem>>, vector<16xf32>,
          %mul3A_278 = arith.mulf %add3A_274, %add3A_274 : vector<16xf32>
          %add3A_279 = arith.addf %add3A_267, %mul3A_278 : vector<16xf32>
          %get3A_280 = arith.index_cast %scan3A_238 : i32 to index
          %get3A_281 = arith.constant 48 : index
          %get3A_282 = tpu.vector_load %run_scoped3A_33[%get3A_280, %get3A_281] {strides = array<i32>} : memref<128x64xf32, #tpu.memory_space<vmem>>, vector<16xf32>,
          %mul3A_283 = arith.mulf %get3A_282, %gather3A : vector<16xf32>
          %get3A_284 = arith.constant 112 : index
          %get3A_285 = tpu.vector_load %arg17[%get3A_284] {strides = array<i32>} : memref<128xf32, #tpu.memory_space<vmem>>, vector<16xf32>,
          %add3A_286 = arith.addf %mul3A_283, %get3A_285 : vector<16xf32>
          %swap3A_287 = arith.index_cast %scan3A_238 : i32 to index
          %swap3A_288 = arith.constant 48 : index
          %swap3A_289 = tpu.vector_load %run_scoped3A_33[%swap3A_287, %swap3A_288] {strides = array<i32>} : memref<128x64xf32, #tpu.memory_space<vmem>>, vector<16xf32>,
          tpu.vector_store %run_scoped3A_33[%swap3A_287, %swap3A_288], %add3A_286 {strides = array<i32>} : memref<128x64xf32, #tpu.memory_space<vmem>>, vector<16xf32>,
          %mul3A_290 = arith.mulf %add3A_286, %add3A_286 : vector<16xf32>
          %add3A_291 = arith.addf %add3A_279, %mul3A_290 : vector<16xf32>
          %mul3A_292 = arith.constant 128 : i32
          %mul3A_293 = arith.muli %scan3A_225, %mul3A_292 : i32
          %add3A_294 = arith.addi %mul3A_293, %scan3A_238 : i32
          %broadcast_in_dim3A_295 = vector.broadcast %add3A_294 : i32 to vector<16xi32>
          %reduce_sum3A = arith.constant true
          %reduce_sum3A_296 = vector.broadcast %reduce_sum3A : i1 to vector<16xi1>
          %reduce_sum3A_297 = tpu.scan <sum>, %add3A_291 masked %reduce_sum3A_296 : vector<16xf32>, vector<16xi1> -> vector<16xf32>
          %reduce_sum3A_298 = vector.extract %reduce_sum3A_297[15] : f32 from vector<16xf32>
          %broadcast_in_dim3A_299 = vector.broadcast %reduce_sum3A_298 : f32 to vector<16xf32>
          tpu.vector_store_idx %arg19[%broadcast_in_dim3A_295], %broadcast_in_dim3A_299 masked %eq3A_2 {add = true} : memref<640xf32, #tpu.memory_space<vmem>>[vector<16xi32>], vector<16xf32>, vector<16xi1>
        }
        %scan3A_234 = arith.constant 128 : i32
        %mul3A_235 = arith.constant 10240 : i32
        %mul3A_236 = arith.muli %arg0, %mul3A_235 : i32
        %add3A_237 = arith.addi %mul3A_236, %add3A_228 : i32
        "tpu.region"() ({
          %run_scoped3A_238 = tpu.sem_alloc : memref<!tpu.dma_semaphore, #tpu.memory_space<semaphore_mem>>
          %dma_start3A_239 = arith.constant 64 : i32
          %dma_start3A_240 = tpu.memref_slice %arg11[%add3A_237, %dma_start3A_239] : memref<20496x128xf32, #tpu.memory_space<hbm>> -> memref<128x64xf32, #tpu.memory_space<hbm>>
          %dma_start3A_241 = arith.constant 64 : i32
          %dma_start3A_242 = tpu.memref_slice %arg11[%add3A_237, %dma_start3A_241] : memref<20496x128xf32, #tpu.memory_space<hbm>> -> memref<128x64xf32, #tpu.memory_space<hbm>>
          tpu.enqueue_dma source(%run_scoped3A_33 : memref<128x64xf32, #tpu.memory_space<vmem>>) target(%dma_start3A_242 : memref<128x64xf32, #tpu.memory_space<hbm>>) target_semaphore(%run_scoped3A_238 : memref<!tpu.dma_semaphore, #tpu.memory_space<semaphore_mem>>)
          %dma_wait3A_243 = arith.constant 64 : i32
          %dma_wait3A_244 = tpu.memref_slice %arg11[%add3A_237, %dma_wait3A_243] : memref<20496x128xf32, #tpu.memory_space<hbm>> -> memref<128x64xf32, #tpu.memory_space<hbm>>
          %dma_wait3A_245 = arith.constant 64 : i32
          %dma_wait3A_246 = tpu.memref_slice %arg11[%add3A_237, %dma_wait3A_245] : memref<20496x128xf32, #tpu.memory_space<hbm>> -> memref<128x64xf32, #tpu.memory_space<hbm>>
          tpu.wait_dma2 semaphore(%run_scoped3A_238 : memref<!tpu.dma_semaphore, #tpu.memory_space<semaphore_mem>>) src(%run_scoped3A_33 : memref<128x64xf32, #tpu.memory_space<vmem>>) dst(%dma_wait3A_246 : memref<128x64xf32, #tpu.memory_space<hbm>>)
          tpu.yield
        }) : () -> ()
      }
      %scan3A_207 = arith.constant 5 : i32
      "tpu.region"() ({
        %run_scoped3A_225 = tpu.sem_alloc : memref<!tpu.dma_semaphore, #tpu.memory_space<semaphore_mem>>
        %dma_start3A_226 = tpu.memref_slice %arg7[%mul3A_0] : memref<10240xf32, #tpu.memory_space<hbm>> -> memref<640xf32, #tpu.memory_space<hbm>>
        %dma_start3A_227 = tpu.memref_slice %arg7[%mul3A_0] : memref<10240xf32, #tpu.memory_space<hbm>> -> memref<640xf32, #tpu.memory_space<hbm>>
        tpu.enqueue_dma source(%dma_start3A_227 : memref<640xf32, #tpu.memory_space<hbm>>) target(%arg20 : memref<640xf32, #tpu.memory_space<vmem>>) target_semaphore(%run_scoped3A_225 : memref<!tpu.dma_semaphore, #tpu.memory_space<semaphore_mem>>)
        %dma_wait3A_228 = tpu.memref_slice %arg7[%mul3A_0] : memref<10240xf32, #tpu.memory_space<hbm>> -> memref<640xf32, #tpu.memory_space<hbm>>
        %dma_wait3A_229 = tpu.memref_slice %arg7[%mul3A_0] : memref<10240xf32, #tpu.memory_space<hbm>> -> memref<640xf32, #tpu.memory_space<hbm>>
        tpu.wait_dma2 semaphore(%run_scoped3A_225 : memref<!tpu.dma_semaphore, #tpu.memory_space<semaphore_mem>>) src(%dma_wait3A_229 : memref<640xf32, #tpu.memory_space<hbm>>) dst(%arg20 : memref<640xf32, #tpu.memory_space<vmem>>)
        tpu.yield
      }) : () -> ()
      %eq3A_208 = arith.constant 0 : i32
      %eq3A_209 = arith.cmpi eq, %arg0, %eq3A_208 : i32
      %jit3A = arith.constant -2.000000e+00 : f32
      %jit3A_210 = arith.constant 0.000000e+00 : f32
      %select_n3A_211 = arith.select %eq3A_209, %jit3A, %jit3A_210 : f32
      %broadcast_in_dim3A_212 = vector.broadcast %select_n3A_211 : f32 to vector<16xf32>
      %scan3A_213 = arith.constant 0 : i32
      %scan3A_214 = arith.constant 0 : i32
      %scan3A_215 = arith.constant 40 : i32
      %scan3A_216 = arith.addi %scan3A_214, %scan3A_215 : i32
      %scan3A_217 = arith.constant 1 : i32
      scf.for %scan3A_225 = %scan3A_214 to %scan3A_216 step %scan3A_217  : i32 {
        %mul3A_226 = arith.constant 16 : i32
        %mul3A_227 = arith.muli %scan3A_225, %mul3A_226 : i32
        %get3A_228 = arith.index_cast %mul3A_227 : i32 to index
        %get3A_229 = tpu.vector_load %arg19[%get3A_228] {strides = array<i32>} : memref<640xf32, #tpu.memory_space<vmem>>, vector<16xf32>,
        %mul3A_230 = arith.constant 16 : i32
        %mul3A_231 = arith.muli %scan3A_225, %mul3A_230 : i32
        %get3A_232 = arith.index_cast %mul3A_231 : i32 to index
        %get3A_233 = tpu.vector_load %arg20[%get3A_232] {strides = array<i32>} : memref<640xf32, #tpu.memory_space<vmem>>, vector<16xf32>,
        %mul3A_234 = arith.mulf %broadcast_in_dim3A_212, %get3A_233 : vector<16xf32>
        %add3A_235 = arith.addf %get3A_229, %mul3A_234 : vector<16xf32>
        %mul3A_236 = arith.constant 16 : i32
        %mul3A_237 = arith.muli %scan3A_225, %mul3A_236 : i32
        %swap3A = arith.index_cast %mul3A_237 : i32 to index
        %swap3A_238 = tpu.vector_load %arg19[%swap3A] {strides = array<i32>} : memref<640xf32, #tpu.memory_space<vmem>>, vector<16xf32>,
        tpu.vector_store %arg19[%swap3A], %add3A_235 {strides = array<i32>} : memref<640xf32, #tpu.memory_space<vmem>>, vector<16xf32>,
      }
      %scan3A_218 = arith.constant 40 : i32
      %mul3A_219 = arith.constant 10240 : i32
      %mul3A_220 = arith.muli %arg0, %mul3A_219 : i32
      %add3A_221 = arith.addi %mul3A_220, %mul3A_0 : i32
      "tpu.region"() ({
        %run_scoped3A_225 = tpu.sem_alloc : memref<!tpu.dma_semaphore, #tpu.memory_space<semaphore_mem>>
        %dma_start3A_226 = tpu.memref_slice %arg12[%add3A_221] : memref<20496xf32, #tpu.memory_space<hbm>> -> memref<640xf32, #tpu.memory_space<hbm>>
        %dma_start3A_227 = tpu.memref_slice %arg12[%add3A_221] : memref<20496xf32, #tpu.memory_space<hbm>> -> memref<640xf32, #tpu.memory_space<hbm>>
        tpu.enqueue_dma source(%arg19 : memref<640xf32, #tpu.memory_space<vmem>>) target(%dma_start3A_227 : memref<640xf32, #tpu.memory_space<hbm>>) target_semaphore(%run_scoped3A_225 : memref<!tpu.dma_semaphore, #tpu.memory_space<semaphore_mem>>)
        %dma_wait3A_228 = tpu.memref_slice %arg12[%add3A_221] : memref<20496xf32, #tpu.memory_space<hbm>> -> memref<640xf32, #tpu.memory_space<hbm>>
        %dma_wait3A_229 = tpu.memref_slice %arg12[%add3A_221] : memref<20496xf32, #tpu.memory_space<hbm>> -> memref<640xf32, #tpu.memory_space<hbm>>
        tpu.wait_dma2 semaphore(%run_scoped3A_225 : memref<!tpu.dma_semaphore, #tpu.memory_space<semaphore_mem>>) src(%arg19 : memref<640xf32, #tpu.memory_space<vmem>>) dst(%dma_wait3A_229 : memref<640xf32, #tpu.memory_space<hbm>>)
        tpu.yield
      }) : () -> ()
      %eq3A_222 = arith.constant 15 : i32
      %eq3A_223 = arith.cmpi eq, %arg1, %eq3A_222 : i32
      %convert_element_type3A = arith.extui %eq3A_223 : i1 to i32
      %cond3A = arith.constant 0 : i32
      %cond3A_224 = arith.cmpi ne, %convert_element_type3A, %cond3A : i32
      scf.if %cond3A_224 {
        %broadcast_in_dim3A_225 = arith.constant 0.000000e+00 : f32
        %broadcast_in_dim3A_226 = vector.broadcast %broadcast_in_dim3A_225 : f32 to vector<16xf32>
        %scan3A_227 = arith.constant 0 : i32
        %scan3A_228 = arith.constant 0 : i32
        %scan3A_229 = arith.constant 16 : i32
        %scan3A_230 = arith.addi %scan3A_228, %scan3A_229 : i32
        %scan3A_231 = arith.constant 1 : i32
        scf.for %scan3A_234 = %scan3A_228 to %scan3A_230 step %scan3A_231  : i32 {
          %swap3A_235 = arith.index_cast %scan3A_234 : i32 to index
          %swap3A_236 = arith.constant 0 : index
          %swap3A_237 = tpu.vector_load %run_scoped3A_33[%swap3A_235, %swap3A_236] {strides = array<i32>} : memref<128x64xf32, #tpu.memory_space<vmem>>, vector<16xf32>,
          tpu.vector_store %run_scoped3A_33[%swap3A_235, %swap3A_236], %broadcast_in_dim3A_226 {strides = array<i32>} : memref<128x64xf32, #tpu.memory_space<vmem>>, vector<16xf32>,
          %swap3A_238 = arith.index_cast %scan3A_234 : i32 to index
          %swap3A_239 = arith.constant 16 : index
          %swap3A_240 = tpu.vector_load %run_scoped3A_33[%swap3A_238, %swap3A_239] {strides = array<i32>} : memref<128x64xf32, #tpu.memory_space<vmem>>, vector<16xf32>,
          tpu.vector_store %run_scoped3A_33[%swap3A_238, %swap3A_239], %broadcast_in_dim3A_226 {strides = array<i32>} : memref<128x64xf32, #tpu.memory_space<vmem>>, vector<16xf32>,
          %swap3A_241 = arith.index_cast %scan3A_234 : i32 to index
          %swap3A_242 = arith.constant 32 : index
          %swap3A_243 = tpu.vector_load %run_scoped3A_33[%swap3A_241, %swap3A_242] {strides = array<i32>} : memref<128x64xf32, #tpu.memory_space<vmem>>, vector<16xf32>,
          tpu.vector_store %run_scoped3A_33[%swap3A_241, %swap3A_242], %broadcast_in_dim3A_226 {strides = array<i32>} : memref<128x64xf32, #tpu.memory_space<vmem>>, vector<16xf32>,
          %swap3A_244 = arith.index_cast %scan3A_234 : i32 to index
          %swap3A_245 = arith.constant 48 : index
          %swap3A_246 = tpu.vector_load %run_scoped3A_33[%swap3A_244, %swap3A_245] {strides = array<i32>} : memref<128x64xf32, #tpu.memory_space<vmem>>, vector<16xf32>,
          tpu.vector_store %run_scoped3A_33[%swap3A_244, %swap3A_245], %broadcast_in_dim3A_226 {strides = array<i32>} : memref<128x64xf32, #tpu.memory_space<vmem>>, vector<16xf32>,
        }
        %scan3A_232 = arith.constant 16 : i32
        "tpu.region"() ({
          %run_scoped3A_234 = tpu.sem_alloc : memref<!tpu.dma_semaphore, #tpu.memory_space<semaphore_mem>>
          %dma_start3A_235 = arith.constant 0 : i32
          %dma_start3A_236 = arith.constant 0 : i32
          %dma_start3A_237 = tpu.memref_slice %run_scoped3A_33[%dma_start3A_235, %dma_start3A_236] : memref<128x64xf32, #tpu.memory_space<vmem>> -> memref<16x64xf32, #tpu.memory_space<vmem>>
          %dma_start3A_238 = arith.constant 20480 : i32
          %dma_start3A_239 = arith.constant 0 : i32
          %dma_start3A_240 = tpu.memref_slice %arg11[%dma_start3A_238, %dma_start3A_239] : memref<20496x128xf32, #tpu.memory_space<hbm>> -> memref<16x64xf32, #tpu.memory_space<hbm>>
          %dma_start3A_241 = arith.constant 20480 : i32
          %dma_start3A_242 = arith.constant 0 : i32
          %dma_start3A_243 = tpu.memref_slice %arg11[%dma_start3A_241, %dma_start3A_242] : memref<20496x128xf32, #tpu.memory_space<hbm>> -> memref<16x64xf32, #tpu.memory_space<hbm>>
          %dma_start3A_244 = arith.constant 0 : i32
          %dma_start3A_245 = arith.constant 0 : i32
          %dma_start3A_246 = tpu.memref_slice %run_scoped3A_33[%dma_start3A_244, %dma_start3A_245] : memref<128x64xf32, #tpu.memory_space<vmem>> -> memref<16x64xf32, #tpu.memory_space<vmem>>
          tpu.enqueue_dma source(%dma_start3A_246 : memref<16x64xf32, #tpu.memory_space<vmem>>) target(%dma_start3A_243 : memref<16x64xf32, #tpu.memory_space<hbm>>) target_semaphore(%run_scoped3A_234 : memref<!tpu.dma_semaphore, #tpu.memory_space<semaphore_mem>>)
          %dma_wait3A_247 = arith.constant 0 : i32
          %dma_wait3A_248 = arith.constant 0 : i32
          %dma_wait3A_249 = tpu.memref_slice %run_scoped3A_33[%dma_wait3A_247, %dma_wait3A_248] : memref<128x64xf32, #tpu.memory_space<vmem>> -> memref<16x64xf32, #tpu.memory_space<vmem>>
          %dma_wait3A_250 = arith.constant 20480 : i32
          %dma_wait3A_251 = arith.constant 0 : i32
          %dma_wait3A_252 = tpu.memref_slice %arg11[%dma_wait3A_250, %dma_wait3A_251] : memref<20496x128xf32, #tpu.memory_space<hbm>> -> memref<16x64xf32, #tpu.memory_space<hbm>>
          %dma_wait3A_253 = arith.constant 20480 : i32
          %dma_wait3A_254 = arith.constant 0 : i32
          %dma_wait3A_255 = tpu.memref_slice %arg11[%dma_wait3A_253, %dma_wait3A_254] : memref<20496x128xf32, #tpu.memory_space<hbm>> -> memref<16x64xf32, #tpu.memory_space<hbm>>
          %dma_wait3A_256 = arith.constant 0 : i32
          %dma_wait3A_257 = arith.constant 0 : i32
          %dma_wait3A_258 = tpu.memref_slice %run_scoped3A_33[%dma_wait3A_256, %dma_wait3A_257] : memref<128x64xf32, #tpu.memory_space<vmem>> -> memref<16x64xf32, #tpu.memory_space<vmem>>
          tpu.wait_dma2 semaphore(%run_scoped3A_234 : memref<!tpu.dma_semaphore, #tpu.memory_space<semaphore_mem>>) src(%dma_wait3A_258 : memref<16x64xf32, #tpu.memory_space<vmem>>) dst(%dma_wait3A_255 : memref<16x64xf32, #tpu.memory_space<hbm>>)
          tpu.yield
        }) : () -> ()
        "tpu.region"() ({
          %run_scoped3A_234 = tpu.sem_alloc : memref<!tpu.dma_semaphore, #tpu.memory_space<semaphore_mem>>
          %dma_start3A_235 = arith.constant 0 : i32
          %dma_start3A_236 = arith.constant 0 : i32
          %dma_start3A_237 = tpu.memref_slice %run_scoped3A_33[%dma_start3A_235, %dma_start3A_236] : memref<128x64xf32, #tpu.memory_space<vmem>> -> memref<16x64xf32, #tpu.memory_space<vmem>>
          %dma_start3A_238 = arith.constant 20480 : i32
          %dma_start3A_239 = arith.constant 64 : i32
          %dma_start3A_240 = tpu.memref_slice %arg11[%dma_start3A_238, %dma_start3A_239] : memref<20496x128xf32, #tpu.memory_space<hbm>> -> memref<16x64xf32, #tpu.memory_space<hbm>>
          %dma_start3A_241 = arith.constant 20480 : i32
          %dma_start3A_242 = arith.constant 64 : i32
          %dma_start3A_243 = tpu.memref_slice %arg11[%dma_start3A_241, %dma_start3A_242] : memref<20496x128xf32, #tpu.memory_space<hbm>> -> memref<16x64xf32, #tpu.memory_space<hbm>>
          %dma_start3A_244 = arith.constant 0 : i32
          %dma_start3A_245 = arith.constant 0 : i32
          %dma_start3A_246 = tpu.memref_slice %run_scoped3A_33[%dma_start3A_244, %dma_start3A_245] : memref<128x64xf32, #tpu.memory_space<vmem>> -> memref<16x64xf32, #tpu.memory_space<vmem>>
          tpu.enqueue_dma source(%dma_start3A_246 : memref<16x64xf32, #tpu.memory_space<vmem>>) target(%dma_start3A_243 : memref<16x64xf32, #tpu.memory_space<hbm>>) target_semaphore(%run_scoped3A_234 : memref<!tpu.dma_semaphore, #tpu.memory_space<semaphore_mem>>)
          %dma_wait3A_247 = arith.constant 0 : i32
          %dma_wait3A_248 = arith.constant 0 : i32
          %dma_wait3A_249 = tpu.memref_slice %run_scoped3A_33[%dma_wait3A_247, %dma_wait3A_248] : memref<128x64xf32, #tpu.memory_space<vmem>> -> memref<16x64xf32, #tpu.memory_space<vmem>>
          %dma_wait3A_250 = arith.constant 20480 : i32
          %dma_wait3A_251 = arith.constant 64 : i32
          %dma_wait3A_252 = tpu.memref_slice %arg11[%dma_wait3A_250, %dma_wait3A_251] : memref<20496x128xf32, #tpu.memory_space<hbm>> -> memref<16x64xf32, #tpu.memory_space<hbm>>
          %dma_wait3A_253 = arith.constant 20480 : i32
          %dma_wait3A_254 = arith.constant 64 : i32
          %dma_wait3A_255 = tpu.memref_slice %arg11[%dma_wait3A_253, %dma_wait3A_254] : memref<20496x128xf32, #tpu.memory_space<hbm>> -> memref<16x64xf32, #tpu.memory_space<hbm>>
          %dma_wait3A_256 = arith.constant 0 : i32
          %dma_wait3A_257 = arith.constant 0 : i32
          %dma_wait3A_258 = tpu.memref_slice %run_scoped3A_33[%dma_wait3A_256, %dma_wait3A_257] : memref<128x64xf32, #tpu.memory_space<vmem>> -> memref<16x64xf32, #tpu.memory_space<vmem>>
          tpu.wait_dma2 semaphore(%run_scoped3A_234 : memref<!tpu.dma_semaphore, #tpu.memory_space<semaphore_mem>>) src(%dma_wait3A_258 : memref<16x64xf32, #tpu.memory_space<vmem>>) dst(%dma_wait3A_255 : memref<16x64xf32, #tpu.memory_space<hbm>>)
          tpu.yield
        }) : () -> ()
        %swap3A = arith.constant 0 : index
        %swap3A_233 = tpu.vector_load %arg19[%swap3A] {strides = array<i32>} : memref<640xf32, #tpu.memory_space<vmem>>, vector<16xf32>,
        tpu.vector_store %arg19[%swap3A], %broadcast_in_dim3A_226 {strides = array<i32>} : memref<640xf32, #tpu.memory_space<vmem>>, vector<16xf32>,
        "tpu.region"() ({
          %run_scoped3A_234 = tpu.sem_alloc : memref<!tpu.dma_semaphore, #tpu.memory_space<semaphore_mem>>
          %dma_start3A_235 = arith.constant 0 : i32
          %dma_start3A_236 = tpu.memref_slice %arg19[%dma_start3A_235] : memref<640xf32, #tpu.memory_space<vmem>> -> memref<16xf32, #tpu.memory_space<vmem>>
          %dma_start3A_237 = arith.constant 20480 : i32
          %dma_start3A_238 = tpu.memref_slice %arg12[%dma_start3A_237] : memref<20496xf32, #tpu.memory_space<hbm>> -> memref<16xf32, #tpu.memory_space<hbm>>
          %dma_start3A_239 = arith.constant 20480 : i32
          %dma_start3A_240 = tpu.memref_slice %arg12[%dma_start3A_239] : memref<20496xf32, #tpu.memory_space<hbm>> -> memref<16xf32, #tpu.memory_space<hbm>>
          %dma_start3A_241 = arith.constant 0 : i32
          %dma_start3A_242 = tpu.memref_slice %arg19[%dma_start3A_241] : memref<640xf32, #tpu.memory_space<vmem>> -> memref<16xf32, #tpu.memory_space<vmem>>
          tpu.enqueue_dma source(%dma_start3A_242 : memref<16xf32, #tpu.memory_space<vmem>>) target(%dma_start3A_240 : memref<16xf32, #tpu.memory_space<hbm>>) target_semaphore(%run_scoped3A_234 : memref<!tpu.dma_semaphore, #tpu.memory_space<semaphore_mem>>)
          %dma_wait3A_243 = arith.constant 0 : i32
          %dma_wait3A_244 = tpu.memref_slice %arg19[%dma_wait3A_243] : memref<640xf32, #tpu.memory_space<vmem>> -> memref<16xf32, #tpu.memory_space<vmem>>
          %dma_wait3A_245 = arith.constant 20480 : i32
          %dma_wait3A_246 = tpu.memref_slice %arg12[%dma_wait3A_245] : memref<20496xf32, #tpu.memory_space<hbm>> -> memref<16xf32, #tpu.memory_space<hbm>>
          %dma_wait3A_247 = arith.constant 20480 : i32
          %dma_wait3A_248 = tpu.memref_slice %arg12[%dma_wait3A_247] : memref<20496xf32, #tpu.memory_space<hbm>> -> memref<16xf32, #tpu.memory_space<hbm>>
          %dma_wait3A_249 = arith.constant 0 : i32
          %dma_wait3A_250 = tpu.memref_slice %arg19[%dma_wait3A_249] : memref<640xf32, #tpu.memory_space<vmem>> -> memref<16xf32, #tpu.memory_space<vmem>>
          tpu.wait_dma2 semaphore(%run_scoped3A_234 : memref<!tpu.dma_semaphore, #tpu.memory_space<semaphore_mem>>) src(%dma_wait3A_250 : memref<16xf32, #tpu.memory_space<vmem>>) dst(%dma_wait3A_248 : memref<16xf32, #tpu.memory_space<hbm>>)
          tpu.yield
        }) : () -> ()
      } else {
      }
      tpu.yield
    }) : () -> ()
    %barrier3A = arith.constant 0 : index
    tpu.barrier barrier_id(%barrier3A)
    %mul3A_3 = arith.constant 256 : i32
    %mul3A_4 = arith.muli %arg1, %mul3A_3 : i32
    %mul3A_5 = arith.constant 10240 : i32
    %mul3A_6 = arith.muli %arg0, %mul3A_5 : i32
    %broadcast_in_dim3A = vector.broadcast %mul3A_6 : i32 to vector<16xi32>
    %broadcast_in_dim3A_7 = arith.constant 20480 : i32
    %broadcast_in_dim3A_8 = vector.broadcast %broadcast_in_dim3A_7 : i32 to vector<16xi32>
    %iota3A_9 = tpu.iota {dimensions = array<i32: 0>} : vector<16xi32>
    %add3A = arith.addi %broadcast_in_dim3A_8, %iota3A_9 : vector<16xi32>
    %eq3A_10 = arith.constant 0 : i32
    %eq3A_11 = arith.cmpi eq, %arg0, %eq3A_10 : i32
    %get3A = arith.constant 0 : index
    %get3A_12 = tpu.vector_load %arg18[%get3A] {strides = array<i32>} : memref<16xf32, #tpu.memory_space<vmem>>, vector<16xf32>,
    %broadcast_in_dim3A_13 = arith.constant 0.000000e+00 : f32
    %broadcast_in_dim3A_14 = vector.broadcast %broadcast_in_dim3A_13 : f32 to vector<16xf32>
    %select_n3A = arith.select %eq3A_11, %get3A_12, %broadcast_in_dim3A_14 : vector<16xf32>
    %broadcast_in_dim3A_15 = arith.constant 0.000000e+00 : f32
    %broadcast_in_dim3A_16 = vector.broadcast %broadcast_in_dim3A_15 : f32 to vector<16xf32>
    %broadcast_in_dim3A_17 = arith.constant 0.000000e+00 : f32
    %broadcast_in_dim3A_18 = vector.broadcast %broadcast_in_dim3A_17 : f32 to vector<16xf32>
    %broadcast_in_dim3A_19 = arith.constant 0.000000e+00 : f32
    %broadcast_in_dim3A_20 = vector.broadcast %broadcast_in_dim3A_19 : f32 to vector<16xf32>
    %broadcast_in_dim3A_21 = arith.constant 0.000000e+00 : f32
    %broadcast_in_dim3A_22 = vector.broadcast %broadcast_in_dim3A_21 : f32 to vector<16xf32>
    %broadcast_in_dim3A_23 = arith.constant 0.000000e+00 : f32
    %broadcast_in_dim3A_24 = vector.broadcast %broadcast_in_dim3A_23 : f32 to vector<16xf32>
    %broadcast_in_dim3A_25 = arith.constant 0.000000e+00 : f32
    %broadcast_in_dim3A_26 = vector.broadcast %broadcast_in_dim3A_25 : f32 to vector<16xf32>
    %broadcast_in_dim3A_27 = arith.constant 0.000000e+00 : f32
    %broadcast_in_dim3A_28 = vector.broadcast %broadcast_in_dim3A_27 : f32 to vector<16xf32>
    %broadcast_in_dim3A_29 = arith.constant 0.000000e+00 : f32
    %broadcast_in_dim3A_30 = vector.broadcast %broadcast_in_dim3A_29 : f32 to vector<16xf32>
    "tpu.region"() ({
      %run_scoped3A = memref.alloca() : memref<16x100xi32, #tpu.memory_space<vmem>>
      %run_scoped3A_31 = memref.alloca() : memref<8x112xi32, #tpu.memory_space<vmem>>
      %run_scoped3A_32 = memref.alloca() : memref<4x112x128xf32, #tpu.memory_space<vmem>>
      %run_scoped3A_33 = memref.alloca() : memref<20496xf32, #tpu.memory_space<vmem>>
      "tpu.region"() ({
        %run_scoped3A_228 = tpu.sem_alloc : memref<!tpu.dma_semaphore, #tpu.memory_space<semaphore_mem>>
        tpu.enqueue_dma source(%arg12 : memref<20496xf32, #tpu.memory_space<hbm>>) target(%run_scoped3A_33 : memref<20496xf32, #tpu.memory_space<vmem>>) target_semaphore(%run_scoped3A_228 : memref<!tpu.dma_semaphore, #tpu.memory_space<semaphore_mem>>)
        tpu.wait_dma2 semaphore(%run_scoped3A_228 : memref<!tpu.dma_semaphore, #tpu.memory_space<semaphore_mem>>) src(%arg12 : memref<20496xf32, #tpu.memory_space<hbm>>) dst(%run_scoped3A_33 : memref<20496xf32, #tpu.memory_space<vmem>>)
        tpu.yield
      }) : () -> ()
      %add3A_34 = arith.constant 0 : i32
      %add3A_35 = arith.addi %mul3A_4, %add3A_34 : i32
      "tpu.region"() ({
        %run_scoped3A_228 = tpu.sem_alloc : memref<!tpu.dma_semaphore, #tpu.memory_space<semaphore_mem>>
        %dma_start3A_229 = arith.constant 0 : i32
        %dma_start3A_230 = tpu.memref_slice %arg2[%add3A_35, %dma_start3A_229] : memref<4096x100xi32, #tpu.memory_space<hbm>> -> memref<16x100xi32, #tpu.memory_space<hbm>>
        %dma_start3A_231 = arith.constant 0 : i32
        %dma_start3A_232 = tpu.memref_slice %arg2[%add3A_35, %dma_start3A_231] : memref<4096x100xi32, #tpu.memory_space<hbm>> -> memref<16x100xi32, #tpu.memory_space<hbm>>
        tpu.enqueue_dma source(%dma_start3A_232 : memref<16x100xi32, #tpu.memory_space<hbm>>) target(%run_scoped3A : memref<16x100xi32, #tpu.memory_space<vmem>>) target_semaphore(%run_scoped3A_228 : memref<!tpu.dma_semaphore, #tpu.memory_space<semaphore_mem>>)
        %dma_wait3A = arith.constant 0 : i32
        %dma_wait3A_233 = tpu.memref_slice %arg2[%add3A_35, %dma_wait3A] : memref<4096x100xi32, #tpu.memory_space<hbm>> -> memref<16x100xi32, #tpu.memory_space<hbm>>
        %dma_wait3A_234 = arith.constant 0 : i32
        %dma_wait3A_235 = tpu.memref_slice %arg2[%add3A_35, %dma_wait3A_234] : memref<4096x100xi32, #tpu.memory_space<hbm>> -> memref<16x100xi32, #tpu.memory_space<hbm>>
        tpu.wait_dma2 semaphore(%run_scoped3A_228 : memref<!tpu.dma_semaphore, #tpu.memory_space<semaphore_mem>>) src(%dma_wait3A_235 : memref<16x100xi32, #tpu.memory_space<hbm>>) dst(%run_scoped3A : memref<16x100xi32, #tpu.memory_space<vmem>>)
        tpu.yield
      }) : () -> ()
      %broadcast_in_dim3A_36 = arith.constant 0 : i32
      %broadcast_in_dim3A_37 = vector.broadcast %broadcast_in_dim3A_36 : i32 to vector<16xi32>
      %broadcast_in_dim3A_38 = arith.constant 0 : i32
      %broadcast_in_dim3A_39 = vector.broadcast %broadcast_in_dim3A_38 : i32 to vector<16xi32>
      %iota3A_40 = tpu.iota {dimensions = array<i32: 0>} : vector<16xi32>
      %add3A_41 = arith.constant 96 : i32
      %add3A_42 = vector.broadcast %add3A_41 : i32 to vector<16xi32>
      %add3A_43 = arith.addi %iota3A_40, %add3A_42 : vector<16xi32>
      tpu.vector_store_idx %run_scoped3A_31[%broadcast_in_dim3A_39, %add3A_43], %add3A : memref<8x112xi32, #tpu.memory_space<vmem>>[vector<16xi32>, vector<16xi32>], vector<16xi32>,
      %iota3A_44 = tpu.iota {dimensions = array<i32: 0>} : vector<16xi32>
      %add3A_45 = arith.constant 0 : i32
      %add3A_46 = vector.broadcast %add3A_45 : i32 to vector<16xi32>
      %add3A_47 = arith.addi %iota3A_44, %add3A_46 : vector<16xi32>
      %gather3A = tpu.vector_load_idx %run_scoped3A[%broadcast_in_dim3A_37, %add3A_47] : memref<16x100xi32, #tpu.memory_space<vmem>>[vector<16xi32>, vector<16xi32>], vector<16xi32>,
      %add3A_48 = arith.addi %gather3A, %broadcast_in_dim3A : vector<16xi32>
      tpu.vector_store_idx %run_scoped3A_31[%broadcast_in_dim3A_39, %add3A_47], %add3A_48 : memref<8x112xi32, #tpu.memory_space<vmem>>[vector<16xi32>, vector<16xi32>], vector<16xi32>,
      %iota3A_49 = tpu.iota {dimensions = array<i32: 0>} : vector<16xi32>
      %add3A_50 = arith.constant 16 : i32
      %add3A_51 = vector.broadcast %add3A_50 : i32 to vector<16xi32>
      %add3A_52 = arith.addi %iota3A_49, %add3A_51 : vector<16xi32>
      %gather3A_53 = tpu.vector_load_idx %run_scoped3A[%broadcast_in_dim3A_37, %add3A_52] : memref<16x100xi32, #tpu.memory_space<vmem>>[vector<16xi32>, vector<16xi32>], vector<16xi32>,
      %add3A_54 = arith.addi %gather3A_53, %broadcast_in_dim3A : vector<16xi32>
      tpu.vector_store_idx %run_scoped3A_31[%broadcast_in_dim3A_39, %add3A_52], %add3A_54 : memref<8x112xi32, #tpu.memory_space<vmem>>[vector<16xi32>, vector<16xi32>], vector<16xi32>,
      %iota3A_55 = tpu.iota {dimensions = array<i32: 0>} : vector<16xi32>
      %add3A_56 = arith.constant 32 : i32
      %add3A_57 = vector.broadcast %add3A_56 : i32 to vector<16xi32>
      %add3A_58 = arith.addi %iota3A_55, %add3A_57 : vector<16xi32>
      %gather3A_59 = tpu.vector_load_idx %run_scoped3A[%broadcast_in_dim3A_37, %add3A_58] : memref<16x100xi32, #tpu.memory_space<vmem>>[vector<16xi32>, vector<16xi32>], vector<16xi32>,
      %add3A_60 = arith.addi %gather3A_59, %broadcast_in_dim3A : vector<16xi32>
      tpu.vector_store_idx %run_scoped3A_31[%broadcast_in_dim3A_39, %add3A_58], %add3A_60 : memref<8x112xi32, #tpu.memory_space<vmem>>[vector<16xi32>, vector<16xi32>], vector<16xi32>,
      %iota3A_61 = tpu.iota {dimensions = array<i32: 0>} : vector<16xi32>
      %add3A_62 = arith.constant 48 : i32
      %add3A_63 = vector.broadcast %add3A_62 : i32 to vector<16xi32>
      %add3A_64 = arith.addi %iota3A_61, %add3A_63 : vector<16xi32>
      %gather3A_65 = tpu.vector_load_idx %run_scoped3A[%broadcast_in_dim3A_37, %add3A_64] : memref<16x100xi32, #tpu.memory_space<vmem>>[vector<16xi32>, vector<16xi32>], vector<16xi32>,
      %add3A_66 = arith.addi %gather3A_65, %broadcast_in_dim3A : vector<16xi32>
      tpu.vector_store_idx %run_scoped3A_31[%broadcast_in_dim3A_39, %add3A_64], %add3A_66 : memref<8x112xi32, #tpu.memory_space<vmem>>[vector<16xi32>, vector<16xi32>], vector<16xi32>,
      %iota3A_67 = tpu.iota {dimensions = array<i32: 0>} : vector<16xi32>
      %add3A_68 = arith.constant 64 : i32
      %add3A_69 = vector.broadcast %add3A_68 : i32 to vector<16xi32>
      %add3A_70 = arith.addi %iota3A_67, %add3A_69 : vector<16xi32>
      %gather3A_71 = tpu.vector_load_idx %run_scoped3A[%broadcast_in_dim3A_37, %add3A_70] : memref<16x100xi32, #tpu.memory_space<vmem>>[vector<16xi32>, vector<16xi32>], vector<16xi32>,
      %add3A_72 = arith.addi %gather3A_71, %broadcast_in_dim3A : vector<16xi32>
      tpu.vector_store_idx %run_scoped3A_31[%broadcast_in_dim3A_39, %add3A_70], %add3A_72 : memref<8x112xi32, #tpu.memory_space<vmem>>[vector<16xi32>, vector<16xi32>], vector<16xi32>,
      %iota3A_73 = tpu.iota {dimensions = array<i32: 0>} : vector<16xi32>
      %add3A_74 = arith.constant 80 : i32
      %add3A_75 = vector.broadcast %add3A_74 : i32 to vector<16xi32>
      %add3A_76 = arith.addi %iota3A_73, %add3A_75 : vector<16xi32>
      %gather3A_77 = tpu.vector_load_idx %run_scoped3A[%broadcast_in_dim3A_37, %add3A_76] : memref<16x100xi32, #tpu.memory_space<vmem>>[vector<16xi32>, vector<16xi32>], vector<16xi32>,
      %add3A_78 = arith.addi %gather3A_77, %broadcast_in_dim3A : vector<16xi32>
      tpu.vector_store_idx %run_scoped3A_31[%broadcast_in_dim3A_39, %add3A_76], %add3A_78 : memref<8x112xi32, #tpu.memory_space<vmem>>[vector<16xi32>, vector<16xi32>], vector<16xi32>,
      %iota3A_79 = tpu.iota {dimensions = array<i32: 0>} : vector<16xi32>
      %add3A_80 = arith.constant 84 : i32
      %add3A_81 = vector.broadcast %add3A_80 : i32 to vector<16xi32>
      %add3A_82 = arith.addi %iota3A_79, %add3A_81 : vector<16xi32>
      %gather3A_83 = tpu.vector_load_idx %run_scoped3A[%broadcast_in_dim3A_37, %add3A_82] : memref<16x100xi32, #tpu.memory_space<vmem>>[vector<16xi32>, vector<16xi32>], vector<16xi32>,
      %add3A_84 = arith.addi %gather3A_83, %broadcast_in_dim3A : vector<16xi32>
      tpu.vector_store_idx %run_scoped3A_31[%broadcast_in_dim3A_39, %add3A_82], %add3A_84 : memref<8x112xi32, #tpu.memory_space<vmem>>[vector<16xi32>, vector<16xi32>], vector<16xi32>,
      %dma_start3A = arith.constant 0 : i32
      %dma_start3A_85 = arith.constant 0 : i32
      %dma_start3A_86 = arith.constant 0 : i32
      %dma_start3A_87 = arith.constant 0 : i32
      %dma_start3A_88 = tpu.memref_slice %run_scoped3A_32[%dma_start3A_85, %dma_start3A_86, %dma_start3A_87] : memref<4x112x128xf32, #tpu.memory_space<vmem>> -> memref<1x112x128xf32, #tpu.memory_space<vmem>>
      %dma_start3A_89 = tpu.memref_squeeze %dma_start3A_88 : memref<1x112x128xf32, #tpu.memory_space<vmem>> -> memref<112x128xf32, #tpu.memory_space<vmem>>
      %dma_start3A_90 = arith.constant 0 : i32
      %dma_start3A_91 = tpu.memref_slice %run_scoped3A_31[%dma_start3A, %dma_start3A_90] : memref<8x112xi32, #tpu.memory_space<vmem>> -> memref<1x112xi32, #tpu.memory_space<vmem>>
      %dma_start3A_92 = tpu.memref_squeeze %dma_start3A_91 : memref<1x112xi32, #tpu.memory_space<vmem>> -> memref<112xi32, #tpu.memory_space<vmem>>
      %dma_start3A_93 = arith.constant 0 : i32
      %dma_start3A_94 = arith.constant 0 : i32
      %dma_start3A_95 = tpu.memref_slice %arg11[%dma_start3A_93, %dma_start3A_94] : memref<20496x128xf32, #tpu.memory_space<hbm>> -> memref<20496x128xf32, #tpu.memory_space<hbm>>
      tpu.enqueue_indirect_dma source(%dma_start3A_95 : memref<20496x128xf32, #tpu.memory_space<hbm>>) target(%dma_start3A_89 : memref<112x128xf32, #tpu.memory_space<vmem>>) offsets(%dma_start3A_92 : memref<112xi32, #tpu.memory_space<vmem>>) semaphore(%arg24 : memref<!tpu.dma_semaphore, #tpu.memory_space<semaphore_mem>>)
      %broadcast_in_dim3A_96 = arith.constant 1 : i32
      %broadcast_in_dim3A_97 = vector.broadcast %broadcast_in_dim3A_96 : i32 to vector<16xi32>
      %broadcast_in_dim3A_98 = arith.constant 1 : i32
      %broadcast_in_dim3A_99 = vector.broadcast %broadcast_in_dim3A_98 : i32 to vector<16xi32>
      %iota3A_100 = tpu.iota {dimensions = array<i32: 0>} : vector<16xi32>
      %add3A_101 = arith.constant 96 : i32
      %add3A_102 = vector.broadcast %add3A_101 : i32 to vector<16xi32>
      %add3A_103 = arith.addi %iota3A_100, %add3A_102 : vector<16xi32>
      tpu.vector_store_idx %run_scoped3A_31[%broadcast_in_dim3A_99, %add3A_103], %add3A : memref<8x112xi32, #tpu.memory_space<vmem>>[vector<16xi32>, vector<16xi32>], vector<16xi32>,
      %iota3A_104 = tpu.iota {dimensions = array<i32: 0>} : vector<16xi32>
      %add3A_105 = arith.constant 0 : i32
      %add3A_106 = vector.broadcast %add3A_105 : i32 to vector<16xi32>
      %add3A_107 = arith.addi %iota3A_104, %add3A_106 : vector<16xi32>
      %gather3A_108 = tpu.vector_load_idx %run_scoped3A[%broadcast_in_dim3A_97, %add3A_107] : memref<16x100xi32, #tpu.memory_space<vmem>>[vector<16xi32>, vector<16xi32>], vector<16xi32>,
      %add3A_109 = arith.addi %gather3A_108, %broadcast_in_dim3A : vector<16xi32>
      tpu.vector_store_idx %run_scoped3A_31[%broadcast_in_dim3A_99, %add3A_107], %add3A_109 : memref<8x112xi32, #tpu.memory_space<vmem>>[vector<16xi32>, vector<16xi32>], vector<16xi32>,
      %iota3A_110 = tpu.iota {dimensions = array<i32: 0>} : vector<16xi32>
      %add3A_111 = arith.constant 16 : i32
      %add3A_112 = vector.broadcast %add3A_111 : i32 to vector<16xi32>
      %add3A_113 = arith.addi %iota3A_110, %add3A_112 : vector<16xi32>
      %gather3A_114 = tpu.vector_load_idx %run_scoped3A[%broadcast_in_dim3A_97, %add3A_113] : memref<16x100xi32, #tpu.memory_space<vmem>>[vector<16xi32>, vector<16xi32>], vector<16xi32>,
      %add3A_115 = arith.addi %gather3A_114, %broadcast_in_dim3A : vector<16xi32>
      tpu.vector_store_idx %run_scoped3A_31[%broadcast_in_dim3A_99, %add3A_113], %add3A_115 : memref<8x112xi32, #tpu.memory_space<vmem>>[vector<16xi32>, vector<16xi32>], vector<16xi32>,
      %iota3A_116 = tpu.iota {dimensions = array<i32: 0>} : vector<16xi32>
      %add3A_117 = arith.constant 32 : i32
      %add3A_118 = vector.broadcast %add3A_117 : i32 to vector<16xi32>
      %add3A_119 = arith.addi %iota3A_116, %add3A_118 : vector<16xi32>
      %gather3A_120 = tpu.vector_load_idx %run_scoped3A[%broadcast_in_dim3A_97, %add3A_119] : memref<16x100xi32, #tpu.memory_space<vmem>>[vector<16xi32>, vector<16xi32>], vector<16xi32>,
      %add3A_121 = arith.addi %gather3A_120, %broadcast_in_dim3A : vector<16xi32>
      tpu.vector_store_idx %run_scoped3A_31[%broadcast_in_dim3A_99, %add3A_119], %add3A_121 : memref<8x112xi32, #tpu.memory_space<vmem>>[vector<16xi32>, vector<16xi32>], vector<16xi32>,
      %iota3A_122 = tpu.iota {dimensions = array<i32: 0>} : vector<16xi32>
      %add3A_123 = arith.constant 48 : i32
      %add3A_124 = vector.broadcast %add3A_123 : i32 to vector<16xi32>
      %add3A_125 = arith.addi %iota3A_122, %add3A_124 : vector<16xi32>
      %gather3A_126 = tpu.vector_load_idx %run_scoped3A[%broadcast_in_dim3A_97, %add3A_125] : memref<16x100xi32, #tpu.memory_space<vmem>>[vector<16xi32>, vector<16xi32>], vector<16xi32>,
      %add3A_127 = arith.addi %gather3A_126, %broadcast_in_dim3A : vector<16xi32>
      tpu.vector_store_idx %run_scoped3A_31[%broadcast_in_dim3A_99, %add3A_125], %add3A_127 : memref<8x112xi32, #tpu.memory_space<vmem>>[vector<16xi32>, vector<16xi32>], vector<16xi32>,
      %iota3A_128 = tpu.iota {dimensions = array<i32: 0>} : vector<16xi32>
      %add3A_129 = arith.constant 64 : i32
      %add3A_130 = vector.broadcast %add3A_129 : i32 to vector<16xi32>
      %add3A_131 = arith.addi %iota3A_128, %add3A_130 : vector<16xi32>
      %gather3A_132 = tpu.vector_load_idx %run_scoped3A[%broadcast_in_dim3A_97, %add3A_131] : memref<16x100xi32, #tpu.memory_space<vmem>>[vector<16xi32>, vector<16xi32>], vector<16xi32>,
      %add3A_133 = arith.addi %gather3A_132, %broadcast_in_dim3A : vector<16xi32>
      tpu.vector_store_idx %run_scoped3A_31[%broadcast_in_dim3A_99, %add3A_131], %add3A_133 : memref<8x112xi32, #tpu.memory_space<vmem>>[vector<16xi32>, vector<16xi32>], vector<16xi32>,
      %iota3A_134 = tpu.iota {dimensions = array<i32: 0>} : vector<16xi32>
      %add3A_135 = arith.constant 80 : i32
      %add3A_136 = vector.broadcast %add3A_135 : i32 to vector<16xi32>
      %add3A_137 = arith.addi %iota3A_134, %add3A_136 : vector<16xi32>
      %gather3A_138 = tpu.vector_load_idx %run_scoped3A[%broadcast_in_dim3A_97, %add3A_137] : memref<16x100xi32, #tpu.memory_space<vmem>>[vector<16xi32>, vector<16xi32>], vector<16xi32>,
      %add3A_139 = arith.addi %gather3A_138, %broadcast_in_dim3A : vector<16xi32>
      tpu.vector_store_idx %run_scoped3A_31[%broadcast_in_dim3A_99, %add3A_137], %add3A_139 : memref<8x112xi32, #tpu.memory_space<vmem>>[vector<16xi32>, vector<16xi32>], vector<16xi32>,
      %iota3A_140 = tpu.iota {dimensions = array<i32: 0>} : vector<16xi32>
      %add3A_141 = arith.constant 84 : i32
      %add3A_142 = vector.broadcast %add3A_141 : i32 to vector<16xi32>
      %add3A_143 = arith.addi %iota3A_140, %add3A_142 : vector<16xi32>
      %gather3A_144 = tpu.vector_load_idx %run_scoped3A[%broadcast_in_dim3A_97, %add3A_143] : memref<16x100xi32, #tpu.memory_space<vmem>>[vector<16xi32>, vector<16xi32>], vector<16xi32>,
      %add3A_145 = arith.addi %gather3A_144, %broadcast_in_dim3A : vector<16xi32>
      tpu.vector_store_idx %run_scoped3A_31[%broadcast_in_dim3A_99, %add3A_143], %add3A_145 : memref<8x112xi32, #tpu.memory_space<vmem>>[vector<16xi32>, vector<16xi32>], vector<16xi32>,
      %dma_start3A_146 = arith.constant 1 : i32
      %dma_start3A_147 = arith.constant 1 : i32
      %dma_start3A_148 = arith.constant 0 : i32
      %dma_start3A_149 = arith.constant 0 : i32
      %dma_start3A_150 = tpu.memref_slice %run_scoped3A_32[%dma_start3A_147, %dma_start3A_148, %dma_start3A_149] : memref<4x112x128xf32, #tpu.memory_space<vmem>> -> memref<1x112x128xf32, #tpu.memory_space<vmem>>
      %dma_start3A_151 = tpu.memref_squeeze %dma_start3A_150 : memref<1x112x128xf32, #tpu.memory_space<vmem>> -> memref<112x128xf32, #tpu.memory_space<vmem>>
      %dma_start3A_152 = arith.constant 0 : i32
      %dma_start3A_153 = tpu.memref_slice %run_scoped3A_31[%dma_start3A_146, %dma_start3A_152] : memref<8x112xi32, #tpu.memory_space<vmem>> -> memref<1x112xi32, #tpu.memory_space<vmem>>
      %dma_start3A_154 = tpu.memref_squeeze %dma_start3A_153 : memref<1x112xi32, #tpu.memory_space<vmem>> -> memref<112xi32, #tpu.memory_space<vmem>>
      %dma_start3A_155 = arith.constant 0 : i32
      %dma_start3A_156 = arith.constant 0 : i32
      %dma_start3A_157 = tpu.memref_slice %arg11[%dma_start3A_155, %dma_start3A_156] : memref<20496x128xf32, #tpu.memory_space<hbm>> -> memref<20496x128xf32, #tpu.memory_space<hbm>>
      tpu.enqueue_indirect_dma source(%dma_start3A_157 : memref<20496x128xf32, #tpu.memory_space<hbm>>) target(%dma_start3A_151 : memref<112x128xf32, #tpu.memory_space<vmem>>) offsets(%dma_start3A_154 : memref<112xi32, #tpu.memory_space<vmem>>) semaphore(%arg24 : memref<!tpu.dma_semaphore, #tpu.memory_space<semaphore_mem>>)
      %broadcast_in_dim3A_158 = arith.constant 2 : i32
      %broadcast_in_dim3A_159 = vector.broadcast %broadcast_in_dim3A_158 : i32 to vector<16xi32>
      %broadcast_in_dim3A_160 = arith.constant 2 : i32
      %broadcast_in_dim3A_161 = vector.broadcast %broadcast_in_dim3A_160 : i32 to vector<16xi32>
      %iota3A_162 = tpu.iota {dimensions = array<i32: 0>} : vector<16xi32>
      %add3A_163 = arith.constant 96 : i32
      %add3A_164 = vector.broadcast %add3A_163 : i32 to vector<16xi32>
      %add3A_165 = arith.addi %iota3A_162, %add3A_164 : vector<16xi32>
      tpu.vector_store_idx %run_scoped3A_31[%broadcast_in_dim3A_161, %add3A_165], %add3A : memref<8x112xi32, #tpu.memory_space<vmem>>[vector<16xi32>, vector<16xi32>], vector<16xi32>,
      %iota3A_166 = tpu.iota {dimensions = array<i32: 0>} : vector<16xi32>
      %add3A_167 = arith.constant 0 : i32
      %add3A_168 = vector.broadcast %add3A_167 : i32 to vector<16xi32>
      %add3A_169 = arith.addi %iota3A_166, %add3A_168 : vector<16xi32>
      %gather3A_170 = tpu.vector_load_idx %run_scoped3A[%broadcast_in_dim3A_159, %add3A_169] : memref<16x100xi32, #tpu.memory_space<vmem>>[vector<16xi32>, vector<16xi32>], vector<16xi32>,
      %add3A_171 = arith.addi %gather3A_170, %broadcast_in_dim3A : vector<16xi32>
      tpu.vector_store_idx %run_scoped3A_31[%broadcast_in_dim3A_161, %add3A_169], %add3A_171 : memref<8x112xi32, #tpu.memory_space<vmem>>[vector<16xi32>, vector<16xi32>], vector<16xi32>,
      %iota3A_172 = tpu.iota {dimensions = array<i32: 0>} : vector<16xi32>
      %add3A_173 = arith.constant 16 : i32
      %add3A_174 = vector.broadcast %add3A_173 : i32 to vector<16xi32>
      %add3A_175 = arith.addi %iota3A_172, %add3A_174 : vector<16xi32>
      %gather3A_176 = tpu.vector_load_idx %run_scoped3A[%broadcast_in_dim3A_159, %add3A_175] : memref<16x100xi32, #tpu.memory_space<vmem>>[vector<16xi32>, vector<16xi32>], vector<16xi32>,
      %add3A_177 = arith.addi %gather3A_176, %broadcast_in_dim3A : vector<16xi32>
      tpu.vector_store_idx %run_scoped3A_31[%broadcast_in_dim3A_161, %add3A_175], %add3A_177 : memref<8x112xi32, #tpu.memory_space<vmem>>[vector<16xi32>, vector<16xi32>], vector<16xi32>,
      %iota3A_178 = tpu.iota {dimensions = array<i32: 0>} : vector<16xi32>
      %add3A_179 = arith.constant 32 : i32
      %add3A_180 = vector.broadcast %add3A_179 : i32 to vector<16xi32>
      %add3A_181 = arith.addi %iota3A_178, %add3A_180 : vector<16xi32>
      %gather3A_182 = tpu.vector_load_idx %run_scoped3A[%broadcast_in_dim3A_159, %add3A_181] : memref<16x100xi32, #tpu.memory_space<vmem>>[vector<16xi32>, vector<16xi32>], vector<16xi32>,
      %add3A_183 = arith.addi %gather3A_182, %broadcast_in_dim3A : vector<16xi32>
      tpu.vector_store_idx %run_scoped3A_31[%broadcast_in_dim3A_161, %add3A_181], %add3A_183 : memref<8x112xi32, #tpu.memory_space<vmem>>[vector<16xi32>, vector<16xi32>], vector<16xi32>,
      %iota3A_184 = tpu.iota {dimensions = array<i32: 0>} : vector<16xi32>
      %add3A_185 = arith.constant 48 : i32
      %add3A_186 = vector.broadcast %add3A_185 : i32 to vector<16xi32>
      %add3A_187 = arith.addi %iota3A_184, %add3A_186 : vector<16xi32>
      %gather3A_188 = tpu.vector_load_idx %run_scoped3A[%broadcast_in_dim3A_159, %add3A_187] : memref<16x100xi32, #tpu.memory_space<vmem>>[vector<16xi32>, vector<16xi32>], vector<16xi32>,
      %add3A_189 = arith.addi %gather3A_188, %broadcast_in_dim3A : vector<16xi32>
      tpu.vector_store_idx %run_scoped3A_31[%broadcast_in_dim3A_161, %add3A_187], %add3A_189 : memref<8x112xi32, #tpu.memory_space<vmem>>[vector<16xi32>, vector<16xi32>], vector<16xi32>,
      %iota3A_190 = tpu.iota {dimensions = array<i32: 0>} : vector<16xi32>
      %add3A_191 = arith.constant 64 : i32
      %add3A_192 = vector.broadcast %add3A_191 : i32 to vector<16xi32>
      %add3A_193 = arith.addi %iota3A_190, %add3A_192 : vector<16xi32>
      %gather3A_194 = tpu.vector_load_idx %run_scoped3A[%broadcast_in_dim3A_159, %add3A_193] : memref<16x100xi32, #tpu.memory_space<vmem>>[vector<16xi32>, vector<16xi32>], vector<16xi32>,
      %add3A_195 = arith.addi %gather3A_194, %broadcast_in_dim3A : vector<16xi32>
      tpu.vector_store_idx %run_scoped3A_31[%broadcast_in_dim3A_161, %add3A_193], %add3A_195 : memref<8x112xi32, #tpu.memory_space<vmem>>[vector<16xi32>, vector<16xi32>], vector<16xi32>,
      %iota3A_196 = tpu.iota {dimensions = array<i32: 0>} : vector<16xi32>
      %add3A_197 = arith.constant 80 : i32
      %add3A_198 = vector.broadcast %add3A_197 : i32 to vector<16xi32>
      %add3A_199 = arith.addi %iota3A_196, %add3A_198 : vector<16xi32>
      %gather3A_200 = tpu.vector_load_idx %run_scoped3A[%broadcast_in_dim3A_159, %add3A_199] : memref<16x100xi32, #tpu.memory_space<vmem>>[vector<16xi32>, vector<16xi32>], vector<16xi32>,
      %add3A_201 = arith.addi %gather3A_200, %broadcast_in_dim3A : vector<16xi32>
      tpu.vector_store_idx %run_scoped3A_31[%broadcast_in_dim3A_161, %add3A_199], %add3A_201 : memref<8x112xi32, #tpu.memory_space<vmem>>[vector<16xi32>, vector<16xi32>], vector<16xi32>,
      %iota3A_202 = tpu.iota {dimensions = array<i32: 0>} : vector<16xi32>
      %add3A_203 = arith.constant 84 : i32
      %add3A_204 = vector.broadcast %add3A_203 : i32 to vector<16xi32>
      %add3A_205 = arith.addi %iota3A_202, %add3A_204 : vector<16xi32>
      %gather3A_206 = tpu.vector_load_idx %run_scoped3A[%broadcast_in_dim3A_159, %add3A_205] : memref<16x100xi32, #tpu.memory_space<vmem>>[vector<16xi32>, vector<16xi32>], vector<16xi32>,
      %add3A_207 = arith.addi %gather3A_206, %broadcast_in_dim3A : vector<16xi32>
      tpu.vector_store_idx %run_scoped3A_31[%broadcast_in_dim3A_161, %add3A_205], %add3A_207 : memref<8x112xi32, #tpu.memory_space<vmem>>[vector<16xi32>, vector<16xi32>], vector<16xi32>,
      %dma_start3A_208 = arith.constant 2 : i32
      %dma_start3A_209 = arith.constant 2 : i32
      %dma_start3A_210 = arith.constant 0 : i32
      %dma_start3A_211 = arith.constant 0 : i32
      %dma_start3A_212 = tpu.memref_slice %run_scoped3A_32[%dma_start3A_209, %dma_start3A_210, %dma_start3A_211] : memref<4x112x128xf32, #tpu.memory_space<vmem>> -> memref<1x112x128xf32, #tpu.memory_space<vmem>>
      %dma_start3A_213 = tpu.memref_squeeze %dma_start3A_212 : memref<1x112x128xf32, #tpu.memory_space<vmem>> -> memref<112x128xf32, #tpu.memory_space<vmem>>
      %dma_start3A_214 = arith.constant 0 : i32
      %dma_start3A_215 = tpu.memref_slice %run_scoped3A_31[%dma_start3A_208, %dma_start3A_214] : memref<8x112xi32, #tpu.memory_space<vmem>> -> memref<1x112xi32, #tpu.memory_space<vmem>>
      %dma_start3A_216 = tpu.memref_squeeze %dma_start3A_215 : memref<1x112xi32, #tpu.memory_space<vmem>> -> memref<112xi32, #tpu.memory_space<vmem>>
      %dma_start3A_217 = arith.constant 0 : i32
      %dma_start3A_218 = arith.constant 0 : i32
      %dma_start3A_219 = tpu.memref_slice %arg11[%dma_start3A_217, %dma_start3A_218] : memref<20496x128xf32, #tpu.memory_space<hbm>> -> memref<20496x128xf32, #tpu.memory_space<hbm>>
      tpu.enqueue_indirect_dma source(%dma_start3A_219 : memref<20496x128xf32, #tpu.memory_space<hbm>>) target(%dma_start3A_213 : memref<112x128xf32, #tpu.memory_space<vmem>>) offsets(%dma_start3A_216 : memref<112xi32, #tpu.memory_space<vmem>>) semaphore(%arg24 : memref<!tpu.dma_semaphore, #tpu.memory_space<semaphore_mem>>)
      %scan3A = arith.constant 0 : i32
      %scan3A_220 = arith.constant 0 : i32
      %scan3A_221 = arith.constant 256 : i32
      %scan3A_222 = arith.addi %scan3A_220, %scan3A_221 : i32
      %scan3A_223 = arith.constant 1 : i32
      scf.for %scan3A_228 = %scan3A_220 to %scan3A_222 step %scan3A_223  : i32 {
        %add3A_229 = arith.constant 4 : i32
        %add3A_230 = arith.addi %scan3A_228, %add3A_229 : i32
        %sub3A = arith.constant 1 : i32
        %sub3A_231 = arith.subi %add3A_230, %sub3A : i32
        %lt3A = arith.constant 256 : i32
        %lt3A_232 = arith.cmpi slt, %sub3A_231, %lt3A : i32
        %convert_element_type3A = arith.extui %lt3A_232 : i1 to i32
        %cond3A = arith.constant 0 : i32
        %cond3A_233 = arith.cmpi ne, %convert_element_type3A, %cond3A : i32
        scf.if %cond3A_233 {
          %add3A_454 = arith.constant 4 : i32
          %add3A_455 = arith.addi %scan3A_228, %add3A_454 : i32
          %sub3A_456 = arith.constant 1 : i32
          %sub3A_457 = arith.subi %add3A_455, %sub3A_456 : i32
          %jit3A_458 = arith.constant 16 : i32
          %div3A = arith.divsi %sub3A_457, %jit3A_458 : i32
          %sign3A = arith.constant 0 : i32
          %sign3A_459 = arith.cmpi sgt, %sub3A_457, %sign3A : i32
          %sign3A_460 = arith.extui %sign3A_459 : i1 to i32
          %sign3A_461 = arith.constant 0 : i32
          %sign3A_462 = arith.cmpi slt, %sub3A_457, %sign3A_461 : i32
          %sign3A_463 = arith.extui %sign3A_462 : i1 to i32
          %sign3A_464 = arith.subi %sign3A_460, %sign3A_463 : i32
          %sign3A_465 = arith.constant 0 : i32
          %sign3A_466 = arith.cmpi sgt, %jit3A_458, %sign3A_465 : i32
          %sign3A_467 = arith.extui %sign3A_466 : i1 to i32
          %sign3A_468 = arith.constant 0 : i32
          %sign3A_469 = arith.cmpi slt, %jit3A_458, %sign3A_468 : i32
          %sign3A_470 = arith.extui %sign3A_469 : i1 to i32
          %sign3A_471 = arith.subi %sign3A_467, %sign3A_470 : i32
          %ne3A_472 = arith.cmpi ne, %sign3A_464, %sign3A_471 : i32
          %rem3A_473 = arith.remsi %sub3A_457, %jit3A_458 : i32
          %ne3A_474 = arith.constant 0 : i32
          %ne3A_475 = arith.cmpi ne, %rem3A_473, %ne3A_474 : i32
          %and3A_476 = arith.andi %ne3A_472, %ne3A_475 : i1
          %sub3A_477 = arith.constant 1 : i32
          %sub3A_478 = arith.subi %div3A, %sub3A_477 : i32
          %select_n3A_479 = arith.select %and3A_476, %sub3A_478, %div3A : i32
          %jit3A_480 = arith.constant 16 : i32
          %eq3A_481 = arith.constant 0 : i32
          %eq3A_482 = arith.cmpi eq, %jit3A_480, %eq3A_481 : i32
          %jit3A_483 = arith.constant 1 : i32
          %select_n3A_484 = arith.select %eq3A_482, %jit3A_483, %jit3A_480 : i32
          %rem3A_485 = arith.remsi %sub3A_457, %select_n3A_484 : i32
          %ne3A_486 = arith.constant 0 : i32
          %ne3A_487 = arith.cmpi ne, %rem3A_485, %ne3A_486 : i32
          %lt3A_488 = arith.constant 0 : i32
          %lt3A_489 = arith.cmpi slt, %rem3A_485, %lt3A_488 : i32
          %lt3A_490 = arith.constant 0 : i32
          %lt3A_491 = arith.cmpi slt, %select_n3A_484, %lt3A_490 : i32
          %ne3A_492 = arith.xori %lt3A_489, %lt3A_491 : i1
          %and3A_493 = arith.andi %ne3A_492, %ne3A_487 : i1
          %add3A_494 = arith.addi %rem3A_485, %select_n3A_484 : i32
          %select_n3A_495 = arith.select %and3A_493, %add3A_494, %rem3A_485 : i32
          %eq3A_496 = arith.constant 0 : i32
          %eq3A_497 = arith.cmpi eq, %select_n3A_495, %eq3A_496 : i32
          %convert_element_type3A_498 = arith.extui %eq3A_497 : i1 to i32
          %cond3A_499 = arith.constant 0 : i32
          %cond3A_500 = arith.cmpi ne, %convert_element_type3A_498, %cond3A_499 : i32
          scf.if %cond3A_500 {
            %mul3A_611 = arith.constant 16 : i32
            %mul3A_612 = arith.muli %select_n3A_479, %mul3A_611 : i32
            %add3A_613 = arith.addi %mul3A_4, %mul3A_612 : i32
            "tpu.region"() ({
              %run_scoped3A_614 = tpu.sem_alloc : memref<!tpu.dma_semaphore, #tpu.memory_space<semaphore_mem>>
              %dma_start3A_615 = arith.constant 0 : i32
              %dma_start3A_616 = tpu.memref_slice %arg2[%add3A_613, %dma_start3A_615] : memref<4096x100xi32, #tpu.memory_space<hbm>> -> memref<16x100xi32, #tpu.memory_space<hbm>>
              %dma_start3A_617 = arith.constant 0 : i32
              %dma_start3A_618 = tpu.memref_slice %arg2[%add3A_613, %dma_start3A_617] : memref<4096x100xi32, #tpu.memory_space<hbm>> -> memref<16x100xi32, #tpu.memory_space<hbm>>
              tpu.enqueue_dma source(%dma_start3A_618 : memref<16x100xi32, #tpu.memory_space<hbm>>) target(%run_scoped3A : memref<16x100xi32, #tpu.memory_space<vmem>>) target_semaphore(%run_scoped3A_614 : memref<!tpu.dma_semaphore, #tpu.memory_space<semaphore_mem>>)
              %dma_wait3A_619 = arith.constant 0 : i32
              %dma_wait3A_620 = tpu.memref_slice %arg2[%add3A_613, %dma_wait3A_619] : memref<4096x100xi32, #tpu.memory_space<hbm>> -> memref<16x100xi32, #tpu.memory_space<hbm>>
              %dma_wait3A_621 = arith.constant 0 : i32
              %dma_wait3A_622 = tpu.memref_slice %arg2[%add3A_613, %dma_wait3A_621] : memref<4096x100xi32, #tpu.memory_space<hbm>> -> memref<16x100xi32, #tpu.memory_space<hbm>>
              tpu.wait_dma2 semaphore(%run_scoped3A_614 : memref<!tpu.dma_semaphore, #tpu.memory_space<semaphore_mem>>) src(%dma_wait3A_622 : memref<16x100xi32, #tpu.memory_space<hbm>>) dst(%run_scoped3A : memref<16x100xi32, #tpu.memory_space<vmem>>)
              tpu.yield
            }) : () -> ()
          } else {
          }
          %jit3A_501 = arith.constant 8 : i32
          %eq3A_502 = arith.constant 0 : i32
          %eq3A_503 = arith.cmpi eq, %jit3A_501, %eq3A_502 : i32
          %jit3A_504 = arith.constant 1 : i32
          %select_n3A_505 = arith.select %eq3A_503, %jit3A_504, %jit3A_501 : i32
          %rem3A_506 = arith.remsi %sub3A_457, %select_n3A_505 : i32
          %ne3A_507 = arith.constant 0 : i32
          %ne3A_508 = arith.cmpi ne, %rem3A_506, %ne3A_507 : i32
          %lt3A_509 = arith.constant 0 : i32
          %lt3A_510 = arith.cmpi slt, %rem3A_506, %lt3A_509 : i32
          %lt3A_511 = arith.constant 0 : i32
          %lt3A_512 = arith.cmpi slt, %select_n3A_505, %lt3A_511 : i32
          %ne3A_513 = arith.xori %lt3A_510, %lt3A_512 : i1
          %and3A_514 = arith.andi %ne3A_513, %ne3A_508 : i1
          %add3A_515 = arith.addi %rem3A_506, %select_n3A_505 : i32
          %select_n3A_516 = arith.select %and3A_514, %add3A_515, %rem3A_506 : i32
          %broadcast_in_dim3A_517 = vector.broadcast %select_n3A_495 : i32 to vector<16xi32>
          %broadcast_in_dim3A_518 = vector.broadcast %select_n3A_516 : i32 to vector<16xi32>
          %iota3A_519 = tpu.iota {dimensions = array<i32: 0>} : vector<16xi32>
          %add3A_520 = arith.constant 96 : i32
          %add3A_521 = vector.broadcast %add3A_520 : i32 to vector<16xi32>
          %add3A_522 = arith.addi %iota3A_519, %add3A_521 : vector<16xi32>
          tpu.vector_store_idx %run_scoped3A_31[%broadcast_in_dim3A_518, %add3A_522], %add3A : memref<8x112xi32, #tpu.memory_space<vmem>>[vector<16xi32>, vector<16xi32>], vector<16xi32>,
          %iota3A_523 = tpu.iota {dimensions = array<i32: 0>} : vector<16xi32>
          %add3A_524 = arith.constant 0 : i32
          %add3A_525 = vector.broadcast %add3A_524 : i32 to vector<16xi32>
          %add3A_526 = arith.addi %iota3A_523, %add3A_525 : vector<16xi32>
          %gather3A_527 = tpu.vector_load_idx %run_scoped3A[%broadcast_in_dim3A_517, %add3A_526] : memref<16x100xi32, #tpu.memory_space<vmem>>[vector<16xi32>, vector<16xi32>], vector<16xi32>,
          %add3A_528 = arith.addi %gather3A_527, %broadcast_in_dim3A : vector<16xi32>
          tpu.vector_store_idx %run_scoped3A_31[%broadcast_in_dim3A_518, %add3A_526], %add3A_528 : memref<8x112xi32, #tpu.memory_space<vmem>>[vector<16xi32>, vector<16xi32>], vector<16xi32>,
          %iota3A_529 = tpu.iota {dimensions = array<i32: 0>} : vector<16xi32>
          %add3A_530 = arith.constant 16 : i32
          %add3A_531 = vector.broadcast %add3A_530 : i32 to vector<16xi32>
          %add3A_532 = arith.addi %iota3A_529, %add3A_531 : vector<16xi32>
          %gather3A_533 = tpu.vector_load_idx %run_scoped3A[%broadcast_in_dim3A_517, %add3A_532] : memref<16x100xi32, #tpu.memory_space<vmem>>[vector<16xi32>, vector<16xi32>], vector<16xi32>,
          %add3A_534 = arith.addi %gather3A_533, %broadcast_in_dim3A : vector<16xi32>
          tpu.vector_store_idx %run_scoped3A_31[%broadcast_in_dim3A_518, %add3A_532], %add3A_534 : memref<8x112xi32, #tpu.memory_space<vmem>>[vector<16xi32>, vector<16xi32>], vector<16xi32>,
          %iota3A_535 = tpu.iota {dimensions = array<i32: 0>} : vector<16xi32>
          %add3A_536 = arith.constant 32 : i32
          %add3A_537 = vector.broadcast %add3A_536 : i32 to vector<16xi32>
          %add3A_538 = arith.addi %iota3A_535, %add3A_537 : vector<16xi32>
          %gather3A_539 = tpu.vector_load_idx %run_scoped3A[%broadcast_in_dim3A_517, %add3A_538] : memref<16x100xi32, #tpu.memory_space<vmem>>[vector<16xi32>, vector<16xi32>], vector<16xi32>,
          %add3A_540 = arith.addi %gather3A_539, %broadcast_in_dim3A : vector<16xi32>
          tpu.vector_store_idx %run_scoped3A_31[%broadcast_in_dim3A_518, %add3A_538], %add3A_540 : memref<8x112xi32, #tpu.memory_space<vmem>>[vector<16xi32>, vector<16xi32>], vector<16xi32>,
          %iota3A_541 = tpu.iota {dimensions = array<i32: 0>} : vector<16xi32>
          %add3A_542 = arith.constant 48 : i32
          %add3A_543 = vector.broadcast %add3A_542 : i32 to vector<16xi32>
          %add3A_544 = arith.addi %iota3A_541, %add3A_543 : vector<16xi32>
          %gather3A_545 = tpu.vector_load_idx %run_scoped3A[%broadcast_in_dim3A_517, %add3A_544] : memref<16x100xi32, #tpu.memory_space<vmem>>[vector<16xi32>, vector<16xi32>], vector<16xi32>,
          %add3A_546 = arith.addi %gather3A_545, %broadcast_in_dim3A : vector<16xi32>
          tpu.vector_store_idx %run_scoped3A_31[%broadcast_in_dim3A_518, %add3A_544], %add3A_546 : memref<8x112xi32, #tpu.memory_space<vmem>>[vector<16xi32>, vector<16xi32>], vector<16xi32>,
          %iota3A_547 = tpu.iota {dimensions = array<i32: 0>} : vector<16xi32>
          %add3A_548 = arith.constant 64 : i32
          %add3A_549 = vector.broadcast %add3A_548 : i32 to vector<16xi32>
          %add3A_550 = arith.addi %iota3A_547, %add3A_549 : vector<16xi32>
          %gather3A_551 = tpu.vector_load_idx %run_scoped3A[%broadcast_in_dim3A_517, %add3A_550] : memref<16x100xi32, #tpu.memory_space<vmem>>[vector<16xi32>, vector<16xi32>], vector<16xi32>,
          %add3A_552 = arith.addi %gather3A_551, %broadcast_in_dim3A : vector<16xi32>
          tpu.vector_store_idx %run_scoped3A_31[%broadcast_in_dim3A_518, %add3A_550], %add3A_552 : memref<8x112xi32, #tpu.memory_space<vmem>>[vector<16xi32>, vector<16xi32>], vector<16xi32>,
          %iota3A_553 = tpu.iota {dimensions = array<i32: 0>} : vector<16xi32>
          %add3A_554 = arith.constant 80 : i32
          %add3A_555 = vector.broadcast %add3A_554 : i32 to vector<16xi32>
          %add3A_556 = arith.addi %iota3A_553, %add3A_555 : vector<16xi32>
          %gather3A_557 = tpu.vector_load_idx %run_scoped3A[%broadcast_in_dim3A_517, %add3A_556] : memref<16x100xi32, #tpu.memory_space<vmem>>[vector<16xi32>, vector<16xi32>], vector<16xi32>,
          %add3A_558 = arith.addi %gather3A_557, %broadcast_in_dim3A : vector<16xi32>
          tpu.vector_store_idx %run_scoped3A_31[%broadcast_in_dim3A_518, %add3A_556], %add3A_558 : memref<8x112xi32, #tpu.memory_space<vmem>>[vector<16xi32>, vector<16xi32>], vector<16xi32>,
          %iota3A_559 = tpu.iota {dimensions = array<i32: 0>} : vector<16xi32>
          %add3A_560 = arith.constant 84 : i32
          %add3A_561 = vector.broadcast %add3A_560 : i32 to vector<16xi32>
          %add3A_562 = arith.addi %iota3A_559, %add3A_561 : vector<16xi32>
          %gather3A_563 = tpu.vector_load_idx %run_scoped3A[%broadcast_in_dim3A_517, %add3A_562] : memref<16x100xi32, #tpu.memory_space<vmem>>[vector<16xi32>, vector<16xi32>], vector<16xi32>,
          %add3A_564 = arith.addi %gather3A_563, %broadcast_in_dim3A : vector<16xi32>
          tpu.vector_store_idx %run_scoped3A_31[%broadcast_in_dim3A_518, %add3A_562], %add3A_564 : memref<8x112xi32, #tpu.memory_space<vmem>>[vector<16xi32>, vector<16xi32>], vector<16xi32>,
          %add3A_565 = arith.constant 4 : i32
          %add3A_566 = arith.addi %scan3A_228, %add3A_565 : i32
          %sub3A_567 = arith.constant 1 : i32
          %sub3A_568 = arith.subi %add3A_566, %sub3A_567 : i32
          %jit3A_569 = arith.constant 8 : i32
          %eq3A_570 = arith.constant 0 : i32
          %eq3A_571 = arith.cmpi eq, %jit3A_569, %eq3A_570 : i32
          %jit3A_572 = arith.constant 1 : i32
          %select_n3A_573 = arith.select %eq3A_571, %jit3A_572, %jit3A_569 : i32
          %rem3A_574 = arith.remsi %sub3A_568, %select_n3A_573 : i32
          %ne3A_575 = arith.constant 0 : i32
          %ne3A_576 = arith.cmpi ne, %rem3A_574, %ne3A_575 : i32
          %lt3A_577 = arith.constant 0 : i32
          %lt3A_578 = arith.cmpi slt, %rem3A_574, %lt3A_577 : i32
          %lt3A_579 = arith.constant 0 : i32
          %lt3A_580 = arith.cmpi slt, %select_n3A_573, %lt3A_579 : i32
          %ne3A_581 = arith.xori %lt3A_578, %lt3A_580 : i1
          %and3A_582 = arith.andi %ne3A_581, %ne3A_576 : i1
          %add3A_583 = arith.addi %rem3A_574, %select_n3A_573 : i32
          %select_n3A_584 = arith.select %and3A_582, %add3A_583, %rem3A_574 : i32
          %jit3A_585 = arith.constant 4 : i32
          %eq3A_586 = arith.constant 0 : i32
          %eq3A_587 = arith.cmpi eq, %jit3A_585, %eq3A_586 : i32
          %jit3A_588 = arith.constant 1 : i32
          %select_n3A_589 = arith.select %eq3A_587, %jit3A_588, %jit3A_585 : i32
          %rem3A_590 = arith.remsi %sub3A_568, %select_n3A_589 : i32
          %ne3A_591 = arith.constant 0 : i32
          %ne3A_592 = arith.cmpi ne, %rem3A_590, %ne3A_591 : i32
          %lt3A_593 = arith.constant 0 : i32
          %lt3A_594 = arith.cmpi slt, %rem3A_590, %lt3A_593 : i32
          %lt3A_595 = arith.constant 0 : i32
          %lt3A_596 = arith.cmpi slt, %select_n3A_589, %lt3A_595 : i32
          %ne3A_597 = arith.xori %lt3A_594, %lt3A_596 : i1
          %and3A_598 = arith.andi %ne3A_597, %ne3A_592 : i1
          %add3A_599 = arith.addi %rem3A_590, %select_n3A_589 : i32
          %select_n3A_600 = arith.select %and3A_598, %add3A_599, %rem3A_590 : i32
          %dma_start3A_601 = arith.constant 0 : i32
          %dma_start3A_602 = arith.constant 0 : i32
          %dma_start3A_603 = tpu.memref_slice %run_scoped3A_32[%select_n3A_600, %dma_start3A_601, %dma_start3A_602] : memref<4x112x128xf32, #tpu.memory_space<vmem>> -> memref<1x112x128xf32, #tpu.memory_space<vmem>>
          %dma_start3A_604 = tpu.memref_squeeze %dma_start3A_603 : memref<1x112x128xf32, #tpu.memory_space<vmem>> -> memref<112x128xf32, #tpu.memory_space<vmem>>
          %dma_start3A_605 = arith.constant 0 : i32
          %dma_start3A_606 = tpu.memref_slice %run_scoped3A_31[%select_n3A_584, %dma_start3A_605] : memref<8x112xi32, #tpu.memory_space<vmem>> -> memref<1x112xi32, #tpu.memory_space<vmem>>
          %dma_start3A_607 = tpu.memref_squeeze %dma_start3A_606 : memref<1x112xi32, #tpu.memory_space<vmem>> -> memref<112xi32, #tpu.memory_space<vmem>>
          %dma_start3A_608 = arith.constant 0 : i32
          %dma_start3A_609 = arith.constant 0 : i32
          %dma_start3A_610 = tpu.memref_slice %arg11[%dma_start3A_608, %dma_start3A_609] : memref<20496x128xf32, #tpu.memory_space<hbm>> -> memref<20496x128xf32, #tpu.memory_space<hbm>>
          tpu.enqueue_indirect_dma source(%dma_start3A_610 : memref<20496x128xf32, #tpu.memory_space<hbm>>) target(%dma_start3A_604 : memref<112x128xf32, #tpu.memory_space<vmem>>) offsets(%dma_start3A_607 : memref<112xi32, #tpu.memory_space<vmem>>) semaphore(%arg24 : memref<!tpu.dma_semaphore, #tpu.memory_space<semaphore_mem>>)
        } else {
        }
        %jit3A = arith.constant 8 : i32
        %eq3A_234 = arith.constant 0 : i32
        %eq3A_235 = arith.cmpi eq, %jit3A, %eq3A_234 : i32
        %jit3A_236 = arith.constant 1 : i32
        %select_n3A_237 = arith.select %eq3A_235, %jit3A_236, %jit3A : i32
        %rem3A = arith.remsi %scan3A_228, %select_n3A_237 : i32
        %ne3A = arith.constant 0 : i32
        %ne3A_238 = arith.cmpi ne, %rem3A, %ne3A : i32
        %lt3A_239 = arith.constant 0 : i32
        %lt3A_240 = arith.cmpi slt, %rem3A, %lt3A_239 : i32
        %lt3A_241 = arith.constant 0 : i32
        %lt3A_242 = arith.cmpi slt, %select_n3A_237, %lt3A_241 : i32
        %ne3A_243 = arith.xori %lt3A_240, %lt3A_242 : i1
        %and3A = arith.andi %ne3A_243, %ne3A_238 : i1
        %add3A_244 = arith.addi %rem3A, %select_n3A_237 : i32
        %select_n3A_245 = arith.select %and3A, %add3A_244, %rem3A : i32
        %jit3A_246 = arith.constant 4 : i32
        %eq3A_247 = arith.constant 0 : i32
        %eq3A_248 = arith.cmpi eq, %jit3A_246, %eq3A_247 : i32
        %jit3A_249 = arith.constant 1 : i32
        %select_n3A_250 = arith.select %eq3A_248, %jit3A_249, %jit3A_246 : i32
        %rem3A_251 = arith.remsi %scan3A_228, %select_n3A_250 : i32
        %ne3A_252 = arith.constant 0 : i32
        %ne3A_253 = arith.cmpi ne, %rem3A_251, %ne3A_252 : i32
        %lt3A_254 = arith.constant 0 : i32
        %lt3A_255 = arith.cmpi slt, %rem3A_251, %lt3A_254 : i32
        %lt3A_256 = arith.constant 0 : i32
        %lt3A_257 = arith.cmpi slt, %select_n3A_250, %lt3A_256 : i32
        %ne3A_258 = arith.xori %lt3A_255, %lt3A_257 : i1
        %and3A_259 = arith.andi %ne3A_258, %ne3A_253 : i1
        %add3A_260 = arith.addi %rem3A_251, %select_n3A_250 : i32
        %select_n3A_261 = arith.select %and3A_259, %add3A_260, %rem3A_251 : i32
        %dma_wait3A = arith.constant 0 : i32
        %dma_wait3A_262 = arith.constant 0 : i32
        %dma_wait3A_263 = tpu.memref_slice %run_scoped3A_32[%select_n3A_261, %dma_wait3A, %dma_wait3A_262] : memref<4x112x128xf32, #tpu.memory_space<vmem>> -> memref<1x112x128xf32, #tpu.memory_space<vmem>>
        %dma_wait3A_264 = tpu.memref_squeeze %dma_wait3A_263 : memref<1x112x128xf32, #tpu.memory_space<vmem>> -> memref<112x128xf32, #tpu.memory_space<vmem>>
        %dma_wait3A_265 = arith.constant 0 : i32
        %dma_wait3A_266 = tpu.memref_slice %run_scoped3A_31[%select_n3A_245, %dma_wait3A_265] : memref<8x112xi32, #tpu.memory_space<vmem>> -> memref<1x112xi32, #tpu.memory_space<vmem>>
        %dma_wait3A_267 = tpu.memref_squeeze %dma_wait3A_266 : memref<1x112xi32, #tpu.memory_space<vmem>> -> memref<112xi32, #tpu.memory_space<vmem>>
        %dma_wait3A_268 = arith.constant 0 : i32
        %dma_wait3A_269 = arith.constant 0 : i32
        %dma_wait3A_270 = tpu.memref_slice %arg11[%dma_wait3A_268, %dma_wait3A_269] : memref<20496x128xf32, #tpu.memory_space<hbm>> -> memref<20496x128xf32, #tpu.memory_space<hbm>>
        tpu.wait_indirect_dma semaphore(%arg24 : memref<!tpu.dma_semaphore, #tpu.memory_space<semaphore_mem>>) src(%dma_wait3A_270 : memref<20496x128xf32, #tpu.memory_space<hbm>>) dst(%dma_wait3A_264 : memref<112x128xf32, #tpu.memory_space<vmem>>)
        %scan3A_271 = arith.constant 0 : i32
        %scan3A_272 = arith.constant 112 : i32
        %scan3A_273 = arith.addi %scan3A_271, %scan3A_272 : i32
        %scan3A_274 = arith.constant 4 : i32
        %scan3A_275:8 = scf.for %scan3A_454 = %scan3A_271 to %scan3A_273 step %scan3A_274 iter_args(%scan3A_455 = %broadcast_in_dim3A_16, %scan3A_456 = %broadcast_in_dim3A_18, %scan3A_457 = %broadcast_in_dim3A_20, %scan3A_458 = %broadcast_in_dim3A_22, %scan3A_459 = %broadcast_in_dim3A_24, %scan3A_460 = %broadcast_in_dim3A_26, %scan3A_461 = %broadcast_in_dim3A_28, %scan3A_462 = %broadcast_in_dim3A_30) -> (vector<16xf32>, vector<16xf32>, vector<16xf32>, vector<16xf32>, vector<16xf32>, vector<16xf32>, vector<16xf32>, vector<16xf32>)  : i32 {
          %jit3A_463 = arith.constant 4 : i32
          %eq3A_464 = arith.constant 0 : i32
          %eq3A_465 = arith.cmpi eq, %jit3A_463, %eq3A_464 : i32
          %jit3A_466 = arith.constant 1 : i32
          %select_n3A_467 = arith.select %eq3A_465, %jit3A_466, %jit3A_463 : i32
          %rem3A_468 = arith.remsi %scan3A_228, %select_n3A_467 : i32
          %ne3A_469 = arith.constant 0 : i32
          %ne3A_470 = arith.cmpi ne, %rem3A_468, %ne3A_469 : i32
          %lt3A_471 = arith.constant 0 : i32
          %lt3A_472 = arith.cmpi slt, %rem3A_468, %lt3A_471 : i32
          %lt3A_473 = arith.constant 0 : i32
          %lt3A_474 = arith.cmpi slt, %select_n3A_467, %lt3A_473 : i32
          %ne3A_475 = arith.xori %lt3A_472, %lt3A_474 : i1
          %and3A_476 = arith.andi %ne3A_475, %ne3A_470 : i1
          %add3A_477 = arith.addi %rem3A_468, %select_n3A_467 : i32
          %select_n3A_478 = arith.select %and3A_476, %add3A_477, %rem3A_468 : i32
          %get3A_479 = arith.index_cast %select_n3A_478 : i32 to index
          %get3A_480 = arith.index_cast %scan3A_454 : i32 to index
          %get3A_481 = arith.constant 0 : index
          %get3A_482 = tpu.vector_load %run_scoped3A_32[%get3A_479, %get3A_480, %get3A_481] {strides = array<i32>} : memref<4x112x128xf32, #tpu.memory_space<vmem>>, vector<16xf32>,
          %add3A_483 = arith.addf %scan3A_455, %get3A_482 : vector<16xf32>
          %jit3A_484 = arith.constant 4 : i32
          %eq3A_485 = arith.constant 0 : i32
          %eq3A_486 = arith.cmpi eq, %jit3A_484, %eq3A_485 : i32
          %jit3A_487 = arith.constant 1 : i32
          %select_n3A_488 = arith.select %eq3A_486, %jit3A_487, %jit3A_484 : i32
          %rem3A_489 = arith.remsi %scan3A_228, %select_n3A_488 : i32
          %ne3A_490 = arith.constant 0 : i32
          %ne3A_491 = arith.cmpi ne, %rem3A_489, %ne3A_490 : i32
          %lt3A_492 = arith.constant 0 : i32
          %lt3A_493 = arith.cmpi slt, %rem3A_489, %lt3A_492 : i32
          %lt3A_494 = arith.constant 0 : i32
          %lt3A_495 = arith.cmpi slt, %select_n3A_488, %lt3A_494 : i32
          %ne3A_496 = arith.xori %lt3A_493, %lt3A_495 : i1
          %and3A_497 = arith.andi %ne3A_496, %ne3A_491 : i1
          %add3A_498 = arith.addi %rem3A_489, %select_n3A_488 : i32
          %select_n3A_499 = arith.select %and3A_497, %add3A_498, %rem3A_489 : i32
          %get3A_500 = arith.index_cast %select_n3A_499 : i32 to index
          %get3A_501 = arith.index_cast %scan3A_454 : i32 to index
          %get3A_502 = arith.constant 16 : index
          %get3A_503 = tpu.vector_load %run_scoped3A_32[%get3A_500, %get3A_501, %get3A_502] {strides = array<i32>} : memref<4x112x128xf32, #tpu.memory_space<vmem>>, vector<16xf32>,
          %add3A_504 = arith.addf %scan3A_456, %get3A_503 : vector<16xf32>
          %jit3A_505 = arith.constant 4 : i32
          %eq3A_506 = arith.constant 0 : i32
          %eq3A_507 = arith.cmpi eq, %jit3A_505, %eq3A_506 : i32
          %jit3A_508 = arith.constant 1 : i32
          %select_n3A_509 = arith.select %eq3A_507, %jit3A_508, %jit3A_505 : i32
          %rem3A_510 = arith.remsi %scan3A_228, %select_n3A_509 : i32
          %ne3A_511 = arith.constant 0 : i32
          %ne3A_512 = arith.cmpi ne, %rem3A_510, %ne3A_511 : i32
          %lt3A_513 = arith.constant 0 : i32
          %lt3A_514 = arith.cmpi slt, %rem3A_510, %lt3A_513 : i32
          %lt3A_515 = arith.constant 0 : i32
          %lt3A_516 = arith.cmpi slt, %select_n3A_509, %lt3A_515 : i32
          %ne3A_517 = arith.xori %lt3A_514, %lt3A_516 : i1
          %and3A_518 = arith.andi %ne3A_517, %ne3A_512 : i1
          %add3A_519 = arith.addi %rem3A_510, %select_n3A_509 : i32
          %select_n3A_520 = arith.select %and3A_518, %add3A_519, %rem3A_510 : i32
          %get3A_521 = arith.index_cast %select_n3A_520 : i32 to index
          %get3A_522 = arith.index_cast %scan3A_454 : i32 to index
          %get3A_523 = arith.constant 32 : index
          %get3A_524 = tpu.vector_load %run_scoped3A_32[%get3A_521, %get3A_522, %get3A_523] {strides = array<i32>} : memref<4x112x128xf32, #tpu.memory_space<vmem>>, vector<16xf32>,
          %add3A_525 = arith.addf %scan3A_457, %get3A_524 : vector<16xf32>
          %jit3A_526 = arith.constant 4 : i32
          %eq3A_527 = arith.constant 0 : i32
          %eq3A_528 = arith.cmpi eq, %jit3A_526, %eq3A_527 : i32
          %jit3A_529 = arith.constant 1 : i32
          %select_n3A_530 = arith.select %eq3A_528, %jit3A_529, %jit3A_526 : i32
          %rem3A_531 = arith.remsi %scan3A_228, %select_n3A_530 : i32
          %ne3A_532 = arith.constant 0 : i32
          %ne3A_533 = arith.cmpi ne, %rem3A_531, %ne3A_532 : i32
          %lt3A_534 = arith.constant 0 : i32
          %lt3A_535 = arith.cmpi slt, %rem3A_531, %lt3A_534 : i32
          %lt3A_536 = arith.constant 0 : i32
          %lt3A_537 = arith.cmpi slt, %select_n3A_530, %lt3A_536 : i32
          %ne3A_538 = arith.xori %lt3A_535, %lt3A_537 : i1
          %and3A_539 = arith.andi %ne3A_538, %ne3A_533 : i1
          %add3A_540 = arith.addi %rem3A_531, %select_n3A_530 : i32
          %select_n3A_541 = arith.select %and3A_539, %add3A_540, %rem3A_531 : i32
          %get3A_542 = arith.index_cast %select_n3A_541 : i32 to index
          %get3A_543 = arith.index_cast %scan3A_454 : i32 to index
          %get3A_544 = arith.constant 48 : index
          %get3A_545 = tpu.vector_load %run_scoped3A_32[%get3A_542, %get3A_543, %get3A_544] {strides = array<i32>} : memref<4x112x128xf32, #tpu.memory_space<vmem>>, vector<16xf32>,
          %add3A_546 = arith.addf %scan3A_458, %get3A_545 : vector<16xf32>
          %jit3A_547 = arith.constant 4 : i32
          %eq3A_548 = arith.constant 0 : i32
          %eq3A_549 = arith.cmpi eq, %jit3A_547, %eq3A_548 : i32
          %jit3A_550 = arith.constant 1 : i32
          %select_n3A_551 = arith.select %eq3A_549, %jit3A_550, %jit3A_547 : i32
          %rem3A_552 = arith.remsi %scan3A_228, %select_n3A_551 : i32
          %ne3A_553 = arith.constant 0 : i32
          %ne3A_554 = arith.cmpi ne, %rem3A_552, %ne3A_553 : i32
          %lt3A_555 = arith.constant 0 : i32
          %lt3A_556 = arith.cmpi slt, %rem3A_552, %lt3A_555 : i32
          %lt3A_557 = arith.constant 0 : i32
          %lt3A_558 = arith.cmpi slt, %select_n3A_551, %lt3A_557 : i32
          %ne3A_559 = arith.xori %lt3A_556, %lt3A_558 : i1
          %and3A_560 = arith.andi %ne3A_559, %ne3A_554 : i1
          %add3A_561 = arith.addi %rem3A_552, %select_n3A_551 : i32
          %select_n3A_562 = arith.select %and3A_560, %add3A_561, %rem3A_552 : i32
          %get3A_563 = arith.index_cast %select_n3A_562 : i32 to index
          %get3A_564 = arith.index_cast %scan3A_454 : i32 to index
          %get3A_565 = arith.constant 64 : index
          %get3A_566 = tpu.vector_load %run_scoped3A_32[%get3A_563, %get3A_564, %get3A_565] {strides = array<i32>} : memref<4x112x128xf32, #tpu.memory_space<vmem>>, vector<16xf32>,
          %add3A_567 = arith.addf %scan3A_459, %get3A_566 : vector<16xf32>
          %jit3A_568 = arith.constant 4 : i32
          %eq3A_569 = arith.constant 0 : i32
          %eq3A_570 = arith.cmpi eq, %jit3A_568, %eq3A_569 : i32
          %jit3A_571 = arith.constant 1 : i32
          %select_n3A_572 = arith.select %eq3A_570, %jit3A_571, %jit3A_568 : i32
          %rem3A_573 = arith.remsi %scan3A_228, %select_n3A_572 : i32
          %ne3A_574 = arith.constant 0 : i32
          %ne3A_575 = arith.cmpi ne, %rem3A_573, %ne3A_574 : i32
          %lt3A_576 = arith.constant 0 : i32
          %lt3A_577 = arith.cmpi slt, %rem3A_573, %lt3A_576 : i32
          %lt3A_578 = arith.constant 0 : i32
          %lt3A_579 = arith.cmpi slt, %select_n3A_572, %lt3A_578 : i32
          %ne3A_580 = arith.xori %lt3A_577, %lt3A_579 : i1
          %and3A_581 = arith.andi %ne3A_580, %ne3A_575 : i1
          %add3A_582 = arith.addi %rem3A_573, %select_n3A_572 : i32
          %select_n3A_583 = arith.select %and3A_581, %add3A_582, %rem3A_573 : i32
          %get3A_584 = arith.index_cast %select_n3A_583 : i32 to index
          %get3A_585 = arith.index_cast %scan3A_454 : i32 to index
          %get3A_586 = arith.constant 80 : index
          %get3A_587 = tpu.vector_load %run_scoped3A_32[%get3A_584, %get3A_585, %get3A_586] {strides = array<i32>} : memref<4x112x128xf32, #tpu.memory_space<vmem>>, vector<16xf32>,
          %add3A_588 = arith.addf %scan3A_460, %get3A_587 : vector<16xf32>
          %jit3A_589 = arith.constant 4 : i32
          %eq3A_590 = arith.constant 0 : i32
          %eq3A_591 = arith.cmpi eq, %jit3A_589, %eq3A_590 : i32
          %jit3A_592 = arith.constant 1 : i32
          %select_n3A_593 = arith.select %eq3A_591, %jit3A_592, %jit3A_589 : i32
          %rem3A_594 = arith.remsi %scan3A_228, %select_n3A_593 : i32
          %ne3A_595 = arith.constant 0 : i32
          %ne3A_596 = arith.cmpi ne, %rem3A_594, %ne3A_595 : i32
          %lt3A_597 = arith.constant 0 : i32
          %lt3A_598 = arith.cmpi slt, %rem3A_594, %lt3A_597 : i32
          %lt3A_599 = arith.constant 0 : i32
          %lt3A_600 = arith.cmpi slt, %select_n3A_593, %lt3A_599 : i32
          %ne3A_601 = arith.xori %lt3A_598, %lt3A_600 : i1
          %and3A_602 = arith.andi %ne3A_601, %ne3A_596 : i1
          %add3A_603 = arith.addi %rem3A_594, %select_n3A_593 : i32
          %select_n3A_604 = arith.select %and3A_602, %add3A_603, %rem3A_594 : i32
          %get3A_605 = arith.index_cast %select_n3A_604 : i32 to index
          %get3A_606 = arith.index_cast %scan3A_454 : i32 to index
          %get3A_607 = arith.constant 96 : index
          %get3A_608 = tpu.vector_load %run_scoped3A_32[%get3A_605, %get3A_606, %get3A_607] {strides = array<i32>} : memref<4x112x128xf32, #tpu.memory_space<vmem>>, vector<16xf32>,
          %add3A_609 = arith.addf %scan3A_461, %get3A_608 : vector<16xf32>
          %jit3A_610 = arith.constant 4 : i32
          %eq3A_611 = arith.constant 0 : i32
          %eq3A_612 = arith.cmpi eq, %jit3A_610, %eq3A_611 : i32
          %jit3A_613 = arith.constant 1 : i32
          %select_n3A_614 = arith.select %eq3A_612, %jit3A_613, %jit3A_610 : i32
          %rem3A_615 = arith.remsi %scan3A_228, %select_n3A_614 : i32
          %ne3A_616 = arith.constant 0 : i32
          %ne3A_617 = arith.cmpi ne, %rem3A_615, %ne3A_616 : i32
          %lt3A_618 = arith.constant 0 : i32
          %lt3A_619 = arith.cmpi slt, %rem3A_615, %lt3A_618 : i32
          %lt3A_620 = arith.constant 0 : i32
          %lt3A_621 = arith.cmpi slt, %select_n3A_614, %lt3A_620 : i32
          %ne3A_622 = arith.xori %lt3A_619, %lt3A_621 : i1
          %and3A_623 = arith.andi %ne3A_622, %ne3A_617 : i1
          %add3A_624 = arith.addi %rem3A_615, %select_n3A_614 : i32
          %select_n3A_625 = arith.select %and3A_623, %add3A_624, %rem3A_615 : i32
          %get3A_626 = arith.index_cast %select_n3A_625 : i32 to index
          %get3A_627 = arith.index_cast %scan3A_454 : i32 to index
          %get3A_628 = arith.constant 112 : index
          %get3A_629 = tpu.vector_load %run_scoped3A_32[%get3A_626, %get3A_627, %get3A_628] {strides = array<i32>} : memref<4x112x128xf32, #tpu.memory_space<vmem>>, vector<16xf32>,
          %add3A_630 = arith.addf %scan3A_462, %get3A_629 : vector<16xf32>
          %scan3A_631 = arith.constant 1 : i32
          %scan3A_632 = arith.addi %scan3A_454, %scan3A_631 : i32
          %jit3A_633 = arith.constant 4 : i32
          %eq3A_634 = arith.constant 0 : i32
          %eq3A_635 = arith.cmpi eq, %jit3A_633, %eq3A_634 : i32
          %jit3A_636 = arith.constant 1 : i32
          %select_n3A_637 = arith.select %eq3A_635, %jit3A_636, %jit3A_633 : i32
          %rem3A_638 = arith.remsi %scan3A_228, %select_n3A_637 : i32
          %ne3A_639 = arith.constant 0 : i32
          %ne3A_640 = arith.cmpi ne, %rem3A_638, %ne3A_639 : i32
          %lt3A_641 = arith.constant 0 : i32
          %lt3A_642 = arith.cmpi slt, %rem3A_638, %lt3A_641 : i32
          %lt3A_643 = arith.constant 0 : i32
          %lt3A_644 = arith.cmpi slt, %select_n3A_637, %lt3A_643 : i32
          %ne3A_645 = arith.xori %lt3A_642, %lt3A_644 : i1
          %and3A_646 = arith.andi %ne3A_645, %ne3A_640 : i1
          %add3A_647 = arith.addi %rem3A_638, %select_n3A_637 : i32
          %select_n3A_648 = arith.select %and3A_646, %add3A_647, %rem3A_638 : i32
          %get3A_649 = arith.index_cast %select_n3A_648 : i32 to index
          %get3A_650 = arith.index_cast %scan3A_632 : i32 to index
          %get3A_651 = arith.constant 0 : index
          %get3A_652 = tpu.vector_load %run_scoped3A_32[%get3A_649, %get3A_650, %get3A_651] {strides = array<i32>} : memref<4x112x128xf32, #tpu.memory_space<vmem>>, vector<16xf32>,
          %add3A_653 = arith.addf %add3A_483, %get3A_652 : vector<16xf32>
          %jit3A_654 = arith.constant 4 : i32
          %eq3A_655 = arith.constant 0 : i32
          %eq3A_656 = arith.cmpi eq, %jit3A_654, %eq3A_655 : i32
          %jit3A_657 = arith.constant 1 : i32
          %select_n3A_658 = arith.select %eq3A_656, %jit3A_657, %jit3A_654 : i32
          %rem3A_659 = arith.remsi %scan3A_228, %select_n3A_658 : i32
          %ne3A_660 = arith.constant 0 : i32
          %ne3A_661 = arith.cmpi ne, %rem3A_659, %ne3A_660 : i32
          %lt3A_662 = arith.constant 0 : i32
          %lt3A_663 = arith.cmpi slt, %rem3A_659, %lt3A_662 : i32
          %lt3A_664 = arith.constant 0 : i32
          %lt3A_665 = arith.cmpi slt, %select_n3A_658, %lt3A_664 : i32
          %ne3A_666 = arith.xori %lt3A_663, %lt3A_665 : i1
          %and3A_667 = arith.andi %ne3A_666, %ne3A_661 : i1
          %add3A_668 = arith.addi %rem3A_659, %select_n3A_658 : i32
          %select_n3A_669 = arith.select %and3A_667, %add3A_668, %rem3A_659 : i32
          %get3A_670 = arith.index_cast %select_n3A_669 : i32 to index
          %get3A_671 = arith.index_cast %scan3A_632 : i32 to index
          %get3A_672 = arith.constant 16 : index
          %get3A_673 = tpu.vector_load %run_scoped3A_32[%get3A_670, %get3A_671, %get3A_672] {strides = array<i32>} : memref<4x112x128xf32, #tpu.memory_space<vmem>>, vector<16xf32>,
          %add3A_674 = arith.addf %add3A_504, %get3A_673 : vector<16xf32>
          %jit3A_675 = arith.constant 4 : i32
          %eq3A_676 = arith.constant 0 : i32
          %eq3A_677 = arith.cmpi eq, %jit3A_675, %eq3A_676 : i32
          %jit3A_678 = arith.constant 1 : i32
          %select_n3A_679 = arith.select %eq3A_677, %jit3A_678, %jit3A_675 : i32
          %rem3A_680 = arith.remsi %scan3A_228, %select_n3A_679 : i32
          %ne3A_681 = arith.constant 0 : i32
          %ne3A_682 = arith.cmpi ne, %rem3A_680, %ne3A_681 : i32
          %lt3A_683 = arith.constant 0 : i32
          %lt3A_684 = arith.cmpi slt, %rem3A_680, %lt3A_683 : i32
          %lt3A_685 = arith.constant 0 : i32
          %lt3A_686 = arith.cmpi slt, %select_n3A_679, %lt3A_685 : i32
          %ne3A_687 = arith.xori %lt3A_684, %lt3A_686 : i1
          %and3A_688 = arith.andi %ne3A_687, %ne3A_682 : i1
          %add3A_689 = arith.addi %rem3A_680, %select_n3A_679 : i32
          %select_n3A_690 = arith.select %and3A_688, %add3A_689, %rem3A_680 : i32
          %get3A_691 = arith.index_cast %select_n3A_690 : i32 to index
          %get3A_692 = arith.index_cast %scan3A_632 : i32 to index
          %get3A_693 = arith.constant 32 : index
          %get3A_694 = tpu.vector_load %run_scoped3A_32[%get3A_691, %get3A_692, %get3A_693] {strides = array<i32>} : memref<4x112x128xf32, #tpu.memory_space<vmem>>, vector<16xf32>,
          %add3A_695 = arith.addf %add3A_525, %get3A_694 : vector<16xf32>
          %jit3A_696 = arith.constant 4 : i32
          %eq3A_697 = arith.constant 0 : i32
          %eq3A_698 = arith.cmpi eq, %jit3A_696, %eq3A_697 : i32
          %jit3A_699 = arith.constant 1 : i32
          %select_n3A_700 = arith.select %eq3A_698, %jit3A_699, %jit3A_696 : i32
          %rem3A_701 = arith.remsi %scan3A_228, %select_n3A_700 : i32
          %ne3A_702 = arith.constant 0 : i32
          %ne3A_703 = arith.cmpi ne, %rem3A_701, %ne3A_702 : i32
          %lt3A_704 = arith.constant 0 : i32
          %lt3A_705 = arith.cmpi slt, %rem3A_701, %lt3A_704 : i32
          %lt3A_706 = arith.constant 0 : i32
          %lt3A_707 = arith.cmpi slt, %select_n3A_700, %lt3A_706 : i32
          %ne3A_708 = arith.xori %lt3A_705, %lt3A_707 : i1
          %and3A_709 = arith.andi %ne3A_708, %ne3A_703 : i1
          %add3A_710 = arith.addi %rem3A_701, %select_n3A_700 : i32
          %select_n3A_711 = arith.select %and3A_709, %add3A_710, %rem3A_701 : i32
          %get3A_712 = arith.index_cast %select_n3A_711 : i32 to index
          %get3A_713 = arith.index_cast %scan3A_632 : i32 to index
          %get3A_714 = arith.constant 48 : index
          %get3A_715 = tpu.vector_load %run_scoped3A_32[%get3A_712, %get3A_713, %get3A_714] {strides = array<i32>} : memref<4x112x128xf32, #tpu.memory_space<vmem>>, vector<16xf32>,
          %add3A_716 = arith.addf %add3A_546, %get3A_715 : vector<16xf32>
          %jit3A_717 = arith.constant 4 : i32
          %eq3A_718 = arith.constant 0 : i32
          %eq3A_719 = arith.cmpi eq, %jit3A_717, %eq3A_718 : i32
          %jit3A_720 = arith.constant 1 : i32
          %select_n3A_721 = arith.select %eq3A_719, %jit3A_720, %jit3A_717 : i32
          %rem3A_722 = arith.remsi %scan3A_228, %select_n3A_721 : i32
          %ne3A_723 = arith.constant 0 : i32
          %ne3A_724 = arith.cmpi ne, %rem3A_722, %ne3A_723 : i32
          %lt3A_725 = arith.constant 0 : i32
          %lt3A_726 = arith.cmpi slt, %rem3A_722, %lt3A_725 : i32
          %lt3A_727 = arith.constant 0 : i32
          %lt3A_728 = arith.cmpi slt, %select_n3A_721, %lt3A_727 : i32
          %ne3A_729 = arith.xori %lt3A_726, %lt3A_728 : i1
          %and3A_730 = arith.andi %ne3A_729, %ne3A_724 : i1
          %add3A_731 = arith.addi %rem3A_722, %select_n3A_721 : i32
          %select_n3A_732 = arith.select %and3A_730, %add3A_731, %rem3A_722 : i32
          %get3A_733 = arith.index_cast %select_n3A_732 : i32 to index
          %get3A_734 = arith.index_cast %scan3A_632 : i32 to index
          %get3A_735 = arith.constant 64 : index
          %get3A_736 = tpu.vector_load %run_scoped3A_32[%get3A_733, %get3A_734, %get3A_735] {strides = array<i32>} : memref<4x112x128xf32, #tpu.memory_space<vmem>>, vector<16xf32>,
          %add3A_737 = arith.addf %add3A_567, %get3A_736 : vector<16xf32>
          %jit3A_738 = arith.constant 4 : i32
          %eq3A_739 = arith.constant 0 : i32
          %eq3A_740 = arith.cmpi eq, %jit3A_738, %eq3A_739 : i32
          %jit3A_741 = arith.constant 1 : i32
          %select_n3A_742 = arith.select %eq3A_740, %jit3A_741, %jit3A_738 : i32
          %rem3A_743 = arith.remsi %scan3A_228, %select_n3A_742 : i32
          %ne3A_744 = arith.constant 0 : i32
          %ne3A_745 = arith.cmpi ne, %rem3A_743, %ne3A_744 : i32
          %lt3A_746 = arith.constant 0 : i32
          %lt3A_747 = arith.cmpi slt, %rem3A_743, %lt3A_746 : i32
          %lt3A_748 = arith.constant 0 : i32
          %lt3A_749 = arith.cmpi slt, %select_n3A_742, %lt3A_748 : i32
          %ne3A_750 = arith.xori %lt3A_747, %lt3A_749 : i1
          %and3A_751 = arith.andi %ne3A_750, %ne3A_745 : i1
          %add3A_752 = arith.addi %rem3A_743, %select_n3A_742 : i32
          %select_n3A_753 = arith.select %and3A_751, %add3A_752, %rem3A_743 : i32
          %get3A_754 = arith.index_cast %select_n3A_753 : i32 to index
          %get3A_755 = arith.index_cast %scan3A_632 : i32 to index
          %get3A_756 = arith.constant 80 : index
          %get3A_757 = tpu.vector_load %run_scoped3A_32[%get3A_754, %get3A_755, %get3A_756] {strides = array<i32>} : memref<4x112x128xf32, #tpu.memory_space<vmem>>, vector<16xf32>,
          %add3A_758 = arith.addf %add3A_588, %get3A_757 : vector<16xf32>
          %jit3A_759 = arith.constant 4 : i32
          %eq3A_760 = arith.constant 0 : i32
          %eq3A_761 = arith.cmpi eq, %jit3A_759, %eq3A_760 : i32
          %jit3A_762 = arith.constant 1 : i32
          %select_n3A_763 = arith.select %eq3A_761, %jit3A_762, %jit3A_759 : i32
          %rem3A_764 = arith.remsi %scan3A_228, %select_n3A_763 : i32
          %ne3A_765 = arith.constant 0 : i32
          %ne3A_766 = arith.cmpi ne, %rem3A_764, %ne3A_765 : i32
          %lt3A_767 = arith.constant 0 : i32
          %lt3A_768 = arith.cmpi slt, %rem3A_764, %lt3A_767 : i32
          %lt3A_769 = arith.constant 0 : i32
          %lt3A_770 = arith.cmpi slt, %select_n3A_763, %lt3A_769 : i32
          %ne3A_771 = arith.xori %lt3A_768, %lt3A_770 : i1
          %and3A_772 = arith.andi %ne3A_771, %ne3A_766 : i1
          %add3A_773 = arith.addi %rem3A_764, %select_n3A_763 : i32
          %select_n3A_774 = arith.select %and3A_772, %add3A_773, %rem3A_764 : i32
          %get3A_775 = arith.index_cast %select_n3A_774 : i32 to index
          %get3A_776 = arith.index_cast %scan3A_632 : i32 to index
          %get3A_777 = arith.constant 96 : index
          %get3A_778 = tpu.vector_load %run_scoped3A_32[%get3A_775, %get3A_776, %get3A_777] {strides = array<i32>} : memref<4x112x128xf32, #tpu.memory_space<vmem>>, vector<16xf32>,
          %add3A_779 = arith.addf %add3A_609, %get3A_778 : vector<16xf32>
          %jit3A_780 = arith.constant 4 : i32
          %eq3A_781 = arith.constant 0 : i32
          %eq3A_782 = arith.cmpi eq, %jit3A_780, %eq3A_781 : i32
          %jit3A_783 = arith.constant 1 : i32
          %select_n3A_784 = arith.select %eq3A_782, %jit3A_783, %jit3A_780 : i32
          %rem3A_785 = arith.remsi %scan3A_228, %select_n3A_784 : i32
          %ne3A_786 = arith.constant 0 : i32
          %ne3A_787 = arith.cmpi ne, %rem3A_785, %ne3A_786 : i32
          %lt3A_788 = arith.constant 0 : i32
          %lt3A_789 = arith.cmpi slt, %rem3A_785, %lt3A_788 : i32
          %lt3A_790 = arith.constant 0 : i32
          %lt3A_791 = arith.cmpi slt, %select_n3A_784, %lt3A_790 : i32
          %ne3A_792 = arith.xori %lt3A_789, %lt3A_791 : i1
          %and3A_793 = arith.andi %ne3A_792, %ne3A_787 : i1
          %add3A_794 = arith.addi %rem3A_785, %select_n3A_784 : i32
          %select_n3A_795 = arith.select %and3A_793, %add3A_794, %rem3A_785 : i32
          %get3A_796 = arith.index_cast %select_n3A_795 : i32 to index
          %get3A_797 = arith.index_cast %scan3A_632 : i32 to index
          %get3A_798 = arith.constant 112 : index
          %get3A_799 = tpu.vector_load %run_scoped3A_32[%get3A_796, %get3A_797, %get3A_798] {strides = array<i32>} : memref<4x112x128xf32, #tpu.memory_space<vmem>>, vector<16xf32>,
          %add3A_800 = arith.addf %add3A_630, %get3A_799 : vector<16xf32>
          %scan3A_801 = arith.constant 2 : i32
          %scan3A_802 = arith.addi %scan3A_454, %scan3A_801 : i32
          %jit3A_803 = arith.constant 4 : i32
          %eq3A_804 = arith.constant 0 : i32
          %eq3A_805 = arith.cmpi eq, %jit3A_803, %eq3A_804 : i32
          %jit3A_806 = arith.constant 1 : i32
          %select_n3A_807 = arith.select %eq3A_805, %jit3A_806, %jit3A_803 : i32
          %rem3A_808 = arith.remsi %scan3A_228, %select_n3A_807 : i32
          %ne3A_809 = arith.constant 0 : i32
          %ne3A_810 = arith.cmpi ne, %rem3A_808, %ne3A_809 : i32
          %lt3A_811 = arith.constant 0 : i32
          %lt3A_812 = arith.cmpi slt, %rem3A_808, %lt3A_811 : i32
          %lt3A_813 = arith.constant 0 : i32
          %lt3A_814 = arith.cmpi slt, %select_n3A_807, %lt3A_813 : i32
          %ne3A_815 = arith.xori %lt3A_812, %lt3A_814 : i1
          %and3A_816 = arith.andi %ne3A_815, %ne3A_810 : i1
          %add3A_817 = arith.addi %rem3A_808, %select_n3A_807 : i32
          %select_n3A_818 = arith.select %and3A_816, %add3A_817, %rem3A_808 : i32
          %get3A_819 = arith.index_cast %select_n3A_818 : i32 to index
          %get3A_820 = arith.index_cast %scan3A_802 : i32 to index
          %get3A_821 = arith.constant 0 : index
          %get3A_822 = tpu.vector_load %run_scoped3A_32[%get3A_819, %get3A_820, %get3A_821] {strides = array<i32>} : memref<4x112x128xf32, #tpu.memory_space<vmem>>, vector<16xf32>,
          %add3A_823 = arith.addf %add3A_653, %get3A_822 : vector<16xf32>
          %jit3A_824 = arith.constant 4 : i32
          %eq3A_825 = arith.constant 0 : i32
          %eq3A_826 = arith.cmpi eq, %jit3A_824, %eq3A_825 : i32
          %jit3A_827 = arith.constant 1 : i32
          %select_n3A_828 = arith.select %eq3A_826, %jit3A_827, %jit3A_824 : i32
          %rem3A_829 = arith.remsi %scan3A_228, %select_n3A_828 : i32
          %ne3A_830 = arith.constant 0 : i32
          %ne3A_831 = arith.cmpi ne, %rem3A_829, %ne3A_830 : i32
          %lt3A_832 = arith.constant 0 : i32
          %lt3A_833 = arith.cmpi slt, %rem3A_829, %lt3A_832 : i32
          %lt3A_834 = arith.constant 0 : i32
          %lt3A_835 = arith.cmpi slt, %select_n3A_828, %lt3A_834 : i32
          %ne3A_836 = arith.xori %lt3A_833, %lt3A_835 : i1
          %and3A_837 = arith.andi %ne3A_836, %ne3A_831 : i1
          %add3A_838 = arith.addi %rem3A_829, %select_n3A_828 : i32
          %select_n3A_839 = arith.select %and3A_837, %add3A_838, %rem3A_829 : i32
          %get3A_840 = arith.index_cast %select_n3A_839 : i32 to index
          %get3A_841 = arith.index_cast %scan3A_802 : i32 to index
          %get3A_842 = arith.constant 16 : index
          %get3A_843 = tpu.vector_load %run_scoped3A_32[%get3A_840, %get3A_841, %get3A_842] {strides = array<i32>} : memref<4x112x128xf32, #tpu.memory_space<vmem>>, vector<16xf32>,
          %add3A_844 = arith.addf %add3A_674, %get3A_843 : vector<16xf32>
          %jit3A_845 = arith.constant 4 : i32
          %eq3A_846 = arith.constant 0 : i32
          %eq3A_847 = arith.cmpi eq, %jit3A_845, %eq3A_846 : i32
          %jit3A_848 = arith.constant 1 : i32
          %select_n3A_849 = arith.select %eq3A_847, %jit3A_848, %jit3A_845 : i32
          %rem3A_850 = arith.remsi %scan3A_228, %select_n3A_849 : i32
          %ne3A_851 = arith.constant 0 : i32
          %ne3A_852 = arith.cmpi ne, %rem3A_850, %ne3A_851 : i32
          %lt3A_853 = arith.constant 0 : i32
          %lt3A_854 = arith.cmpi slt, %rem3A_850, %lt3A_853 : i32
          %lt3A_855 = arith.constant 0 : i32
          %lt3A_856 = arith.cmpi slt, %select_n3A_849, %lt3A_855 : i32
          %ne3A_857 = arith.xori %lt3A_854, %lt3A_856 : i1
          %and3A_858 = arith.andi %ne3A_857, %ne3A_852 : i1
          %add3A_859 = arith.addi %rem3A_850, %select_n3A_849 : i32
          %select_n3A_860 = arith.select %and3A_858, %add3A_859, %rem3A_850 : i32
          %get3A_861 = arith.index_cast %select_n3A_860 : i32 to index
          %get3A_862 = arith.index_cast %scan3A_802 : i32 to index
          %get3A_863 = arith.constant 32 : index
          %get3A_864 = tpu.vector_load %run_scoped3A_32[%get3A_861, %get3A_862, %get3A_863] {strides = array<i32>} : memref<4x112x128xf32, #tpu.memory_space<vmem>>, vector<16xf32>,
          %add3A_865 = arith.addf %add3A_695, %get3A_864 : vector<16xf32>
          %jit3A_866 = arith.constant 4 : i32
          %eq3A_867 = arith.constant 0 : i32
          %eq3A_868 = arith.cmpi eq, %jit3A_866, %eq3A_867 : i32
          %jit3A_869 = arith.constant 1 : i32
          %select_n3A_870 = arith.select %eq3A_868, %jit3A_869, %jit3A_866 : i32
          %rem3A_871 = arith.remsi %scan3A_228, %select_n3A_870 : i32
          %ne3A_872 = arith.constant 0 : i32
          %ne3A_873 = arith.cmpi ne, %rem3A_871, %ne3A_872 : i32
          %lt3A_874 = arith.constant 0 : i32
          %lt3A_875 = arith.cmpi slt, %rem3A_871, %lt3A_874 : i32
          %lt3A_876 = arith.constant 0 : i32
          %lt3A_877 = arith.cmpi slt, %select_n3A_870, %lt3A_876 : i32
          %ne3A_878 = arith.xori %lt3A_875, %lt3A_877 : i1
          %and3A_879 = arith.andi %ne3A_878, %ne3A_873 : i1
          %add3A_880 = arith.addi %rem3A_871, %select_n3A_870 : i32
          %select_n3A_881 = arith.select %and3A_879, %add3A_880, %rem3A_871 : i32
          %get3A_882 = arith.index_cast %select_n3A_881 : i32 to index
          %get3A_883 = arith.index_cast %scan3A_802 : i32 to index
          %get3A_884 = arith.constant 48 : index
          %get3A_885 = tpu.vector_load %run_scoped3A_32[%get3A_882, %get3A_883, %get3A_884] {strides = array<i32>} : memref<4x112x128xf32, #tpu.memory_space<vmem>>, vector<16xf32>,
          %add3A_886 = arith.addf %add3A_716, %get3A_885 : vector<16xf32>
          %jit3A_887 = arith.constant 4 : i32
          %eq3A_888 = arith.constant 0 : i32
          %eq3A_889 = arith.cmpi eq, %jit3A_887, %eq3A_888 : i32
          %jit3A_890 = arith.constant 1 : i32
          %select_n3A_891 = arith.select %eq3A_889, %jit3A_890, %jit3A_887 : i32
          %rem3A_892 = arith.remsi %scan3A_228, %select_n3A_891 : i32
          %ne3A_893 = arith.constant 0 : i32
          %ne3A_894 = arith.cmpi ne, %rem3A_892, %ne3A_893 : i32
          %lt3A_895 = arith.constant 0 : i32
          %lt3A_896 = arith.cmpi slt, %rem3A_892, %lt3A_895 : i32
          %lt3A_897 = arith.constant 0 : i32
          %lt3A_898 = arith.cmpi slt, %select_n3A_891, %lt3A_897 : i32
          %ne3A_899 = arith.xori %lt3A_896, %lt3A_898 : i1
          %and3A_900 = arith.andi %ne3A_899, %ne3A_894 : i1
          %add3A_901 = arith.addi %rem3A_892, %select_n3A_891 : i32
          %select_n3A_902 = arith.select %and3A_900, %add3A_901, %rem3A_892 : i32
          %get3A_903 = arith.index_cast %select_n3A_902 : i32 to index
          %get3A_904 = arith.index_cast %scan3A_802 : i32 to index
          %get3A_905 = arith.constant 64 : index
          %get3A_906 = tpu.vector_load %run_scoped3A_32[%get3A_903, %get3A_904, %get3A_905] {strides = array<i32>} : memref<4x112x128xf32, #tpu.memory_space<vmem>>, vector<16xf32>,
          %add3A_907 = arith.addf %add3A_737, %get3A_906 : vector<16xf32>
          %jit3A_908 = arith.constant 4 : i32
          %eq3A_909 = arith.constant 0 : i32
          %eq3A_910 = arith.cmpi eq, %jit3A_908, %eq3A_909 : i32
          %jit3A_911 = arith.constant 1 : i32
          %select_n3A_912 = arith.select %eq3A_910, %jit3A_911, %jit3A_908 : i32
          %rem3A_913 = arith.remsi %scan3A_228, %select_n3A_912 : i32
          %ne3A_914 = arith.constant 0 : i32
          %ne3A_915 = arith.cmpi ne, %rem3A_913, %ne3A_914 : i32
          %lt3A_916 = arith.constant 0 : i32
          %lt3A_917 = arith.cmpi slt, %rem3A_913, %lt3A_916 : i32
          %lt3A_918 = arith.constant 0 : i32
          %lt3A_919 = arith.cmpi slt, %select_n3A_912, %lt3A_918 : i32
          %ne3A_920 = arith.xori %lt3A_917, %lt3A_919 : i1
          %and3A_921 = arith.andi %ne3A_920, %ne3A_915 : i1
          %add3A_922 = arith.addi %rem3A_913, %select_n3A_912 : i32
          %select_n3A_923 = arith.select %and3A_921, %add3A_922, %rem3A_913 : i32
          %get3A_924 = arith.index_cast %select_n3A_923 : i32 to index
          %get3A_925 = arith.index_cast %scan3A_802 : i32 to index
          %get3A_926 = arith.constant 80 : index
          %get3A_927 = tpu.vector_load %run_scoped3A_32[%get3A_924, %get3A_925, %get3A_926] {strides = array<i32>} : memref<4x112x128xf32, #tpu.memory_space<vmem>>, vector<16xf32>,
          %add3A_928 = arith.addf %add3A_758, %get3A_927 : vector<16xf32>
          %jit3A_929 = arith.constant 4 : i32
          %eq3A_930 = arith.constant 0 : i32
          %eq3A_931 = arith.cmpi eq, %jit3A_929, %eq3A_930 : i32
          %jit3A_932 = arith.constant 1 : i32
          %select_n3A_933 = arith.select %eq3A_931, %jit3A_932, %jit3A_929 : i32
          %rem3A_934 = arith.remsi %scan3A_228, %select_n3A_933 : i32
          %ne3A_935 = arith.constant 0 : i32
          %ne3A_936 = arith.cmpi ne, %rem3A_934, %ne3A_935 : i32
          %lt3A_937 = arith.constant 0 : i32
          %lt3A_938 = arith.cmpi slt, %rem3A_934, %lt3A_937 : i32
          %lt3A_939 = arith.constant 0 : i32
          %lt3A_940 = arith.cmpi slt, %select_n3A_933, %lt3A_939 : i32
          %ne3A_941 = arith.xori %lt3A_938, %lt3A_940 : i1
          %and3A_942 = arith.andi %ne3A_941, %ne3A_936 : i1
          %add3A_943 = arith.addi %rem3A_934, %select_n3A_933 : i32
          %select_n3A_944 = arith.select %and3A_942, %add3A_943, %rem3A_934 : i32
          %get3A_945 = arith.index_cast %select_n3A_944 : i32 to index
          %get3A_946 = arith.index_cast %scan3A_802 : i32 to index
          %get3A_947 = arith.constant 96 : index
          %get3A_948 = tpu.vector_load %run_scoped3A_32[%get3A_945, %get3A_946, %get3A_947] {strides = array<i32>} : memref<4x112x128xf32, #tpu.memory_space<vmem>>, vector<16xf32>,
          %add3A_949 = arith.addf %add3A_779, %get3A_948 : vector<16xf32>
          %jit3A_950 = arith.constant 4 : i32
          %eq3A_951 = arith.constant 0 : i32
          %eq3A_952 = arith.cmpi eq, %jit3A_950, %eq3A_951 : i32
          %jit3A_953 = arith.constant 1 : i32
          %select_n3A_954 = arith.select %eq3A_952, %jit3A_953, %jit3A_950 : i32
          %rem3A_955 = arith.remsi %scan3A_228, %select_n3A_954 : i32
          %ne3A_956 = arith.constant 0 : i32
          %ne3A_957 = arith.cmpi ne, %rem3A_955, %ne3A_956 : i32
          %lt3A_958 = arith.constant 0 : i32
          %lt3A_959 = arith.cmpi slt, %rem3A_955, %lt3A_958 : i32
          %lt3A_960 = arith.constant 0 : i32
          %lt3A_961 = arith.cmpi slt, %select_n3A_954, %lt3A_960 : i32
          %ne3A_962 = arith.xori %lt3A_959, %lt3A_961 : i1
          %and3A_963 = arith.andi %ne3A_962, %ne3A_957 : i1
          %add3A_964 = arith.addi %rem3A_955, %select_n3A_954 : i32
          %select_n3A_965 = arith.select %and3A_963, %add3A_964, %rem3A_955 : i32
          %get3A_966 = arith.index_cast %select_n3A_965 : i32 to index
          %get3A_967 = arith.index_cast %scan3A_802 : i32 to index
          %get3A_968 = arith.constant 112 : index
          %get3A_969 = tpu.vector_load %run_scoped3A_32[%get3A_966, %get3A_967, %get3A_968] {strides = array<i32>} : memref<4x112x128xf32, #tpu.memory_space<vmem>>, vector<16xf32>,
          %add3A_970 = arith.addf %add3A_800, %get3A_969 : vector<16xf32>
          %scan3A_971 = arith.constant 3 : i32
          %scan3A_972 = arith.addi %scan3A_454, %scan3A_971 : i32
          %jit3A_973 = arith.constant 4 : i32
          %eq3A_974 = arith.constant 0 : i32
          %eq3A_975 = arith.cmpi eq, %jit3A_973, %eq3A_974 : i32
          %jit3A_976 = arith.constant 1 : i32
          %select_n3A_977 = arith.select %eq3A_975, %jit3A_976, %jit3A_973 : i32
          %rem3A_978 = arith.remsi %scan3A_228, %select_n3A_977 : i32
          %ne3A_979 = arith.constant 0 : i32
          %ne3A_980 = arith.cmpi ne, %rem3A_978, %ne3A_979 : i32
          %lt3A_981 = arith.constant 0 : i32
          %lt3A_982 = arith.cmpi slt, %rem3A_978, %lt3A_981 : i32
          %lt3A_983 = arith.constant 0 : i32
          %lt3A_984 = arith.cmpi slt, %select_n3A_977, %lt3A_983 : i32
          %ne3A_985 = arith.xori %lt3A_982, %lt3A_984 : i1
          %and3A_986 = arith.andi %ne3A_985, %ne3A_980 : i1
          %add3A_987 = arith.addi %rem3A_978, %select_n3A_977 : i32
          %select_n3A_988 = arith.select %and3A_986, %add3A_987, %rem3A_978 : i32
          %get3A_989 = arith.index_cast %select_n3A_988 : i32 to index
          %get3A_990 = arith.index_cast %scan3A_972 : i32 to index
          %get3A_991 = arith.constant 0 : index
          %get3A_992 = tpu.vector_load %run_scoped3A_32[%get3A_989, %get3A_990, %get3A_991] {strides = array<i32>} : memref<4x112x128xf32, #tpu.memory_space<vmem>>, vector<16xf32>,
          %add3A_993 = arith.addf %add3A_823, %get3A_992 : vector<16xf32>
          %jit3A_994 = arith.constant 4 : i32
          %eq3A_995 = arith.constant 0 : i32
          %eq3A_996 = arith.cmpi eq, %jit3A_994, %eq3A_995 : i32
          %jit3A_997 = arith.constant 1 : i32
          %select_n3A_998 = arith.select %eq3A_996, %jit3A_997, %jit3A_994 : i32
          %rem3A_999 = arith.remsi %scan3A_228, %select_n3A_998 : i32
          %ne3A_1000 = arith.constant 0 : i32
          %ne3A_1001 = arith.cmpi ne, %rem3A_999, %ne3A_1000 : i32
          %lt3A_1002 = arith.constant 0 : i32
          %lt3A_1003 = arith.cmpi slt, %rem3A_999, %lt3A_1002 : i32
          %lt3A_1004 = arith.constant 0 : i32
          %lt3A_1005 = arith.cmpi slt, %select_n3A_998, %lt3A_1004 : i32
          %ne3A_1006 = arith.xori %lt3A_1003, %lt3A_1005 : i1
          %and3A_1007 = arith.andi %ne3A_1006, %ne3A_1001 : i1
          %add3A_1008 = arith.addi %rem3A_999, %select_n3A_998 : i32
          %select_n3A_1009 = arith.select %and3A_1007, %add3A_1008, %rem3A_999 : i32
          %get3A_1010 = arith.index_cast %select_n3A_1009 : i32 to index
          %get3A_1011 = arith.index_cast %scan3A_972 : i32 to index
          %get3A_1012 = arith.constant 16 : index
          %get3A_1013 = tpu.vector_load %run_scoped3A_32[%get3A_1010, %get3A_1011, %get3A_1012] {strides = array<i32>} : memref<4x112x128xf32, #tpu.memory_space<vmem>>, vector<16xf32>,
          %add3A_1014 = arith.addf %add3A_844, %get3A_1013 : vector<16xf32>
          %jit3A_1015 = arith.constant 4 : i32
          %eq3A_1016 = arith.constant 0 : i32
          %eq3A_1017 = arith.cmpi eq, %jit3A_1015, %eq3A_1016 : i32
          %jit3A_1018 = arith.constant 1 : i32
          %select_n3A_1019 = arith.select %eq3A_1017, %jit3A_1018, %jit3A_1015 : i32
          %rem3A_1020 = arith.remsi %scan3A_228, %select_n3A_1019 : i32
          %ne3A_1021 = arith.constant 0 : i32
          %ne3A_1022 = arith.cmpi ne, %rem3A_1020, %ne3A_1021 : i32
          %lt3A_1023 = arith.constant 0 : i32
          %lt3A_1024 = arith.cmpi slt, %rem3A_1020, %lt3A_1023 : i32
          %lt3A_1025 = arith.constant 0 : i32
          %lt3A_1026 = arith.cmpi slt, %select_n3A_1019, %lt3A_1025 : i32
          %ne3A_1027 = arith.xori %lt3A_1024, %lt3A_1026 : i1
          %and3A_1028 = arith.andi %ne3A_1027, %ne3A_1022 : i1
          %add3A_1029 = arith.addi %rem3A_1020, %select_n3A_1019 : i32
          %select_n3A_1030 = arith.select %and3A_1028, %add3A_1029, %rem3A_1020 : i32
          %get3A_1031 = arith.index_cast %select_n3A_1030 : i32 to index
          %get3A_1032 = arith.index_cast %scan3A_972 : i32 to index
          %get3A_1033 = arith.constant 32 : index
          %get3A_1034 = tpu.vector_load %run_scoped3A_32[%get3A_1031, %get3A_1032, %get3A_1033] {strides = array<i32>} : memref<4x112x128xf32, #tpu.memory_space<vmem>>, vector<16xf32>,
          %add3A_1035 = arith.addf %add3A_865, %get3A_1034 : vector<16xf32>
          %jit3A_1036 = arith.constant 4 : i32
          %eq3A_1037 = arith.constant 0 : i32
          %eq3A_1038 = arith.cmpi eq, %jit3A_1036, %eq3A_1037 : i32
          %jit3A_1039 = arith.constant 1 : i32
          %select_n3A_1040 = arith.select %eq3A_1038, %jit3A_1039, %jit3A_1036 : i32
          %rem3A_1041 = arith.remsi %scan3A_228, %select_n3A_1040 : i32
          %ne3A_1042 = arith.constant 0 : i32
          %ne3A_1043 = arith.cmpi ne, %rem3A_1041, %ne3A_1042 : i32
          %lt3A_1044 = arith.constant 0 : i32
          %lt3A_1045 = arith.cmpi slt, %rem3A_1041, %lt3A_1044 : i32
          %lt3A_1046 = arith.constant 0 : i32
          %lt3A_1047 = arith.cmpi slt, %select_n3A_1040, %lt3A_1046 : i32
          %ne3A_1048 = arith.xori %lt3A_1045, %lt3A_1047 : i1
          %and3A_1049 = arith.andi %ne3A_1048, %ne3A_1043 : i1
          %add3A_1050 = arith.addi %rem3A_1041, %select_n3A_1040 : i32
          %select_n3A_1051 = arith.select %and3A_1049, %add3A_1050, %rem3A_1041 : i32
          %get3A_1052 = arith.index_cast %select_n3A_1051 : i32 to index
          %get3A_1053 = arith.index_cast %scan3A_972 : i32 to index
          %get3A_1054 = arith.constant 48 : index
          %get3A_1055 = tpu.vector_load %run_scoped3A_32[%get3A_1052, %get3A_1053, %get3A_1054] {strides = array<i32>} : memref<4x112x128xf32, #tpu.memory_space<vmem>>, vector<16xf32>,
          %add3A_1056 = arith.addf %add3A_886, %get3A_1055 : vector<16xf32>
          %jit3A_1057 = arith.constant 4 : i32
          %eq3A_1058 = arith.constant 0 : i32
          %eq3A_1059 = arith.cmpi eq, %jit3A_1057, %eq3A_1058 : i32
          %jit3A_1060 = arith.constant 1 : i32
          %select_n3A_1061 = arith.select %eq3A_1059, %jit3A_1060, %jit3A_1057 : i32
          %rem3A_1062 = arith.remsi %scan3A_228, %select_n3A_1061 : i32
          %ne3A_1063 = arith.constant 0 : i32
          %ne3A_1064 = arith.cmpi ne, %rem3A_1062, %ne3A_1063 : i32
          %lt3A_1065 = arith.constant 0 : i32
          %lt3A_1066 = arith.cmpi slt, %rem3A_1062, %lt3A_1065 : i32
          %lt3A_1067 = arith.constant 0 : i32
          %lt3A_1068 = arith.cmpi slt, %select_n3A_1061, %lt3A_1067 : i32
          %ne3A_1069 = arith.xori %lt3A_1066, %lt3A_1068 : i1
          %and3A_1070 = arith.andi %ne3A_1069, %ne3A_1064 : i1
          %add3A_1071 = arith.addi %rem3A_1062, %select_n3A_1061 : i32
          %select_n3A_1072 = arith.select %and3A_1070, %add3A_1071, %rem3A_1062 : i32
          %get3A_1073 = arith.index_cast %select_n3A_1072 : i32 to index
          %get3A_1074 = arith.index_cast %scan3A_972 : i32 to index
          %get3A_1075 = arith.constant 64 : index
          %get3A_1076 = tpu.vector_load %run_scoped3A_32[%get3A_1073, %get3A_1074, %get3A_1075] {strides = array<i32>} : memref<4x112x128xf32, #tpu.memory_space<vmem>>, vector<16xf32>,
          %add3A_1077 = arith.addf %add3A_907, %get3A_1076 : vector<16xf32>
          %jit3A_1078 = arith.constant 4 : i32
          %eq3A_1079 = arith.constant 0 : i32
          %eq3A_1080 = arith.cmpi eq, %jit3A_1078, %eq3A_1079 : i32
          %jit3A_1081 = arith.constant 1 : i32
          %select_n3A_1082 = arith.select %eq3A_1080, %jit3A_1081, %jit3A_1078 : i32
          %rem3A_1083 = arith.remsi %scan3A_228, %select_n3A_1082 : i32
          %ne3A_1084 = arith.constant 0 : i32
          %ne3A_1085 = arith.cmpi ne, %rem3A_1083, %ne3A_1084 : i32
          %lt3A_1086 = arith.constant 0 : i32
          %lt3A_1087 = arith.cmpi slt, %rem3A_1083, %lt3A_1086 : i32
          %lt3A_1088 = arith.constant 0 : i32
          %lt3A_1089 = arith.cmpi slt, %select_n3A_1082, %lt3A_1088 : i32
          %ne3A_1090 = arith.xori %lt3A_1087, %lt3A_1089 : i1
          %and3A_1091 = arith.andi %ne3A_1090, %ne3A_1085 : i1
          %add3A_1092 = arith.addi %rem3A_1083, %select_n3A_1082 : i32
          %select_n3A_1093 = arith.select %and3A_1091, %add3A_1092, %rem3A_1083 : i32
          %get3A_1094 = arith.index_cast %select_n3A_1093 : i32 to index
          %get3A_1095 = arith.index_cast %scan3A_972 : i32 to index
          %get3A_1096 = arith.constant 80 : index
          %get3A_1097 = tpu.vector_load %run_scoped3A_32[%get3A_1094, %get3A_1095, %get3A_1096] {strides = array<i32>} : memref<4x112x128xf32, #tpu.memory_space<vmem>>, vector<16xf32>,
          %add3A_1098 = arith.addf %add3A_928, %get3A_1097 : vector<16xf32>
          %jit3A_1099 = arith.constant 4 : i32
          %eq3A_1100 = arith.constant 0 : i32
          %eq3A_1101 = arith.cmpi eq, %jit3A_1099, %eq3A_1100 : i32
          %jit3A_1102 = arith.constant 1 : i32
          %select_n3A_1103 = arith.select %eq3A_1101, %jit3A_1102, %jit3A_1099 : i32
          %rem3A_1104 = arith.remsi %scan3A_228, %select_n3A_1103 : i32
          %ne3A_1105 = arith.constant 0 : i32
          %ne3A_1106 = arith.cmpi ne, %rem3A_1104, %ne3A_1105 : i32
          %lt3A_1107 = arith.constant 0 : i32
          %lt3A_1108 = arith.cmpi slt, %rem3A_1104, %lt3A_1107 : i32
          %lt3A_1109 = arith.constant 0 : i32
          %lt3A_1110 = arith.cmpi slt, %select_n3A_1103, %lt3A_1109 : i32
          %ne3A_1111 = arith.xori %lt3A_1108, %lt3A_1110 : i1
          %and3A_1112 = arith.andi %ne3A_1111, %ne3A_1106 : i1
          %add3A_1113 = arith.addi %rem3A_1104, %select_n3A_1103 : i32
          %select_n3A_1114 = arith.select %and3A_1112, %add3A_1113, %rem3A_1104 : i32
          %get3A_1115 = arith.index_cast %select_n3A_1114 : i32 to index
          %get3A_1116 = arith.index_cast %scan3A_972 : i32 to index
          %get3A_1117 = arith.constant 96 : index
          %get3A_1118 = tpu.vector_load %run_scoped3A_32[%get3A_1115, %get3A_1116, %get3A_1117] {strides = array<i32>} : memref<4x112x128xf32, #tpu.memory_space<vmem>>, vector<16xf32>,
          %add3A_1119 = arith.addf %add3A_949, %get3A_1118 : vector<16xf32>
          %jit3A_1120 = arith.constant 4 : i32
          %eq3A_1121 = arith.constant 0 : i32
          %eq3A_1122 = arith.cmpi eq, %jit3A_1120, %eq3A_1121 : i32
          %jit3A_1123 = arith.constant 1 : i32
          %select_n3A_1124 = arith.select %eq3A_1122, %jit3A_1123, %jit3A_1120 : i32
          %rem3A_1125 = arith.remsi %scan3A_228, %select_n3A_1124 : i32
          %ne3A_1126 = arith.constant 0 : i32
          %ne3A_1127 = arith.cmpi ne, %rem3A_1125, %ne3A_1126 : i32
          %lt3A_1128 = arith.constant 0 : i32
          %lt3A_1129 = arith.cmpi slt, %rem3A_1125, %lt3A_1128 : i32
          %lt3A_1130 = arith.constant 0 : i32
          %lt3A_1131 = arith.cmpi slt, %select_n3A_1124, %lt3A_1130 : i32
          %ne3A_1132 = arith.xori %lt3A_1129, %lt3A_1131 : i1
          %and3A_1133 = arith.andi %ne3A_1132, %ne3A_1127 : i1
          %add3A_1134 = arith.addi %rem3A_1125, %select_n3A_1124 : i32
          %select_n3A_1135 = arith.select %and3A_1133, %add3A_1134, %rem3A_1125 : i32
          %get3A_1136 = arith.index_cast %select_n3A_1135 : i32 to index
          %get3A_1137 = arith.index_cast %scan3A_972 : i32 to index
          %get3A_1138 = arith.constant 112 : index
          %get3A_1139 = tpu.vector_load %run_scoped3A_32[%get3A_1136, %get3A_1137, %get3A_1138] {strides = array<i32>} : memref<4x112x128xf32, #tpu.memory_space<vmem>>, vector<16xf32>,
          %add3A_1140 = arith.addf %add3A_970, %get3A_1139 : vector<16xf32>
          scf.yield %add3A_993, %add3A_1014, %add3A_1035, %add3A_1056, %add3A_1077, %add3A_1098, %add3A_1119, %add3A_1140 : vector<16xf32>, vector<16xf32>, vector<16xf32>, vector<16xf32>, vector<16xf32>, vector<16xf32>, vector<16xf32>, vector<16xf32>
        }
        %scan3A_276 = arith.constant 112 : i32
        %mul3A_277 = arith.mulf %scan3A_275#0, %scan3A_275#0 : vector<16xf32>
        %mul3A_278 = arith.mulf %scan3A_275#1, %scan3A_275#1 : vector<16xf32>
        %add3A_279 = arith.addf %mul3A_277, %mul3A_278 : vector<16xf32>
        %mul3A_280 = arith.mulf %scan3A_275#2, %scan3A_275#2 : vector<16xf32>
        %add3A_281 = arith.addf %add3A_279, %mul3A_280 : vector<16xf32>
        %mul3A_282 = arith.mulf %scan3A_275#3, %scan3A_275#3 : vector<16xf32>
        %add3A_283 = arith.addf %add3A_281, %mul3A_282 : vector<16xf32>
        %mul3A_284 = arith.mulf %scan3A_275#4, %scan3A_275#4 : vector<16xf32>
        %add3A_285 = arith.addf %add3A_283, %mul3A_284 : vector<16xf32>
        %mul3A_286 = arith.mulf %scan3A_275#5, %scan3A_275#5 : vector<16xf32>
        %add3A_287 = arith.addf %add3A_285, %mul3A_286 : vector<16xf32>
        %mul3A_288 = arith.mulf %scan3A_275#6, %scan3A_275#6 : vector<16xf32>
        %add3A_289 = arith.addf %add3A_287, %mul3A_288 : vector<16xf32>
        %mul3A_290 = arith.mulf %scan3A_275#7, %scan3A_275#7 : vector<16xf32>
        %add3A_291 = arith.addf %add3A_289, %mul3A_290 : vector<16xf32>
        %broadcast_in_dim3A_292 = arith.constant 0.000000e+00 : f32
        %broadcast_in_dim3A_293 = vector.broadcast %broadcast_in_dim3A_292 : f32 to vector<16xf32>
        %jit3A_294 = arith.constant 8 : i32
        %eq3A_295 = arith.constant 0 : i32
        %eq3A_296 = arith.cmpi eq, %jit3A_294, %eq3A_295 : i32
        %jit3A_297 = arith.constant 1 : i32
        %select_n3A_298 = arith.select %eq3A_296, %jit3A_297, %jit3A_294 : i32
        %rem3A_299 = arith.remsi %scan3A_228, %select_n3A_298 : i32
        %ne3A_300 = arith.constant 0 : i32
        %ne3A_301 = arith.cmpi ne, %rem3A_299, %ne3A_300 : i32
        %lt3A_302 = arith.constant 0 : i32
        %lt3A_303 = arith.cmpi slt, %rem3A_299, %lt3A_302 : i32
        %lt3A_304 = arith.constant 0 : i32
        %lt3A_305 = arith.cmpi slt, %select_n3A_298, %lt3A_304 : i32
        %ne3A_306 = arith.xori %lt3A_303, %lt3A_305 : i1
        %and3A_307 = arith.andi %ne3A_306, %ne3A_301 : i1
        %add3A_308 = arith.addi %rem3A_299, %select_n3A_298 : i32
        %select_n3A_309 = arith.select %and3A_307, %add3A_308, %rem3A_299 : i32
        %get3A_310 = arith.index_cast %select_n3A_309 : i32 to index
        %get3A_311 = arith.constant 0 : index
        %get3A_312 = tpu.vector_load %run_scoped3A_31[%get3A_310, %get3A_311] {strides = array<i32>} : memref<8x112xi32, #tpu.memory_space<vmem>>, vector<16xi32>,
        %gather3A_313 = tpu.vector_load_idx %run_scoped3A_33[%get3A_312] : memref<20496xf32, #tpu.memory_space<vmem>>[vector<16xi32>], vector<16xf32>,
        %add3A_314 = arith.addf %broadcast_in_dim3A_293, %gather3A_313 : vector<16xf32>
        %jit3A_315 = arith.constant 8 : i32
        %eq3A_316 = arith.constant 0 : i32
        %eq3A_317 = arith.cmpi eq, %jit3A_315, %eq3A_316 : i32
        %jit3A_318 = arith.constant 1 : i32
        %select_n3A_319 = arith.select %eq3A_317, %jit3A_318, %jit3A_315 : i32
        %rem3A_320 = arith.remsi %scan3A_228, %select_n3A_319 : i32
        %ne3A_321 = arith.constant 0 : i32
        %ne3A_322 = arith.cmpi ne, %rem3A_320, %ne3A_321 : i32
        %lt3A_323 = arith.constant 0 : i32
        %lt3A_324 = arith.cmpi slt, %rem3A_320, %lt3A_323 : i32
        %lt3A_325 = arith.constant 0 : i32
        %lt3A_326 = arith.cmpi slt, %select_n3A_319, %lt3A_325 : i32
        %ne3A_327 = arith.xori %lt3A_324, %lt3A_326 : i1
        %and3A_328 = arith.andi %ne3A_327, %ne3A_322 : i1
        %add3A_329 = arith.addi %rem3A_320, %select_n3A_319 : i32
        %select_n3A_330 = arith.select %and3A_328, %add3A_329, %rem3A_320 : i32
        %get3A_331 = arith.index_cast %select_n3A_330 : i32 to index
        %get3A_332 = arith.constant 16 : index
        %get3A_333 = tpu.vector_load %run_scoped3A_31[%get3A_331, %get3A_332] {strides = array<i32>} : memref<8x112xi32, #tpu.memory_space<vmem>>, vector<16xi32>,
        %gather3A_334 = tpu.vector_load_idx %run_scoped3A_33[%get3A_333] : memref<20496xf32, #tpu.memory_space<vmem>>[vector<16xi32>], vector<16xf32>,
        %add3A_335 = arith.addf %add3A_314, %gather3A_334 : vector<16xf32>
        %jit3A_336 = arith.constant 8 : i32
        %eq3A_337 = arith.constant 0 : i32
        %eq3A_338 = arith.cmpi eq, %jit3A_336, %eq3A_337 : i32
        %jit3A_339 = arith.constant 1 : i32
        %select_n3A_340 = arith.select %eq3A_338, %jit3A_339, %jit3A_336 : i32
        %rem3A_341 = arith.remsi %scan3A_228, %select_n3A_340 : i32
        %ne3A_342 = arith.constant 0 : i32
        %ne3A_343 = arith.cmpi ne, %rem3A_341, %ne3A_342 : i32
        %lt3A_344 = arith.constant 0 : i32
        %lt3A_345 = arith.cmpi slt, %rem3A_341, %lt3A_344 : i32
        %lt3A_346 = arith.constant 0 : i32
        %lt3A_347 = arith.cmpi slt, %select_n3A_340, %lt3A_346 : i32
        %ne3A_348 = arith.xori %lt3A_345, %lt3A_347 : i1
        %and3A_349 = arith.andi %ne3A_348, %ne3A_343 : i1
        %add3A_350 = arith.addi %rem3A_341, %select_n3A_340 : i32
        %select_n3A_351 = arith.select %and3A_349, %add3A_350, %rem3A_341 : i32
        %get3A_352 = arith.index_cast %select_n3A_351 : i32 to index
        %get3A_353 = arith.constant 32 : index
        %get3A_354 = tpu.vector_load %run_scoped3A_31[%get3A_352, %get3A_353] {strides = array<i32>} : memref<8x112xi32, #tpu.memory_space<vmem>>, vector<16xi32>,
        %gather3A_355 = tpu.vector_load_idx %run_scoped3A_33[%get3A_354] : memref<20496xf32, #tpu.memory_space<vmem>>[vector<16xi32>], vector<16xf32>,
        %add3A_356 = arith.addf %add3A_335, %gather3A_355 : vector<16xf32>
        %jit3A_357 = arith.constant 8 : i32
        %eq3A_358 = arith.constant 0 : i32
        %eq3A_359 = arith.cmpi eq, %jit3A_357, %eq3A_358 : i32
        %jit3A_360 = arith.constant 1 : i32
        %select_n3A_361 = arith.select %eq3A_359, %jit3A_360, %jit3A_357 : i32
        %rem3A_362 = arith.remsi %scan3A_228, %select_n3A_361 : i32
        %ne3A_363 = arith.constant 0 : i32
        %ne3A_364 = arith.cmpi ne, %rem3A_362, %ne3A_363 : i32
        %lt3A_365 = arith.constant 0 : i32
        %lt3A_366 = arith.cmpi slt, %rem3A_362, %lt3A_365 : i32
        %lt3A_367 = arith.constant 0 : i32
        %lt3A_368 = arith.cmpi slt, %select_n3A_361, %lt3A_367 : i32
        %ne3A_369 = arith.xori %lt3A_366, %lt3A_368 : i1
        %and3A_370 = arith.andi %ne3A_369, %ne3A_364 : i1
        %add3A_371 = arith.addi %rem3A_362, %select_n3A_361 : i32
        %select_n3A_372 = arith.select %and3A_370, %add3A_371, %rem3A_362 : i32
        %get3A_373 = arith.index_cast %select_n3A_372 : i32 to index
        %get3A_374 = arith.constant 48 : index
        %get3A_375 = tpu.vector_load %run_scoped3A_31[%get3A_373, %get3A_374] {strides = array<i32>} : memref<8x112xi32, #tpu.memory_space<vmem>>, vector<16xi32>,
        %gather3A_376 = tpu.vector_load_idx %run_scoped3A_33[%get3A_375] : memref<20496xf32, #tpu.memory_space<vmem>>[vector<16xi32>], vector<16xf32>,
        %add3A_377 = arith.addf %add3A_356, %gather3A_376 : vector<16xf32>
        %jit3A_378 = arith.constant 8 : i32
        %eq3A_379 = arith.constant 0 : i32
        %eq3A_380 = arith.cmpi eq, %jit3A_378, %eq3A_379 : i32
        %jit3A_381 = arith.constant 1 : i32
        %select_n3A_382 = arith.select %eq3A_380, %jit3A_381, %jit3A_378 : i32
        %rem3A_383 = arith.remsi %scan3A_228, %select_n3A_382 : i32
        %ne3A_384 = arith.constant 0 : i32
        %ne3A_385 = arith.cmpi ne, %rem3A_383, %ne3A_384 : i32
        %lt3A_386 = arith.constant 0 : i32
        %lt3A_387 = arith.cmpi slt, %rem3A_383, %lt3A_386 : i32
        %lt3A_388 = arith.constant 0 : i32
        %lt3A_389 = arith.cmpi slt, %select_n3A_382, %lt3A_388 : i32
        %ne3A_390 = arith.xori %lt3A_387, %lt3A_389 : i1
        %and3A_391 = arith.andi %ne3A_390, %ne3A_385 : i1
        %add3A_392 = arith.addi %rem3A_383, %select_n3A_382 : i32
        %select_n3A_393 = arith.select %and3A_391, %add3A_392, %rem3A_383 : i32
        %get3A_394 = arith.index_cast %select_n3A_393 : i32 to index
        %get3A_395 = arith.constant 64 : index
        %get3A_396 = tpu.vector_load %run_scoped3A_31[%get3A_394, %get3A_395] {strides = array<i32>} : memref<8x112xi32, #tpu.memory_space<vmem>>, vector<16xi32>,
        %gather3A_397 = tpu.vector_load_idx %run_scoped3A_33[%get3A_396] : memref<20496xf32, #tpu.memory_space<vmem>>[vector<16xi32>], vector<16xf32>,
        %add3A_398 = arith.addf %add3A_377, %gather3A_397 : vector<16xf32>
        %jit3A_399 = arith.constant 8 : i32
        %eq3A_400 = arith.constant 0 : i32
        %eq3A_401 = arith.cmpi eq, %jit3A_399, %eq3A_400 : i32
        %jit3A_402 = arith.constant 1 : i32
        %select_n3A_403 = arith.select %eq3A_401, %jit3A_402, %jit3A_399 : i32
        %rem3A_404 = arith.remsi %scan3A_228, %select_n3A_403 : i32
        %ne3A_405 = arith.constant 0 : i32
        %ne3A_406 = arith.cmpi ne, %rem3A_404, %ne3A_405 : i32
        %lt3A_407 = arith.constant 0 : i32
        %lt3A_408 = arith.cmpi slt, %rem3A_404, %lt3A_407 : i32
        %lt3A_409 = arith.constant 0 : i32
        %lt3A_410 = arith.cmpi slt, %select_n3A_403, %lt3A_409 : i32
        %ne3A_411 = arith.xori %lt3A_408, %lt3A_410 : i1
        %and3A_412 = arith.andi %ne3A_411, %ne3A_406 : i1
        %add3A_413 = arith.addi %rem3A_404, %select_n3A_403 : i32
        %select_n3A_414 = arith.select %and3A_412, %add3A_413, %rem3A_404 : i32
        %get3A_415 = arith.index_cast %select_n3A_414 : i32 to index
        %get3A_416 = arith.constant 80 : index
        %get3A_417 = tpu.vector_load %run_scoped3A_31[%get3A_415, %get3A_416] {strides = array<i32>} : memref<8x112xi32, #tpu.memory_space<vmem>>, vector<16xi32>,
        %gather3A_418 = tpu.vector_load_idx %run_scoped3A_33[%get3A_417] : memref<20496xf32, #tpu.memory_space<vmem>>[vector<16xi32>], vector<16xf32>,
        %add3A_419 = arith.addf %add3A_398, %gather3A_418 : vector<16xf32>
        %jit3A_420 = arith.constant 8 : i32
        %eq3A_421 = arith.constant 0 : i32
        %eq3A_422 = arith.cmpi eq, %jit3A_420, %eq3A_421 : i32
        %jit3A_423 = arith.constant 1 : i32
        %select_n3A_424 = arith.select %eq3A_422, %jit3A_423, %jit3A_420 : i32
        %rem3A_425 = arith.remsi %scan3A_228, %select_n3A_424 : i32
        %ne3A_426 = arith.constant 0 : i32
        %ne3A_427 = arith.cmpi ne, %rem3A_425, %ne3A_426 : i32
        %lt3A_428 = arith.constant 0 : i32
        %lt3A_429 = arith.cmpi slt, %rem3A_425, %lt3A_428 : i32
        %lt3A_430 = arith.constant 0 : i32
        %lt3A_431 = arith.cmpi slt, %select_n3A_424, %lt3A_430 : i32
        %ne3A_432 = arith.xori %lt3A_429, %lt3A_431 : i1
        %and3A_433 = arith.andi %ne3A_432, %ne3A_427 : i1
        %add3A_434 = arith.addi %rem3A_425, %select_n3A_424 : i32
        %select_n3A_435 = arith.select %and3A_433, %add3A_434, %rem3A_425 : i32
        %get3A_436 = arith.index_cast %select_n3A_435 : i32 to index
        %get3A_437 = arith.constant 96 : index
        %get3A_438 = tpu.vector_load %run_scoped3A_31[%get3A_436, %get3A_437] {strides = array<i32>} : memref<8x112xi32, #tpu.memory_space<vmem>>, vector<16xi32>,
        %gather3A_439 = tpu.vector_load_idx %run_scoped3A_33[%get3A_438] : memref<20496xf32, #tpu.memory_space<vmem>>[vector<16xi32>], vector<16xf32>,
        %add3A_440 = arith.addf %add3A_419, %gather3A_439 : vector<16xf32>
        %reduce_sum3A = arith.constant true
        %reduce_sum3A_441 = vector.broadcast %reduce_sum3A : i1 to vector<16xi1>
        %reduce_sum3A_442 = tpu.scan <sum>, %add3A_291 masked %reduce_sum3A_441 : vector<16xf32>, vector<16xi1> -> vector<16xf32>
        %reduce_sum3A_443 = vector.extract %reduce_sum3A_442[15] : f32 from vector<16xf32>
        %reduce_sum3A_444 = arith.constant true
        %reduce_sum3A_445 = vector.broadcast %reduce_sum3A_444 : i1 to vector<16xi1>
        %reduce_sum3A_446 = tpu.scan <sum>, %add3A_440 masked %reduce_sum3A_445 : vector<16xf32>, vector<16xi1> -> vector<16xf32>
        %reduce_sum3A_447 = vector.extract %reduce_sum3A_446[15] : f32 from vector<16xf32>
        %sub3A_448 = arith.subf %reduce_sum3A_443, %reduce_sum3A_447 : f32
        %mul3A_449 = arith.constant 5.000000e-01 : f32
        %mul3A_450 = arith.mulf %mul3A_449, %sub3A_448 : f32
        %broadcast_in_dim3A_451 = vector.broadcast %mul3A_450 : f32 to vector<16xf32>
        %broadcast_in_dim3A_452 = vector.broadcast %scan3A_228 : i32 to vector<16xi32>
        %add3A_453 = arith.addf %broadcast_in_dim3A_451, %select_n3A : vector<16xf32>
        tpu.vector_store_idx %arg21[%broadcast_in_dim3A_452], %add3A_453 masked %eq3A_2 : memref<256xf32, #tpu.memory_space<vmem>>[vector<16xi32>], vector<16xf32>, vector<16xi1>
      }
      %scan3A_224 = arith.constant 256 : i32
      %mul3A_225 = arith.constant 4096 : i32
      %mul3A_226 = arith.muli %arg0, %mul3A_225 : i32
      %add3A_227 = arith.addi %mul3A_226, %mul3A_4 : i32
      "tpu.region"() ({
        %run_scoped3A_228 = tpu.sem_alloc : memref<!tpu.dma_semaphore, #tpu.memory_space<semaphore_mem>>
        %dma_start3A_229 = tpu.memref_slice %arg9[%add3A_227] : memref<8192xf32, #tpu.memory_space<hbm>> -> memref<256xf32, #tpu.memory_space<hbm>>
        %dma_start3A_230 = tpu.memref_slice %arg9[%add3A_227] : memref<8192xf32, #tpu.memory_space<hbm>> -> memref<256xf32, #tpu.memory_space<hbm>>
        tpu.enqueue_dma source(%arg21 : memref<256xf32, #tpu.memory_space<vmem>>) target(%dma_start3A_230 : memref<256xf32, #tpu.memory_space<hbm>>) target_semaphore(%run_scoped3A_228 : memref<!tpu.dma_semaphore, #tpu.memory_space<semaphore_mem>>)
        %dma_wait3A = tpu.memref_slice %arg9[%add3A_227] : memref<8192xf32, #tpu.memory_space<hbm>> -> memref<256xf32, #tpu.memory_space<hbm>>
        %dma_wait3A_231 = tpu.memref_slice %arg9[%add3A_227] : memref<8192xf32, #tpu.memory_space<hbm>> -> memref<256xf32, #tpu.memory_space<hbm>>
        tpu.wait_dma2 semaphore(%run_scoped3A_228 : memref<!tpu.dma_semaphore, #tpu.memory_space<semaphore_mem>>) src(%arg21 : memref<256xf32, #tpu.memory_space<vmem>>) dst(%dma_wait3A_231 : memref<256xf32, #tpu.memory_space<hbm>>)
        tpu.yield
      }) : () -> ()
      tpu.yield
    }) : () -> ()
    return
  }
}

module attributes {stable_mosaic.version = 14 : i64} {
  func.func @_combine_body(%arg0: memref<2x32x128xf32, #tpu.memory_space<vmem>>, %arg1: memref<32x128xf32, #tpu.memory_space<vmem>>) attributes {dimension_semantics = [], scalar_prefetch = 0 : i64, scratch_operands = 0 : i64, tpu.core_type = #tpu.core_type<tc>} {
    %get3A = arith.constant 0 : index
    %get3A_0 = arith.constant 0 : index
    %get3A_1 = arith.constant 0 : index
    %get3A_2 = vector.load %arg0[%get3A, %get3A_0, %get3A_1] : memref<2x32x128xf32, #tpu.memory_space<vmem>>, vector<1x32x128xf32>
    %get3A_3 = vector.shape_cast %get3A_2 : vector<1x32x128xf32> to vector<32x128xf32>
    %get3A_4 = arith.constant 1 : index
    %get3A_5 = arith.constant 0 : index
    %get3A_6 = arith.constant 0 : index
    %get3A_7 = vector.load %arg0[%get3A_4, %get3A_5, %get3A_6] : memref<2x32x128xf32, #tpu.memory_space<vmem>>, vector<1x32x128xf32>
    %get3A_8 = vector.shape_cast %get3A_7 : vector<1x32x128xf32> to vector<32x128xf32>
    %add3A = arith.addf %get3A_3, %get3A_8 : vector<32x128xf32>
    %swap3A = arith.constant 0 : index
    %swap3A_9 = arith.constant 0 : index
    %swap3A_10 = vector.load %arg1[%swap3A, %swap3A_9] : memref<32x128xf32, #tpu.memory_space<vmem>>, vector<32x128xf32>
    tpu.vector_store %arg1[%swap3A, %swap3A_9], %add3A {strides = array<i32>} : memref<32x128xf32, #tpu.memory_space<vmem>>, vector<32x128xf32>,
    return
  }
}

</mosaic_0001>

<sc_bundles>
// kernel: kernel.4.cloned.1.call-start
scs
__scs_entry_jumppad:
0x0: {  	(pc) =	sbr.rel $0x88, $3  }
0x1: {  	(tag) =	ssettag $0x0;
	lr =	simm.s32 $0x1  }
0x2: {  	[smem:$0x3F9B] =	sst lr;
	_ =	strace $0xD0000000  }
0x3: {  	_ = 	snop  }
0x4: {  	_ = 	snop  }
0x5: {  	_ = 	snop  }
0x6: {  	_ = 	snop  }
0x7: {  	_ = 	snop  }
__scs_overlays_trampoline_lowered:
0x8: {  	[smem:$0x3FAA] =	sst s0  }
0x9: {  	[smem:$0x3FAB] =	sst s1  }
0xa: {  	[smem:$0x3FAC] =	sst s2  }
0xb: {  	[smem:$0x3FAD] =	sst s3  }
0xc: {  	[smem:$0x3FAE] =	sst s4  }
0xd: {  	[smem:$0x3FAF] =	sst s5  }
0xe: {  	[smem:$0x3FB0] =	sst s6  }
0xf: {  	[smem:$0x3FB1] =	sst s7  }
0x10: {  	[smem:$0x3FB2] =	sst s8  }
0x11: {  	[smem:$0x3FB3] =	sst s9;
	s0 =	simm.s32 @!p0 $0x0  }
0x12: {  	s1 =	sld [smem:$0x3F99];
	s0 =	simm.s32 @p0 $0x1  }
0x13: {  	[smem:$0x3FB4] =	sst s0;
	s0 =	simm.s32 @!p1 $0x0  }
0x14: {  	s2 =	sld [smem:$0x3F98];
	s0 =	simm.s32 @p1 $0x1  }
0x15: {  	[smem:$0x3FB5] =	sst s0;
	s0 =	simm.s32 @!p2 $0x0  }
0x16: {  	s3 =	sld [smem:$0x3FDB];
	s0 =	simm.s32 @p2 $0x1  }
0x17: {  	s4 =	simm.s32 $0x1BF5;
	[smem:$0x3FB7] =	sst s0  }
0x18: {  	s0 =	sld [smem:$0x3F9A];
	_ =	swait.ge [sflag:s4], $0x0  }
0x19: {  	s7 =	sld [smem:$0x3F9B]  }
0x1a: {  	s8 =	sadd.s32 $0xFFFFE003, lr  }
0x1b: {  	s9 =	sadd.s32 $0xFFFFFEF7, lr;
	s5 =	simm.s32 $0xFFFFFFFF;
	p2 =	slt.u32 s8, $0xFFFFF086  }
0x1c: {  	p1 =	slt.u32 s9, $0xF7A;
	s5 =	simm.s32 @!p2 $0x0  }
0x1d: {  	s5 =	simm.s32 @p1 $0x1;
	p0 =	seq.s32 s7, s2  }
0x1e: {  	s7 =	smul.u32 @!p0 $0xF7A, s2;
	p2 =	seq.s32 @!p0 s5, $0x0  }
0x1f: {  	s9 =	smul.u32 $0xF7A, s1;
	s8 =	simm.s32 @!p0 $0x1BF5;
	p2 =	por !p2, p0  }
0x20: {  	[sflag:s8] =	ssyncset.s32 @!p0 $0xFFFFF086;
	s6 =	sadd.s32 @!p0 s3, s7;
	s7 =	simm.s32 @!p0 $0x108  }
0x21: {  	s3 =	sadd.s32 s3, s9;
	s6 =	sadd.s32 @!p0 $0x88, s6;
	s7 =	simm.s32 @p2 $0x1082  }
0x22: {  	[simem:s7], [sflag:s8] =	dma.local @!p0 [hbm:s6], $0xF7A  }
0x23: {  	s9 =	sor.u32 $0xD0000000, s2;
	s6 =	simm.s32 $0x108;
	_ =	swait.ge @!p0 [sflag:s8], $0x0  }
0x24: {  	s3 =	sadd.s32 $0x88, s3;
	s6 =	simm.s32 @!p1 $0x1082;
	[sflag:s4] =	ssyncset.s32 $0xFFFFF086  }
0x25: {  	[simem:s6], [sflag:s4] =	dma.local [hbm:s3], $0xF7A  }
0x26: {  	[smem:$0x3F9B] =	sst s1;
	(tag) =	ssettag s2;
	_ =	strace s9  }
0x27: {  	s1 =	sld [smem:$0x3FAB]  }
0x28: {  	s2 =	sld [smem:$0x3FAC]  }
0x29: {  	s4 =	sld [smem:$0x3FAE]  }
0x2a: {  	p0 =	seq.s32 s5, $0x0;
	s5 =	sld [smem:$0x3FAF]  }
0x2b: {  	s6 =	sld [smem:$0x3FB0]  }
0x2c: {  	s7 =	sld [smem:$0x3FB1]  }
0x2d: {  	s3 =	simm.s32 $0x108;
	s8 =	sld [smem:$0x3FB2]  }
0x2e: {  	s3 =	simm.s32 @!p0 $0x1082;
	s9 =	sld [smem:$0x3FB3]  }
0x2f: {  	lr =	sadd.s32 s0, s3;
	s0 =	sld [smem:$0x3FAA]  }
0x30: {  	s3 =	sld [smem:$0x3FAD]  }
0x31: {  	[smem:$0x3FB6] =	sst s10  }
0x32: {  	s10 =	sld [smem:$0x3FB4];
	_ =	sdelay $0x3  }
0x33: {  	p0 =	seq.s32 s10, $0x1;
	s10 =	sld [smem:$0x3FB6];
	_ =	sdelay $0x3  }
0x34: {  	[smem:$0x3FB6] =	sst s10  }
0x35: {  	s10 =	sld [smem:$0x3FB5];
	_ =	sdelay $0x3  }
0x36: {  	p1 =	seq.s32 s10, $0x1;
	s10 =	sld [smem:$0x3FB6];
	_ =	sdelay $0x3  }
0x37: {  	[smem:$0x3FB6] =	sst s10  }
0x38: {  	s10 =	sld [smem:$0x3FB7]  }
0x39: {  	_ = 	snop;
	(pc) =	sbr.ind lr, $3  }
0x3a: {  	_ = 	snop  }
0x3b: {  	_ = 	snop  }
0x3c: {  	p2 =	seq.s32 s10, $0x1;
	s10 =	sld [smem:$0x3FB6]  }
0x3d: {  	_ =	shalt  }
0x3e: {  	_ =	shalt  }
0x3f: {  	_ =	shalt  }
0x40: {  	_ =	shalt  }
0x41: {  	_ =	shalt  }
0x42: {  	_ =	shalt  }
0x43: {  	_ =	shalt  }
0x44: {  	_ =	shalt  }
0x45: {  	_ =	shalt  }
0x46: {  	_ =	shalt  }
0x47: {  	_ =	shalt  }
0x48: {  	_ =	shalt  }
0x49: {  	_ =	shalt  }
0x4a: {  	_ =	shalt  }
0x4b: {  	_ =	shalt  }
0x4c: {  	_ =	shalt  }
0x4d: {  	_ =	shalt  }
0x4e: {  	_ =	shalt  }
0x4f: {  	_ =	shalt  }
0x50: {  	_ =	shalt  }
0x51: {  	_ =	shalt  }
0x52: {  	_ =	shalt  }
0x53: {  	_ =	shalt  }
0x54: {  	_ =	shalt  }
0x55: {  	_ =	shalt  }
0x56: {  	_ =	shalt  }
0x57: {  	_ =	shalt  }
0x58: {  	_ =	shalt  }
0x59: {  	_ =	shalt  }
0x5a: {  	_ =	shalt  }
0x5b: {  	_ =	shalt  }
0x5c: {  	_ =	shalt  }
0x5d: {  	_ =	shalt  }
0x5e: {  	_ =	shalt  }
0x5f: {  	_ =	shalt  }
0x60: {  	_ =	shalt  }
0x61: {  	_ =	shalt  }
0x62: {  	_ =	shalt  }
0x63: {  	_ =	shalt  }
0x64: {  	_ =	shalt  }
0x65: {  	_ =	shalt  }
0x66: {  	_ =	shalt  }
0x67: {  	_ =	shalt  }
0x68: {  	_ =	shalt  }
0x69: {  	_ =	shalt  }
0x6a: {  	_ =	shalt  }
0x6b: {  	_ =	shalt  }
0x6c: {  	_ =	shalt  }
0x6d: {  	_ =	shalt  }
0x6e: {  	_ =	shalt  }
0x6f: {  	_ =	shalt  }
0x70: {  	_ =	shalt  }
0x71: {  	_ =	shalt  }
0x72: {  	_ =	shalt  }
0x73: {  	_ =	shalt  }
0x74: {  	_ =	shalt  }
0x75: {  	_ =	shalt  }
0x76: {  	_ =	shalt  }
0x77: {  	_ =	shalt  }
0x78: {  	_ =	shalt  }
0x79: {  	_ =	shalt  }
0x7a: {  	_ =	shalt  }
0x7b: {  	_ =	shalt  }
0x7c: {  	_ =	shalt  }
0x7d: {  	_ =	shalt  }
0x7e: {  	_ =	shalt  }
0x7f: {  	_ =	shalt  }
0x80: {  	_ =	shalt  }
0x81: {  	_ =	shalt  }
0x82: {  	_ =	shalt  }
0x83: {  	_ =	shalt  }
0x84: {  	_ =	shalt  }
0x85: {  	_ =	shalt  }
0x86: {  	_ =	shalt  }
0x87: {  	_ =	shalt  }
.Lfunc_end0:
.L_simem_size_0:
called_computation_lowered:
.L_overlay_start_0:
0x88: {  	s2 =	sld [smem:$0x3FD9]  }
0x89: {  	s3 =	sld [smem:$0x3FFE];
	_ =	sdelay $0x1  }
0x8a: {  	s1 =	srdreg.scid  }
0x8b: {  	s0 =	sand.u32 $0x1, s1  }
0x8c: {  	s17 =	sshll.u32 s0, $0xA;
	s2 =	sadd.s32 s3, s2  }
0x8d: {  	s2 =	sadd.s32 s2, s17  }
0x8e: {  	[smem:$0x3FC2] =	sst s2  }
0x8f: {  	_ = 	snop  }
0x90: {  	s2 =	sld [smem:$0x3FC6]  }
0x91: {  	s18 =	sld [smem:$0x3FD0];
	(tm) =	ssettm $0x1  }
0x92: {  	s4 =	sld [smem:$0x3FFB];
	_ =	sdelay $0x3  }
0x93: {  	_ =	strace s4  }
0x94: {  	s4 =	sld [smem:$0x3FFC];
	_ =	sdelay $0x3  }
0x95: {  	_ =	strace s4  }
0x96: {  	s4 =	sld [smem:$0x3FFD];
	_ =	sdelay $0x3  }
0x97: {  	_ =	strace s4  }
0x98: {  	_ =	strace $0x8FFFFFFF  }
0x99: {  	s19 =	sld [smem:$0x3FDB];
	_ =	sdelay $0x1  }
0x9a: {  	s5 =	simm.s32 $_scs_section_size  }
0x9b: {  	s6 =	simm.s32 $_size__tile_overlayer_lowered;
	s7 =	simm.s32 $_tile_overlayer_lowered  }
0x9c: {  	s22 =	simm.s32 $0x1BFF;
	s21 =	sshll.u32 s7, $0x1;
	s4 =	sadd.s32 s5, s19  }
0x9d: {  	s8 =	simm.s32 $0x0;
	s20 =	sshll.u32 s6, $0x1;
	s6 =	sadd.s32 s21, s4  }
0x9e: {  	[timem:s8], [sflag:s22] =	dma.local [hbm:s6], s20  }
0x9f: {  	_ =	swait.ge [sflag:s22], s20  }
0xa0: {  	s5 =	ssub.s32 $0x0, s20;
	[sflag:s22] =	ssyncset.done $0x0  }
0xa1: {  	[sflag:s22] =	ssyncadd.s32 s5;
	_ =	sdelay $0x1  }
0xa2: {  	s23 =	simm.s32 $0x1B8B  }
0xa3: {  	_ =	swait.ge [sflag:s23], $0x1  }
0xa4: {  	[sflag:s23] =	ssyncset.done $0x0  }
0xa5: {  	s25 =	simm.s32 $0x1B8E;
	s24 =	sld [smem:$0x3FFE];
	[sflag:s23] =	ssyncadd.s32 $0xFFFFFFFF  }
0xa6: {  	s26 =	simm.s32 $execute0_lowered;
	[smem:$0x3FD2] =	sst s25  }
0xa7: {  	s6 =	sshll.u32 s26, $0x1;
	_ =	strace $0x80000046;
	[dreg:$0x1] =	wrdreg $0xFFFFFFFF  }
0xa8: {  	s28 =	simm.s32 $_size_execute0_lowered;
	s4 =	sadd.s32 s4, s6;
	[dreg:$0x0] =	wrdreg $0x0  }
0xa9: {  	s6 =	sshll.u32 s28, $0x1;
	[dreg:$0x2] =	wrdreg s4  }
0xaa: {  	[dreg:$0x3] =	wrdreg s6  }
0xab: {  	[dreg:$0x4] =	wrdreg $0xC0  }
0xac: {  	_ =	task [dreg:s8], $0x5FFFF  }
0xad: {  	[dreg:$0x1] =	wrdreg $0xFFFFFFFF  }
0xae: {  	[dreg:$0x0] =	wrdreg $0x60  }
0xaf: {  	[dreg:$0x2] =	wrdreg s24  }
0xb0: {  	[dreg:$0x3] =	wrdreg s2  }
0xb1: {  	[dreg:$0x4] =	wrdreg s18  }
0xb2: {  	[dreg:$0x5] =	wrdreg $0xA0000  }
0xb3: {  	[dreg:$0x6] =	wrdreg $0x0  }
0xb4: {  	[dreg:$0x7] =	wrdreg $0x9  }
0xb5: {  	_ =	task.clear_ibuf [dreg:s8], $0x8FFFF;
	_ =	strace $0x90000046  }
0xb6: {  	s29 =	simm.s32 $0x9;
	_ =	strace $0x80000048  }
0xb7: {  	_ =	swait.ge [sflag:s29], $0x1  }
0xb8: {  	[sflag:s29] =	ssyncadd.s32 $0xFFFFFFFF  }
0xb9: {  	_ =	strace $0x90000048  }
0xba: {  	_ =	sfence  }
0xbb: {  	s30 =	sld [smem:$0x0];
	_ =	sdelay $0x2  }
0xbc: {  	s31 =	sshll.u32 s1, $0xD;
	s1 =	sshrl.u32 s1, $0x2  }
0xbd: {  	s3 =	sand.u32 $0x4000, s31;
	s1 =	sadd.s32 s1, s30  }
0xbe: {  	s0 =	sor.u32 s3, s0;
	s1 =	sshll.u32 s1, $0x11  }
0xbf: {  	s0 =	sor.u32 s1, s0  }
0xc0: {  	s0 =	sadd.s32 $0x8F2B, s0  }
0xc1: {  	[sflag:s0] =	ssyncadd.remote.s32 $0x1  }
0xc2: {  	_ =	sfence.sel $0xFFFF  }
0xc3: {  	[dreg:$0x0] =	wrdreg $0xFFFFFFFF;
	(pc) =	sbr.abs _section_cstart, $3  }
0xc4: {  	[dreg:$0x1] =	wrdreg $0xFFFFFFFF  }
0xc5: {  	_ =	task.clear_ibuf [dreg:s8], $0x2FFFF;
	_ =	strace $0x9FFFFFFF  }
0xc6: {  	(tm) =	ssettm $0x7FFFFFFF  }
0xc7: {  	_ =	shalt  }
tec
execute0_lowered:
.L_overlay_start_1:
0x0: {  	(tag) =	ssettag $0x1  }
0x1: {  	s0 =	rddreg [dreg:$0x0]  }
0x2: {  	s1 =	rddreg [dreg:$0x1]  }
0x3: {  	s2 =	rddreg [dreg:$0x3]  }
0x4: {  	s4 =	rddreg [dreg:$0x4];
	s19 =	simm.s32 $0x0  }
0x5: {  	s12 =	stileid.u32;
	s5 =	srdreg.scid;
	s30 =	simm.s32 $0x1  }
0x6: {  	s28 =	simm.s32 $0x19610;
	s29 =	simm.s32 $0xB290;
	s3 =	smul.u32 $0x4F0, s12  }
0x7: {  	[smem:$0x7FF] =	sst s19;
	s6 =	smul.u32 $0x280, s12;
	s5 =	sand.u32 $0x1, s5  }
0x8: {  	s15 =	sadd.s32 $0xB200, s0;
	s9 =	sshll.u32 s12, $0x8;
	s21 =	smul.u32 $0x28000, s12  }
0x9: {  	p1 =	sne.s32 s12, $0xF;
	_ =	strace $0x80000047;
	s7 =	sshll.u32 s5, $0xC  }
0xa: {  	[dreg:$0x7] =	wrdreg s9;
	s10 =	ssub.s32 $0x2, s5;
	s24 =	smul.u32 $0x5000, s5  }
0xb: {  	s20 =	sshll.u32 s5, $0x4;
	s25 =	sshll.u32 s5, $0x7;
	s16 =	smul.u32 $0x2800, s5  }
0xc: {  	p0 =	seq.s32 s5, $0x0;
	s5 =	simm.s32 $0x0;
	[dreg:$0x6] =	wrdreg s15  }
0xd: {  	s3 =	sadd.s32 s3, s0;
	s8 =	sshrl.u32 s6, $0x3;
	s7 =	sor.u32 s9, s7  }
0xe: {  	s9 =	sadd.s32 $0x68200, s0;
	s1 =	sadd.s32 s1, s20;
	[dreg:$0xb] =	wrdreg s25  }
0xf: {  	s11 =	sshrl.u32 s10, $0x1;
	s20 =	sadd.s32 $0xB8208, s0;
	[dreg:$0xc] =	wrdreg s1  }
0x10: {  	s22 =	sshrl.u32 s21, $0x2;
	s21 =	sadd.s32 $0x18200, s0;
	[dreg:$0x13] =	wrdreg s20  }
0x11: {  	s8 =	sadd.s32 s8, s0;
	s18 =	sadd.s32 $0x6200, s3;
	[dreg:$0x9] =	wrdreg s24  }
0x12: {  	s7 =	sshrl.u32 s7, $0x3;
	s3 =	sadd.s32 $0x1200, s3;
	[dreg:$0x8] =	wrdreg s18  }
0x13: {  	s10 =	ssub.s32 s10, s11;
	s1 =	sadd.s32 s22, s4;
	[dreg:$0xa] =	wrdreg s3  }
0x14: {  	s31 =	sadd.s32 $0x2800, s24;
	s23 =	sadd.s32 s6, s24;
	[dreg:$0xe] =	wrdreg s1  }
0x15: {  	s14 =	sadd.s32 s6, s16;
	s17 =	sadd.s32 $0xC00, s8;
	[dreg:$0xd] =	wrdreg s31  }
0x16: {  	s3 =	sshll.u32 s23, $0x3;
	s23 =	sadd.s32 $0x108200, s0;
	[dreg:$0x11] =	wrdreg s17  }
0x17: {  	s22 =	sadd.s32 $0xB8200, s0;
	s18 =	sadd.s32 $0x108400, s0;
	[dreg:$0x14] =	wrdreg s23  }
0x18: {  	s26 =	sadd.s32 s6, s31;
	s3 =	sadd.s32 s9, s3;
	[dreg:$0x12] =	wrdreg s18  }
0x19: {  	s11 =	sshll.u32 s26, $0x3;
	s17 =	sadd.s32 s6, s2;
	[dreg:$0xf] =	wrdreg s3  }
0x1a: {  	s7 =	sadd.s32 s7, s0;
	s13 =	sadd.s32 s9, s11;
	[dreg:$0x1a] =	wrdreg s17  }
0x1b: {  	s1 =	simm.f32 $-2.000000000e+00;
	s11 =	sadd.s32 $0x108208, s0;
	[dreg:$0x10] =	wrdreg s13  }
0x1c: {  	s1 =	simm.s32 @!p0 $0x0;
	s0 =	sadd.s32 $0x108E00, s0;
	[dreg:$0x16] =	wrdreg s11  }
0x1d: {  	v3 =	vimm.f32 $1.000000000e+00;
	v4 =	vlaneseq.u32;
	s3 =	sshrl.u32 s14, $0x3;
	s14 =	sadd.s32 $0x109000, s7;
	[dreg:$0x17] =	wrdreg s0  }
0x1e: {  	v5 =	vimm.f32 $0.0e+00;
	v6 =	vor.u32 $0x60, v4;
	v7 =	vor.u32 $0x5000, v4;
	s26 =	smul.u32 $0xD00, s12;
	s20 =	sadd.s32 $0x80, s17;
	[dreg:$0x19] =	wrdreg s14  }
0x1f: {  	v8 =	vor.u32 $0x10, v4;
	v9 =	vor.u32 $0x20, v4;
	v10 =	vor.u32 $0x30, v4;
	s12 =	simm.s32 $0x5;
	s23 =	sadd.s32 $0x100, s17;
	[dreg:$0x1c] =	wrdreg s20  }
0x20: {  	v11 =	vor.u32 $0x40, v4;
	v12 =	vor.u32 $0x50, v4;
	v0 =	vmov s1;
	s1 =	simm.s32 $0xA610;
	s3 =	sadd.s32 s18, s3;
	[dreg:$0x1d] =	wrdreg s23  }
0x21: {  	v13 =	vadd.s32 $0x54, v4;
	v14 =	vor.u32 $0xD0, v4;
	v15 =	vadd.s32 $0x68, v4;
	s13 =	sadd.s32 s15, s26;
	s18 =	smax.u32 s10, $0x1;
	[dreg:$0x15] =	wrdreg s3  }
0x22: {  	v16 =	vor.u32 $0x70, v4;
	v17 =	vadd.s32 $0x78, v4;
	v18 =	vor.u32 $0x80, v4;
	s26 =	sadd.s32 $0x180, s17;
	s0 =	sadd.s32 $0x200, s17;
	[dreg:$0x18] =	wrdreg s13  }
0x23: {  	v19 =	vadd.s32 $0x88, v4;
	v20 =	vor.u32 $0x90, v4;
	v21 =	vadd.s32 $0x98, v4;
	s10 =	simm.s32 $0xA500;
	s14 =	simm.s32 $0xAC10;
	[dreg:$0x1b] =	wrdreg s18  }
0x24: {  	v22 =	vor.u32 $0xA0, v4;
	v23 =	vadd.s32 $0xA8, v4;
	v24 =	vor.u32 $0xB0, v4;
	s17 =	simm.s32 $0x80;
	s20 =	simm.s32 $0x15B10;
	[dreg:$0x1e] =	wrdreg s26  }
0x25: {  	v25 =	vadd.s32 $0xB8, v4;
	v1 =	vmov s24;
	v2 =	vmov s16;
	[dreg:$0x1f] =	wrdreg s0;
	s18 =	simm.s32 $0x40;
	s26 =	simm.s32 $0xA280  }
.LBB2_1:
0x26: {  	[tilespmem:$0xA500] =	vst v3  }
0x27: {  	[tilespmem:$0xA510] =	vst v3  }
0x28: {  	[tilespmem:$0xA520] =	vst v3  }
0x29: {  	[tilespmem:$0xA530] =	vst v3  }
0x2a: {  	[tilespmem:$0xA540] =	vst v3  }
0x2b: {  	[tilespmem:$0xA550] =	vst v3  }
0x2c: {  	[smem:$0x7FD] =	sst s5;
	[tilespmem:$0xA560] =	vst v3  }
0x2d: {  	[tilespmem:$0xA570] =	vst v3;
	s0 =	rddreg [dreg:$0x1a]  }
0x2e: {  	[spmem:s0] =	stream.linear.scatter [tilespmem:s10], [sflag:$0x5], $0x80, $0x38;
	[tilespmem:$0x1E620] =	vst v63  }
0x2f: {  	_ =	swait.ge [sflag:s12], $0x80  }
0x30: {  	[sflag:s12] =	ssyncset.done $0x0  }
0x31: {  	s25 =	rddreg [dreg:$0x1c];
	[sflag:s12] =	ssyncadd.s32 $0xFFFFFF80  }
0x32: {  	[spmem:s25] =	stream.linear.scatter [tilespmem:s10], [sflag:$0x5], $0x80, $0x38;
	[tilespmem:$0x1E620] =	vst v63  }
0x33: {  	_ =	swait.ge [sflag:s12], $0x80  }
0x34: {  	[sflag:s12] =	ssyncset.done $0x0  }
0x35: {  	s31 =	rddreg [dreg:$0x1d];
	[sflag:s12] =	ssyncadd.s32 $0xFFFFFF80  }
0x36: {  	[spmem:s31] =	stream.linear.scatter [tilespmem:s10], [sflag:$0x5], $0x80, $0x38;
	[tilespmem:$0x1E620] =	vst v63  }
0x37: {  	_ =	swait.ge [sflag:s12], $0x80  }
0x38: {  	[sflag:s12] =	ssyncset.done $0x0  }
0x39: {  	s3 =	rddreg [dreg:$0x1e];
	[sflag:s12] =	ssyncadd.s32 $0xFFFFFF80  }
0x3a: {  	[spmem:s3] =	stream.linear.scatter [tilespmem:s10], [sflag:$0x5], $0x80, $0x38;
	[tilespmem:$0x1E620] =	vst v63  }
0x3b: {  	_ =	swait.ge [sflag:s12], $0x80  }
0x3c: {  	[sflag:s12] =	ssyncset.done $0x0  }
0x3d: {  	s5 =	rddreg [dreg:$0x1f];
	[sflag:s12] =	ssyncadd.s32 $0xFFFFFF80  }
0x3e: {  	[spmem:s5] =	stream.linear.scatter [tilespmem:s10], [sflag:$0x5], $0x80, $0x38;
	[tilespmem:$0x1E620] =	vst v63  }
0x3f: {  	_ =	swait.ge [sflag:s12], $0x80  }
0x40: {  	[sflag:s12] =	ssyncset.done $0x0  }
0x41: {  	[sflag:s12] =	ssyncadd.s32 $0xFFFFFF80  }
0x42: {  	[tilespmem:$0xA610] =	vst v5  }
0x43: {  	[tilespmem:$0xA620] =	vst v5  }
0x44: {  	[tilespmem:$0xA630] =	vst v5  }
0x45: {  	[tilespmem:$0xA640] =	vst v5  }
0x46: {  	[tilespmem:$0xA650] =	vst v5  }
0x47: {  	[tilespmem:$0xA660] =	vst v5  }
0x48: {  	[tilespmem:$0xA670] =	vst v5  }
0x49: {  	[tilespmem:$0xA680] =	vst v5  }
0x4a: {  	[tilespmem:$0xA690] =	vst v5  }
0x4b: {  	[tilespmem:$0xA6A0] =	vst v5  }
0x4c: {  	[tilespmem:$0xA6B0] =	vst v5  }
0x4d: {  	[tilespmem:$0xA6C0] =	vst v5  }
0x4e: {  	[tilespmem:$0xA6D0] =	vst v5  }
0x4f: {  	[tilespmem:$0xA6E0] =	vst v5  }
0x50: {  	[tilespmem:$0xA6F0] =	vst v5  }
0x51: {  	[tilespmem:$0xA700] =	vst v5  }
0x52: {  	[tilespmem:$0xA710] =	vst v5  }
0x53: {  	[tilespmem:$0xA720] =	vst v5  }
0x54: {  	[tilespmem:$0xA730] =	vst v5  }
0x55: {  	[tilespmem:$0xA740] =	vst v5  }
0x56: {  	[tilespmem:$0xA750] =	vst v5  }
0x57: {  	[tilespmem:$0xA760] =	vst v5  }
0x58: {  	[tilespmem:$0xA770] =	vst v5  }
0x59: {  	[tilespmem:$0xA780] =	vst v5  }
0x5a: {  	[tilespmem:$0xA790] =	vst v5  }
0x5b: {  	[tilespmem:$0xA7A0] =	vst v5  }
0x5c: {  	[tilespmem:$0xA7B0] =	vst v5  }
0x5d: {  	[tilespmem:$0xA7C0] =	vst v5  }
0x5e: {  	[tilespmem:$0xA7D0] =	vst v5  }
0x5f: {  	[tilespmem:$0xA7E0] =	vst v5  }
0x60: {  	[tilespmem:$0xA7F0] =	vst v5  }
0x61: {  	[tilespmem:$0xA800] =	vst v5  }
0x62: {  	[tilespmem:$0xA810] =	vst v5  }
0x63: {  	[tilespmem:$0xA820] =	vst v5  }
0x64: {  	[tilespmem:$0xA830] =	vst v5  }
0x65: {  	[tilespmem:$0xA840] =	vst v5  }
0x66: {  	[tilespmem:$0xA850] =	vst v5  }
0x67: {  	[tilespmem:$0xA860] =	vst v5  }
0x68: {  	[tilespmem:$0xA870] =	vst v5  }
0x69: {  	s7 =	rddreg [dreg:$0x8];
	[tilespmem:$0xA880] =	vst v5  }
0x6a: {  	[tilespmem:s14], [sflag:$0x5] =	stream.linear.gather [hbm4b:s7+s19], $0x2780, $0x38;
	[tilespmem:$0x1E620] =	vst v63  }
0x6b: {  	_ =	swait.ge [sflag:s12], $0x2780  }
0x6c: {  	[sflag:s12] =	ssyncset.done $0x0  }
0x6d: {  	s3 =	simm.s32 $0xD390;
	s8 =	rddreg [dreg:$0xa];
	[sflag:s12] =	ssyncadd.s32 $0xFFFFD880  }
0x6e: {  	[tilespmem:s3], [sflag:$0x5] =	stream.linear.gather [hbm4b:s8+s19], $0x2780, $0x38;
	[tilespmem:$0x1E620] =	vst v63  }
0x6f: {  	_ =	swait.ge [sflag:s12], $0x2780  }
0x70: {  	[sflag:s12] =	ssyncset.done $0x0  }
0x71: {  	s13 =	simm.s32 $0xA580;
	s11 =	rddreg [dreg:$0xc];
	[sflag:s12] =	ssyncadd.s32 $0xFFFFD880  }
0x72: {  	[tilespmem:s13], [sflag:$0x5] =	stream.linear.gather [hbm4b:s11+s19], $0x80, $0x38;
	[tilespmem:$0x1E620] =	vst v63  }
0x73: {  	_ =	swait.ge [sflag:s12], $0x80  }
0x74: {  	[sflag:s12] =	ssyncset.done $0x0  }
0x75: {  	[sflag:s12] =	ssyncadd.s32 $0xFFFFFF80  }
0x76: {  	s23 =	simm.s32 $0xA600;
	s15 =	rddreg [dreg:$0x2]  }
0x77: {  	[tilespmem:s23], [sflag:$0x5] =	stream.linear.gather [hbm4b:s15+s19], $0x10, $0x38;
	[tilespmem:$0x1E620] =	vst v63  }
0x78: {  	s24 =	sand.u32 $0xFE00, s19;
	_ =	swait.ge [sflag:s12], $0x10  }
0x79: {  	s0 =	sshrl.u32 s24, $0x2;
	s25 =	sand.u32 $0x70, s19;
	[sflag:s12] =	ssyncset.done $0x0  }
0x7a: {  	s0 =	sor.u32 s25, s0;
	[sflag:s12] =	ssyncadd.s32 $0xFFFFFFF0  }
0x7b: {  	v26 =	vld [tilespmem:s0+$0xAC10];
	_ =	sdelay $0x2  }
0x7c: {  	s31 =	simm.s32 $0x40  }
0x7d: {  	s5 =	simm.s32 $0x80;
	s7 =	sand.u32 $0xFE00, s31;
	s3 =	simm.s32 $0x10  }
.LBB2_2:
0x7e: {  	p2 =	sne.s32 s5, $0x9DC0;
	s8 =	sand.u32 $0x70, s3;
	s7 =	sshrl.u32 s7, $0x2;
	v26 =	vadd.s32 v1, v26  }
0x7f: {  	[tilespmem:s0+$0xAC10] =	vst v26;
	s0 =	sor.u32 s8, s7  }
.Ltmp0:
0x80: {  	v26 =	vld [tilespmem:s0+$0xAC10];
	(pc) =	sbr.rel @p2 .LBB2_2-.Ltmp0, $2  }
0x81: {  	_ =	sdelay $0x2  }
0x82: {  	s3 =	sadd.s32 $0x10, s3;
	s7 =	sand.u32 $0xFE00, s5;
	s5 =	sadd.s32 $0x40, s5  }
0x83: {  	s3 =	sand.u32 $0x70, s3;
	s5 =	sshrl.u32 s7, $0x2;
	v26 =	vadd.s32 v1, v26  }
0x84: {  	s3 =	sor.u32 s3, s5;
	[tilespmem:s0+$0xAC10] =	vst v26  }
0x85: {  	v26 =	vld [tilespmem:s3+$0xAC10];
	_ =	sdelay $0x4  }
0x86: {  	v26 =	vadd.s32 v1, v26  }
0x87: {  	[tilespmem:s3+$0xAC10] =	vst v26  }
0x88: {  	s31 =	simm.s32 $0xD390;
	[bflag:$0x0] =	sbarrier.arrive $0xFFFF  }
0x89: {  	[spmem:s2] =	stream.indirect.scatter.add.f32 [tilespmem:s10], [sflag:$0x5], $0x1, s31, s17, $0xb8;
	[tilespmem:$0x1E620] =	vst v63  }
0x8a: {  	s0 =	simm.s32 $0x200;
	_ =	swait.ge [sflag:s12], $0x80  }
.LBB2_4:
0x8b: {  	s3 =	sshra.s32 s0, $0x2;
	[sflag:s12] =	ssyncset.done $0x0;
	p2 =	sne.s32 s0, $0x9C00  }
.Ltmp1:
0x8c: {  	s3 =	sadd.s32 $0xD390, s3;
	[sflag:s12] =	ssyncadd.s32 $0xFFFFFF80;
	(pc) =	sbr.rel @p2 .LBB2_4-.Ltmp1, $3  }
0x8d: {  	[spmem:s2] =	stream.indirect.scatter.add.f32 [tilespmem:s10], [sflag:$0x5], $0x1, s3, s17, $0xb8;
	[tilespmem:$0x1E620] =	vst v63  }
0x8e: {  	s0 =	sadd.s32 $0x200, s0;
	_ =	sdelay $0x1  }
0x8f: {  	_ =	swait.ge [sflag:s12], $0x80  }
0x90: {  	[sflag:s12] =	ssyncset.done $0x0  }
0x91: {  	[sflag:s12] =	ssyncadd.s32 $0xFFFFFF80  }
0x92: {  	[bflag:$0x0] =	sbarrier.arrive $0xFFFF  }
0x93: {  	s3 =	simm.s32 $0xA890;
	s0 =	rddreg [dreg:$0x1a]  }
0x94: {  	[tilespmem:s3], [sflag:$0x5] =	stream.linear.gather [spmem:s0], $0x280, $0x38;
	[tilespmem:$0x1E620] =	vst v63  }
0x95: {  	_ =	swait.ge [sflag:s12], $0x280  }
0x96: {  	[sflag:s12] =	ssyncset.done $0x0  }
0x97: {  	s25 =	simm.s32 $0x0;
	[sflag:s12] =	ssyncadd.s32 $0xFFFFFD80  }
0x98: {  	v36 =	vld [tilespmem:s25+$0xA890];
	_ =	sdelay $0x4  }
0x99: {  	v26 =	vadd.f32 $1.000000000e+00, v36;
	_ =	sdelay $0x1  }
0x9a: {  	v26 =	vmul.f32 $5.000000000e-01, v26;
	_ =	sdelay $0x1  }
0x9b: {  	(erf) = vrcp.f32 v26;
	_ =	sdelay $0x8  }
0x9c: {  	v27 =	vpop (erf)  }
0x9d: {  	v27 =	vmul.f32 v27, v36;
	_ =	sdelay $0x1  }
0x9e: {  	v26 =	vadd.f32 v27, v26;
	_ =	sdelay $0x1  }
0x9f: {  	v26 =	vmul.f32 $5.000000000e-01, v26;
	_ =	sdelay $0x1  }
0xa0: {  	(erf) = vrcp.f32 v26;
	_ =	sdelay $0x4  }
0xa1: {  	s31 =	simm.s32 $0x10  }
0xa2: {  	v34 =	vld [tilespmem:s31+$0xA890];
	_ =	sdelay $0x2  }
0xa3: {  	v27 =	vpop (erf)  }
0xa4: {  	v27 =	vmul.f32 v27, v36  }
0xa5: {  	v28 =	vadd.f32 $1.000000000e+00, v34  }
0xa6: {  	v26 =	vadd.f32 v27, v26  }
0xa7: {  	v27 =	vmul.f32 $5.000000000e-01, v28  }
0xa8: {  	v26 =	vmul.f32 $5.000000000e-01, v26  }
0xa9: {  	(erf) = vrcp.f32 v27  }
0xaa: {  	(erf) = vrcp.f32 v26;
	_ =	sdelay $0x7  }
0xab: {  	v28 =	vpop (erf)  }
0xac: {  	v28 =	vmul.f32 v28, v34;
	v29 =	vpop (erf)  }
0xad: {  	v29 =	vmul.f32 v29, v36  }
0xae: {  	v27 =	vadd.f32 v28, v27  }
0xaf: {  	v26 =	vadd.f32 v29, v26  }
0xb0: {  	v27 =	vmul.f32 $5.000000000e-01, v27  }
0xb1: {  	v26 =	vmul.f32 $5.000000000e-01, v26  }
0xb2: {  	(erf) = vrcp.f32 v27  }
0xb3: {  	(erf) = vrcp.f32 v26;
	_ =	sdelay $0x3  }
0xb4: {  	s3 =	simm.s32 $0x20  }
0xb5: {  	v32 =	vld [tilespmem:s3+$0xA890];
	_ =	sdelay $0x2  }
0xb6: {  	v28 =	vpop (erf)  }
0xb7: {  	v28 =	vmul.f32 v28, v34;
	v29 =	vpop (erf)  }
0xb8: {  	v30 =	vadd.f32 $1.000000000e+00, v32;
	v29 =	vmul.f32 v29, v36  }
0xb9: {  	v27 =	vadd.f32 v28, v27  }
0xba: {  	v28 =	vmul.f32 $5.000000000e-01, v30;
	v26 =	vadd.f32 v29, v26  }
0xbb: {  	v27 =	vmul.f32 $5.000000000e-01, v27  }
0xbc: {  	(erf) = vrcp.f32 v28;
	v26 =	vmul.f32 $5.000000000e-01, v26  }
0xbd: {  	(erf) = vrcp.f32 v27  }
0xbe: {  	(erf) = vrcp.f32 v26;
	_ =	sdelay $0x6  }
0xbf: {  	v29 =	vpop (erf)  }
0xc0: {  	v30 =	vpop (erf)  }
0xc1: {  	v29 =	vmul.f32 v29, v32;
	v31 =	vpop (erf)  }
0xc2: {  	v31 =	vmul.f32 v31, v36  }
0xc3: {  	v28 =	vadd.f32 v29, v28  }
0xc4: {  	v26 =	vadd.f32 v31, v26  }
0xc5: {  	v28 =	vmul.f32 $5.000000000e-01, v28  }
0xc6: {  	v26 =	vmul.f32 $5.000000000e-01, v26  }
0xc7: {  	v29 =	vmul.f32 v30, v34;
	(erf) = vrcp.f32 v28  }
0xc8: {  	(erf) = vrcp.f32 v26  }
0xc9: {  	v27 =	vadd.f32 v29, v27;
	_ =	sdelay $0x1  }
0xca: {  	v27 =	vmul.f32 $5.000000000e-01, v27;
	_ =	sdelay $0x1  }
0xcb: {  	s7 =	simm.s32 $0x30;
	(erf) = vrcp.f32 v27  }
0xcc: {  	v30 =	vld [tilespmem:s7+$0xA890];
	_ =	sdelay $0x1  }
0xcd: {  	v29 =	vpop (erf)  }
0xce: {  	v31 =	vpop (erf)  }
0xcf: {  	v31 =	vmul.f32 v31, v36  }
0xd0: {  	v33 =	vadd.f32 $1.000000000e+00, v30  }
0xd1: {  	v26 =	vadd.f32 v31, v26  }
0xd2: {  	v31 =	vmul.f32 $5.000000000e-01, v33  }
0xd3: {  	v29 =	vmul.f32 v29, v32;
	v40 =	vpop (erf);
	v26 =	vmul.f32 $5.000000000e-01, v26  }
0xd4: {  	v33 =	vmul.f32 v40, v34;
	(erf) = vrcp.f32 v31  }
0xd5: {  	v28 =	vadd.f32 v29, v28;
	(erf) = vrcp.f32 v26  }
0xd6: {  	v27 =	vadd.f32 v33, v27  }
0xd7: {  	v28 =	vmul.f32 $5.000000000e-01, v28  }
0xd8: {  	v27 =	vmul.f32 $5.000000000e-01, v27  }
0xd9: {  	(erf) = vrcp.f32 v28  }
0xda: {  	(erf) = vrcp.f32 v27;
	_ =	sdelay $0x2  }
0xdb: {  	v29 =	vpop (erf)  }
0xdc: {  	v41 =	vpop (erf)  }
0xdd: {  	v33 =	vmul.f32 v41, v36;
	_ =	sdelay $0x1  }
0xde: {  	v26 =	vadd.f32 v33, v26  }
0xdf: {  	v42 =	vpop (erf)  }
0xe0: {  	v29 =	vmul.f32 v29, v30;
	v35 =	vpop (erf);
	v26 =	vmul.f32 $5.000000000e-01, v26  }
0xe1: {  	v35 =	vmul.f32 v35, v34  }
0xe2: {  	v29 =	vadd.f32 v29, v31;
	(erf) = vrcp.f32 v26  }
0xe3: {  	v27 =	vadd.f32 v35, v27  }
0xe4: {  	v31 =	vmul.f32 $5.000000000e-01, v29  }
0xe5: {  	v27 =	vmul.f32 $5.000000000e-01, v27  }
0xe6: {  	v29 =	vmul.f32 v42, v32;
	(erf) = vrcp.f32 v31  }
0xe7: {  	s8 =	simm.s32 $0x40;
	(erf) = vrcp.f32 v27  }
0xe8: {  	v28 =	vadd.f32 v29, v28;
	v29 =	vld [tilespmem:s8+$0xA890];
	_ =	sdelay $0x1  }
0xe9: {  	v28 =	vmul.f32 $5.000000000e-01, v28  }
0xea: {  	v43 =	vpop (erf)  }
0xeb: {  	(erf) = vrcp.f32 v28;
	v33 =	vmul.f32 v43, v36  }
0xec: {  	v44 =	vadd.f32 $1.000000000e+00, v29  }
0xed: {  	v26 =	vadd.f32 v33, v26  }
0xee: {  	v45 =	vmul.f32 $5.000000000e-01, v44;
	v46 =	vpop (erf)  }
0xef: {  	v37 =	vpop (erf);
	v26 =	vmul.f32 $5.000000000e-01, v26  }
0xf0: {  	(erf) = vrcp.f32 v45;
	v37 =	vmul.f32 v37, v34  }
0xf1: {  	(erf) = vrcp.f32 v26  }
0xf2: {  	v27 =	vadd.f32 v37, v27;
	_ =	sdelay $0x1  }
0xf3: {  	v35 =	vmul.f32 v46, v30;
	v47 =	vpop (erf);
	v27 =	vmul.f32 $5.000000000e-01, v27  }
0xf4: {  	v37 =	vmul.f32 v47, v32  }
0xf5: {  	v31 =	vadd.f32 v35, v31;
	(erf) = vrcp.f32 v27  }
0xf6: {  	v28 =	vadd.f32 v37, v28  }
0xf7: {  	v31 =	vmul.f32 $5.000000000e-01, v31  }
0xf8: {  	v48 =	vpop (erf);
	v28 =	vmul.f32 $5.000000000e-01, v28  }
0xf9: {  	(erf) = vrcp.f32 v31;
	v49 =	vpop (erf)  }
0xfa: {  	(erf) = vrcp.f32 v28;
	v37 =	vmul.f32 v49, v36;
	_ =	sdelay $0x1  }
0xfb: {  	v26 =	vadd.f32 v37, v26;
	_ =	sdelay $0x1  }
0xfc: {  	v50 =	vpop (erf);
	v38 =	vmul.f32 $5.000000000e-01, v26  }
0xfd: {  	v26 =	vmul.f32 v50, v34  }
0xfe: {  	(erf) = vrcp.f32 v38  }
0xff: {  	v26 =	vadd.f32 v26, v27  }
0x100: {  	v27 =	vpop (erf)  }
0x101: {  	v35 =	vmul.f32 v48, v29;
	v51 =	vpop (erf);
	v39 =	vmul.f32 $5.000000000e-01, v26  }
0x102: {  	v26 =	vmul.f32 v51, v32  }
0x103: {  	v33 =	vadd.f32 v35, v45;
	(erf) = vrcp.f32 v39  }
0x104: {  	v26 =	vadd.f32 v26, v28  }
0x105: {  	v28 =	vmul.f32 $5.000000000e-01, v33  }
0x106: {  	v52 =	vmul.f32 $5.000000000e-01, v26;
	v26 =	vmul.f32 v27, v30  }
0x107: {  	(erf) = vrcp.f32 v28;
	v27 =	vpop (erf)  }
0x108: {  	s0 =	simm.s32 $0x50;
	(erf) = vrcp.f32 v52;
	v31 =	vadd.f32 v26, v31;
	v27 =	vmul.f32 v27, v36  }
0x109: {  	v26 =	vld [tilespmem:s0+$0xA890]  }
0x10a: {  	v31 =	vmul.f32 $5.000000000e-01, v31;
	v27 =	vadd.f32 v27, v38;
	_ =	sdelay $0x1  }
0x10b: {  	(erf) = vrcp.f32 v31;
	v53 =	vpop (erf);
	v27 =	vmul.f32 $5.000000000e-01, v27  }
0x10c: {  	v35 =	vmul.f32 v53, v34  }
0x10d: {  	v54 =	vadd.f32 $1.000000000e+00, v26;
	(erf) = vrcp.f32 v27  }
0x10e: {  	v35 =	vadd.f32 v35, v39  }
0x10f: {  	v37 =	vmul.f32 $5.000000000e-01, v54;
	v55 =	vpop (erf)  }
0x110: {  	v56 =	vpop (erf);
	v35 =	vmul.f32 $5.000000000e-01, v35  }
0x111: {  	(erf) = vrcp.f32 v37;
	v39 =	vmul.f32 v56, v32  }
0x112: {  	(erf) = vrcp.f32 v35  }
0x113: {  	v33 =	vadd.f32 v39, v52  }
0x114: {  	v38 =	vmul.f32 v55, v29;
	v57 =	vpop (erf)  }
0x115: {  	v33 =	vmul.f32 $5.000000000e-01, v33;
	v39 =	vmul.f32 v57, v30  }
0x116: {  	v28 =	vadd.f32 v38, v28;
	v40 =	vpop (erf)  }
0x117: {  	(erf) = vrcp.f32 v33;
	v31 =	vadd.f32 v39, v31;
	v58 =	vmul.f32 v40, v36  }
0x118: {  	v28 =	vmul.f32 $5.000000000e-01, v28  }
0x119: {  	v31 =	vmul.f32 $5.000000000e-01, v31;
	v27 =	vadd.f32 v58, v27  }
0x11a: {  	(erf) = vrcp.f32 v28;
	v59 =	vpop (erf)  }
0x11b: {  	(erf) = vrcp.f32 v31;
	v60 =	vpop (erf);
	v27 =	vmul.f32 $5.000000000e-01, v27  }
0x11c: {  	v39 =	vmul.f32 v60, v34  }
0x11d: {  	(erf) = vrcp.f32 v27  }
0x11e: {  	v35 =	vadd.f32 v39, v35;
	_ =	sdelay $0x1  }
0x11f: {  	v61 =	vpop (erf);
	v35 =	vmul.f32 $5.000000000e-01, v35  }
0x120: {  	v39 =	vmul.f32 v61, v32  }
0x121: {  	(erf) = vrcp.f32 v35  }
0x122: {  	v62 =	vpop (erf);
	v33 =	vadd.f32 v39, v33  }
0x123: {  	v38 =	vmul.f32 v59, v26;
	v63 =	vpop (erf)  }
0x124: {  	v33 =	vmul.f32 $5.000000000e-01, v33;
	v40 =	vmul.f32 v63, v30  }
0x125: {  	v37 =	vadd.f32 v38, v37;
	v41 =	vpop (erf)  }
0x126: {  	(erf) = vrcp.f32 v33;
	v31 =	vadd.f32 v40, v31;
	v43 =	vmul.f32 v41, v36  }
0x127: {  	v37 =	vmul.f32 $5.000000000e-01, v37  }
0x128: {  	v31 =	vmul.f32 $5.000000000e-01, v31;
	v27 =	vadd.f32 v43, v27  }
0x129: {  	v44 =	vmul.f32 v62, v29;
	(erf) = vrcp.f32 v37  }
0x12a: {  	(erf) = vrcp.f32 v31;
	v45 =	vpop (erf);
	v46 =	vmul.f32 $5.000000000e-01, v27  }
0x12b: {  	s5 =	simm.s32 $0x60;
	v28 =	vadd.f32 v44, v28;
	v39 =	vmul.f32 v45, v34  }
0x12c: {  	v27 =	vld [tilespmem:s5+$0xA890];
	(erf) = vrcp.f32 v46  }
0x12d: {  	v28 =	vmul.f32 $5.000000000e-01, v28;
	v35 =	vadd.f32 v39, v35;
	_ =	sdelay $0x1  }
0x12e: {  	v47 =	vpop (erf);
	(erf) = vrcp.f32 v28;
	v35 =	vmul.f32 $5.000000000e-01, v35  }
0x12f: {  	v38 =	vmul.f32 v47, v32  }
0x130: {  	v48 =	vadd.f32 $1.000000000e+00, v27;
	(erf) = vrcp.f32 v35  }
0x131: {  	v50 =	vpop (erf);
	v33 =	vadd.f32 v38, v33  }
0x132: {  	v49 =	vmul.f32 $5.000000000e-01, v48;
	v51 =	vpop (erf)  }
0x133: {  	v33 =	vmul.f32 $5.000000000e-01, v33;
	v41 =	vmul.f32 v51, v30  }
0x134: {  	(erf) = vrcp.f32 v49;
	v42 =	vpop (erf)  }
0x135: {  	(erf) = vrcp.f32 v33;
	v31 =	vadd.f32 v41, v31;
	v42 =	vmul.f32 v42, v36;
	_ =	sdelay $0x1  }
0x136: {  	v39 =	vmul.f32 v50, v26;
	v52 =	vpop (erf);
	v31 =	vmul.f32 $5.000000000e-01, v31;
	v40 =	vadd.f32 v42, v46  }
0x137: {  	v41 =	vmul.f32 v52, v29  }
0x138: {  	v37 =	vadd.f32 v39, v37;
	(erf) = vrcp.f32 v31;
	v53 =	vpop (erf);
	v40 =	vmul.f32 $5.000000000e-01, v40  }
0x139: {  	v28 =	vadd.f32 v41, v28;
	v54 =	vmul.f32 v53, v34  }
0x13a: {  	v37 =	vmul.f32 $5.000000000e-01, v37;
	(erf) = vrcp.f32 v40  }
0x13b: {  	v28 =	vmul.f32 $5.000000000e-01, v28;
	v35 =	vadd.f32 v54, v35  }
0x13c: {  	v55 =	vpop (erf);
	(erf) = vrcp.f32 v37  }
0x13d: {  	v56 =	vpop (erf);
	v35 =	vmul.f32 $5.000000000e-01, v35;
	(erf) = vrcp.f32 v28  }
0x13e: {  	v41 =	vmul.f32 v56, v32  }
0x13f: {  	(erf) = vrcp.f32 v35  }
0x140: {  	v33 =	vadd.f32 v41, v33  }
0x141: {  	v57 =	vpop (erf)  }
0x142: {  	v33 =	vmul.f32 $5.000000000e-01, v33;
	v41 =	vmul.f32 v57, v30  }
0x143: {  	v58 =	vpop (erf)  }
0x144: {  	(erf) = vrcp.f32 v33;
	v31 =	vadd.f32 v41, v31;
	v42 =	vmul.f32 v58, v36  }
0x145: {  	v59 =	vpop (erf)  }
0x146: {  	v39 =	vmul.f32 v55, v27;
	v31 =	vmul.f32 $5.000000000e-01, v31;
	v60 =	vpop (erf);
	v40 =	vadd.f32 v42, v40  }
0x147: {  	v42 =	vmul.f32 v60, v29  }
0x148: {  	v38 =	vadd.f32 v39, v49;
	(erf) = vrcp.f32 v31;
	v43 =	vpop (erf);
	v40 =	vmul.f32 $5.000000000e-01, v40  }
0x149: {  	v61 =	vmul.f32 v43, v34;
	v28 =	vadd.f32 v42, v28  }
0x14a: {  	v38 =	vmul.f32 $5.000000000e-01, v38;
	(erf) = vrcp.f32 v40  }
0x14b: {  	v62 =	vmul.f32 v59, v26;
	v35 =	vadd.f32 v61, v35;
	v63 =	vmul.f32 $5.000000000e-01, v28  }
0x14c: {  	(erf) = vrcp.f32 v38  }
0x14d: {  	s13 =	simm.s32 $0x70;
	v37 =	vadd.f32 v62, v37;
	v47 =	vpop (erf);
	v35 =	vmul.f32 $5.000000000e-01, v35;
	(erf) = vrcp.f32 v63  }
0x14e: {  	v28 =	vld [tilespmem:s13+$0xA890];
	v48 =	vmul.f32 v47, v32  }
0x14f: {  	v37 =	vmul.f32 $5.000000000e-01, v37;
	(erf) = vrcp.f32 v35  }
0x150: {  	v33 =	vadd.f32 v48, v33  }
0x151: {  	(erf) = vrcp.f32 v37;
	v49 =	vpop (erf)  }
0x152: {  	v33 =	vmul.f32 $5.000000000e-01, v33;
	v39 =	vmul.f32 v49, v30  }
0x153: {  	v50 =	vadd.f32 $1.000000000e+00, v28;
	v51 =	vpop (erf)  }
0x154: {  	(erf) = vrcp.f32 v33;
	v31 =	vadd.f32 v39, v31;
	v43 =	vmul.f32 v51, v36  }
0x155: {  	v42 =	vmul.f32 $5.000000000e-01, v50;
	v52 =	vpop (erf)  }
0x156: {  	v31 =	vmul.f32 $5.000000000e-01, v31;
	v53 =	vpop (erf);
	v40 =	vadd.f32 v43, v40  }
0x157: {  	(erf) = vrcp.f32 v42;
	v43 =	vmul.f32 v53, v29  }
0x158: {  	(erf) = vrcp.f32 v31;
	v44 =	vpop (erf);
	v40 =	vmul.f32 $5.000000000e-01, v40  }
0x159: {  	v44 =	vmul.f32 v44, v34;
	v41 =	vadd.f32 v43, v63  }
0x15a: {  	v39 =	vmul.f32 v52, v27;
	v54 =	vpop (erf);
	(erf) = vrcp.f32 v40  }
0x15b: {  	v43 =	vmul.f32 v54, v26;
	v35 =	vadd.f32 v44, v35;
	v41 =	vmul.f32 $5.000000000e-01, v41  }
0x15c: {  	v38 =	vadd.f32 v39, v38  }
0x15d: {  	v55 =	vpop (erf);
	v37 =	vadd.f32 v43, v37;
	v35 =	vmul.f32 $5.000000000e-01, v35;
	(erf) = vrcp.f32 v41  }
0x15e: {  	v38 =	vmul.f32 $5.000000000e-01, v38;
	v39 =	vmul.f32 v55, v32  }
0x15f: {  	v37 =	vmul.f32 $5.000000000e-01, v37;
	(erf) = vrcp.f32 v35  }
0x160: {  	v56 =	vpop (erf);
	v33 =	vadd.f32 v39, v33;
	(erf) = vrcp.f32 v38  }
0x161: {  	v57 =	vpop (erf);
	(erf) = vrcp.f32 v37  }
0x162: {  	v33 =	vmul.f32 $5.000000000e-01, v33  }
0x163: {  	v43 =	vmul.f32 v57, v30;
	v58 =	vpop (erf)  }
0x164: {  	(erf) = vrcp.f32 v33;
	v44 =	vmul.f32 v58, v36  }
0x165: {  	v31 =	vadd.f32 v43, v31  }
0x166: {  	v59 =	vpop (erf);
	v40 =	vadd.f32 v44, v40  }
0x167: {  	v60 =	vmul.f32 $5.000000000e-01, v31;
	v31 =	vmul.f32 v59, v29  }
0x168: {  	v39 =	vmul.f32 v56, v28;
	v61 =	vpop (erf);
	v40 =	vmul.f32 $5.000000000e-01, v40  }
0x169: {  	(erf) = vrcp.f32 v60;
	v43 =	vmul.f32 v61, v34;
	v31 =	vadd.f32 v31, v41;
	v62 =	vpop (erf)  }
0x16a: {  	v39 =	vadd.f32 v39, v42;
	v45 =	vpop (erf);
	(erf) = vrcp.f32 v40  }
0x16b: {  	v35 =	vadd.f32 v43, v35;
	v63 =	vmul.f32 $5.000000000e-01, v31;
	v31 =	vmul.f32 v45, v26;
	_ =	sdelay $0x1  }
0x16c: {  	v39 =	vmul.f32 $5.000000000e-01, v39;
	v47 =	vpop (erf);
	v35 =	vmul.f32 $5.000000000e-01, v35;
	v31 =	vadd.f32 v31, v37  }
0x16d: {  	(erf) = vrcp.f32 v63;
	v48 =	vmul.f32 v47, v32  }
0x16e: {  	(erf) = vrcp.f32 v35;
	v49 =	vmul.f32 $5.000000000e-01, v31  }
0x16f: {  	v31 =	vadd.f32 v48, v33;
	(erf) = vrcp.f32 v39  }
0x170: {  	v50 =	vmul.f32 v62, v27;
	(erf) = vrcp.f32 v49  }
0x171: {  	v51 =	vpop (erf);
	v52 =	vmul.f32 $5.000000000e-01, v31  }
0x172: {  	s11 =	simm.s32 $0x80;
	v33 =	vadd.f32 v50, v38;
	v37 =	vmul.f32 v51, v30;
	v53 =	vpop (erf)  }
0x173: {  	v31 =	vld [tilespmem:s11+$0xA890];
	(erf) = vrcp.f32 v52;
	v38 =	vmul.f32 v53, v36  }
0x174: {  	v33 =	vmul.f32 $5.000000000e-01, v33;
	v37 =	vadd.f32 v37, v60  }
0x175: {  	v38 =	vadd.f32 v38, v40  }
0x176: {  	(erf) = vrcp.f32 v33;
	v37 =	vmul.f32 $5.000000000e-01, v37;
	v54 =	vpop (erf)  }
0x177: {  	v40 =	vmul.f32 v54, v29;
	v55 =	vpop (erf);
	v38 =	vmul.f32 $5.000000000e-01, v38  }
0x178: {  	v56 =	vadd.f32 $1.000000000e+00, v31;
	(erf) = vrcp.f32 v37;
	v44 =	vmul.f32 v55, v34;
	v57 =	vpop (erf)  }
0x179: {  	v40 =	vadd.f32 v40, v63;
	v46 =	vpop (erf);
	(erf) = vrcp.f32 v38  }
0x17a: {  	v45 =	vmul.f32 $5.000000000e-01, v56;
	v35 =	vadd.f32 v44, v35;
	v58 =	vmul.f32 v46, v26  }
0x17b: {  	v43 =	vmul.f32 v57, v28;
	v40 =	vmul.f32 $5.000000000e-01, v40  }
0x17c: {  	(erf) = vrcp.f32 v45;
	v59 =	vpop (erf);
	v35 =	vmul.f32 $5.000000000e-01, v35;
	v42 =	vadd.f32 v58, v49  }
0x17d: {  	(erf) = vrcp.f32 v40;
	v60 =	vmul.f32 v59, v32  }
0x17e: {  	(erf) = vrcp.f32 v35;
	v42 =	vmul.f32 $5.000000000e-01, v42  }
0x17f: {  	v61 =	vpop (erf);
	v41 =	vadd.f32 v60, v52  }
0x180: {  	v39 =	vadd.f32 v43, v39;
	v62 =	vmul.f32 v61, v27;
	(erf) = vrcp.f32 v42  }
0x181: {  	v63 =	vpop (erf);
	v41 =	vmul.f32 $5.000000000e-01, v41  }
0x182: {  	v39 =	vmul.f32 $5.000000000e-01, v39;
	v33 =	vadd.f32 v62, v33;
	v48 =	vmul.f32 v63, v30;
	v49 =	vpop (erf)  }
0x183: {  	(erf) = vrcp.f32 v41;
	v44 =	vmul.f32 v49, v36  }
0x184: {  	v33 =	vmul.f32 $5.000000000e-01, v33;
	v37 =	vadd.f32 v48, v37  }
0x185: {  	v50 =	vpop (erf);
	(erf) = vrcp.f32 v39;
	v38 =	vadd.f32 v44, v38  }
0x186: {  	v37 =	vmul.f32 $5.000000000e-01, v37;
	v51 =	vpop (erf);
	(erf) = vrcp.f32 v33  }
0x187: {  	v44 =	vmul.f32 v51, v29;
	v52 =	vpop (erf);
	v38 =	vmul.f32 $5.000000000e-01, v38  }
0x188: {  	(erf) = vrcp.f32 v37;
	v46 =	vmul.f32 v52, v34  }
0x189: {  	v40 =	vadd.f32 v44, v40;
	v53 =	vpop (erf);
	(erf) = vrcp.f32 v38  }
0x18a: {  	v35 =	vadd.f32 v46, v35;
	v44 =	vmul.f32 v53, v26  }
0x18b: {  	v40 =	vmul.f32 $5.000000000e-01, v40  }
0x18c: {  	v43 =	vmul.f32 v50, v31;
	v54 =	vpop (erf);
	v35 =	vmul.f32 $5.000000000e-01, v35;
	v42 =	vadd.f32 v44, v42  }
0x18d: {  	(erf) = vrcp.f32 v40;
	v55 =	vmul.f32 v54, v32  }
0x18e: {  	v56 =	vpop (erf);
	(erf) = vrcp.f32 v35;
	v42 =	vmul.f32 $5.000000000e-01, v42  }
0x18f: {  	v47 =	vpop (erf);
	v41 =	vadd.f32 v55, v41  }
0x190: {  	v43 =	vadd.f32 v43, v45;
	v58 =	vmul.f32 v47, v27;
	(erf) = vrcp.f32 v42  }
0x191: {  	v59 =	vpop (erf);
	v41 =	vmul.f32 $5.000000000e-01, v41  }
0x192: {  	v43 =	vmul.f32 $5.000000000e-01, v43;
	v60 =	vmul.f32 v59, v30;
	v33 =	vadd.f32 v58, v33;
	v61 =	vpop (erf)  }
0x193: {  	(erf) = vrcp.f32 v41;
	v62 =	vmul.f32 v61, v36  }
0x194: {  	v37 =	vadd.f32 v60, v37;
	v63 =	vmul.f32 $5.000000000e-01, v33  }
0x195: {  	v57 =	vmul.f32 v56, v28;
	(erf) = vrcp.f32 v43;
	v38 =	vadd.f32 v62, v38  }
0x196: {  	s24 =	simm.s32 $0x90;
	v37 =	vmul.f32 $5.000000000e-01, v37;
	(erf) = vrcp.f32 v63;
	v51 =	vpop (erf)  }
0x197: {  	v39 =	vadd.f32 v57, v39;
	v33 =	vld [tilespmem:s24+$0xA890];
	v44 =	vmul.f32 v51, v29;
	v52 =	vpop (erf);
	v38 =	vmul.f32 $5.000000000e-01, v38  }
0x198: {  	(erf) = vrcp.f32 v37;
	v45 =	vmul.f32 v52, v34  }
0x199: {  	v39 =	vmul.f32 $5.000000000e-01, v39;
	v40 =	vadd.f32 v44, v40;
	v54 =	vpop (erf);
	(erf) = vrcp.f32 v38  }
0x19a: {  	v35 =	vadd.f32 v45, v35;
	v55 =	vmul.f32 v54, v26  }
0x19b: {  	v40 =	vmul.f32 $5.000000000e-01, v40;
	(erf) = vrcp.f32 v39  }
0x19c: {  	v53 =	vadd.f32 $1.000000000e+00, v33;
	v56 =	vpop (erf);
	v35 =	vmul.f32 $5.000000000e-01, v35  }
0x19d: {  	(erf) = vrcp.f32 v40;
	v42 =	vadd.f32 v55, v42;
	v47 =	vmul.f32 v56, v32  }
0x19e: {  	v57 =	vpop (erf);
	(erf) = vrcp.f32 v35  }
0x19f: {  	v44 =	vmul.f32 $5.000000000e-01, v53;
	v48 =	vpop (erf);
	v42 =	vmul.f32 $5.000000000e-01, v42;
	v41 =	vadd.f32 v47, v41  }
0x1a0: {  	v45 =	vmul.f32 v57, v31;
	v58 =	vmul.f32 v48, v27  }
0x1a1: {  	(erf) = vrcp.f32 v44;
	v59 =	vpop (erf);
	v41 =	vmul.f32 $5.000000000e-01, v41  }
0x1a2: {  	(erf) = vrcp.f32 v42;
	v60 =	vmul.f32 v59, v30;
	v46 =	vadd.f32 v58, v63;
	v61 =	vpop (erf)  }
0x1a3: {  	v43 =	vadd.f32 v45, v43;
	(erf) = vrcp.f32 v41;
	v62 =	vmul.f32 v61, v36  }
0x1a4: {  	v37 =	vadd.f32 v60, v37;
	v46 =	vmul.f32 $5.000000000e-01, v46;
	v63 =	vpop (erf)  }
0x1a5: {  	v43 =	vmul.f32 $5.000000000e-01, v43;
	v52 =	vmul.f32 v63, v28;
	v38 =	vadd.f32 v62, v38  }
0x1a6: {  	v37 =	vmul.f32 $5.000000000e-01, v37;
	(erf) = vrcp.f32 v46;
	v53 =	vpop (erf)  }
0x1a7: {  	v45 =	vmul.f32 v53, v29;
	v39 =	vadd.f32 v52, v39;
	v54 =	vpop (erf);
	v38 =	vmul.f32 $5.000000000e-01, v38  }
0x1a8: {  	(erf) = vrcp.f32 v37;
	v47 =	vmul.f32 v54, v34  }
0x1a9: {  	v40 =	vadd.f32 v45, v40;
	v39 =	vmul.f32 $5.000000000e-01, v39;
	(erf) = vrcp.f32 v38  }
0x1aa: {  	v55 =	vpop (erf);
	v35 =	vadd.f32 v47, v35;
	(erf) = vrcp.f32 v43  }
0x1ab: {  	v56 =	vpop (erf);
	v40 =	vmul.f32 $5.000000000e-01, v40;
	(erf) = vrcp.f32 v39  }
0x1ac: {  	v47 =	vmul.f32 v56, v26;
	v57 =	vpop (erf);
	v49 =	vmul.f32 $5.000000000e-01, v35  }
0x1ad: {  	(erf) = vrcp.f32 v40;
	v58 =	vmul.f32 v57, v32  }
0x1ae: {  	v42 =	vadd.f32 v47, v42;
	(erf) = vrcp.f32 v49  }
0x1af: {  	v45 =	vmul.f32 v55, v33;
	v59 =	vpop (erf);
	v35 =	vadd.f32 v58, v41  }
0x1b0: {  	v42 =	vmul.f32 $5.000000000e-01, v42;
	v60 =	vmul.f32 v59, v27  }
0x1b1: {  	v44 =	vadd.f32 v45, v44;
	v61 =	vpop (erf);
	v47 =	vmul.f32 $5.000000000e-01, v35  }
0x1b2: {  	(erf) = vrcp.f32 v42;
	v62 =	vadd.f32 v60, v46;
	v63 =	vmul.f32 v61, v30;
	v51 =	vpop (erf)  }
0x1b3: {  	v52 =	vpop (erf);
	(erf) = vrcp.f32 v47;
	v45 =	vmul.f32 v51, v36  }
0x1b4: {  	v44 =	vmul.f32 $5.000000000e-01, v44;
	v50 =	vmul.f32 $5.000000000e-01, v62;
	v54 =	vadd.f32 v63, v37;
	v53 =	vpop (erf)  }
0x1b5: {  	v55 =	vmul.f32 v52, v31;
	v56 =	vmul.f32 v53, v28;
	v38 =	vadd.f32 v45, v38  }
0x1b6: {  	(erf) = vrcp.f32 v50;
	v46 =	vmul.f32 $5.000000000e-01, v54;
	v57 =	vpop (erf)  }
0x1b7: {  	v59 =	vmul.f32 v57, v29;
	v60 =	vpop (erf);
	v58 =	vadd.f32 v56, v39;
	v38 =	vmul.f32 $5.000000000e-01, v38  }
0x1b8: {  	v37 =	vadd.f32 v55, v43;
	(erf) = vrcp.f32 v46;
	v41 =	vmul.f32 v60, v34  }
0x1b9: {  	s19 =	simm.s32 $0xA0;
	v39 =	vadd.f32 v59, v40;
	v43 =	vmul.f32 $5.000000000e-01, v58;
	(erf) = vrcp.f32 v38  }
0x1ba: {  	v35 =	vld [tilespmem:s19+$0xA890];
	v45 =	vmul.f32 $5.000000000e-01, v37;
	v61 =	vadd.f32 v41, v49;
	(erf) = vrcp.f32 v44  }
0x1bb: {  	v62 =	vpop (erf);
	v48 =	vmul.f32 $5.000000000e-01, v39;
	(erf) = vrcp.f32 v43  }
0x1bc: {  	v63 =	vmul.f32 v62, v26;
	v49 =	vmul.f32 $5.000000000e-01, v61;
	v52 =	vpop (erf)  }
0x1bd: {  	(erf) = vrcp.f32 v48;
	v53 =	vmul.f32 v52, v32  }
0x1be: {  	v39 =	vadd.f32 v63, v42;
	(erf) = vrcp.f32 v49  }
0x1bf: {  	v54 =	vadd.f32 $1.000000000e+00, v35;
	v55 =	vpop (erf);
	(erf) = vrcp.f32 v45;
	v56 =	vadd.f32 v53, v47  }
0x1c0: {  	v41 =	vmul.f32 v55, v27;
	v47 =	vmul.f32 $5.000000000e-01, v39  }
0x1c1: {  	v37 =	vmul.f32 $5.000000000e-01, v54;
	v57 =	vpop (erf);
	v51 =	vmul.f32 $5.000000000e-01, v56  }
0x1c2: {  	v58 =	vadd.f32 v41, v50;
	v59 =	vmul.f32 v57, v30;
	(erf) = vrcp.f32 v47;
	v60 =	vpop (erf)  }
0x1c3: {  	v61 =	vpop (erf);
	(erf) = vrcp.f32 v51;
	v36 =	vmul.f32 v60, v36  }
0x1c4: {  	v39 =	vmul.f32 $5.000000000e-01, v58;
	v63 =	vadd.f32 v59, v46;
	(erf) = vrcp.f32 v37;
	v62 =	vpop (erf)  }
0x1c5: {  	v46 =	vmul.f32 v61, v33;
	v52 =	vmul.f32 v62, v28;
	v36 =	vadd.f32 v36, v38  }
0x1c6: {  	v40 =	vmul.f32 $5.000000000e-01, v63;
	(erf) = vrcp.f32 v39;
	v53 =	vpop (erf)  }
0x1c7: {  	v38 =	vmul.f32 v53, v29;
	v54 =	vpop (erf);
	v42 =	vadd.f32 v52, v43;
	v36 =	vmul.f32 $5.000000000e-01, v36  }
0x1c8: {  	v44 =	vadd.f32 v46, v44;
	(erf) = vrcp.f32 v40;
	v43 =	vmul.f32 v54, v34  }
0x1c9: {  	v55 =	vpop (erf);
	v56 =	vadd.f32 v38, v48;
	v41 =	vmul.f32 $5.000000000e-01, v42;
	(erf) = vrcp.f32 v36  }
0x1ca: {  	v38 =	vmul.f32 $5.000000000e-01, v44;
	v57 =	vmul.f32 v55, v31;
	v43 =	vadd.f32 v43, v49  }
0x1cb: {  	v58 =	vpop (erf);
	v42 =	vmul.f32 $5.000000000e-01, v56;
	(erf) = vrcp.f32 v41  }
0x1cc: {  	v36 =	vadd.f32 v57, v45;
	v44 =	vmul.f32 v58, v26;
	v45 =	vmul.f32 $5.000000000e-01, v43;
	v59 =	vpop (erf)  }
0x1cd: {  	(erf) = vrcp.f32 v42;
	v60 =	vmul.f32 v59, v32  }
0x1ce: {  	v46 =	vmul.f32 $5.000000000e-01, v36;
	v61 =	vadd.f32 v44, v47;
	(erf) = vrcp.f32 v45  }
0x1cf: {  	v47 =	vpop (erf);
	(erf) = vrcp.f32 v38;
	v62 =	vadd.f32 v60, v51  }
0x1d0: {  	v63 =	vpop (erf);
	(erf) = vrcp.f32 v46;
	v43 =	vmul.f32 $5.000000000e-01, v61  }
0x1d1: {  	s15 =	simm.s32 $0x0;
	s23 =	simm.s32 $0x2C0;
	v48 =	vmul.f32 v63, v27;
	v36 =	vpop (erf);
	v44 =	vmul.f32 $5.000000000e-01, v62  }
.LBB2_6:
0x1d2: {  	p2 =	sne.s32 s23, $0x9C0;
	(erf) = vrcp.f32 v43;
	v36 =	vmul.f32 v36, v30;
	v49 =	vpop (erf)  }
0x1d3: {  	v39 =	vadd.f32 v48, v39;
	(erf) = vrcp.f32 v44;
	[tilespmem:s25+$0xA280] =	vst v49;
	s25 =	smov.u32 s31;
	s31 =	smov.u32 s3;
	s3 =	smov.u32 s7  }
0x1d4: {  	v49 =	vmul.f32 v47, v35;
	s7 =	smov.u32 s8;
	s8 =	smov.u32 s0;
	s0 =	smov.u32 s5;
	v48 =	vpop (erf);
	v36 =	vadd.f32 v36, v40  }
0x1d5: {  	s5 =	smov.u32 s13;
	s13 =	smov.u32 s11;
	s11 =	smov.u32 s24;
	v40 =	vmul.f32 v48, v28;
	v39 =	vmul.f32 $5.000000000e-01, v39  }
0x1d6: {  	s24 =	smov.u32 s19;
	v50 =	vadd.f32 v49, v37;
	v47 =	vpop (erf);
	v36 =	vmul.f32 $5.000000000e-01, v36  }
0x1d7: {  	v40 =	vadd.f32 v40, v41;
	(erf) = vrcp.f32 v39;
	v41 =	vmul.f32 v47, v29;
	v47 =	vpop (erf)  }
0x1d8: {  	v48 =	vpop (erf);
	(erf) = vrcp.f32 v36;
	v51 =	vmul.f32 v47, v34  }
0x1d9: {  	v49 =	vmul.f32 $5.000000000e-01, v50;
	v37 =	vpop (erf);
	v40 =	vmul.f32 $5.000000000e-01, v40;
	v41 =	vadd.f32 v41, v42  }
0x1da: {  	v42 =	vmul.f32 v48, v33;
	v37 =	vmul.f32 v37, v31;
	v45 =	vadd.f32 v51, v45  }
0x1db: {  	(erf) = vrcp.f32 v40;
	v47 =	vpop (erf);
	v41 =	vmul.f32 $5.000000000e-01, v41  }
0x1dc: {  	v37 =	vadd.f32 v37, v46;
	v46 =	vmul.f32 v47, v26;
	v47 =	vpop (erf);
	v45 =	vmul.f32 $5.000000000e-01, v45  }
0x1dd: {  	v38 =	vadd.f32 v42, v38;
	(erf) = vrcp.f32 v41;
	v48 =	vmul.f32 v47, v32  }
0x1de: {  	s19 =	sshra.s32 s23, $0x2;
	v47 =	vmul.f32 $5.000000000e-01, v37;
	v37 =	vadd.f32 v46, v43;
	(erf) = vrcp.f32 v45  }
0x1df: {  	v46 =	vmul.f32 $5.000000000e-01, v38;
	v43 =	vld [tilespmem:s19+$0xA890];
	(erf) = vrcp.f32 v49;
	v38 =	vadd.f32 v48, v44  }
0x1e0: {  	(erf) = vrcp.f32 v47;
	v42 =	vpop (erf);
	v44 =	vmul.f32 $5.000000000e-01, v37  }
0x1e1: {  	v37 =	vmul.f32 v42, v27;
	v42 =	vpop (erf);
	v48 =	vmul.f32 $5.000000000e-01, v38  }
0x1e2: {  	(erf) = vrcp.f32 v44;
	v38 =	vmul.f32 v42, v30  }
0x1e3: {  	v37 =	vadd.f32 v37, v39;
	(erf) = vrcp.f32 v48  }
0x1e4: {  	v51 =	vadd.f32 $1.000000000e+00, v43;
	(erf) = vrcp.f32 v46;
	v42 =	vpop (erf);
	v36 =	vadd.f32 v38, v36  }
0x1e5: {  	v38 =	vmul.f32 v42, v28;
	v50 =	vmul.f32 $5.000000000e-01, v37  }
0x1e6: {  	v37 =	vmul.f32 $5.000000000e-01, v51;
	v39 =	vpop (erf);
	v36 =	vmul.f32 $5.000000000e-01, v36  }
0x1e7: {  	v38 =	vadd.f32 v38, v40;
	(erf) = vrcp.f32 v50;
	v40 =	vmul.f32 v39, v29;
	v39 =	vpop (erf)  }
0x1e8: {  	v42 =	vpop (erf);
	(erf) = vrcp.f32 v36;
	v52 =	vmul.f32 v39, v34;
	v34 =	vmov v32  }
0x1e9: {  	(erf) = vrcp.f32 v37;
	v32 =	vpop (erf);
	v39 =	vmul.f32 $5.000000000e-01, v38;
	v38 =	vadd.f32 v40, v41  }
0x1ea: {  	v41 =	vmul.f32 v42, v35;
	v53 =	vmul.f32 v32, v31;
	v45 =	vadd.f32 v52, v45;
	v32 =	vmovc v30  }
0x1eb: {  	v30 =	vmov v29;
	(erf) = vrcp.f32 v39;
	v51 =	vpop (erf);
	v40 =	vmul.f32 $5.000000000e-01, v38  }
0x1ec: {  	v52 =	vadd.f32 v53, v47;
	v38 =	vmul.f32 v51, v26;
	v42 =	vpop (erf);
	v45 =	vmul.f32 $5.000000000e-01, v45  }
0x1ed: {  	v47 =	vadd.f32 v41, v49;
	v49 =	vpop (erf);
	(erf) = vrcp.f32 v40;
	v42 =	vmul.f32 v42, v34  }
0x1ee: {  	v29 =	vmovc v26;
	v26 =	vmovc v27;
	v41 =	vmul.f32 $5.000000000e-01, v52;
	v44 =	vadd.f32 v38, v44;
	(erf) = vrcp.f32 v45  }
0x1ef: {  	v27 =	vmovc v28;
	v28 =	vmovc v31;
	v38 =	vmul.f32 $5.000000000e-01, v47;
	v45 =	vmul.f32 v49, v33;
	v49 =	vadd.f32 v42, v48  }
0x1f0: {  	v31 =	vmov v33;
	(erf) = vrcp.f32 v41;
	v48 =	vpop (erf);
	v42 =	vmul.f32 $5.000000000e-01, v44  }
0x1f1: {  	v44 =	vadd.f32 v45, v46;
	v51 =	vmul.f32 v48, v26;
	v33 =	vpop (erf);
	v45 =	vmul.f32 $5.000000000e-01, v49  }
.Ltmp2:
0x1f2: {  	v47 =	vpop (erf);
	(erf) = vrcp.f32 v42;
	v49 =	vmul.f32 v33, v32;
	v33 =	vmov v35;
	(pc) =	sbr.rel @p2 .LBB2_6-.Ltmp2, $4  }
0x1f3: {  	v46 =	vmul.f32 $5.000000000e-01, v44;
	v35 =	vmovc v43;
	v44 =	vadd.f32 v51, v50;
	(erf) = vrcp.f32 v45  }
0x1f4: {  	(erf) = vrcp.f32 v38;
	v48 =	vpop (erf);
	v49 =	vadd.f32 v49, v36  }
0x1f5: {  	(erf) = vrcp.f32 v46;
	v43 =	vmul.f32 $5.000000000e-01, v44  }
0x1f6: {  	s23 =	sadd.s32 $0x40, s23;
	v48 =	vmul.f32 v48, v27;
	v36 =	vpop (erf);
	v44 =	vmul.f32 $5.000000000e-01, v49  }
0x1f7: {  	(erf) = vrcp.f32 v43;
	v49 =	vmul.f32 v36, v30  }
0x1f8: {  	v36 =	vpop (erf);
	v39 =	vadd.f32 v48, v39;
	(erf) = vrcp.f32 v44  }
0x1f9: {  	v58 =	vpop (erf);
	v40 =	vadd.f32 v49, v40  }
0x1fa: {  	v48 =	vmul.f32 v58, v28;
	v39 =	vmul.f32 $5.000000000e-01, v39  }
0x1fb: {  	v47 =	vmul.f32 v47, v35;
	v59 =	vpop (erf);
	v40 =	vmul.f32 $5.000000000e-01, v40  }
0x1fc: {  	v41 =	vadd.f32 v48, v41;
	(erf) = vrcp.f32 v39;
	v60 =	vmul.f32 v59, v29;
	v61 =	vpop (erf)  }
0x1fd: {  	v37 =	vadd.f32 v47, v37;
	v62 =	vpop (erf);
	(erf) = vrcp.f32 v40;
	v49 =	vmul.f32 v61, v34  }
0x1fe: {  	v42 =	vadd.f32 v60, v42;
	v63 =	vpop (erf);
	v41 =	vmul.f32 $5.000000000e-01, v41  }
0x1ff: {  	v37 =	vmul.f32 $5.000000000e-01, v37;
	v48 =	vmul.f32 v63, v31;
	v45 =	vadd.f32 v49, v45  }
0x200: {  	(erf) = vrcp.f32 v41;
	v52 =	vpop (erf);
	v42 =	vmul.f32 $5.000000000e-01, v42  }
0x201: {  	v46 =	vadd.f32 v48, v46;
	v53 =	vmul.f32 v52, v26;
	v54 =	vpop (erf);
	v45 =	vmul.f32 $5.000000000e-01, v45  }
0x202: {  	(erf) = vrcp.f32 v42;
	v49 =	vmul.f32 v54, v32  }
0x203: {  	v46 =	vmul.f32 $5.000000000e-01, v46;
	v55 =	vadd.f32 v53, v43;
	(erf) = vrcp.f32 v45  }
0x204: {  	v47 =	vmul.f32 v62, v33;
	(erf) = vrcp.f32 v37;
	v56 =	vadd.f32 v49, v44  }
0x205: {  	(erf) = vrcp.f32 v46;
	v57 =	vpop (erf);
	v43 =	vmul.f32 $5.000000000e-01, v55  }
0x206: {  	v38 =	vadd.f32 v47, v38;
	v58 =	vmul.f32 v57, v27;
	v59 =	vpop (erf);
	v44 =	vmul.f32 $5.000000000e-01, v56  }
0x207: {  	(erf) = vrcp.f32 v43;
	v48 =	vmul.f32 v59, v30  }
0x208: {  	v38 =	vmul.f32 $5.000000000e-01, v38;
	v39 =	vadd.f32 v58, v39  }
0x209: {  	(erf) = vrcp.f32 v44;
	v40 =	vadd.f32 v48, v40  }
0x20a: {  	(erf) = vrcp.f32 v38;
	v60 =	vpop (erf);
	v39 =	vmul.f32 $5.000000000e-01, v39  }
0x20b: {  	v47 =	vmul.f32 v60, v28;
	v61 =	vpop (erf);
	v40 =	vmul.f32 $5.000000000e-01, v40  }
0x20c: {  	(erf) = vrcp.f32 v39;
	v48 =	vmul.f32 v61, v29;
	v62 =	vpop (erf)  }
0x20d: {  	v41 =	vadd.f32 v47, v41;
	v63 =	vpop (erf);
	(erf) = vrcp.f32 v40  }
0x20e: {  	v52 =	vmul.f32 v62, v34;
	v53 =	vpop (erf);
	v42 =	vadd.f32 v48, v42  }
0x20f: {  	v41 =	vmul.f32 $5.000000000e-01, v41;
	v54 =	vmul.f32 v53, v31  }
0x210: {  	v34 =	vadd.f32 v52, v45;
	v55 =	vpop (erf);
	v42 =	vmul.f32 $5.000000000e-01, v42  }
0x211: {  	(erf) = vrcp.f32 v41;
	v46 =	vadd.f32 v54, v46;
	v45 =	vmul.f32 v55, v26  }
0x212: {  	v56 =	vpop (erf);
	v34 =	vmul.f32 $5.000000000e-01, v34;
	(erf) = vrcp.f32 v42  }
0x213: {  	v48 =	vmul.f32 v56, v32;
	v46 =	vmul.f32 $5.000000000e-01, v46  }
0x214: {  	v47 =	vmul.f32 v63, v35;
	v57 =	vpop (erf);
	v43 =	vadd.f32 v45, v43;
	(erf) = vrcp.f32 v34  }
0x215: {  	v58 =	vmul.f32 v57, v33;
	v44 =	vadd.f32 v48, v44;
	(erf) = vrcp.f32 v46;
	v59 =	vpop (erf)  }
0x216: {  	v37 =	vadd.f32 v47, v37;
	v43 =	vmul.f32 $5.000000000e-01, v43;
	v45 =	vmul.f32 v59, v27;
	v60 =	vpop (erf)  }
0x217: {  	v34 =	vadd.f32 v58, v38;
	v61 =	vmul.f32 $5.000000000e-01, v44;
	v62 =	vmul.f32 v60, v30  }
0x218: {  	v37 =	vmul.f32 $5.000000000e-01, v37;
	(erf) = vrcp.f32 v43;
	v39 =	vadd.f32 v45, v39  }
0x219: {  	v63 =	vmul.f32 $5.000000000e-01, v34;
	(erf) = vrcp.f32 v61;
	v50 =	vadd.f32 v62, v40  }
0x21a: {  	(erf) = vrcp.f32 v37;
	v39 =	vmul.f32 $5.000000000e-01, v39  }
0x21b: {  	v51 =	vpop (erf);
	(erf) = vrcp.f32 v63;
	v44 =	vmul.f32 $5.000000000e-01, v50  }
0x21c: {  	v40 =	vmul.f32 v51, v28;
	v52 =	vpop (erf);
	(erf) = vrcp.f32 v39  }
0x21d: {  	v53 =	vmul.f32 v52, v29;
	(erf) = vrcp.f32 v44  }
0x21e: {  	v34 =	vpop (erf);
	v40 =	vadd.f32 v40, v41  }
0x21f: {  	v54 =	vpop (erf);
	v42 =	vadd.f32 v53, v42  }
0x220: {  	v40 =	vmul.f32 $5.000000000e-01, v40;
	v41 =	vmul.f32 v54, v31  }
0x221: {  	v55 =	vpop (erf);
	v42 =	vmul.f32 $5.000000000e-01, v42  }
0x222: {  	(erf) = vrcp.f32 v40;
	v41 =	vadd.f32 v41, v46;
	v56 =	vpop (erf)  }
0x223: {  	v47 =	vmul.f32 v55, v26;
	v57 =	vpop (erf);
	(erf) = vrcp.f32 v42  }
0x224: {  	v46 =	vmul.f32 v56, v32;
	v58 =	vpop (erf);
	v41 =	vmul.f32 $5.000000000e-01, v41  }
0x225: {  	v43 =	vadd.f32 v47, v43;
	v59 =	vmul.f32 v58, v33;
	v60 =	vpop (erf)  }
0x226: {  	v38 =	vadd.f32 v46, v61;
	(erf) = vrcp.f32 v41;
	v61 =	vmul.f32 v60, v27;
	v62 =	vpop (erf)  }
0x227: {  	v43 =	vmul.f32 $5.000000000e-01, v43;
	v45 =	vadd.f32 v59, v63;
	v63 =	vmul.f32 v62, v30  }
0x228: {  	v48 =	vmul.f32 v57, v35;
	v38 =	vmul.f32 $5.000000000e-01, v38;
	v39 =	vadd.f32 v61, v39  }
0x229: {  	(erf) = vrcp.f32 v43;
	v45 =	vmul.f32 $5.000000000e-01, v45;
	v44 =	vadd.f32 v63, v44  }
0x22a: {  	v37 =	vadd.f32 v48, v37;
	(erf) = vrcp.f32 v38;
	v39 =	vmul.f32 $5.000000000e-01, v39  }
0x22b: {  	(erf) = vrcp.f32 v45;
	v44 =	vmul.f32 $5.000000000e-01, v44  }
0x22c: {  	v37 =	vmul.f32 $5.000000000e-01, v37;
	v51 =	vpop (erf);
	(erf) = vrcp.f32 v39  }
0x22d: {  	v46 =	vmul.f32 v51, v28;
	v52 =	vpop (erf);
	(erf) = vrcp.f32 v44  }
0x22e: {  	v47 =	vmul.f32 v52, v29;
	(erf) = vrcp.f32 v37  }
0x22f: {  	v40 =	vadd.f32 v46, v40;
	v53 =	vpop (erf)  }
0x230: {  	v42 =	vadd.f32 v47, v42;
	v46 =	vmul.f32 v53, v31  }
0x231: {  	v40 =	vmul.f32 $5.000000000e-01, v40  }
0x232: {  	v54 =	vpop (erf);
	v42 =	vmul.f32 $5.000000000e-01, v42;
	v41 =	vadd.f32 v46, v41  }
0x233: {  	(erf) = vrcp.f32 v40;
	v55 =	vmul.f32 v54, v26;
	v56 =	vpop (erf)  }
0x234: {  	v57 =	vmul.f32 v56, v32;
	v58 =	vpop (erf);
	v41 =	vmul.f32 $5.000000000e-01, v41  }
0x235: {  	(erf) = vrcp.f32 v42;
	v43 =	vadd.f32 v55, v43;
	v59 =	vmul.f32 v58, v33;
	v60 =	vpop (erf)  }
0x236: {  	v32 =	vadd.f32 v57, v38;
	(erf) = vrcp.f32 v41;
	v61 =	vmul.f32 v60, v27;
	v62 =	vpop (erf)  }
0x237: {  	v43 =	vmul.f32 $5.000000000e-01, v43;
	v45 =	vadd.f32 v59, v45;
	v63 =	vpop (erf);
	v47 =	vmul.f32 v62, v30  }
0x238: {  	v32 =	vmul.f32 $5.000000000e-01, v32;
	v38 =	vadd.f32 v61, v39;
	v48 =	vmul.f32 v63, v35  }
0x239: {  	(erf) = vrcp.f32 v43;
	v45 =	vmul.f32 $5.000000000e-01, v45;
	v44 =	vadd.f32 v47, v44  }
0x23a: {  	(erf) = vrcp.f32 v32;
	v38 =	vmul.f32 $5.000000000e-01, v38;
	v49 =	vadd.f32 v48, v37  }
0x23b: {  	(erf) = vrcp.f32 v45;
	v50 =	vmul.f32 $5.000000000e-01, v44  }
0x23c: {  	v51 =	vpop (erf);
	(erf) = vrcp.f32 v38;
	v39 =	vmul.f32 $5.000000000e-01, v49  }
0x23d: {  	v32 =	vmul.f32 v51, v28;
	(erf) = vrcp.f32 v50  }
0x23e: {  	(erf) = vrcp.f32 v39  }
0x23f: {  	v52 =	vpop (erf);
	v32 =	vadd.f32 v32, v40  }
0x240: {  	v44 =	vmul.f32 v52, v29  }
0x241: {  	v53 =	vpop (erf)  }
0x242: {  	v42 =	vadd.f32 v44, v42;
	v54 =	vpop (erf)  }
0x243: {  	v55 =	vmul.f32 $5.000000000e-01, v32;
	v40 =	vmul.f32 v53, v31;
	v32 =	vpop (erf)  }
0x244: {  	v42 =	vmul.f32 $5.000000000e-01, v42;
	v44 =	vmul.f32 v54, v26;
	v56 =	vpop (erf)  }
0x245: {  	(erf) = vrcp.f32 v55;
	v40 =	vadd.f32 v40, v41;
	v57 =	vmul.f32 v56, v33;
	v58 =	vpop (erf)  }
0x246: {  	(erf) = vrcp.f32 v42;
	v43 =	vadd.f32 v44, v43;
	v59 =	vmul.f32 v58, v27;
	v60 =	vpop (erf)  }
0x247: {  	v40 =	vmul.f32 $5.000000000e-01, v40;
	v41 =	vadd.f32 v57, v45;
	v61 =	vmul.f32 v60, v30;
	v62 =	vpop (erf)  }
0x248: {  	v43 =	vmul.f32 $5.000000000e-01, v43;
	v38 =	vadd.f32 v59, v38;
	v63 =	vmul.f32 v62, v35  }
0x249: {  	(erf) = vrcp.f32 v40;
	v41 =	vmul.f32 $5.000000000e-01, v41;
	v37 =	vadd.f32 v61, v50  }
0x24a: {  	(erf) = vrcp.f32 v43;
	v38 =	vmul.f32 $5.000000000e-01, v38;
	v39 =	vadd.f32 v63, v39  }
0x24b: {  	(erf) = vrcp.f32 v41;
	v37 =	vmul.f32 $5.000000000e-01, v37  }
0x24c: {  	(erf) = vrcp.f32 v38;
	v39 =	vmul.f32 $5.000000000e-01, v39  }
0x24d: {  	(erf) = vrcp.f32 v37  }
0x24e: {  	v48 =	vpop (erf);
	(erf) = vrcp.f32 v39  }
0x24f: {  	v44 =	vmul.f32 v48, v28;
	v49 =	vpop (erf)  }
0x250: {  	v45 =	vmul.f32 v49, v29  }
0x251: {  	v44 =	vadd.f32 v44, v55  }
0x252: {  	v42 =	vadd.f32 v45, v42;
	v50 =	vpop (erf)  }
0x253: {  	v44 =	vmul.f32 $5.000000000e-01, v44;
	v45 =	vmul.f32 v50, v31;
	v51 =	vpop (erf)  }
0x254: {  	v42 =	vmul.f32 $5.000000000e-01, v42;
	v46 =	vmul.f32 v51, v26;
	v52 =	vpop (erf)  }
0x255: {  	(erf) = vrcp.f32 v44;
	v40 =	vadd.f32 v45, v40;
	v53 =	vmul.f32 v52, v33;
	v54 =	vpop (erf)  }
0x256: {  	(erf) = vrcp.f32 v42;
	v43 =	vadd.f32 v46, v43;
	v55 =	vmul.f32 v54, v27;
	v56 =	vpop (erf)  }
0x257: {  	v40 =	vmul.f32 $5.000000000e-01, v40;
	v41 =	vadd.f32 v53, v41;
	v57 =	vmul.f32 v56, v30;
	v58 =	vpop (erf)  }
0x258: {  	v43 =	vmul.f32 $5.000000000e-01, v43;
	v38 =	vadd.f32 v55, v38;
	v45 =	vmul.f32 v58, v35  }
0x259: {  	(erf) = vrcp.f32 v40;
	v41 =	vmul.f32 $5.000000000e-01, v41;
	v30 =	vadd.f32 v57, v37  }
0x25a: {  	(erf) = vrcp.f32 v43;
	v59 =	vmul.f32 $5.000000000e-01, v38;
	v60 =	vadd.f32 v45, v39  }
0x25b: {  	(erf) = vrcp.f32 v41;
	v30 =	vmul.f32 $5.000000000e-01, v30  }
0x25c: {  	(erf) = vrcp.f32 v59;
	v38 =	vmul.f32 $5.000000000e-01, v60  }
0x25d: {  	(erf) = vrcp.f32 v30  }
0x25e: {  	(erf) = vrcp.f32 v38  }
0x25f: {  	v61 =	vpop (erf)  }
0x260: {  	v62 =	vpop (erf);
	v30 =	vmul.f32 v61, v28  }
0x261: {  	v39 =	vmul.f32 v62, v29  }
0x262: {  	v30 =	vadd.f32 v30, v44;
	v63 =	vpop (erf)  }
0x263: {  	v39 =	vadd.f32 v39, v42;
	v48 =	vpop (erf)  }
0x264: {  	v49 =	vmul.f32 $5.000000000e-01, v30;
	v50 =	vmul.f32 v63, v31;
	v51 =	vpop (erf)  }
0x265: {  	v39 =	vmul.f32 $5.000000000e-01, v39;
	v42 =	vmul.f32 v48, v26;
	v52 =	vpop (erf)  }
0x266: {  	(erf) = vrcp.f32 v49;
	v40 =	vadd.f32 v50, v40;
	v44 =	vmul.f32 v51, v33;
	v30 =	vpop (erf)  }
0x267: {  	(erf) = vrcp.f32 v39;
	v42 =	vadd.f32 v42, v43;
	v53 =	vmul.f32 v52, v27;
	v54 =	vpop (erf)  }
0x268: {  	v40 =	vmul.f32 $5.000000000e-01, v40;
	v41 =	vadd.f32 v44, v41;
	v55 =	vmul.f32 v54, v35  }
0x269: {  	v42 =	vmul.f32 $5.000000000e-01, v42;
	v37 =	vadd.f32 v53, v59  }
0x26a: {  	(erf) = vrcp.f32 v40;
	v41 =	vmul.f32 $5.000000000e-01, v41;
	v38 =	vadd.f32 v55, v38  }
0x26b: {  	(erf) = vrcp.f32 v42;
	v37 =	vmul.f32 $5.000000000e-01, v37  }
0x26c: {  	(erf) = vrcp.f32 v41;
	v38 =	vmul.f32 $5.000000000e-01, v38  }
0x26d: {  	(erf) = vrcp.f32 v37  }
0x26e: {  	(erf) = vrcp.f32 v38  }
0x26f: {  	v56 =	vpop (erf)  }
0x270: {  	v43 =	vmul.f32 v56, v28;
	v57 =	vpop (erf)  }
0x271: {  	v44 =	vmul.f32 v57, v29  }
0x272: {  	v43 =	vadd.f32 v43, v49  }
0x273: {  	v39 =	vadd.f32 v44, v39;
	v58 =	vpop (erf)  }
0x274: {  	v43 =	vmul.f32 $5.000000000e-01, v43;
	v44 =	vmul.f32 v58, v31;
	v59 =	vpop (erf)  }
0x275: {  	v39 =	vmul.f32 $5.000000000e-01, v39;
	v45 =	vmul.f32 v59, v26;
	v60 =	vpop (erf)  }
0x276: {  	(erf) = vrcp.f32 v43;
	v40 =	vadd.f32 v44, v40;
	v61 =	vmul.f32 v60, v33;
	v62 =	vpop (erf)  }
0x277: {  	(erf) = vrcp.f32 v39;
	v42 =	vadd.f32 v45, v42;
	v63 =	vmul.f32 v62, v27;
	v48 =	vpop (erf)  }
0x278: {  	v40 =	vmul.f32 $5.000000000e-01, v40;
	v41 =	vadd.f32 v61, v41;
	v49 =	vmul.f32 v48, v35  }
0x279: {  	v42 =	vmul.f32 $5.000000000e-01, v42;
	v37 =	vadd.f32 v63, v37  }
0x27a: {  	(erf) = vrcp.f32 v40;
	v41 =	vmul.f32 $5.000000000e-01, v41;
	v38 =	vadd.f32 v49, v38  }
0x27b: {  	(erf) = vrcp.f32 v42;
	v37 =	vmul.f32 $5.000000000e-01, v37  }
0x27c: {  	(erf) = vrcp.f32 v41;
	v38 =	vmul.f32 $5.000000000e-01, v38  }
0x27d: {  	(erf) = vrcp.f32 v37  }
0x27e: {  	(erf) = vrcp.f32 v38;
	_ =	sdelay $0x1  }
0x27f: {  	v50 =	vpop (erf)  }
0x280: {  	v44 =	vmul.f32 v50, v28;
	v51 =	vpop (erf)  }
0x281: {  	v52 =	vmul.f32 v51, v29  }
0x282: {  	v43 =	vadd.f32 v44, v43;
	v53 =	vpop (erf)  }
0x283: {  	v29 =	vadd.f32 v52, v39;
	v54 =	vmul.f32 v53, v31;
	v55 =	vpop (erf)  }
0x284: {  	v43 =	vmul.f32 $5.000000000e-01, v43;
	v44 =	vmul.f32 v55, v26;
	v56 =	vpop (erf)  }
0x285: {  	v29 =	vmul.f32 $5.000000000e-01, v29;
	v39 =	vadd.f32 v54, v40;
	v57 =	vmul.f32 v56, v33;
	v58 =	vpop (erf)  }
0x286: {  	(erf) = vrcp.f32 v43;
	v42 =	vadd.f32 v44, v42;
	v59 =	vmul.f32 v58, v27;
	v60 =	vpop (erf)  }
0x287: {  	v39 =	vmul.f32 $5.000000000e-01, v39;
	v40 =	vadd.f32 v57, v41;
	v61 =	vmul.f32 v60, v35  }
0x288: {  	(erf) = vrcp.f32 v29;
	v42 =	vmul.f32 $5.000000000e-01, v42;
	v62 =	vadd.f32 v59, v37  }
0x289: {  	(erf) = vrcp.f32 v39;
	v63 =	vmul.f32 $5.000000000e-01, v40;
	v38 =	vadd.f32 v61, v38  }
0x28a: {  	(erf) = vrcp.f32 v42;
	v48 =	vmul.f32 $5.000000000e-01, v62  }
0x28b: {  	(erf) = vrcp.f32 v63;
	v38 =	vmul.f32 $5.000000000e-01, v38  }
0x28c: {  	(erf) = vrcp.f32 v48  }
0x28d: {  	(erf) = vrcp.f32 v38;
	_ =	sdelay $0x2  }
0x28e: {  	v49 =	vpop (erf)  }
0x28f: {  	v29 =	vpop (erf)  }
0x290: {  	v41 =	vmul.f32 v49, v28;
	v50 =	vpop (erf)  }
0x291: {  	v44 =	vmul.f32 v50, v31;
	v51 =	vpop (erf)  }
0x292: {  	v41 =	vadd.f32 v41, v43;
	v52 =	vmul.f32 v51, v26;
	v53 =	vpop (erf)  }
0x293: {  	v39 =	vadd.f32 v44, v39;
	v54 =	vmul.f32 v53, v33;
	v55 =	vpop (erf)  }
0x294: {  	v41 =	vmul.f32 $5.000000000e-01, v41;
	v42 =	vadd.f32 v52, v42;
	v56 =	vmul.f32 v55, v27;
	v57 =	vpop (erf)  }
0x295: {  	v39 =	vmul.f32 $5.000000000e-01, v39;
	v37 =	vadd.f32 v54, v63;
	v58 =	vmul.f32 v57, v35  }
0x296: {  	(erf) = vrcp.f32 v41;
	v42 =	vmul.f32 $5.000000000e-01, v42;
	v40 =	vadd.f32 v56, v48  }
0x297: {  	(erf) = vrcp.f32 v39;
	v37 =	vmul.f32 $5.000000000e-01, v37;
	v38 =	vadd.f32 v58, v38  }
0x298: {  	(erf) = vrcp.f32 v42;
	v40 =	vmul.f32 $5.000000000e-01, v40  }
0x299: {  	(erf) = vrcp.f32 v37;
	v38 =	vmul.f32 $5.000000000e-01, v38  }
0x29a: {  	(erf) = vrcp.f32 v40  }
0x29b: {  	(erf) = vrcp.f32 v38;
	_ =	sdelay $0x3  }
0x29c: {  	v59 =	vpop (erf)  }
0x29d: {  	v43 =	vmul.f32 v59, v28;
	v60 =	vpop (erf)  }
0x29e: {  	v44 =	vmul.f32 v60, v31;
	v61 =	vpop (erf)  }
0x29f: {  	v41 =	vadd.f32 v43, v41;
	v26 =	vmul.f32 v61, v26;
	v62 =	vpop (erf)  }
0x2a0: {  	v39 =	vadd.f32 v44, v39;
	v43 =	vmul.f32 v62, v33;
	v63 =	vpop (erf)  }
0x2a1: {  	v41 =	vmul.f32 $5.000000000e-01, v41;
	v26 =	vadd.f32 v26, v42;
	v48 =	vmul.f32 v63, v27;
	v49 =	vpop (erf)  }
0x2a2: {  	v39 =	vmul.f32 $5.000000000e-01, v39;
	v37 =	vadd.f32 v43, v37;
	v50 =	vmul.f32 v49, v35  }
0x2a3: {  	(erf) = vrcp.f32 v41;
	v26 =	vmul.f32 $5.000000000e-01, v26;
	v40 =	vadd.f32 v48, v40  }
0x2a4: {  	(erf) = vrcp.f32 v39;
	v37 =	vmul.f32 $5.000000000e-01, v37;
	v38 =	vadd.f32 v50, v38  }
0x2a5: {  	(erf) = vrcp.f32 v26;
	v40 =	vmul.f32 $5.000000000e-01, v40  }
0x2a6: {  	(erf) = vrcp.f32 v37;
	v38 =	vmul.f32 $5.000000000e-01, v38  }
0x2a7: {  	(erf) = vrcp.f32 v40  }
0x2a8: {  	(erf) = vrcp.f32 v38;
	_ =	sdelay $0x3  }
0x2a9: {  	v26 =	vpop (erf)  }
0x2aa: {  	v51 =	vpop (erf)  }
0x2ab: {  	v52 =	vmul.f32 v26, v28;
	v26 =	vpop (erf)  }
0x2ac: {  	v42 =	vmul.f32 v51, v31;
	v53 =	vpop (erf)  }
0x2ad: {  	v41 =	vadd.f32 v52, v41;
	v54 =	vmul.f32 v53, v33;
	v55 =	vpop (erf)  }
0x2ae: {  	v39 =	vadd.f32 v42, v39;
	v56 =	vmul.f32 v55, v27;
	v57 =	vpop (erf)  }
0x2af: {  	v41 =	vmul.f32 $5.000000000e-01, v41;
	v37 =	vadd.f32 v54, v37;
	v58 =	vmul.f32 v57, v35  }
0x2b0: {  	v39 =	vmul.f32 $5.000000000e-01, v39;
	v40 =	vadd.f32 v56, v40  }
0x2b1: {  	(erf) = vrcp.f32 v41;
	v37 =	vmul.f32 $5.000000000e-01, v37;
	v38 =	vadd.f32 v58, v38  }
0x2b2: {  	(erf) = vrcp.f32 v39;
	v40 =	vmul.f32 $5.000000000e-01, v40  }
0x2b3: {  	(erf) = vrcp.f32 v37;
	v38 =	vmul.f32 $5.000000000e-01, v38  }
0x2b4: {  	(erf) = vrcp.f32 v40  }
0x2b5: {  	(erf) = vrcp.f32 v38;
	_ =	sdelay $0x4  }
0x2b6: {  	v59 =	vpop (erf)  }
0x2b7: {  	v42 =	vmul.f32 v59, v28;
	v60 =	vpop (erf)  }
0x2b8: {  	v43 =	vmul.f32 v60, v31;
	v61 =	vpop (erf)  }
0x2b9: {  	v41 =	vadd.f32 v42, v41;
	v62 =	vmul.f32 v61, v33;
	v63 =	vpop (erf)  }
0x2ba: {  	v39 =	vadd.f32 v43, v39;
	v27 =	vmul.f32 v63, v27;
	v45 =	vpop (erf)  }
0x2bb: {  	v41 =	vmul.f32 $5.000000000e-01, v41;
	v37 =	vadd.f32 v62, v37;
	v46 =	vmul.f32 v45, v35  }
0x2bc: {  	v39 =	vmul.f32 $5.000000000e-01, v39;
	v27 =	vadd.f32 v27, v40  }
0x2bd: {  	(erf) = vrcp.f32 v41;
	v37 =	vmul.f32 $5.000000000e-01, v37;
	v38 =	vadd.f32 v46, v38  }
0x2be: {  	(erf) = vrcp.f32 v39;
	v27 =	vmul.f32 $5.000000000e-01, v27  }
0x2bf: {  	(erf) = vrcp.f32 v37;
	v38 =	vmul.f32 $5.000000000e-01, v38  }
0x2c0: {  	(erf) = vrcp.f32 v27  }
0x2c1: {  	(erf) = vrcp.f32 v38;
	_ =	sdelay $0x4  }
0x2c2: {  	v27 =	vpop (erf)  }
0x2c3: {  	v47 =	vpop (erf)  }
0x2c4: {  	v27 =	vmul.f32 v27, v28;
	v48 =	vpop (erf)  }
0x2c5: {  	v40 =	vmul.f32 v47, v31;
	v43 =	vpop (erf)  }
0x2c6: {  	v27 =	vadd.f32 v27, v41;
	v49 =	vmul.f32 v48, v33;
	v50 =	vpop (erf)  }
0x2c7: {  	v39 =	vadd.f32 v40, v39;
	v51 =	vmul.f32 v50, v35  }
0x2c8: {  	v27 =	vmul.f32 $5.000000000e-01, v27;
	v37 =	vadd.f32 v49, v37  }
0x2c9: {  	v39 =	vmul.f32 $5.000000000e-01, v39;
	v38 =	vadd.f32 v51, v38  }
0x2ca: {  	(erf) = vrcp.f32 v27;
	v37 =	vmul.f32 $5.000000000e-01, v37  }
0x2cb: {  	(erf) = vrcp.f32 v39;
	v38 =	vmul.f32 $5.000000000e-01, v38  }
0x2cc: {  	(erf) = vrcp.f32 v37  }
0x2cd: {  	(erf) = vrcp.f32 v38;
	_ =	sdelay $0x5  }
0x2ce: {  	v52 =	vpop (erf)  }
0x2cf: {  	v40 =	vmul.f32 v52, v28;
	v53 =	vpop (erf)  }
0x2d0: {  	v41 =	vmul.f32 v53, v31;
	v54 =	vpop (erf)  }
0x2d1: {  	v27 =	vadd.f32 v40, v27;
	v55 =	vmul.f32 v54, v33;
	v56 =	vpop (erf)  }
0x2d2: {  	v39 =	vadd.f32 v41, v39;
	v57 =	vmul.f32 v56, v35  }
0x2d3: {  	v27 =	vmul.f32 $5.000000000e-01, v27;
	v37 =	vadd.f32 v55, v37  }
0x2d4: {  	v39 =	vmul.f32 $5.000000000e-01, v39;
	v38 =	vadd.f32 v57, v38  }
0x2d5: {  	(erf) = vrcp.f32 v27;
	v37 =	vmul.f32 $5.000000000e-01, v37  }
0x2d6: {  	(erf) = vrcp.f32 v39;
	v38 =	vmul.f32 $5.000000000e-01, v38  }
0x2d7: {  	(erf) = vrcp.f32 v37  }
0x2d8: {  	(erf) = vrcp.f32 v38;
	_ =	sdelay $0x5  }
0x2d9: {  	v58 =	vpop (erf)  }
0x2da: {  	v59 =	vmul.f32 v58, v28;
	v60 =	vpop (erf)  }
0x2db: {  	v40 =	vmul.f32 v60, v31;
	v61 =	vpop (erf)  }
0x2dc: {  	v27 =	vadd.f32 v59, v27;
	v62 =	vmul.f32 v61, v33;
	v63 =	vpop (erf)  }
0x2dd: {  	v39 =	vadd.f32 v40, v39;
	v44 =	vmul.f32 v63, v35  }
0x2de: {  	v27 =	vmul.f32 $5.000000000e-01, v27;
	v28 =	vadd.f32 v62, v37  }
0x2df: {  	v45 =	vmul.f32 $5.000000000e-01, v39;
	v38 =	vadd.f32 v44, v38  }
0x2e0: {  	(erf) = vrcp.f32 v27;
	v27 =	vmul.f32 $5.000000000e-01, v28  }
0x2e1: {  	(erf) = vrcp.f32 v45;
	v46 =	vmul.f32 $5.000000000e-01, v38  }
0x2e2: {  	(erf) = vrcp.f32 v27  }
0x2e3: {  	(erf) = vrcp.f32 v46;
	_ =	sdelay $0x5  }
0x2e4: {  	v47 =	vpop (erf)  }
0x2e5: {  	v48 =	vpop (erf)  }
0x2e6: {  	v39 =	vmul.f32 v48, v31;
	v49 =	vpop (erf)  }
0x2e7: {  	v40 =	vmul.f32 v49, v33;
	v50 =	vpop (erf)  }
0x2e8: {  	v37 =	vadd.f32 v39, v45;
	v51 =	vmul.f32 v50, v35  }
0x2e9: {  	v27 =	vadd.f32 v40, v27  }
0x2ea: {  	v37 =	vmul.f32 $5.000000000e-01, v37;
	v28 =	vadd.f32 v51, v46  }
0x2eb: {  	v27 =	vmul.f32 $5.000000000e-01, v27  }
0x2ec: {  	(erf) = vrcp.f32 v37;
	v28 =	vmul.f32 $5.000000000e-01, v28  }
0x2ed: {  	(erf) = vrcp.f32 v27  }
0x2ee: {  	(erf) = vrcp.f32 v28;
	_ =	sdelay $0x6  }
0x2ef: {  	v52 =	vpop (erf)  }
0x2f0: {  	v53 =	vmul.f32 v52, v31;
	v54 =	vpop (erf)  }
0x2f1: {  	v39 =	vmul.f32 v54, v33;
	v55 =	vpop (erf)  }
0x2f2: {  	v31 =	vadd.f32 v53, v37;
	v56 =	vmul.f32 v55, v35  }
0x2f3: {  	v27 =	vadd.f32 v39, v27  }
0x2f4: {  	v31 =	vmul.f32 $5.000000000e-01, v31;
	v28 =	vadd.f32 v56, v28  }
0x2f5: {  	v27 =	vmul.f32 $5.000000000e-01, v27  }
0x2f6: {  	(erf) = vrcp.f32 v31;
	v28 =	vmul.f32 $5.000000000e-01, v28  }
0x2f7: {  	(erf) = vrcp.f32 v27  }
0x2f8: {  	(erf) = vrcp.f32 v28;
	_ =	sdelay $0x6  }
0x2f9: {  	v31 =	vpop (erf)  }
0x2fa: {  	v57 =	vpop (erf)  }
0x2fb: {  	v37 =	vmul.f32 v57, v33;
	v58 =	vpop (erf)  }
0x2fc: {  	v39 =	vmul.f32 v58, v35  }
0x2fd: {  	v27 =	vadd.f32 v37, v27  }
0x2fe: {  	v28 =	vadd.f32 v39, v28  }
0x2ff: {  	v27 =	vmul.f32 $5.000000000e-01, v27  }
0x300: {  	v28 =	vmul.f32 $5.000000000e-01, v28  }
0x301: {  	(erf) = vrcp.f32 v27  }
0x302: {  	(erf) = vrcp.f32 v28;
	_ =	sdelay $0x7  }
0x303: {  	v59 =	vpop (erf)  }
0x304: {  	v60 =	vmul.f32 v59, v33;
	v61 =	vpop (erf)  }
0x305: {  	v37 =	vmul.f32 v61, v35  }
0x306: {  	v27 =	vadd.f32 v60, v27  }
0x307: {  	v28 =	vadd.f32 v37, v28  }
0x308: {  	v27 =	vmul.f32 $5.000000000e-01, v27  }
0x309: {  	v28 =	vmul.f32 $5.000000000e-01, v28  }
0x30a: {  	(erf) = vrcp.f32 v27  }
0x30b: {  	(erf) = vrcp.f32 v28;
	_ =	sdelay $0x7  }
0x30c: {  	v27 =	vpop (erf)  }
0x30d: {  	v62 =	vpop (erf)  }
0x30e: {  	v33 =	vmul.f32 v62, v35;
	_ =	sdelay $0x1  }
0x30f: {  	v28 =	vadd.f32 v33, v28;
	_ =	sdelay $0x1  }
0x310: {  	v28 =	vmul.f32 $5.000000000e-01, v28;
	_ =	sdelay $0x1  }
0x311: {  	(erf) = vrcp.f32 v28;
	_ =	sdelay $0x8  }
0x312: {  	v63 =	vpop (erf)  }
0x313: {  	v33 =	vmul.f32 v63, v35;
	_ =	sdelay $0x1  }
0x314: {  	v28 =	vadd.f32 v33, v28;
	_ =	sdelay $0x1  }
0x315: {  	v28 =	vmul.f32 $5.000000000e-01, v28;
	_ =	sdelay $0x1  }
0x316: {  	[tilespmem:s25+$0xA280] =	vst v36;
	(erf) = vrcp.f32 v28  }
0x317: {  	[tilespmem:s31+$0xA280] =	vst v34  }
0x318: {  	[tilespmem:s3+$0xA280] =	vst v32  }
0x319: {  	[tilespmem:s7+$0xA280] =	vst v30  }
0x31a: {  	[tilespmem:s8+$0xA280] =	vst v29  }
0x31b: {  	[tilespmem:s0+$0xA280] =	vst v26  }
0x31c: {  	[tilespmem:s5+$0xA280] =	vst v43  }
0x31d: {  	[tilespmem:s13+$0xA280] =	vst v47  }
0x31e: {  	s25 =	rddreg [dreg:$0xb];
	[tilespmem:s11+$0xA280] =	vst v31  }
0x31f: {  	s31 =	rddreg [dreg:$0xd];
	[tilespmem:s24+$0xA280] =	vst v27;
	v26 =	vpop (erf)  }
0x320: {  	s0 =	simm.s32 $0x0;
	s24 =	rddreg [dreg:$0x9];
	[tilespmem:s19+$0xA280] =	vst v26;
	s19 =	simm.s32 $0x0  }
.LBB2_8:
0x321: {  	s3 =	sshll.u32 s0, $0x7  }
0x322: {  	s3 =	sadd.s32 s6, s3  }
0x323: {  	s5 =	sshll.u32 s3, $0x8  }
0x324: {  	s5 =	sor.u32 s25, s5  }
0x325: {  	s5 =	sshrl.u32 s5, $0x3  }
0x326: {  	s8 =	simm.s32 $0x100;
	s23 =	sadd.s32 $0x0, s15;
	s7 =	sadd.s32 s21, s5  }
0x327: {  	[tilespmem:s20], [sflag:$0x5] =	stream.strided.gather [hbm4b:s7+s18], $0x2000, s8, s18, $0x38;
	[tilespmem:$0x1E620] =	vst v63  }
0x328: {  	v26 =	vmov s23;
	_ =	swait.ge [sflag:s12], $0x2000  }
0x329: {  	[sflag:s12] =	ssyncset.done $0x0  }
0x32a: {  	s7 =	simm.s32 $0x15B30;
	[sflag:s12] =	ssyncadd.s32 $0xFFFFE000  }
0x32b: {  	v28 =	vld [tilespmem:s7+$0xFFFFFFF0]  }
0x32c: {  	v29 =	vld [tilespmem:s7+$0x10]  }
0x32d: {  	v31 =	vld.idx.msk [tilespmem:v26+s26+$0x0], $0xffff  }
0x32e: {  	v26 =	vld [tilespmem:s7+$0xFFFFFFE0]  }
0x32f: {  	v32 =	vld [tilespmem:s7+$0x0];
	_ =	sdelay $0x3  }
0x330: {  	s11 =	sadd.s32 $0x1, s15;
	v27 =	vmul.f32 v26, v31;
	v30 =	vmul.f32 v29, v31  }
0x331: {  	s8 =	simm.s32 $0x2;
	v26 =	vmov s11;
	v29 =	vmul.f32 v28, v31;
	v28 =	vmul.f32 v32, v31;
	s11 =	simm.s32 $0x15B30  }
.LBB2_9:
0x332: {  	p2 =	sne.s32 s8, $0x7F  }
0x333: {  	[tilespmem:s7+$0x10] =	vst v30;
	s11 =	sadd.s32 $0x40, s11;
	s13 =	smov.u32 s8;
	s8 =	sadd.s32 $0x1, s8  }
0x334: {  	[tilespmem:s7+$0xFFFFFFE0] =	vst v27  }
0x335: {  	v31 =	vld [tilespmem:s11+$0xFFFFFFF0];
	[tilespmem:s7+$0xFFFFFFF0] =	vst v29  }
0x336: {  	v29 =	vld [tilespmem:s11+$0x10];
	[tilespmem:s7+$0x0] =	vst v28;
	s7 =	smov.u32 s11  }
0x337: {  	v28 =	vld.idx.msk [tilespmem:v26+s26+$0x0], $0xffff  }
0x338: {  	v26 =	vld [tilespmem:s11+$0xFFFFFFE0]  }
0x339: {  	v32 =	vld [tilespmem:s11+$0x0]  }
.Ltmp3:
0x33a: {  	(pc) =	sbr.rel @p2 .LBB2_9-.Ltmp3, $3  }
0x33b: {  	_ =	sdelay $0x1  }
0x33c: {  	s13 =	sadd.s32 s13, s15;
	v30 =	vmul.f32 v29, v28;
	v27 =	vmul.f32 v26, v28  }
0x33d: {  	v29 =	vmul.f32 v31, v28;
	v26 =	vmov s13;
	v28 =	vmul.f32 v32, v28  }
0x33e: {  	[tilespmem:s7+$0x10] =	vst v30  }
0x33f: {  	s8 =	sadd.s32 $0x40, s11;
	[tilespmem:s7+$0xFFFFFFE0] =	vst v27  }
0x340: {  	v27 =	vld [tilespmem:s8+$0xFFFFFFF0];
	[tilespmem:s7+$0xFFFFFFF0] =	vst v29  }
0x341: {  	v29 =	vld [tilespmem:s8+$0x10];
	[tilespmem:s7+$0x0] =	vst v28  }
0x342: {  	v26 =	vld.idx.msk [tilespmem:v26+s26+$0x0], $0xffff  }
0x343: {  	v28 =	vld [tilespmem:s8+$0xFFFFFFE0];
	_ =	sdelay $0x1  }
0x344: {  	v30 =	vld [tilespmem:s8+$0x0];
	_ =	sdelay $0x1  }
0x345: {  	v29 =	vmul.f32 v29, v26  }
0x346: {  	v28 =	vmul.f32 v28, v26  }
0x347: {  	v27 =	vmul.f32 v27, v26;
	[tilespmem:s8+$0x10] =	vst v29  }
0x348: {  	s13 =	sadd.s32 s24, s3;
	v26 =	vmul.f32 v30, v26;
	[tilespmem:s8+$0xFFFFFFE0] =	vst v28  }
0x349: {  	s7 =	sshll.u32 s13, $0x3;
	[tilespmem:s8+$0xFFFFFFF0] =	vst v27  }
0x34a: {  	s23 =	simm.s32 $0x0;
	s7 =	sadd.s32 s9, s7;
	[tilespmem:s8+$0x0] =	vst v26  }
0x34b: {  	[hbm4b:s7+s23] =	stream.linear.scatter [tilespmem:s20], [sflag:$0x5], $0x2000, $0x38;
	[tilespmem:$0x1E620] =	vst v63  }
0x34c: {  	_ =	swait.ge [sflag:s12], $0x2000  }
0x34d: {  	s5 =	sadd.s32 s5, s21;
	s11 =	simm.s32 $0x100;
	[sflag:s12] =	ssyncset.done $0x0  }
0x34e: {  	s5 =	sadd.s32 $0x8, s5;
	s13 =	sadd.s32 $0x0, s15;
	[sflag:s12] =	ssyncadd.s32 $0xFFFFE000  }
0x34f: {  	[tilespmem:s20], [sflag:$0x5] =	stream.strided.gather [hbm4b:s5+s18], $0x2000, s11, s18, $0x38;
	[tilespmem:$0x1E620] =	vst v63  }
0x350: {  	v26 =	vmov s13;
	_ =	swait.ge [sflag:s12], $0x2000  }
0x351: {  	[sflag:s12] =	ssyncset.done $0x0  }
0x352: {  	s5 =	simm.s32 $0x15B30;
	[sflag:s12] =	ssyncadd.s32 $0xFFFFE000  }
0x353: {  	v28 =	vld [tilespmem:s5+$0xFFFFFFF0]  }
0x354: {  	v29 =	vld [tilespmem:s5+$0x10]  }
0x355: {  	v31 =	vld.idx.msk [tilespmem:v26+s26+$0x0], $0xffff  }
0x356: {  	v26 =	vld [tilespmem:s5+$0xFFFFFFE0]  }
0x357: {  	v32 =	vld [tilespmem:s5+$0x0];
	_ =	sdelay $0x3  }
0x358: {  	s23 =	sadd.s32 $0x1, s15;
	v27 =	vmul.f32 v26, v31;
	v30 =	vmul.f32 v29, v31  }
0x359: {  	s8 =	simm.s32 $0x15B30;
	s7 =	simm.s32 $0x2;
	v26 =	vmov s23;
	v29 =	vmul.f32 v28, v31;
	v28 =	vmul.f32 v32, v31  }
.LBB2_11:
0x35a: {  	p2 =	sne.s32 s7, $0x7F  }
0x35b: {  	[tilespmem:s5+$0x10] =	vst v30;
	s8 =	sadd.s32 $0x40, s8;
	s11 =	smov.u32 s7;
	s7 =	sadd.s32 $0x1, s7  }
0x35c: {  	[tilespmem:s5+$0xFFFFFFE0] =	vst v27  }
0x35d: {  	v31 =	vld [tilespmem:s8+$0xFFFFFFF0];
	[tilespmem:s5+$0xFFFFFFF0] =	vst v29  }
0x35e: {  	v29 =	vld [tilespmem:s8+$0x10];
	[tilespmem:s5+$0x0] =	vst v28;
	s5 =	smov.u32 s8  }
0x35f: {  	v28 =	vld.idx.msk [tilespmem:v26+s26+$0x0], $0xffff  }
0x360: {  	v26 =	vld [tilespmem:s8+$0xFFFFFFE0]  }
0x361: {  	v32 =	vld [tilespmem:s8+$0x0]  }
.Ltmp4:
0x362: {  	(pc) =	sbr.rel @p2 .LBB2_11-.Ltmp4, $3  }
0x363: {  	_ =	sdelay $0x1  }
0x364: {  	s11 =	sadd.s32 s11, s15;
	v30 =	vmul.f32 v29, v28;
	v27 =	vmul.f32 v26, v28  }
0x365: {  	v29 =	vmul.f32 v31, v28;
	v26 =	vmov s11;
	v28 =	vmul.f32 v32, v28  }
0x366: {  	[tilespmem:s5+$0x10] =	vst v30  }
0x367: {  	s7 =	sadd.s32 $0x40, s8;
	[tilespmem:s5+$0xFFFFFFE0] =	vst v27  }
0x368: {  	v27 =	vld [tilespmem:s7+$0xFFFFFFF0];
	[tilespmem:s5+$0xFFFFFFF0] =	vst v29  }
0x369: {  	v29 =	vld [tilespmem:s7+$0x10];
	[tilespmem:s5+$0x0] =	vst v28  }
0x36a: {  	v26 =	vld.idx.msk [tilespmem:v26+s26+$0x0], $0xffff  }
0x36b: {  	v28 =	vld [tilespmem:s7+$0xFFFFFFE0];
	_ =	sdelay $0x1  }
0x36c: {  	v30 =	vld [tilespmem:s7+$0x0];
	_ =	sdelay $0x1  }
0x36d: {  	v29 =	vmul.f32 v29, v26  }
0x36e: {  	v28 =	vmul.f32 v28, v26  }
0x36f: {  	v27 =	vmul.f32 v27, v26;
	[tilespmem:s7+$0x10] =	vst v29  }
0x370: {  	s3 =	sadd.s32 s3, s31;
	s0 =	sadd.s32 $0x1, s0;
	v26 =	vmul.f32 v30, v26;
	[tilespmem:s7+$0xFFFFFFE0] =	vst v28  }
0x371: {  	s3 =	sshll.u32 s3, $0x3;
	p2 =	sne.s32 s0, $0x5;
	[tilespmem:s7+$0xFFFFFFF0] =	vst v27  }
.Ltmp5:
0x372: {  	s3 =	sadd.s32 s9, s3;
	[tilespmem:s7+$0x0] =	vst v26;
	(pc) =	sbr.rel @p2 .LBB2_8-.Ltmp5, $4  }
0x373: {  	[hbm4b:s3+s19] =	stream.linear.scatter [tilespmem:s20], [sflag:$0x5], $0x2000, $0x38;
	[tilespmem:$0x1E620] =	vst v63  }
0x374: {  	_ =	swait.ge [sflag:s12], $0x2000  }
0x375: {  	[sflag:s12] =	ssyncset.done $0x0  }
0x376: {  	s15 =	sadd.s32 $0x80, s15;
	[sflag:s12] =	ssyncadd.s32 $0xFFFFE000  }
0x377: {  	s0 =	stileid.u32  }
0x378: {  	s3 =	rddreg [dreg:$0xe];
	s0 =	sshll.u32 s0, $0x6  }
0x379: {  	s5 =	rddreg [dreg:$0xf];
	s3 =	sshrl.u32 s3, $0x3;
	s0 =	sor.u32 $0x1C05, s0  }
0x37a: {  	[spmem:s3], [sflag:s0] =	dma.local [hbm:s5], $0x1400  }
0x37b: {  	_ =	swait.ge [sflag:s12], $0x1400  }
0x37c: {  	[sflag:s12] =	ssyncset.done $0x0  }
0x37d: {  	[sflag:s12] =	ssyncadd.s32 $0xFFFFEC00  }
0x37e: {  	s25 =	simm.s32 $0xFB10;
	[bflag:$0x0] =	sbarrier.arrive $0xFFFF  }
0x37f: {  	[tilespmem:s25], [sflag:$0x1] =	stream.indirect.gather [hbm4b:s9+s17], $0x40, s14, s17, $0xb8;
	[tilespmem:$0x1E620] =	vst v63  }
0x380: {  	s31 =	simm.s32 $0xAC90;
	s7 =	simm.s32 $0x11B10  }
0x381: {  	[tilespmem:s7], [sflag:$0x1] =	stream.indirect.gather [hbm4b:s9+s17], $0x40, s31, s17, $0xb8;
	[tilespmem:$0x1E620] =	vst v63  }
0x382: {  	s8 =	simm.s32 $0xD390;
	s5 =	simm.s32 $0x0;
	s7 =	simm.s32 $0xAD10  }
.LBB2_14:
0x383: {  	s11 =	smul.u32 $0xAB, s5;
	_ =	sdelay $0x1  }
0x384: {  	s11 =	sshrl.u32 s11, $0x9  }
0x385: {  	s11 =	sand.u32 $0x7F, s11  }
0x386: {  	s11 =	smul.u32 $0x3, s11;
	_ =	sdelay $0x1  }
0x387: {  	s11 =	ssub.s32 s5, s11  }
0x388: {  	_ =	swait.ge [sflag:s30], $0x2000;
	s11 =	sand.u32 $0xFF, s11  }
0x389: {  	[sflag:s30] =	ssyncset.done $0x0;
	s11 =	sshll.u32 s11, $0xD  }
0x38a: {  	p2 =	seq.s32 s5, $0x0;
	[sflag:s30] =	ssyncadd.s32 $0xFFFFE000;
	s11 =	sadd.s32 $0xFB10, s11  }
0x38b: {  	[spmem:s4] =	stream.indirect.scatter.add.f32 [tilespmem:s11], [sflag:$0x2], $0x40, s8, s17, $0xb8;
	[tilespmem:$0x1E620] =	vst v63  }
0x38c: {  	s11 =	simm.s32 @!p2 $0x2  }
0x38d: {  	p3 =	sgt.u32 @!p2 s5, $0x4C;
	_ =	swait.ge @!p2 [sflag:s11], $0x2000  }
0x38e: {  	p3 =	por p2, !p3;
	[sflag:s11] =	ssyncset.done @!p2 $0x0  }
0x38f: {  	[sflag:s11] =	ssyncadd.s32 @!p2 $0xFFFFE000;
	s11 =	sadd.s32 @p3 $0x2, s5  }
0x390: {  	s13 =	smul.u32 @p3 $0xAB, s11;
	_ =	sdelay $0x1  }
0x391: {  	s13 =	sshrl.u32 @p3 s13, $0x9  }
0x392: {  	s13 =	sand.u32 @p3 $0x7F, s13  }
0x393: {  	s13 =	smul.u32 @p3 $0x3, s13  }
0x394: {  	s5 =	sadd.s32 $0x1, s5  }
0x395: {  	p2 =	sne.s32 s5, $0x4F;
	s11 =	ssub.s32 @p3 s11, s13  }
.Ltmp6:
0x396: {  	s11 =	sand.u32 @p3 $0xFF, s11;
	(pc) =	sbr.rel @p2 .LBB2_14-.Ltmp6, $4  }
0x397: {  	s11 =	sshll.u32 @p3 s11, $0xD  }
0x398: {  	s11 =	sadd.s32 @p3 $0xFB10, s11  }
0x399: {  	[tilespmem:s11], [sflag:$0x1] =	stream.indirect.gather @p3 [hbm4b:s9+s17], $0x40, s7, s17, $0xb8;
	[tilespmem:$0x1E620] =	vst v63  }
0x39a: {  	s8 =	sadd.s32 $0x80, s8;
	s7 =	sadd.s32 $0x80, s7  }
0x39b: {  	s5 =	simm.s32 $0x2  }
0x39c: {  	_ =	swait.ge [sflag:s5], $0x2000  }
0x39d: {  	[sflag:s5] =	ssyncset.done $0x0  }
0x39e: {  	[sflag:s5] =	ssyncadd.s32 $0xFFFFE000  }
0x39f: {  	s7 =	simm.s32 $0x0;
	s5 =	simm.s32 $0x0;
	[bflag:$0x0] =	sbarrier.arrive $0xFFFF  }
.LBB2_16:
0x3a0: {  	s8 =	sshll.u32 s7, $0x7  }
0x3a1: {  	s8 =	sadd.s32 s6, s8  }
0x3a2: {  	s11 =	sshll.u32 s8, $0x6  }
0x3a3: {  	s13 =	sadd.s32 $0x0, s5;
	s11 =	sand.u32 $0x3FFFFFC0, s11  }
0x3a4: {  	v26 =	vmov s13;
	s11 =	sadd.s32 s11, s4  }
0x3a5: {  	[tilespmem:s20], [sflag:$0x5] =	stream.linear.gather [spmem:s11], $0x2000, $0x38;
	[tilespmem:$0x1E620] =	vst v63  }
0x3a6: {  	_ =	swait.ge [sflag:s12], $0x2000  }
0x3a7: {  	[sflag:s12] =	ssyncset.done $0x0  }
0x3a8: {  	[sflag:s12] =	ssyncadd.s32 $0xFFFFE000  }
0x3a9: {  	s11 =	simm.s32 $0x15B30;
	v27 =	vld.idx.msk [tilespmem:v26+s26+$0x0], $0xffff  }
0x3aa: {  	v28 =	vld [tilespmem:s11+$0xFFFFFFE0];
	_ =	sdelay $0x1  }
0x3ab: {  	v29 =	vld [tilespmem:$0xA580];
	_ =	sdelay $0x2  }
0x3ac: {  	v28 =	vmul.f32 v28, v27;
	_ =	sdelay $0x1  }
0x3ad: {  	v28 =	vadd.f32 v29, v28  }
0x3ae: {  	v29 =	vld [tilespmem:s11+$0xFFFFFFF0]  }
0x3af: {  	[tilespmem:s11+$0xFFFFFFE0] =	vst v28  }
0x3b0: {  	v30 =	vld [tilespmem:$0xA590];
	_ =	sdelay $0x2  }
0x3b1: {  	v29 =	vmul.f32 v29, v27;
	_ =	sdelay $0x1  }
0x3b2: {  	v29 =	vadd.f32 v30, v29  }
0x3b3: {  	v30 =	vld [tilespmem:s11+$0x0]  }
0x3b4: {  	[tilespmem:s11+$0xFFFFFFF0] =	vst v29  }
0x3b5: {  	v31 =	vld [tilespmem:$0xA5A0];
	_ =	sdelay $0x2  }
0x3b6: {  	v30 =	vmul.f32 v30, v27;
	_ =	sdelay $0x1  }
0x3b7: {  	v30 =	vadd.f32 v31, v30  }
0x3b8: {  	v31 =	vld [tilespmem:s11+$0x10]  }
0x3b9: {  	[tilespmem:s11+$0x0] =	vst v30  }
0x3ba: {  	v32 =	vld [tilespmem:$0xA5B0];
	_ =	sdelay $0x1  }
0x3bb: {  	v28 =	vmul.f32 v28, v28  }
0x3bc: {  	v29 =	vmul.f32 v29, v29;
	v27 =	vmul.f32 v31, v27;
	_ =	sdelay $0x1  }
0x3bd: {  	v28 =	vadd.f32 v29, v28;
	v30 =	vmul.f32 v30, v30;
	v27 =	vadd.f32 v32, v27;
	_ =	sdelay $0x1  }
0x3be: {  	v28 =	vadd.f32 v30, v28;
	v29 =	vmul.f32 v27, v27;
	_ =	sdelay $0x1  }
0x3bf: {  	v28 =	vadd.f32 v29, v28;
	_ =	sdelay $0x1  }
0x3c0: {  	(xrf2) =	vadd.scan.msk.f32 $0xffff, v28;
	_ =	sdelay $0x9  }
0x3c1: {  	s15 =	sadd.s32 $0x1, s5;
	v28, _, _ =	vpop (xrf2)  }
0x3c2: {  	s13 =	simm.s32 $0x2;
	[tilespmem:s11+$0x10] =	vst v27;
	v27 =	vmov s15;
	v28 =	vbroadcast v28, $0xF  }
.LBB2_17:
0x3c3: {  	p2 =	sne.s32 s13, $0x7F  }
0x3c4: {  	s11 =	sadd.s32 $0x40, s11;
	s15 =	smov.u32 s13;
	s13 =	sadd.s32 $0x1, s13;
	[tilespmem:v26+s1+$0x0] =	vst.idx.add.f32.msk $0x1, v28;
	v26 =	vmov v27  }
0x3c5: {  	v27 =	vld.idx.msk [tilespmem:v27+s26+$0x0], $0xffff  }
0x3c6: {  	v28 =	vld [tilespmem:s11+$0xFFFFFFE0];
	_ =	sdelay $0x1  }
0x3c7: {  	v29 =	vld [tilespmem:$0xA580];
	_ =	sdelay $0x2  }
0x3c8: {  	v28 =	vmul.f32 v28, v27;
	_ =	sdelay $0x1  }
0x3c9: {  	v28 =	vadd.f32 v29, v28  }
0x3ca: {  	v29 =	vld [tilespmem:s11+$0xFFFFFFF0]  }
0x3cb: {  	[tilespmem:s11+$0xFFFFFFE0] =	vst v28  }
0x3cc: {  	v30 =	vld [tilespmem:$0xA590];
	_ =	sdelay $0x2  }
0x3cd: {  	v29 =	vmul.f32 v29, v27;
	_ =	sdelay $0x1  }
0x3ce: {  	v29 =	vadd.f32 v30, v29  }
0x3cf: {  	v30 =	vld [tilespmem:s11+$0x0]  }
0x3d0: {  	[tilespmem:s11+$0xFFFFFFF0] =	vst v29;
	v29 =	vmul.f32 v29, v29  }
0x3d1: {  	v31 =	vld [tilespmem:$0xA5A0];
	_ =	sdelay $0x2  }
0x3d2: {  	v30 =	vmul.f32 v30, v27;
	_ =	sdelay $0x1  }
0x3d3: {  	v30 =	vadd.f32 v31, v30  }
0x3d4: {  	v31 =	vld [tilespmem:s11+$0x10]  }
0x3d5: {  	[tilespmem:s11+$0x0] =	vst v30;
	v30 =	vmul.f32 v30, v30  }
0x3d6: {  	v32 =	vld [tilespmem:$0xA5B0];
	_ =	sdelay $0x2  }
0x3d7: {  	v28 =	vmul.f32 v28, v28;
	v27 =	vmul.f32 v31, v27;
	_ =	sdelay $0x1  }
0x3d8: {  	v28 =	vadd.f32 v29, v28;
	v27 =	vadd.f32 v32, v27;
	_ =	sdelay $0x1  }
0x3d9: {  	v28 =	vadd.f32 v30, v28;
	[tilespmem:s11+$0x10] =	vst v27;
	v27 =	vmul.f32 v27, v27;
	_ =	sdelay $0x1  }
0x3da: {  	v27 =	vadd.f32 v27, v28;
	_ =	sdelay $0x1  }
0x3db: {  	(xrf2) =	vadd.scan.msk.f32 $0xffff, v27;
	_ =	sdelay $0x6  }
.Ltmp7:
0x3dc: {  	(pc) =	sbr.rel @p2 .LBB2_17-.Ltmp7, $4  }
0x3dd: {  	s15 =	sadd.s32 s15, s5  }
0x3de: {  	v27 =	vmov s15  }
0x3df: {  	v28, _, _ =	vpop (xrf2)  }
0x3e0: {  	v28 =	vbroadcast v28, $0xF  }
0x3e1: {  	_ =	sdelay $0x3  }
0x3e2: {  	[tilespmem:v26+s1+$0x0] =	vst.idx.add.f32.msk $0x1, v28  }
0x3e3: {  	s11 =	sadd.s32 $0x40, s11;
	v26 =	vld.idx.msk [tilespmem:v27+s26+$0x0], $0xffff  }
0x3e4: {  	v28 =	vld [tilespmem:s11+$0xFFFFFFE0];
	_ =	sdelay $0x1  }
0x3e5: {  	v29 =	vld [tilespmem:$0xA580];
	_ =	sdelay $0x2  }
0x3e6: {  	v28 =	vmul.f32 v28, v26;
	_ =	sdelay $0x1  }
0x3e7: {  	v28 =	vadd.f32 v29, v28  }
0x3e8: {  	v60 =	vld [tilespmem:s11+$0xFFFFFFF0]  }
0x3e9: {  	[tilespmem:s11+$0xFFFFFFE0] =	vst v28  }
0x3ea: {  	v30 =	vld [tilespmem:$0xA590];
	_ =	sdelay $0x2  }
0x3eb: {  	v29 =	vmul.f32 v60, v26;
	_ =	sdelay $0x1  }
0x3ec: {  	v29 =	vadd.f32 v30, v29  }
0x3ed: {  	v61 =	vld [tilespmem:s11+$0x0]  }
0x3ee: {  	[tilespmem:s11+$0xFFFFFFF0] =	vst v29  }
0x3ef: {  	v31 =	vld [tilespmem:$0xA5A0];
	_ =	sdelay $0x2  }
0x3f0: {  	v30 =	vmul.f32 v61, v26;
	_ =	sdelay $0x1  }
0x3f1: {  	v30 =	vadd.f32 v31, v30  }
0x3f2: {  	v62 =	vld [tilespmem:s11+$0x10]  }
0x3f3: {  	[tilespmem:s11+$0x0] =	vst v30  }
0x3f4: {  	v32 =	vld [tilespmem:$0xA5B0];
	_ =	sdelay $0x1  }
0x3f5: {  	v28 =	vmul.f32 v28, v28  }
0x3f6: {  	v26 =	vmul.f32 v62, v26;
	v29 =	vmul.f32 v29, v29;
	_ =	sdelay $0x1  }
0x3f7: {  	v28 =	vadd.f32 v29, v28;
	v30 =	vmul.f32 v30, v30;
	v26 =	vadd.f32 v32, v26;
	_ =	sdelay $0x1  }
0x3f8: {  	v28 =	vadd.f32 v30, v28;
	v63 =	vmul.f32 v26, v26;
	_ =	sdelay $0x1  }
0x3f9: {  	v28 =	vadd.f32 v63, v28;
	_ =	sdelay $0x1  }
0x3fa: {  	(xrf2) =	vadd.scan.msk.f32 $0xffff, v28;
	_ =	sdelay $0x9  }
0x3fb: {  	v28, _, _ =	vpop (xrf2)  }
0x3fc: {  	s8 =	sadd.s32 s16, s8;
	s7 =	sadd.s32 $0x1, s7;
	v28 =	vbroadcast v28, $0xF  }
0x3fd: {  	s8 =	sshll.u32 s8, $0x4;
	p2 =	sne.s32 s7, $0x5;
	[tilespmem:s11+$0x10] =	vst v26  }
.Ltmp8:
0x3fe: {  	s8 =	sadd.s32 s22, s8;
	[tilespmem:v27+s1+$0x0] =	vst.idx.add.f32.msk $0x1, v28;
	(pc) =	sbr.rel @p2 .LBB2_16-.Ltmp8, $4  }
0x3ff: {  	[hbm4b:s8+s18] =	stream.strided.scatter [tilespmem:s20], [sflag:$0x5], $0x2000, s17, s18, $0x38;
	[tilespmem:$0x1E620] =	vst v63  }
0x400: {  	_ =	swait.ge [sflag:s12], $0x2000  }
0x401: {  	[sflag:s12] =	ssyncset.done $0x0  }
0x402: {  	s5 =	sadd.s32 $0x80, s5;
	[sflag:s12] =	ssyncadd.s32 $0xFFFFE000  }
0x403: {  	s5 =	simm.s32 $0x0  }
0x404: {  	s7 =	sand.u32 $0xFE00, s5  }
0x405: {  	s5 =	sand.u32 $0x70, s5;
	s7 =	sshrl.u32 s7, $0x2  }
0x406: {  	s5 =	sor.u32 s5, s7  }
0x407: {  	v26 =	vld [tilespmem:s5+$0xAC10];
	_ =	sdelay $0x2  }
0x408: {  	s8 =	simm.s32 $0x40  }
0x409: {  	s11 =	sand.u32 $0xFE00, s8;
	s8 =	simm.s32 $0x80;
	s7 =	simm.s32 $0x10  }
.LBB2_20:
0x40a: {  	p2 =	sne.s32 s8, $0x9DC0;
	s13 =	sand.u32 $0x70, s7;
	s11 =	sshrl.u32 s11, $0x2;
	v26 =	vadd.s32 $0x2800, v26  }
0x40b: {  	[tilespmem:s5+$0xAC10] =	vst v26;
	s5 =	sor.u32 s13, s11  }
.Ltmp9:
0x40c: {  	v26 =	vld [tilespmem:s5+$0xAC10];
	(pc) =	sbr.rel @p2 .LBB2_20-.Ltmp9, $2  }
0x40d: {  	_ =	sdelay $0x2  }
0x40e: {  	s7 =	sadd.s32 $0x10, s7;
	s11 =	sand.u32 $0xFE00, s8;
	s8 =	sadd.s32 $0x40, s8  }
0x40f: {  	s7 =	sand.u32 $0x70, s7;
	s8 =	sshrl.u32 s11, $0x2;
	v26 =	vadd.s32 $0x2800, v26  }
0x410: {  	s7 =	sor.u32 s7, s8;
	[tilespmem:s5+$0xAC10] =	vst v26  }
0x411: {  	v26 =	vld [tilespmem:s7+$0xAC10];
	_ =	sdelay $0x4  }
0x412: {  	v26 =	vadd.s32 $0x2800, v26  }
0x413: {  	s23 =	rddreg [dreg:$0x10];
	[tilespmem:s7+$0xAC10] =	vst v26  }
0x414: {  	[spmem:s3], [sflag:s0] =	dma.local [hbm:s23], $0x1400  }
0x415: {  	_ =	swait.ge [sflag:s12], $0x1400  }
0x416: {  	[sflag:s12] =	ssyncset.done $0x0  }
0x417: {  	s24 =	simm.s32 $0xFB10;
	s25 =	simm.s32 $0xAC90;
	[sflag:s12] =	ssyncadd.s32 $0xFFFFEC00  }
0x418: {  	s31 =	simm.s32 $0x11B10;
	s5 =	simm.s32 $0xD390;
	[bflag:$0x0] =	sbarrier.arrive $0xFFFF  }
0x419: {  	[tilespmem:s24], [sflag:$0x1] =	stream.indirect.gather [hbm4b:s9+s17], $0x40, s14, s17, $0xb8;
	[tilespmem:$0x1E620] =	vst v63  }
0x41a: {  	s0 =	simm.s32 $0x0;
	s3 =	simm.s32 $0xAD10;
	s15 =	rddreg [dreg:$0x6]  }
0x41b: {  	[tilespmem:s31], [sflag:$0x1] =	stream.indirect.gather [hbm4b:s9+s17], $0x40, s25, s17, $0xb8;
	[tilespmem:$0x1E620] =	vst v63  }
.LBB2_22:
0x41c: {  	s7 =	smul.u32 $0xAB, s0;
	_ =	sdelay $0x1  }
0x41d: {  	s7 =	sshrl.u32 s7, $0x9  }
0x41e: {  	s7 =	sand.u32 $0x7F, s7  }
0x41f: {  	s7 =	smul.u32 $0x3, s7;
	_ =	sdelay $0x1  }
0x420: {  	s7 =	ssub.s32 s0, s7  }
0x421: {  	_ =	swait.ge [sflag:s30], $0x2000;
	s7 =	sand.u32 $0xFF, s7  }
0x422: {  	[sflag:s30] =	ssyncset.done $0x0;
	s7 =	sshll.u32 s7, $0xD  }
0x423: {  	p2 =	seq.s32 s0, $0x0;
	[sflag:s30] =	ssyncadd.s32 $0xFFFFE000;
	s7 =	sadd.s32 $0xFB10, s7  }
0x424: {  	[spmem:s4] =	stream.indirect.scatter.add.f32 [tilespmem:s7], [sflag:$0x2], $0x40, s5, s17, $0xb8;
	[tilespmem:$0x1E620] =	vst v63  }
0x425: {  	s7 =	simm.s32 @!p2 $0x2  }
0x426: {  	p3 =	sgt.u32 @!p2 s0, $0x4C;
	_ =	swait.ge @!p2 [sflag:s7], $0x2000  }
0x427: {  	p3 =	por p2, !p3;
	[sflag:s7] =	ssyncset.done @!p2 $0x0  }
0x428: {  	[sflag:s7] =	ssyncadd.s32 @!p2 $0xFFFFE000;
	s7 =	sadd.s32 @p3 $0x2, s0  }
0x429: {  	s8 =	smul.u32 @p3 $0xAB, s7;
	_ =	sdelay $0x1  }
0x42a: {  	s8 =	sshrl.u32 @p3 s8, $0x9  }
0x42b: {  	s8 =	sand.u32 @p3 $0x7F, s8  }
0x42c: {  	s8 =	smul.u32 @p3 $0x3, s8  }
0x42d: {  	s0 =	sadd.s32 $0x1, s0  }
0x42e: {  	p2 =	sne.s32 s0, $0x4F;
	s7 =	ssub.s32 @p3 s7, s8  }
.Ltmp10:
0x42f: {  	s7 =	sand.u32 @p3 $0xFF, s7;
	(pc) =	sbr.rel @p2 .LBB2_22-.Ltmp10, $4  }
0x430: {  	s7 =	sshll.u32 @p3 s7, $0xD  }
0x431: {  	s7 =	sadd.s32 @p3 $0xFB10, s7  }
0x432: {  	[tilespmem:s7], [sflag:$0x1] =	stream.indirect.gather @p3 [hbm4b:s9+s17], $0x40, s3, s17, $0xb8;
	[tilespmem:$0x1E620] =	vst v63  }
0x433: {  	s5 =	sadd.s32 $0x80, s5;
	s3 =	sadd.s32 $0x80, s3  }
0x434: {  	s0 =	simm.s32 $0x2  }
0x435: {  	_ =	swait.ge [sflag:s0], $0x2000  }
0x436: {  	[sflag:s0] =	ssyncset.done $0x0  }
0x437: {  	[sflag:s0] =	ssyncadd.s32 $0xFFFFE000  }
0x438: {  	s3 =	simm.s32 $0x0;
	s0 =	simm.s32 $0x0;
	[bflag:$0x0] =	sbarrier.arrive $0xFFFF  }
.LBB2_24:
0x439: {  	s5 =	sshll.u32 s3, $0x7  }
0x43a: {  	s5 =	sadd.s32 s6, s5  }
0x43b: {  	s7 =	sshll.u32 s5, $0x6  }
0x43c: {  	s8 =	sadd.s32 $0x0, s0;
	s7 =	sand.u32 $0x3FFFFFC0, s7  }
0x43d: {  	v26 =	vmov s8;
	s7 =	sadd.s32 s7, s4  }
0x43e: {  	[tilespmem:s20], [sflag:$0x5] =	stream.linear.gather [spmem:s7], $0x2000, $0x38;
	[tilespmem:$0x1E620] =	vst v63  }
0x43f: {  	_ =	swait.ge [sflag:s12], $0x2000  }
0x440: {  	[sflag:s12] =	ssyncset.done $0x0  }
0x441: {  	[sflag:s12] =	ssyncadd.s32 $0xFFFFE000  }
0x442: {  	s7 =	simm.s32 $0x15B30;
	v27 =	vld.idx.msk [tilespmem:v26+s26+$0x0], $0xffff  }
0x443: {  	v28 =	vld [tilespmem:s7+$0xFFFFFFE0];
	_ =	sdelay $0x1  }
0x444: {  	v29 =	vld [tilespmem:$0xA5C0];
	_ =	sdelay $0x2  }
0x445: {  	v28 =	vmul.f32 v28, v27;
	_ =	sdelay $0x1  }
0x446: {  	v28 =	vadd.f32 v29, v28  }
0x447: {  	v29 =	vld [tilespmem:s7+$0xFFFFFFF0]  }
0x448: {  	[tilespmem:s7+$0xFFFFFFE0] =	vst v28  }
0x449: {  	v30 =	vld [tilespmem:$0xA5D0];
	_ =	sdelay $0x2  }
0x44a: {  	v29 =	vmul.f32 v29, v27;
	_ =	sdelay $0x1  }
0x44b: {  	v29 =	vadd.f32 v30, v29  }
0x44c: {  	v30 =	vld [tilespmem:s7+$0x0]  }
0x44d: {  	[tilespmem:s7+$0xFFFFFFF0] =	vst v29  }
0x44e: {  	v31 =	vld [tilespmem:$0xA5E0];
	_ =	sdelay $0x2  }
0x44f: {  	v30 =	vmul.f32 v30, v27;
	_ =	sdelay $0x1  }
0x450: {  	v30 =	vadd.f32 v31, v30  }
0x451: {  	v31 =	vld [tilespmem:s7+$0x10]  }
0x452: {  	[tilespmem:s7+$0x0] =	vst v30  }
0x453: {  	v32 =	vld [tilespmem:$0xA5F0];
	_ =	sdelay $0x1  }
0x454: {  	v28 =	vmul.f32 v28, v28  }
0x455: {  	v29 =	vmul.f32 v29, v29;
	v27 =	vmul.f32 v31, v27;
	_ =	sdelay $0x1  }
0x456: {  	v28 =	vadd.f32 v29, v28;
	v30 =	vmul.f32 v30, v30;
	v27 =	vadd.f32 v32, v27;
	_ =	sdelay $0x1  }
0x457: {  	v28 =	vadd.f32 v30, v28;
	v29 =	vmul.f32 v27, v27;
	_ =	sdelay $0x1  }
0x458: {  	v28 =	vadd.f32 v29, v28;
	_ =	sdelay $0x1  }
0x459: {  	(xrf2) =	vadd.scan.msk.f32 $0xffff, v28;
	_ =	sdelay $0x9  }
0x45a: {  	s11 =	sadd.s32 $0x1, s0;
	v28, _, _ =	vpop (xrf2)  }
0x45b: {  	s8 =	simm.s32 $0x2;
	[tilespmem:s7+$0x10] =	vst v27;
	v27 =	vmov s11;
	v28 =	vbroadcast v28, $0xF  }
.LBB2_25:
0x45c: {  	p2 =	sne.s32 s8, $0x7F  }
0x45d: {  	s7 =	sadd.s32 $0x40, s7;
	s11 =	smov.u32 s8;
	s8 =	sadd.s32 $0x1, s8;
	[tilespmem:v26+s1+$0x0] =	vst.idx.add.f32.msk $0x1, v28;
	v26 =	vmov v27  }
0x45e: {  	v27 =	vld.idx.msk [tilespmem:v27+s26+$0x0], $0xffff  }
0x45f: {  	v28 =	vld [tilespmem:s7+$0xFFFFFFE0];
	_ =	sdelay $0x1  }
0x460: {  	v29 =	vld [tilespmem:$0xA5C0];
	_ =	sdelay $0x2  }
0x461: {  	v28 =	vmul.f32 v28, v27;
	_ =	sdelay $0x1  }
0x462: {  	v28 =	vadd.f32 v29, v28  }
0x463: {  	v29 =	vld [tilespmem:s7+$0xFFFFFFF0]  }
0x464: {  	[tilespmem:s7+$0xFFFFFFE0] =	vst v28  }
0x465: {  	v30 =	vld [tilespmem:$0xA5D0];
	_ =	sdelay $0x2  }
0x466: {  	v29 =	vmul.f32 v29, v27;
	_ =	sdelay $0x1  }
0x467: {  	v29 =	vadd.f32 v30, v29  }
0x468: {  	v30 =	vld [tilespmem:s7+$0x0]  }
0x469: {  	[tilespmem:s7+$0xFFFFFFF0] =	vst v29;
	v29 =	vmul.f32 v29, v29  }
0x46a: {  	v31 =	vld [tilespmem:$0xA5E0];
	_ =	sdelay $0x2  }
0x46b: {  	v30 =	vmul.f32 v30, v27;
	_ =	sdelay $0x1  }
0x46c: {  	v30 =	vadd.f32 v31, v30  }
0x46d: {  	v31 =	vld [tilespmem:s7+$0x10]  }
0x46e: {  	[tilespmem:s7+$0x0] =	vst v30;
	v30 =	vmul.f32 v30, v30  }
0x46f: {  	v32 =	vld [tilespmem:$0xA5F0];
	_ =	sdelay $0x2  }
0x470: {  	v28 =	vmul.f32 v28, v28;
	v27 =	vmul.f32 v31, v27;
	_ =	sdelay $0x1  }
0x471: {  	v28 =	vadd.f32 v29, v28;
	v27 =	vadd.f32 v32, v27;
	_ =	sdelay $0x1  }
0x472: {  	v28 =	vadd.f32 v30, v28;
	[tilespmem:s7+$0x10] =	vst v27;
	v27 =	vmul.f32 v27, v27;
	_ =	sdelay $0x1  }
0x473: {  	v27 =	vadd.f32 v27, v28;
	_ =	sdelay $0x1  }
0x474: {  	(xrf2) =	vadd.scan.msk.f32 $0xffff, v27;
	_ =	sdelay $0x6  }
.Ltmp11:
0x475: {  	(pc) =	sbr.rel @p2 .LBB2_25-.Ltmp11, $4  }
0x476: {  	s11 =	sadd.s32 s11, s0  }
0x477: {  	v27 =	vmov s11  }
0x478: {  	v28, _, _ =	vpop (xrf2)  }
0x479: {  	v28 =	vbroadcast v28, $0xF  }
0x47a: {  	_ =	sdelay $0x3  }
0x47b: {  	[tilespmem:v26+s1+$0x0] =	vst.idx.add.f32.msk $0x1, v28  }
0x47c: {  	s7 =	sadd.s32 $0x40, s7;
	v26 =	vld.idx.msk [tilespmem:v27+s26+$0x0], $0xffff  }
0x47d: {  	v28 =	vld [tilespmem:s7+$0xFFFFFFE0];
	_ =	sdelay $0x1  }
0x47e: {  	v29 =	vld [tilespmem:$0xA5C0];
	_ =	sdelay $0x2  }
0x47f: {  	v28 =	vmul.f32 v28, v26;
	_ =	sdelay $0x1  }
0x480: {  	v28 =	vadd.f32 v29, v28  }
0x481: {  	v60 =	vld [tilespmem:s7+$0xFFFFFFF0]  }
0x482: {  	[tilespmem:s7+$0xFFFFFFE0] =	vst v28  }
0x483: {  	v30 =	vld [tilespmem:$0xA5D0];
	_ =	sdelay $0x2  }
0x484: {  	v29 =	vmul.f32 v60, v26;
	_ =	sdelay $0x1  }
0x485: {  	v29 =	vadd.f32 v30, v29  }
0x486: {  	v61 =	vld [tilespmem:s7+$0x0]  }
0x487: {  	[tilespmem:s7+$0xFFFFFFF0] =	vst v29  }
0x488: {  	v31 =	vld [tilespmem:$0xA5E0];
	_ =	sdelay $0x2  }
0x489: {  	v30 =	vmul.f32 v61, v26;
	_ =	sdelay $0x1  }
0x48a: {  	v30 =	vadd.f32 v31, v30  }
0x48b: {  	v62 =	vld [tilespmem:s7+$0x10]  }
0x48c: {  	[tilespmem:s7+$0x0] =	vst v30  }
0x48d: {  	v32 =	vld [tilespmem:$0xA5F0];
	_ =	sdelay $0x1  }
0x48e: {  	v28 =	vmul.f32 v28, v28  }
0x48f: {  	v26 =	vmul.f32 v62, v26;
	v29 =	vmul.f32 v29, v29;
	_ =	sdelay $0x1  }
0x490: {  	v28 =	vadd.f32 v29, v28;
	v30 =	vmul.f32 v30, v30;
	v26 =	vadd.f32 v32, v26;
	_ =	sdelay $0x1  }
0x491: {  	v28 =	vadd.f32 v30, v28;
	v63 =	vmul.f32 v26, v26;
	_ =	sdelay $0x1  }
0x492: {  	v28 =	vadd.f32 v63, v28;
	_ =	sdelay $0x1  }
0x493: {  	(xrf2) =	vadd.scan.msk.f32 $0xffff, v28;
	_ =	sdelay $0x9  }
0x494: {  	v28, _, _ =	vpop (xrf2)  }
0x495: {  	s5 =	sadd.s32 s16, s5;
	s3 =	sadd.s32 $0x1, s3;
	v28 =	vbroadcast v28, $0xF  }
0x496: {  	s31 =	rddreg [dreg:$0x13];
	s5 =	sshll.u32 s5, $0x4;
	p2 =	sne.s32 s3, $0x5;
	[tilespmem:s7+$0x10] =	vst v26  }
.Ltmp12:
0x497: {  	s5 =	sadd.s32 s5, s31;
	[tilespmem:v27+s1+$0x0] =	vst.idx.add.f32.msk $0x1, v28;
	(pc) =	sbr.rel @p2 .LBB2_24-.Ltmp12, $4  }
0x498: {  	[hbm4b:s5+s18] =	stream.strided.scatter [tilespmem:s20], [sflag:$0x5], $0x2000, s17, s18, $0x38;
	[tilespmem:$0x1E620] =	vst v63  }
0x499: {  	_ =	swait.ge [sflag:s12], $0x2000  }
0x49a: {  	[sflag:s12] =	ssyncset.done $0x0  }
0x49b: {  	s0 =	sadd.s32 $0x80, s0;
	[sflag:s12] =	ssyncadd.s32 $0xFFFFE000  }
0x49c: {  	s0 =	simm.s32 $0x0;
	s3 =	rddreg [dreg:$0x11];
	s5 =	simm.s32 $0xA890  }
0x49d: {  	[tilespmem:s5], [sflag:$0x5] =	stream.linear.gather [hbm4b:s3+s0], $0x280, $0x38;
	[tilespmem:$0x1E620] =	vst v63  }
0x49e: {  	_ =	swait.ge [sflag:s12], $0x280  }
0x49f: {  	[sflag:s12] =	ssyncset.done $0x0  }
0x4a0: {  	s0 =	simm.s32 $0x0;
	[sflag:s12] =	ssyncadd.s32 $0xFFFFFD80  }
0x4a1: {  	v26 =	vld [tilespmem:s0+$0xA890];
	_ =	sdelay $0x1  }
0x4a2: {  	v27 =	vld [tilespmem:s0+$0xA610];
	_ =	sdelay $0x2  }
0x4a3: {  	v26 =	vmul.f32 v26, v0;
	_ =	sdelay $0x1  }
0x4a4: {  	s5 =	simm.s32 $0x10;
	s3 =	simm.s32 $0x80;
	v26 =	vadd.f32 v26, v27  }
.LBB2_28:
0x4a5: {  	p2 =	sne.s32 s3, $0x9C0;
	v27 =	vld [tilespmem:s5+$0xA890]  }
0x4a6: {  	[tilespmem:s0+$0xA610] =	vst v26;
	s0 =	smov.u32 s5  }
0x4a7: {  	v26 =	vld [tilespmem:s0+$0xA610]  }
.Ltmp13:
0x4a8: {  	(pc) =	sbr.rel @p2 .LBB2_28-.Ltmp13, $3  }
0x4a9: {  	_ = 	snop  }
0x4aa: {  	v27 =	vmul.f32 v27, v0;
	_ =	sdelay $0x1  }
0x4ab: {  	s5 =	sshra.s32 s3, $0x2;
	s3 =	sadd.s32 $0x40, s3;
	v26 =	vadd.f32 v27, v26  }
0x4ac: {  	v27 =	vld [tilespmem:s5+$0xA890]  }
0x4ad: {  	[tilespmem:s0+$0xA610] =	vst v26  }
0x4ae: {  	v26 =	vld [tilespmem:s5+$0xA610];
	_ =	sdelay $0x2  }
0x4af: {  	v27 =	vmul.f32 v27, v0;
	_ =	sdelay $0x1  }
0x4b0: {  	v26 =	vadd.f32 v27, v26;
	_ =	sdelay $0x1  }
.Ltmp14:
0x4b1: {  	s31 =	rddreg [dreg:$0x15];
	[tilespmem:s5+$0xA610] =	vst v26;
	(pc) =	sbr.rel @p1 .LBB2_31-.Ltmp14, $4  }
0x4b2: {  	[hbm4b:s31+s19] =	stream.linear.scatter [tilespmem:s1], [sflag:$0x5], $0x280, $0x38;
	[tilespmem:$0x1E620] =	vst v63  }
0x4b3: {  	_ =	swait.ge [sflag:s12], $0x280  }
0x4b4: {  	[sflag:s12] =	ssyncset.done $0x0  }
0x4b5: {  	[sflag:s12] =	ssyncadd.s32 $0xFFFFFD80  }
0x4b6: {  	[tilespmem:$0x15B10] =	vst v5  }
0x4b7: {  	[tilespmem:$0x15B20] =	vst v5  }
0x4b8: {  	[tilespmem:$0x15B30] =	vst v5  }
0x4b9: {  	[tilespmem:$0x15B40] =	vst v5  }
0x4ba: {  	[tilespmem:$0x15B50] =	vst v5  }
0x4bb: {  	[tilespmem:$0x15B60] =	vst v5  }
0x4bc: {  	[tilespmem:$0x15B70] =	vst v5  }
0x4bd: {  	[tilespmem:$0x15B80] =	vst v5  }
0x4be: {  	[tilespmem:$0x15B90] =	vst v5  }
0x4bf: {  	[tilespmem:$0x15BA0] =	vst v5  }
0x4c0: {  	[tilespmem:$0x15BB0] =	vst v5  }
0x4c1: {  	[tilespmem:$0x15BC0] =	vst v5  }
0x4c2: {  	[tilespmem:$0x15BD0] =	vst v5  }
0x4c3: {  	[tilespmem:$0x15BE0] =	vst v5  }
0x4c4: {  	[tilespmem:$0x15BF0] =	vst v5  }
0x4c5: {  	[tilespmem:$0x15C00] =	vst v5  }
0x4c6: {  	[tilespmem:$0x15C10] =	vst v5  }
0x4c7: {  	[tilespmem:$0x15C20] =	vst v5  }
0x4c8: {  	[tilespmem:$0x15C30] =	vst v5  }
0x4c9: {  	[tilespmem:$0x15C40] =	vst v5  }
0x4ca: {  	[tilespmem:$0x15C50] =	vst v5  }
0x4cb: {  	[tilespmem:$0x15C60] =	vst v5  }
0x4cc: {  	[tilespmem:$0x15C70] =	vst v5  }
0x4cd: {  	[tilespmem:$0x15C80] =	vst v5  }
0x4ce: {  	[tilespmem:$0x15C90] =	vst v5  }
0x4cf: {  	[tilespmem:$0x15CA0] =	vst v5  }
0x4d0: {  	[tilespmem:$0x15CB0] =	vst v5  }
0x4d1: {  	[tilespmem:$0x15CC0] =	vst v5  }
0x4d2: {  	[tilespmem:$0x15CD0] =	vst v5  }
0x4d3: {  	[tilespmem:$0x15CE0] =	vst v5  }
0x4d4: {  	[tilespmem:$0x15CF0] =	vst v5  }
0x4d5: {  	[tilespmem:$0x15D00] =	vst v5  }
0x4d6: {  	[tilespmem:$0x15D10] =	vst v5  }
0x4d7: {  	[tilespmem:$0x15D20] =	vst v5  }
0x4d8: {  	[tilespmem:$0x15D30] =	vst v5  }
0x4d9: {  	[tilespmem:$0x15D40] =	vst v5  }
0x4da: {  	[tilespmem:$0x15D50] =	vst v5  }
0x4db: {  	[tilespmem:$0x15D60] =	vst v5  }
0x4dc: {  	[tilespmem:$0x15D70] =	vst v5  }
0x4dd: {  	[tilespmem:$0x15D80] =	vst v5  }
0x4de: {  	[tilespmem:$0x15D90] =	vst v5  }
0x4df: {  	[tilespmem:$0x15DA0] =	vst v5  }
0x4e0: {  	[tilespmem:$0x15DB0] =	vst v5  }
0x4e1: {  	[tilespmem:$0x15DC0] =	vst v5  }
0x4e2: {  	[tilespmem:$0x15DD0] =	vst v5  }
0x4e3: {  	[tilespmem:$0x15DE0] =	vst v5  }
0x4e4: {  	[tilespmem:$0x15DF0] =	vst v5  }
0x4e5: {  	[tilespmem:$0x15E00] =	vst v5  }
0x4e6: {  	[tilespmem:$0x15E10] =	vst v5  }
0x4e7: {  	[tilespmem:$0x15E20] =	vst v5  }
0x4e8: {  	[tilespmem:$0x15E30] =	vst v5  }
0x4e9: {  	[tilespmem:$0x15E40] =	vst v5  }
0x4ea: {  	[tilespmem:$0x15E50] =	vst v5  }
0x4eb: {  	[tilespmem:$0x15E60] =	vst v5  }
0x4ec: {  	[tilespmem:$0x15E70] =	vst v5  }
0x4ed: {  	[tilespmem:$0x15E80] =	vst v5  }
0x4ee: {  	[tilespmem:$0x15E90] =	vst v5  }
0x4ef: {  	[tilespmem:$0x15EA0] =	vst v5  }
0x4f0: {  	[tilespmem:$0x15EB0] =	vst v5  }
0x4f1: {  	[tilespmem:$0x15EC0] =	vst v5  }
0x4f2: {  	[tilespmem:$0x15ED0] =	vst v5  }
0x4f3: {  	[tilespmem:$0x15EE0] =	vst v5  }
0x4f4: {  	[tilespmem:$0x15EF0] =	vst v5  }
0x4f5: {  	[tilespmem:$0x15F00] =	vst v5;
	s0 =	rddreg [dreg:$0x14]  }
0x4f6: {  	[hbm4b:s0+s18] =	stream.strided.scatter [tilespmem:s20], [sflag:$0x5], $0x400, s17, s18, $0x38;
	[tilespmem:$0x1E620] =	vst v63  }
0x4f7: {  	_ =	swait.ge [sflag:s12], $0x400  }
0x4f8: {  	[sflag:s12] =	ssyncset.done $0x0  }
0x4f9: {  	s24 =	rddreg [dreg:$0x16];
	[sflag:s12] =	ssyncadd.s32 $0xFFFFFC00  }
0x4fa: {  	[hbm4b:s24+s18] =	stream.strided.scatter [tilespmem:s20], [sflag:$0x5], $0x400, s17, s18, $0x38;
	[tilespmem:$0x1E620] =	vst v63  }
0x4fb: {  	_ =	swait.ge [sflag:s12], $0x400  }
0x4fc: {  	[sflag:s12] =	ssyncset.done $0x0  }
0x4fd: {  	[sflag:s12] =	ssyncadd.s32 $0xFFFFFC00  }
0x4fe: {  	s31 =	simm.s32 $0x4;
	s25 =	rddreg [dreg:$0x17];
	[tilespmem:$0xA610] =	vst v5  }
0x4ff: {  	[hbm4b:s25+s19] =	stream.linear.scatter [tilespmem:s1], [sflag:$0x4], $0x10, $0x38;
	[tilespmem:$0x1E620] =	vst v63  }
0x500: {  	_ =	swait.ge [sflag:s31], $0x10  }
0x501: {  	[sflag:s31] =	ssyncset.done $0x0  }
0x502: {  	[sflag:s31] =	ssyncadd.s32 $0xFFFFFFF0  }
.LBB2_31:
0x503: {  	[bflag:$0x0] =	sbarrier.arrive $0xFFFF  }
0x504: {  	s0 =	simm.s32 $0x0;
	s5 =	simm.s32 $0x4;
	s3 =	rddreg [dreg:$0x12]  }
0x505: {  	v26 =	vld [tilespmem:$0xA600];
	[tilespmem:s28], [sflag:$0x4] =	stream.linear.gather [hbm4b:s3+s0], $0x5010, $0x38  }
0x506: {  	_ =	swait.ge [sflag:s5], $0x5010  }
0x507: {  	[sflag:s5] =	ssyncset.done $0x0  }
0x508: {  	s11 =	rddreg [dreg:$0x18];
	[sflag:s5] =	ssyncadd.s32 $0xFFFFAFF0  }
0x509: {  	[tilespmem:s14], [sflag:$0x4] =	stream.linear.gather [hbm4b:s11+s0], $0x680, $0x38;
	[tilespmem:$0x1E620] =	vst v63  }
0x50a: {  	_ =	swait.ge [sflag:s5], $0x680  }
0x50b: {  	[sflag:s5] =	ssyncset.done $0x0  }
0x50c: {  	[sflag:s5] =	ssyncadd.s32 $0xFFFFF980  }
0x50d: {  	v27 =	vld.idx.msk [tilespmem:v4+s14+$0x0], $0xffff  }
0x50e: {  	v28 =	vld.idx.msk [tilespmem:v8+s14+$0x0], $0xffff  }
0x50f: {  	v29 =	vld.idx.msk [tilespmem:v9+s14+$0x0], $0xffff  }
0x510: {  	v30 =	vld.idx.msk [tilespmem:v10+s14+$0x0], $0xffff  }
0x511: {  	v31 =	vld.idx.msk [tilespmem:v11+s14+$0x0], $0xffff  }
0x512: {  	[tilespmem:v6+s29+$0x0] =	vst.idx.msk $0xffff, v7;
	v32 =	vld.idx.msk [tilespmem:v12+s14+$0x0], $0xffff;
	v27 =	vadd.s32 v2, v27  }
0x513: {  	v43 =	vld.idx.msk [tilespmem:v13+s14+$0x0], $0xffff;
	[tilespmem:v4+s29+$0x0] =	vst.idx.msk $0xffff, v27;
	v27 =	vadd.s32 v2, v28  }
0x514: {  	[tilespmem:v8+s29+$0x0] =	vst.idx.msk $0xffff, v27;
	v27 =	vadd.s32 v2, v29  }
0x515: {  	[tilespmem:v9+s29+$0x0] =	vst.idx.msk $0xffff, v27;
	v27 =	vadd.s32 v2, v30  }
0x516: {  	[tilespmem:v10+s29+$0x0] =	vst.idx.msk $0xffff, v27;
	v27 =	vadd.s32 v2, v31  }
0x517: {  	[tilespmem:v11+s29+$0x0] =	vst.idx.msk $0xffff, v27;
	v27 =	vadd.s32 v2, v32  }
0x518: {  	[tilespmem:v12+s29+$0x0] =	vst.idx.msk $0xffff, v27;
	v27 =	vadd.s32 v2, v43  }
0x519: {  	s13 =	simm.s32 $0x70;
	s23 =	simm.s32 $0xB610;
	[tilespmem:v13+s29+$0x0] =	vst.idx.msk $0xffff, v27  }
0x51a: {  	[tilespmem:s23], [sflag:$0x3] =	stream.indirect.gather [hbm4b:s22+s13], $0x80, s29, s13, $0xb8;
	[tilespmem:$0x1E620] =	vst v63  }
0x51b: {  	v27 =	vld.idx.msk [tilespmem:v15+s14+$0x0], $0xffff  }
0x51c: {  	v45 =	vadd.s32 $0xBC, v4;
	v44 =	vld.idx.msk [tilespmem:v17+s14+$0x0], $0xffff  }
0x51d: {  	v46 =	vld.idx.msk [tilespmem:v19+s14+$0x0], $0xffff  }
0x51e: {  	v47 =	vld.idx.msk [tilespmem:v21+s14+$0x0], $0xffff  }
0x51f: {  	v48 =	vld.idx.msk [tilespmem:v23+s14+$0x0], $0xffff  }
0x520: {  	[tilespmem:v14+s29+$0x0] =	vst.idx.msk $0xffff, v7;
	v33 =	vld.idx.msk [tilespmem:v25+s14+$0x0], $0xffff;
	v27 =	vadd.s32 v2, v27  }
0x521: {  	v49 =	vor.u32 $0xC0, v4;
	v29 =	vld.idx.msk [tilespmem:v45+s14+$0x0], $0xffff;
	[tilespmem:v16+s29+$0x0] =	vst.idx.msk $0xffff, v27;
	v27 =	vadd.s32 v2, v44  }
0x522: {  	v50 =	vadd.s32 $0xC4, v4;
	[tilespmem:v18+s29+$0x0] =	vst.idx.msk $0xffff, v27;
	v27 =	vadd.s32 v2, v46  }
0x523: {  	[tilespmem:v20+s29+$0x0] =	vst.idx.msk $0xffff, v27;
	v27 =	vadd.s32 v2, v47  }
0x524: {  	[tilespmem:v22+s29+$0x0] =	vst.idx.msk $0xffff, v27;
	v27 =	vadd.s32 v2, v48  }
0x525: {  	v51 =	vor.u32 $0xE0, v4;
	[tilespmem:v24+s29+$0x0] =	vst.idx.msk $0xffff, v27;
	v27 =	vadd.s32 v2, v33  }
0x526: {  	v52 =	vor.u32 $0xF0, v4;
	[tilespmem:v49+s29+$0x0] =	vst.idx.msk $0xffff, v27;
	v27 =	vadd.s32 v2, v29  }
0x527: {  	s24 =	simm.s32 $0xB300;
	s7 =	simm.s32 $0xEE10;
	[tilespmem:v50+s29+$0x0] =	vst.idx.msk $0xffff, v27;
	v27 =	vor.u32 $0x100, v4  }
0x528: {  	v53 =	vor.u32 $0x110, v4;
	[tilespmem:s7], [sflag:$0x3] =	stream.indirect.gather [hbm4b:s22+s13], $0x80, s24, s13, $0xb8;
	[tilespmem:$0x1E620] =	vst v63  }
0x529: {  	v54 =	vor.u32 $0x140, v4;
	v56 =	vor.u32 $0x120, v4;
	v55 =	vld.idx.msk [tilespmem:v14+s14+$0x0], $0xffff  }
0x52a: {  	v35 =	vadd.s32 $0x124, v4;
	v34 =	vld.idx.msk [tilespmem:v51+s14+$0x0], $0xffff  }
0x52b: {  	v36 =	vld.idx.msk [tilespmem:v52+s14+$0x0], $0xffff  }
0x52c: {  	v37 =	vld.idx.msk [tilespmem:v27+s14+$0x0], $0xffff  }
0x52d: {  	v38 =	vld.idx.msk [tilespmem:v53+s14+$0x0], $0xffff  }
0x52e: {  	[tilespmem:v54+s29+$0x0] =	vst.idx.msk $0xffff, v7;
	v58 =	vld.idx.msk [tilespmem:v56+s14+$0x0], $0xffff;
	v57 =	vadd.s32 v2, v55  }
0x52f: {  	v60 =	vor.u32 $0x130, v4;
	v61 =	vld.idx.msk [tilespmem:v35+s14+$0x0], $0xffff;
	v59 =	vadd.s32 v2, v34;
	[tilespmem:v51+s29+$0x0] =	vst.idx.msk $0xffff, v57  }
0x530: {  	v63 =	vadd.s32 $0x134, v4;
	v62 =	vadd.s32 v2, v36;
	[tilespmem:v52+s29+$0x0] =	vst.idx.msk $0xffff, v59  }
0x531: {  	[tilespmem:v27+s29+$0x0] =	vst.idx.msk $0xffff, v62;
	v27 =	vadd.s32 v2, v37  }
0x532: {  	[tilespmem:v53+s29+$0x0] =	vst.idx.msk $0xffff, v27;
	v27 =	vadd.s32 v2, v38  }
0x533: {  	[tilespmem:v56+s29+$0x0] =	vst.idx.msk $0xffff, v27;
	v27 =	vadd.s32 v2, v58  }
0x534: {  	s25 =	simm.s32 $0xB370;
	[tilespmem:v60+s29+$0x0] =	vst.idx.msk $0xffff, v27;
	v27 =	vadd.s32 v2, v61  }
0x535: {  	s31 =	simm.s32 $0x12610;
	s3 =	simm.s32 $0x0;
	s23 =	simm.s32 $0x70;
	[tilespmem:v63+s29+$0x0] =	vst.idx.msk $0xffff, v27  }
0x536: {  	v26 =	vpsel !p0, $0x0, v26;
	[tilespmem:s31], [sflag:$0x3] =	stream.indirect.gather [hbm4b:s22+s13], $0x80, s25, s13, $0xb8;
	[tilespmem:$0x1E620] =	vst v63  }
.LBB2_32:
0x537: {  	p2 =	sgt.u32 s3, $0xFC  }
.Ltmp15:
0x538: {  	_ = 	snop;
	(pc) =	sbr.rel @p2 .LBB2_34-.Ltmp15, $1  }
0x539: {  	_ =	sdelay $0x3  }
0x53a: {  	s5 =	sadd.s32 $0x3, s3  }
0x53b: {  	s7 =	sand.u32 $0xF, s5  }
0x53c: {  	s8 =	rddreg [dreg:$0x7];
	p2 =	sne.s32 s7, $0x0;
	v27 =	vmov s7  }
0x53d: {  	s8 =	sadd.s32 @!p2 s8, s5;
	v27 =	vmul.u32 $0x68, v27  }
0x53e: {  	s7 =	smul.u32 @!p2 $0xD, s8  }
0x53f: {  	s13 =	sand.u32 $0x7, s5;
	v27 =	vbroadcast v27, $0x0  }
0x540: {  	s11 =	simm.s32 @!p2 $0xAC10;
	s8 =	simm.s32 @!p2 $0x0;
	s7 =	sadd.s32 @!p2 s15, s7  }
0x541: {  	v28 =	vmov s13;
	[tilespmem:s11], [sflag:$0x4] =	stream.linear.gather @!p2 [hbm4b:s7+s8], $0x680, $0x38;
	v29 =	vadd.s32 v4, v27;
	[tilespmem:$0x1E620] =	vst v63  }
0x542: {  	v28 =	vmul.u32 $0x70, v28;
	s7 =	simm.s32 @!p2 $0x4;
	v30 =	vadd.s32 v8, v27  }
0x543: {  	v31 =	vadd.s32 v9, v27;
	_ =	swait.ge @!p2 [sflag:s7], $0x680  }
0x544: {  	v28 =	vbroadcast v28, $0x0;
	v32 =	vadd.s32 v10, v27;
	[sflag:s7] =	ssyncset.done @!p2 $0x0  }
0x545: {  	v33 =	vadd.s32 v11, v27;
	[sflag:s7] =	ssyncadd.s32 @!p2 $0xFFFFF980  }
0x546: {  	v34 =	vadd.s32 v6, v28;
	v35 =	vadd.s32 v12, v27;
	v29 =	vld.idx.msk [tilespmem:v29+s14+$0x0], $0xffff  }
0x547: {  	v36 =	vor.u32 v4, v28;
	v27 =	vadd.s32 v13, v27;
	v30 =	vld.idx.msk [tilespmem:v30+s14+$0x0], $0xffff  }
0x548: {  	v37 =	vadd.s32 v8, v28;
	v31 =	vld.idx.msk [tilespmem:v31+s14+$0x0], $0xffff  }
0x549: {  	v38 =	vadd.s32 v9, v28;
	v32 =	vld.idx.msk [tilespmem:v32+s14+$0x0], $0xffff  }
0x54a: {  	v39 =	vadd.s32 v10, v28;
	v33 =	vld.idx.msk [tilespmem:v33+s14+$0x0], $0xffff  }
0x54b: {  	v57 =	vadd.s32 v11, v28;
	[tilespmem:v34+s29+$0x0] =	vst.idx.msk $0xffff, v7;
	v35 =	vld.idx.msk [tilespmem:v35+s14+$0x0], $0xffff;
	v29 =	vadd.s32 v2, v29  }
0x54c: {  	v59 =	vadd.s32 v12, v28;
	v27 =	vld.idx.msk [tilespmem:v27+s14+$0x0], $0xffff;
	v58 =	vadd.s32 v2, v30;
	[tilespmem:v36+s29+$0x0] =	vst.idx.msk $0xffff, v29  }
0x54d: {  	v28 =	vadd.s32 v13, v28;
	v60 =	vadd.s32 v2, v31;
	[tilespmem:v37+s29+$0x0] =	vst.idx.msk $0xffff, v58  }
0x54e: {  	s31 =	smul.u32 $0x1C0, s13;
	s5 =	sand.u32 $0x3, s5;
	v61 =	vadd.s32 v2, v32;
	[tilespmem:v38+s29+$0x0] =	vst.idx.msk $0xffff, v60  }
0x54f: {  	s5 =	smul.u32 $0xE000, s5;
	v62 =	vadd.s32 v2, v33;
	[tilespmem:v39+s29+$0x0] =	vst.idx.msk $0xffff, v61  }
0x550: {  	v63 =	vadd.s32 v2, v35;
	[tilespmem:v57+s29+$0x0] =	vst.idx.msk $0xffff, v62  }
0x551: {  	s5 =	sshrl.u32 s5, $0x2;
	s7 =	sshrl.u32 s31, $0x2;
	v27 =	vadd.s32 v2, v27;
	[tilespmem:v59+s29+$0x0] =	vst.idx.msk $0xffff, v63  }
0x552: {  	s5 =	sadd.s32 $0xB610, s5;
	s7 =	sadd.s32 $0xB290, s7;
	[tilespmem:v28+s29+$0x0] =	vst.idx.msk $0xffff, v27  }
0x553: {  	[tilespmem:s5], [sflag:$0x3] =	stream.indirect.gather [hbm4b:s22+s23], $0x80, s7, s23, $0xb8;
	[tilespmem:$0x1E620] =	vst v63  }
.LBB2_34:
0x554: {  	s5 =	sand.u32 $0x3, s0  }
0x555: {  	s8 =	simm.s32 $0x3;
	s5 =	smul.u32 $0xE000, s5  }
0x556: {  	_ =	swait.ge [sflag:s8], $0x3800  }
0x557: {  	[sflag:s8] =	ssyncset.done $0x0;
	s5 =	sshrl.u32 s5, $0x2  }
0x558: {  	[sflag:s8] =	ssyncadd.s32 $0xFFFFC800;
	s7 =	sadd.s32 $0xB710, s5  }
0x559: {  	v31 =	vld [tilespmem:s7+$0x80]  }
0x55a: {  	v32 =	vld [tilespmem:s7+$0x90]  }
0x55b: {  	v36 =	vld [tilespmem:s7+$0xA0]  }
0x55c: {  	v37 =	vld [tilespmem:s7+$0xB0]  }
0x55d: {  	v28 =	vld [tilespmem:s7+$0xC0]  }
0x55e: {  	v27 =	vld [tilespmem:s7+$0xD0]  }
0x55f: {  	v33 =	vld [tilespmem:s7+$0x0]  }
0x560: {  	v34 =	vld [tilespmem:s7+$0x10]  }
0x561: {  	v35 =	vld [tilespmem:s7+$0x20]  }
0x562: {  	v38 =	vld [tilespmem:s7+$0x30]  }
0x563: {  	v30 =	vld [tilespmem:s7+$0x40]  }
0x564: {  	v39 =	vld [tilespmem:s7+$0xFFFFFF80]  }
0x565: {  	v40 =	vld [tilespmem:s7+$0xFFFFFF90]  }
0x566: {  	v41 =	vld [tilespmem:s7+$0xFFFFFF00]  }
0x567: {  	v42 =	vld [tilespmem:s7+$0xFFFFFF10]  }
0x568: {  	v43 =	vld [tilespmem:s7+$0xFFFFFF20]  }
0x569: {  	v44 =	vld [tilespmem:s7+$0xFFFFFF30]  }
0x56a: {  	v50 =	vld [tilespmem:s7+$0xFFFFFF40]  }
0x56b: {  	v51 =	vld [tilespmem:s7+$0xFFFFFF50]  }
0x56c: {  	v45 =	vld [tilespmem:s7+$0xFFFFFFA0]  }
0x56d: {  	v47 =	vimm.f32 $0.0e+00;
	v46 =	vld [tilespmem:s7+$0xFFFFFFB0]  }
0x56e: {  	v61 =	vld [tilespmem:s7+$0xFFFFFF70];
	v41 =	vadd.f32 v41, v47;
	v42 =	vadd.f32 v42, v47  }
0x56f: {  	v29 =	vld [tilespmem:s7+$0x50];
	v43 =	vadd.f32 v43, v47;
	v44 =	vadd.f32 v44, v47  }
0x570: {  	v48 =	vld [tilespmem:s7+$0xFFFFFFC0];
	v62 =	vadd.f32 v50, v47;
	v63 =	vadd.f32 v51, v47  }
0x571: {  	v49 =	vld [tilespmem:s7+$0xFFFFFFD0];
	v39 =	vadd.f32 v39, v41;
	v40 =	vadd.f32 v40, v42  }
0x572: {  	v58 =	vld [tilespmem:s7+$0xFFFFFF60];
	v59 =	vadd.f32 v45, v43;
	v60 =	vadd.f32 v46, v44  }
0x573: {  	v43 =	vadd.f32 v61, v47;
	v33 =	vadd.f32 v33, v39;
	v39 =	vld [tilespmem:s7+$0xFFFFFFE0]  }
0x574: {  	v34 =	vadd.f32 v34, v40;
	v38 =	vadd.f32 v38, v60;
	v40 =	vld [tilespmem:s7+$0xFFFFFFF0]  }
0x575: {  	v42 =	vadd.f32 v35, v59;
	v35 =	vld [tilespmem:s7+$0x60];
	v33 =	vadd.f32 v31, v33  }
0x576: {  	v34 =	vadd.f32 v32, v34;
	v31 =	vadd.f32 v37, v38;
	v37 =	vld [tilespmem:s7+$0x70]  }
0x577: {  	v32 =	vadd.f32 v36, v42;
	v42 =	vadd.f32 v58, v47;
	v36 =	vld [tilespmem:s7+$0xE0]  }
0x578: {  	s5 =	simm.s32 $0x0;
	v44 =	vadd.f32 v48, v62;
	v41 =	vadd.f32 v49, v63;
	v38 =	vld [tilespmem:s7+$0xF0];
	s7 =	sadd.s32 $0x200, s7  }
.LBB2_35:
0x579: {  	v45 =	vld [tilespmem:s7+$0x80];
	v39 =	vadd.f32 v39, v42;
	v40 =	vadd.f32 v40, v43  }
0x57a: {  	v42 =	vld [tilespmem:s7+$0x90];
	v30 =	vadd.f32 v30, v44;
	v29 =	vadd.f32 v29, v41  }
0x57b: {  	v41 =	vld [tilespmem:s7+$0xA0];
	v35 =	vadd.f32 v35, v39;
	v37 =	vadd.f32 v37, v40  }
0x57c: {  	v43 =	vld [tilespmem:s7+$0xB0];
	v44 =	vadd.f32 v28, v30;
	v46 =	vadd.f32 v27, v29  }
0x57d: {  	v28 =	vld [tilespmem:s7+$0xC0];
	v36 =	vadd.f32 v36, v35;
	v38 =	vadd.f32 v38, v37  }
0x57e: {  	v27 =	vld [tilespmem:s7+$0xD0]  }
0x57f: {  	v35 =	vld [tilespmem:s7+$0x0]  }
0x580: {  	v37 =	vld [tilespmem:s7+$0x10]  }
0x581: {  	v40 =	vld [tilespmem:s7+$0x20]  }
0x582: {  	v47 =	vld [tilespmem:s7+$0x30]  }
0x583: {  	v30 =	vld [tilespmem:s7+$0x40]  }
0x584: {  	v29 =	vld [tilespmem:s7+$0x50]  }
0x585: {  	v39 =	vld [tilespmem:s7+$0xFFFFFF80]  }
0x586: {  	v48 =	vld [tilespmem:s7+$0xFFFFFF90]  }
0x587: {  	v49 =	vld [tilespmem:s7+$0xFFFFFF00]  }
0x588: {  	v50 =	vld [tilespmem:s7+$0xFFFFFF10]  }
0x589: {  	v51 =	vld [tilespmem:s7+$0xFFFFFF20]  }
0x58a: {  	v52 =	vld [tilespmem:s7+$0xFFFFFF30]  }
0x58b: {  	v53 =	vld [tilespmem:s7+$0xFFFFFFA0]  }
0x58c: {  	v54 =	vld [tilespmem:s7+$0xFFFFFFB0]  }
0x58d: {  	v55 =	vld [tilespmem:s7+$0xFFFFFFC0]  }
0x58e: {  	v33 =	vadd.f32 v49, v33;
	v34 =	vadd.f32 v50, v34;
	v49 =	vld [tilespmem:s7+$0xFFFFFFD0]  }
0x58f: {  	v32 =	vadd.f32 v51, v32;
	v31 =	vadd.f32 v52, v31;
	v50 =	vld [tilespmem:s7+$0xFFFFFF40]  }
0x590: {  	v33 =	vadd.f32 v39, v33;
	v34 =	vadd.f32 v48, v34;
	v51 =	vld [tilespmem:s7+$0xFFFFFF50]  }
0x591: {  	v32 =	vadd.f32 v53, v32;
	v48 =	vld [tilespmem:s7+$0xFFFFFF60];
	v31 =	vadd.f32 v54, v31  }
0x592: {  	s5 =	sadd.s32 $0x4, s5;
	v33 =	vadd.f32 v35, v33;
	v34 =	vadd.f32 v37, v34;
	v52 =	vld [tilespmem:s7+$0xFFFFFF70]  }
0x593: {  	p2 =	slt.u32 s5, $0x6C;
	v32 =	vadd.f32 v40, v32;
	v39 =	vld [tilespmem:s7+$0xFFFFFFE0];
	v31 =	vadd.f32 v47, v31  }
.Ltmp16:
0x594: {  	v33 =	vadd.f32 v45, v33;
	v34 =	vadd.f32 v42, v34;
	v40 =	vld [tilespmem:s7+$0xFFFFFFF0];
	(pc) =	sbr.rel @p2 .LBB2_35-.Ltmp16, $4  }
0x595: {  	v32 =	vadd.f32 v41, v32;
	v35 =	vld [tilespmem:s7+$0x60];
	v31 =	vadd.f32 v43, v31  }
0x596: {  	v41 =	vadd.f32 v50, v44;
	v45 =	vadd.f32 v51, v46;
	v37 =	vld [tilespmem:s7+$0x70]  }
0x597: {  	v42 =	vadd.f32 v48, v36;
	v43 =	vadd.f32 v52, v38;
	v36 =	vld [tilespmem:s7+$0xE0]  }
0x598: {  	v44 =	vadd.f32 v55, v41;
	v41 =	vadd.f32 v49, v45;
	v38 =	vld [tilespmem:s7+$0xF0];
	s7 =	sadd.s32 $0x200, s7  }
0x599: {  	s5 =	sand.u32 $0x7, s3  }
0x59a: {  	s5 =	smul.u32 $0x1C0, s5;
	_ =	sdelay $0x1  }
0x59b: {  	s5 =	sshrl.u32 s5, $0x2  }
0x59c: {  	v45 =	vld [tilespmem:s5+$0xB290];
	_ =	sdelay $0x1  }
0x59d: {  	v46 =	vld [tilespmem:s5+$0xB2A0];
	_ =	sdelay $0x1  }
0x59e: {  	v47 =	vld [tilespmem:s5+$0xB2B0];
	_ =	sdelay $0x1  }
0x59f: {  	v48 =	vld [tilespmem:s5+$0xB2C0]  }
0x5a0: {  	v49 =	vld [tilespmem:s5+$0xB2D0]  }
0x5a1: {  	v45 =	vld.idx.msk [tilespmem:v45+s28+$0x0], $0xffff  }
0x5a2: {  	v50 =	vld [tilespmem:s5+$0xB2E0]  }
0x5a3: {  	v33 =	vmul.f32 v33, v33;
	v34 =	vmul.f32 v34, v34;
	v46 =	vld.idx.msk [tilespmem:v46+s28+$0x0], $0xffff  }
0x5a4: {  	v39 =	vadd.f32 v39, v42;
	v30 =	vadd.f32 v30, v44;
	v44 =	vld [tilespmem:s5+$0xB2F0]  }
0x5a5: {  	v40 =	vadd.f32 v40, v43;
	v32 =	vmul.f32 v32, v32;
	v33 =	vadd.f32 v34, v33;
	v63 =	vld.idx.msk [tilespmem:v47+s28+$0x0], $0xffff  }
0x5a6: {  	v29 =	vadd.f32 v29, v41;
	v47 =	vadd.f32 $0.0e+00, v45  }
0x5a7: {  	v31 =	vmul.f32 v31, v31;
	v28 =	vadd.f32 v28, v30;
	v51 =	vadd.f32 v32, v33;
	v52 =	vld.idx.msk [tilespmem:v48+s28+$0x0], $0xffff  }
0x5a8: {  	v53 =	vadd.f32 v35, v39;
	v54 =	vadd.f32 v46, v47  }
0x5a9: {  	v27 =	vadd.f32 v27, v29;
	v28 =	vmul.f32 v28, v28;
	v55 =	vadd.f32 v31, v51;
	v56 =	vld.idx.msk [tilespmem:v49+s28+$0x0], $0xffff  }
0x5aa: {  	v57 =	vadd.f32 v37, v40;
	v35 =	vadd.f32 v63, v54  }
0x5ab: {  	v33 =	vadd.f32 v36, v53;
	v27 =	vmul.f32 v27, v27;
	v28 =	vadd.f32 v28, v55;
	v58 =	vld.idx.msk [tilespmem:v50+s28+$0x0], $0xffff  }
0x5ac: {  	v32 =	vadd.f32 v52, v35  }
0x5ad: {  	v31 =	vadd.f32 v38, v57;
	v59 =	vmul.f32 v33, v33;
	v27 =	vadd.f32 v27, v28;
	v60 =	vld.idx.msk [tilespmem:v44+s28+$0x0], $0xffff  }
0x5ae: {  	v30 =	vadd.f32 v56, v32  }
0x5af: {  	v61 =	vmul.f32 v31, v31;
	v27 =	vadd.f32 v59, v27  }
0x5b0: {  	v29 =	vadd.f32 v58, v30  }
0x5b1: {  	v27 =	vadd.f32 v61, v27  }
0x5b2: {  	v62 =	vadd.f32 v60, v29  }
0x5b3: {  	(xrf2) =	vadd.scan.msk.f32 $0xffff, v27  }
0x5b4: {  	(xrf2) =	vadd.scan.msk.f32 $0xffff, v62;
	_ =	sdelay $0x8  }
0x5b5: {  	v27, _, _ =	vpop (xrf2)  }
0x5b6: {  	(v2sf) =	vpush v27, $0xF;
	v27, _, _ =	vpop (xrf2)  }
0x5b7: {  	(v2sf) =	vpush v27, $0xF;
	_ =	sdelay $0xd  }
0x5b8: {  	s25 =	spop (v2sf)  }
0x5b9: {  	s7 =	spop (v2sf)  }
0x5ba: {  	s5 =	ssub.f32 s25, s7  }
0x5bb: {  	v27 =	vmov s3;
	s3 =	sadd.s32 $0x1, s3  }
0x5bc: {  	p2 =	sne.s32 s3, $0x100;
	s5 =	smul.f32 $5.000000000e-01, s5  }
.Ltmp17:
0x5bd: {  	_ = 	snop;
	(pc) =	sbr.rel @p2 .LBB2_32-.Ltmp17, $4  }
0x5be: {  	_ = 	snop  }
0x5bf: {  	v63 =	vadd.f32 s5, v26  }
0x5c0: {  	s31 =	simm.s32 $0xAB10  }
0x5c1: {  	s0 =	sadd.s32 $0x1, s0;
	[tilespmem:v27+s31+$0x0] =	vst.idx.msk $0x1, v63  }
0x5c2: {  	s0 =	rddreg [dreg:$0x19];
	s3 =	simm.s32 $0xAB10;
	s25 =	simm.s32 $0x4  }
0x5c3: {  	[hbm4b:s0+s19] =	stream.linear.scatter [tilespmem:s3], [sflag:$0x4], $0x100, $0x38;
	[tilespmem:$0x1E620] =	vst v63  }
0x5c4: {  	_ =	swait.ge [sflag:s25], $0x100  }
0x5c5: {  	s5 =	sld [smem:$0x7FD];
	_ =	sdelay $0x2  }
0x5c6: {  	s31 =	rddreg [dreg:$0x1b];
	s5 =	sadd.s32 $0x1, s5  }
0x5c7: {  	p2 =	sne.s32 s5, s31  }
.Ltmp18:
0x5c8: {  	_ = 	snop;
	(pc) =	sbr.rel @p2 .LBB2_1-.Ltmp18, $3  }
0x5c9: {  	_ =	sdelay $0x1  }
0x5ca: {  	[sflag:s25] =	ssyncset.done $0x0  }
0x5cb: {  	[sflag:s25] =	ssyncadd.s32 $0xFFFFFF00  }
0x5cc: {  	_ =	sfence.sel $0x180000  }
0x5cd: {  	[bflag:$0x0] =	sbarrier.arrive $0xFFFF  }
0x5ce: {  	_ =	strace $0x90000047  }
0x5cf: {  	s0 =	stileid.u32;
	[bflag:$0x2] =	sbarrier.arrive $0xFFFF  }
0x5d0: {  	p0 =	sne.s32 s0, $0x0;
	s0 =	rddreg [dreg:$0x5]  }
0x5d1: {  	s0 =	sadd.s32 @!p0 $0x100000, s0  }
0x5d2: {  	[sflag:s0] =	ssyncadd.tile.s32 @!p0 $0x1;
	_ =	shalt  }
.Lfunc_end2:
_tile_overlayer_lowered:
.L_overlay_start_2:
0x5d3: {  	(tag) =	ssettag $0x2  }
0x5d4: {  	s0 =	rddreg [dreg:$0x0];
	s2 =	stileid.u32  }
0x5d5: {  	s1 =	rddreg [dreg:$0x1];
	p0 =	sne.s32 s2, $0x0  }
0x5d6: {  	s3 =	rddreg [dreg:$0x2];
	[bflag:$0x3] =	sbarrier.arrive $0xFFFF;
	s2 =	simm.s32 @!p0 $0x1C04  }
0x5d7: {  	[timem:s3], [sflag:s2] =	dma.local @!p0 [hbm:s0], s1  }
0x5d8: {  	s0 =	simm.s32 @!p0 $0x4  }
0x5d9: {  	_ =	swait.ge @!p0 [sflag:s0], s1  }
0x5da: {  	s1 =	ssub.s32 @!p0 $0x0, s1;
	[sflag:s0] =	ssyncset.done @!p0 $0x0  }
0x5db: {  	[sflag:s0] =	ssyncadd.s32 @!p0 s1  }
0x5dc: {  	[bflag:$0x3] =	sbarrier.arrive $0xFFFF  }
0x5dd: {  	_ =	shalt  }

</sc_bundles>
